<compile_context>
chip_gen: v7x
topology: tpu7x:2x2x1
jax: 0.10.2.dev20260603
libtpu: 0.0.44.dev20260713+nightly
codegen_flags: <defaults>
</compile_context>

<pallas_src>
import functools

import jax
import jax.numpy as jnp
from jax import lax
from jax.experimental import pallas as pl
from jax.experimental.pallas import tpu as pltpu
from jax.experimental.pallas import tpu_sc as plsc

N = 10000
E = 320000
DN = 128
DE = 16
DO = 128

NC = 2
NS = 16
L = 16
NW = NC * NS
EPW = E // NW
C = 80
NCHUNK = EPW // C
NPAD = 10240
RPT = NPAD // NS


def _when(cond):
    if isinstance(cond, bool):
        return (lambda f: f() if cond else None)
    return pl.when(cond)


def _h_body(x_ref, w_ref, b_ref, o_ref):
    o_ref[...] = lax.dot_general(
        x_ref[...], w_ref[...], (((1,), (1,)), ((), ())),
        preferred_element_type=jnp.float32) + b_ref[...]


def _project_h(x, w, b, block_rows):
    rows = x.shape[0]
    return pl.pallas_call(
        _h_body,
        grid=(rows // block_rows,),
        in_specs=[
            pl.BlockSpec((block_rows, x.shape[1]), lambda i: (i, 0)),
            pl.BlockSpec(w.shape, lambda i: (0, 0)),
            pl.BlockSpec(b.shape, lambda i: (0,)),
        ],
        out_specs=pl.BlockSpec((block_rows, w.shape[0]), lambda i: (i, 0)),
        out_shape=jax.ShapeDtypeStruct((rows, w.shape[0]), jnp.float32),
    )(x, w, b)


def _e_body(x_ref, w_ref, b_ref, o_ref):
    y = lax.dot_general(
        x_ref[...], w_ref[...], (((1,), (1,)), ((), ())),
        preferred_element_type=jnp.float32) + b_ref[...]
    o_ref[...] = y.reshape(o_ref.shape)


def _project_e(x, w, b, block_rows):
    rows = x.shape[0]
    bc = block_rows // C
    return pl.pallas_call(
        _e_body,
        grid=(rows // block_rows,),
        in_specs=[
            pl.BlockSpec((block_rows, x.shape[1]), lambda i: (i, 0)),
            pl.BlockSpec(w.shape, lambda i: (0, 0)),
            pl.BlockSpec(b.shape, lambda i: (0,)),
        ],
        out_specs=pl.BlockSpec((bc, C, DO), lambda i: (i, 0, 0)),
        out_shape=jax.ShapeDtypeStruct((rows // C, C, DO), jnp.float32),
    )(x, w, b)


def _sc_edge_kernel(h_hbm, e_hbm, src_hbm, dst_hbm, norm_hbm,
                    part_hbm, src1, dst1, normb, hv0, hv1, ev0, ev1,
                    mv0, mv1, agg, gsem0, esem0, ssem0, sisem, dsem):
    c = lax.axis_index("c")
    s = lax.axis_index("s")
    wid = s * NC + c
    erow0 = wid * NCHUNK

    def zrow(r, carry):
        for j in range(DO // L):
            mv0[r, pl.ds(j * L, L)] = jnp.zeros((L,), jnp.float32)
        return carry

    lax.fori_loop(0, C, zrow, 0)
    for t in range(RPT // C):
        pltpu.sync_copy(mv0, agg.at[pl.ds(s * RPT + t * C, C)])
    pltpu.sync_copy(norm_hbm.at[wid], normb)
    plsc.subcore_barrier()

    iz = wid * 0
    pltpu.sync_copy(src_hbm.at[wid].at[iz], src1)
    pltpu.async_copy(h_hbm.at[src1], hv0, gsem0)
    pltpu.async_copy(e_hbm.at[erow0 + iz], ev0, esem0)

    def chunk(i, carry):
        @_when(i >= 1)
        def _():
            pltpu.make_async_copy(mv0, agg.at[dst1], ssem0).wait()

        pltpu.async_copy(dst_hbm.at[wid].at[i], dst1, dsem)
        pltpu.make_async_copy(h_hbm.at[src1], hv0, gsem0).wait()
        inx = jnp.minimum(i + 1, NCHUNK - 1)
        pltpu.async_copy(src_hbm.at[wid].at[inx], src1, sisem)
        pltpu.make_async_copy(e_hbm.at[erow0 + i], ev0, esem0).wait()

        def group(g, carry2):
            nv = normb[i, pl.ds(g * L, L)]
            for r16 in range(L):
                nrm = nv[r16]
                r = g * L + r16
                for j in range(DO // L):
                    x = hv0[r, pl.ds(j * L, L)] + ev0[r, pl.ds(j * L, L)]
                    mv0[r, pl.ds(j * L, L)] = jnp.maximum(x, 0.0) * nrm
            return carry2

        lax.fori_loop(0, C // L, group, 0)
        pltpu.make_async_copy(dst_hbm.at[wid].at[i], dst1, dsem).wait()
        pltpu.async_copy(mv0, agg.at[dst1], ssem0, add=True)
        pltpu.make_async_copy(src_hbm.at[wid].at[i], src1, sisem).wait()
        pltpu.async_copy(h_hbm.at[src1], hv0, gsem0)
        pltpu.async_copy(e_hbm.at[erow0 + inx], ev0, esem0)
        return carry

    lax.fori_loop(0, NCHUNK, chunk, 0)
    pltpu.make_async_copy(mv0, agg.at[dst1], ssem0).wait()
    pltpu.make_async_copy(h_hbm.at[src1], hv0, gsem0).wait()
    pltpu.make_async_copy(e_hbm.at[erow0 + iz], ev0, esem0).wait()
    plsc.subcore_barrier()
    pltpu.sync_copy(agg.at[pl.ds(s * RPT, RPT)],
                    part_hbm.at[c, pl.ds(s * RPT, RPT)])


def _sc_messages(h, e3, src3, dst3, norm3):
    mesh = plsc.VectorSubcoreMesh(core_axis_name="c", subcore_axis_name="s")
    kern = functools.partial(
        pl.kernel,
        mesh=mesh,
        out_type=jax.ShapeDtypeStruct((NC, NPAD, DO), jnp.float32),
        scratch_types=[
            pltpu.VMEM((C,), jnp.int32),
            pltpu.VMEM((C,), jnp.int32),
            pltpu.VMEM((NCHUNK, C), jnp.float32),
            pltpu.VMEM((C, DO), jnp.float32),
            pltpu.VMEM((C, DO), jnp.float32),
            pltpu.VMEM((C, DO), jnp.float32),
            pltpu.VMEM((C, DO), jnp.float32),
            pltpu.VMEM((C, DO), jnp.float32),
            pltpu.VMEM((C, DO), jnp.float32),
            pltpu.VMEM_SHARED((NPAD, DO), jnp.float32),
            pltpu.SemaphoreType.DMA,
            pltpu.SemaphoreType.DMA,
            pltpu.SemaphoreType.DMA,
            pltpu.SemaphoreType.DMA,
            pltpu.SemaphoreType.DMA,
        ],
    )(_sc_edge_kernel)
    return kern(h, e3, src3, dst3, norm3)


def _final_body(part_ref, h_ref, degs_ref, resw_ref, o_ref):
    res = jnp.maximum(h_ref[...] + resw_ref[...], 0.0) / degs_ref[...]
    o_ref[...] = part_ref[0] + part_ref[1] + res


def _finalize(part, h, degs, res_w, block_rows):
    return pl.pallas_call(
        _final_body,
        grid=(N // block_rows,),
        in_specs=[
            pl.BlockSpec((NC, block_rows, DO), lambda i: (0, i, 0)),
            pl.BlockSpec((block_rows, DO), lambda i: (i, 0)),
            pl.BlockSpec((block_rows, 1), lambda i: (i, 0)),
            pl.BlockSpec((1, DO), lambda i: (0, 0)),
        ],
        out_specs=pl.BlockSpec((block_rows, DO), lambda i: (i, 0)),
        out_shape=jax.ShapeDtypeStruct((N, DO), jnp.float32),
    )(part, h, degs, res_w)


def kernel(node_feats, edge_feats, degs, norm, edge_index, Wn, bn, We, be,
           res_w):
    h = _project_h(node_feats, Wn, bn, block_rows=10000)
    e3 = _project_e(edge_feats, We, be, block_rows=16000)
    src3 = edge_index[0].astype(jnp.int32).reshape(NW, NCHUNK, C)
    dst3 = edge_index[1].astype(jnp.int32).reshape(NW, NCHUNK, C)
    norm3 = norm.astype(jnp.float32).reshape(NW, NCHUNK, C)
    part = _sc_messages(h, e3, src3, dst3, norm3)
    return _finalize(part, h, degs, res_w, block_rows=2000)

# --- scband reference (transcript-rebuilt; emitter-appended) ---
"""Pipeline reference for scband-ogblayer-79276506349851 (READ-ONLY COPY).

The authoritative reference and input builder live on the scoring server;
editing this copy changes nothing except your own understanding.
"""

import jax, jax.numpy as jnp
import numpy as np

N = 10000
E = 320000
DN = 128
DE = 16
DO = 128

def setup_inputs(seed: int = 0) -> dict:
    key = jax.random.key(seed)
    ks = jax.random.split(key, 10)
    node_feats = jax.random.normal(ks[0], (N, DN), dtype=jnp.float32)
    edge_feats = jax.random.normal(ks[1], (E, DE), dtype=jnp.float32)
    degs = jnp.ones((N, 1), dtype=jnp.float32)
    norm = jax.random.uniform(ks[2], (E, 1), dtype=jnp.float32)
    edge_index = jax.random.randint(ks[3], (2, E), 0, N)
    # learned parameters
    Wn = jax.random.normal(ks[4], (DO, DN), dtype=jnp.float32) * (1.0 / np.sqrt(DN))
    bn = jnp.zeros((DO,), dtype=jnp.float32)
    We = jax.random.normal(ks[5], (DO, DE), dtype=jnp.float32) * (1.0 / np.sqrt(DE))
    be = jnp.zeros((DO,), dtype=jnp.float32)
    res_w = jax.random.normal(ks[6], (1, DO), dtype=jnp.float32)
    return {"node_feats": node_feats, "edge_feats": edge_feats, "degs": degs,
            "norm": norm, "edge_index": edge_index, "Wn": Wn, "bn": bn,
            "We": We, "be": be, "res_w": res_w}

def reference(node_feats, edge_feats, degs, norm, edge_index, Wn, bn, We, be, res_w):
    # linear projections
    h = node_feats @ Wn.T + bn            # (N, DO)
    e = edge_feats @ We.T + be            # (E, DO)
    src = edge_index[0]
    dst = edge_index[1]
    # apply_edges: copy_u -> gather source node feats onto edges
    msg = jax.nn.relu(h[src] + e)          # (E, DO)
    msg = norm * msg                       # (E, DO)
    # update_all: copy_e + sum -> scatter-add over destination nodes
    agg = jax.ops.segment_sum(msg, dst, num_segments=N)  # (N, DO)
    # residual branch
    res = jax.nn.relu(h + res_w)           # (N, DO), res_w broadcast
    res = res * (1.0 / degs.reshape(-1, 1))
    return agg + res

if __name__ == "__main__":
    import jax
    _d = setup_inputs()
    print(jax.jit(kernel)(*tuple(_d.values())))

</pallas_src>

<mosaic_0001>
#map = affine_map<(d0, d1) -> (0, 0)>
#map1 = affine_map<(d0, d1) -> (0, 0, 0)>
module attributes {stable_mosaic.version = 14 : i64} {
  func.func @_sc_edge_kernel(%arg0: i32, %arg1: i32, %arg2: memref<10000x128xf32, #tpu.memory_space<hbm>>, %arg3: memref<4000x80x128xf32, #tpu.memory_space<hbm>>, %arg4: memref<32x125x80xi32, #tpu.memory_space<hbm>>, %arg5: memref<32x125x80xi32, #tpu.memory_space<hbm>>, %arg6: memref<32x125x80xf32, #tpu.memory_space<hbm>>, %arg7: memref<2x10240x128xf32, #tpu.memory_space<hbm>>, %arg8: memref<80xi32, #tpu.memory_space<vmem>>, %arg9: memref<80xi32, #tpu.memory_space<vmem>>, %arg10: memref<125x80xf32, #tpu.memory_space<vmem>>, %arg11: memref<80x128xf32, #tpu.memory_space<vmem>>, %arg12: memref<80x128xf32, #tpu.memory_space<vmem>>, %arg13: memref<80x128xf32, #tpu.memory_space<vmem>>, %arg14: memref<80x128xf32, #tpu.memory_space<vmem>>, %arg15: memref<80x128xf32, #tpu.memory_space<vmem>>, %arg16: memref<80x128xf32, #tpu.memory_space<vmem>>, %arg17: memref<10240x128xf32, #tpu.memory_space<vmem_shared>>, %arg18: memref<!tpu.dma_semaphore, #tpu.memory_space<semaphore_mem>>, %arg19: memref<!tpu.dma_semaphore, #tpu.memory_space<semaphore_mem>>, %arg20: memref<!tpu.dma_semaphore, #tpu.memory_space<semaphore_mem>>, %arg21: memref<!tpu.dma_semaphore, #tpu.memory_space<semaphore_mem>>, %arg22: memref<!tpu.dma_semaphore, #tpu.memory_space<semaphore_mem>>) attributes {dimension_semantics = [#tpu.dimension_semantics<core_parallel>, #tpu.dimension_semantics<subcore_parallel>], iteration_bounds = array<i64: 2, 16>, scalar_prefetch = 0 : i64, scratch_operands = 15 : i64, tpu.core_type = #tpu.core_type<sc_vector_subcore>, window_params = [{transform_indices = #map}, {transform_indices = #map1}, {transform_indices = #map1}, {transform_indices = #map1}, {transform_indices = #map1}, {transform_indices = #map1}]} {
    %mul3A = arith.constant 2 : i32
    %mul3A_0 = arith.muli %arg1, %mul3A : i32
    %add3A = arith.addi %mul3A_0, %arg0 : i32
    %mul3A_1 = arith.constant 125 : i32
    %mul3A_2 = arith.muli %add3A, %mul3A_1 : i32
    %scan3A = arith.constant 0 : i32
    %scan3A_3 = arith.constant 0 : i32
    %scan3A_4 = arith.constant 80 : i32
    %scan3A_5 = arith.addi %scan3A_3, %scan3A_4 : i32
    %scan3A_6 = arith.constant 1 : i32
    scf.for %scan3A_78 = %scan3A_3 to %scan3A_5 step %scan3A_6  : i32 {
      %broadcast_in_dim3A = arith.constant 0.000000e+00 : f32
      %broadcast_in_dim3A_79 = vector.broadcast %broadcast_in_dim3A : f32 to vector<16xf32>
      %swap3A = arith.index_cast %scan3A_78 : i32 to index
      %swap3A_80 = arith.constant 0 : index
      %swap3A_81 = tpu.vector_load %arg15[%swap3A, %swap3A_80] {strides = array<i32>} : memref<80x128xf32, #tpu.memory_space<vmem>>, vector<1x16xf32>,
      %swap3A_82 = vector.shape_cast %swap3A_81 : vector<1x16xf32> to vector<16xf32>
      %swap3A_83 = vector.shape_cast %broadcast_in_dim3A_79 : vector<16xf32> to vector<1x16xf32>
      tpu.vector_store %arg15[%swap3A, %swap3A_80], %swap3A_83 {strides = array<i32>} : memref<80x128xf32, #tpu.memory_space<vmem>>, vector<1x16xf32>,
      %broadcast_in_dim3A_84 = arith.constant 0.000000e+00 : f32
      %broadcast_in_dim3A_85 = vector.broadcast %broadcast_in_dim3A_84 : f32 to vector<16xf32>
      %swap3A_86 = arith.index_cast %scan3A_78 : i32 to index
      %swap3A_87 = arith.constant 16 : index
      %swap3A_88 = tpu.vector_load %arg15[%swap3A_86, %swap3A_87] {strides = array<i32>} : memref<80x128xf32, #tpu.memory_space<vmem>>, vector<1x16xf32>,
      %swap3A_89 = vector.shape_cast %swap3A_88 : vector<1x16xf32> to vector<16xf32>
      %swap3A_90 = vector.shape_cast %broadcast_in_dim3A_85 : vector<16xf32> to vector<1x16xf32>
      tpu.vector_store %arg15[%swap3A_86, %swap3A_87], %swap3A_90 {strides = array<i32>} : memref<80x128xf32, #tpu.memory_space<vmem>>, vector<1x16xf32>,
      %broadcast_in_dim3A_91 = arith.constant 0.000000e+00 : f32
      %broadcast_in_dim3A_92 = vector.broadcast %broadcast_in_dim3A_91 : f32 to vector<16xf32>
      %swap3A_93 = arith.index_cast %scan3A_78 : i32 to index
      %swap3A_94 = arith.constant 32 : index
      %swap3A_95 = tpu.vector_load %arg15[%swap3A_93, %swap3A_94] {strides = array<i32>} : memref<80x128xf32, #tpu.memory_space<vmem>>, vector<1x16xf32>,
      %swap3A_96 = vector.shape_cast %swap3A_95 : vector<1x16xf32> to vector<16xf32>
      %swap3A_97 = vector.shape_cast %broadcast_in_dim3A_92 : vector<16xf32> to vector<1x16xf32>
      tpu.vector_store %arg15[%swap3A_93, %swap3A_94], %swap3A_97 {strides = array<i32>} : memref<80x128xf32, #tpu.memory_space<vmem>>, vector<1x16xf32>,
      %broadcast_in_dim3A_98 = arith.constant 0.000000e+00 : f32
      %broadcast_in_dim3A_99 = vector.broadcast %broadcast_in_dim3A_98 : f32 to vector<16xf32>
      %swap3A_100 = arith.index_cast %scan3A_78 : i32 to index
      %swap3A_101 = arith.constant 48 : index
      %swap3A_102 = tpu.vector_load %arg15[%swap3A_100, %swap3A_101] {strides = array<i32>} : memref<80x128xf32, #tpu.memory_space<vmem>>, vector<1x16xf32>,
      %swap3A_103 = vector.shape_cast %swap3A_102 : vector<1x16xf32> to vector<16xf32>
      %swap3A_104 = vector.shape_cast %broadcast_in_dim3A_99 : vector<16xf32> to vector<1x16xf32>
      tpu.vector_store %arg15[%swap3A_100, %swap3A_101], %swap3A_104 {strides = array<i32>} : memref<80x128xf32, #tpu.memory_space<vmem>>, vector<1x16xf32>,
      %broadcast_in_dim3A_105 = arith.constant 0.000000e+00 : f32
      %broadcast_in_dim3A_106 = vector.broadcast %broadcast_in_dim3A_105 : f32 to vector<16xf32>
      %swap3A_107 = arith.index_cast %scan3A_78 : i32 to index
      %swap3A_108 = arith.constant 64 : index
      %swap3A_109 = tpu.vector_load %arg15[%swap3A_107, %swap3A_108] {strides = array<i32>} : memref<80x128xf32, #tpu.memory_space<vmem>>, vector<1x16xf32>,
      %swap3A_110 = vector.shape_cast %swap3A_109 : vector<1x16xf32> to vector<16xf32>
      %swap3A_111 = vector.shape_cast %broadcast_in_dim3A_106 : vector<16xf32> to vector<1x16xf32>
      tpu.vector_store %arg15[%swap3A_107, %swap3A_108], %swap3A_111 {strides = array<i32>} : memref<80x128xf32, #tpu.memory_space<vmem>>, vector<1x16xf32>,
      %broadcast_in_dim3A_112 = arith.constant 0.000000e+00 : f32
      %broadcast_in_dim3A_113 = vector.broadcast %broadcast_in_dim3A_112 : f32 to vector<16xf32>
      %swap3A_114 = arith.index_cast %scan3A_78 : i32 to index
      %swap3A_115 = arith.constant 80 : index
      %swap3A_116 = tpu.vector_load %arg15[%swap3A_114, %swap3A_115] {strides = array<i32>} : memref<80x128xf32, #tpu.memory_space<vmem>>, vector<1x16xf32>,
      %swap3A_117 = vector.shape_cast %swap3A_116 : vector<1x16xf32> to vector<16xf32>
      %swap3A_118 = vector.shape_cast %broadcast_in_dim3A_113 : vector<16xf32> to vector<1x16xf32>
      tpu.vector_store %arg15[%swap3A_114, %swap3A_115], %swap3A_118 {strides = array<i32>} : memref<80x128xf32, #tpu.memory_space<vmem>>, vector<1x16xf32>,
      %broadcast_in_dim3A_119 = arith.constant 0.000000e+00 : f32
      %broadcast_in_dim3A_120 = vector.broadcast %broadcast_in_dim3A_119 : f32 to vector<16xf32>
      %swap3A_121 = arith.index_cast %scan3A_78 : i32 to index
      %swap3A_122 = arith.constant 96 : index
      %swap3A_123 = tpu.vector_load %arg15[%swap3A_121, %swap3A_122] {strides = array<i32>} : memref<80x128xf32, #tpu.memory_space<vmem>>, vector<1x16xf32>,
      %swap3A_124 = vector.shape_cast %swap3A_123 : vector<1x16xf32> to vector<16xf32>
      %swap3A_125 = vector.shape_cast %broadcast_in_dim3A_120 : vector<16xf32> to vector<1x16xf32>
      tpu.vector_store %arg15[%swap3A_121, %swap3A_122], %swap3A_125 {strides = array<i32>} : memref<80x128xf32, #tpu.memory_space<vmem>>, vector<1x16xf32>,
      %broadcast_in_dim3A_126 = arith.constant 0.000000e+00 : f32
      %broadcast_in_dim3A_127 = vector.broadcast %broadcast_in_dim3A_126 : f32 to vector<16xf32>
      %swap3A_128 = arith.index_cast %scan3A_78 : i32 to index
      %swap3A_129 = arith.constant 112 : index
      %swap3A_130 = tpu.vector_load %arg15[%swap3A_128, %swap3A_129] {strides = array<i32>} : memref<80x128xf32, #tpu.memory_space<vmem>>, vector<1x16xf32>,
      %swap3A_131 = vector.shape_cast %swap3A_130 : vector<1x16xf32> to vector<16xf32>
      %swap3A_132 = vector.shape_cast %broadcast_in_dim3A_127 : vector<16xf32> to vector<1x16xf32>
      tpu.vector_store %arg15[%swap3A_128, %swap3A_129], %swap3A_132 {strides = array<i32>} : memref<80x128xf32, #tpu.memory_space<vmem>>, vector<1x16xf32>,
    }
    %scan3A_7 = arith.constant 80 : i32
    %mul3A_8 = arith.constant 640 : i32
    %mul3A_9 = arith.muli %arg1, %mul3A_8 : i32
    %add3A_10 = arith.constant 0 : i32
    %add3A_11 = arith.addi %mul3A_9, %add3A_10 : i32
    "tpu.region"() ({
      %run_scoped3A = tpu.sem_alloc : memref<!tpu.dma_semaphore, #tpu.memory_space<semaphore_mem>>
      %dma_start3A_78 = arith.constant 0 : i32
      %dma_start3A_79 = tpu.memref_slice %arg17[%add3A_11, %dma_start3A_78] : memref<10240x128xf32, #tpu.memory_space<vmem_shared>> -> memref<80x128xf32, #tpu.memory_space<vmem_shared>>
      %dma_start3A_80 = arith.constant 0 : i32
      %dma_start3A_81 = tpu.memref_slice %arg17[%add3A_11, %dma_start3A_80] : memref<10240x128xf32, #tpu.memory_space<vmem_shared>> -> memref<80x128xf32, #tpu.memory_space<vmem_shared>>
      tpu.enqueue_dma source(%arg15 : memref<80x128xf32, #tpu.memory_space<vmem>>) target(%dma_start3A_81 : memref<80x128xf32, #tpu.memory_space<vmem_shared>>) target_semaphore(%run_scoped3A : memref<!tpu.dma_semaphore, #tpu.memory_space<semaphore_mem>>)
      %dma_wait3A_82 = arith.constant 0 : i32
      %dma_wait3A_83 = tpu.memref_slice %arg17[%add3A_11, %dma_wait3A_82] : memref<10240x128xf32, #tpu.memory_space<vmem_shared>> -> memref<80x128xf32, #tpu.memory_space<vmem_shared>>
      %dma_wait3A_84 = arith.constant 0 : i32
      %dma_wait3A_85 = tpu.memref_slice %arg17[%add3A_11, %dma_wait3A_84] : memref<10240x128xf32, #tpu.memory_space<vmem_shared>> -> memref<80x128xf32, #tpu.memory_space<vmem_shared>>
      tpu.wait_dma2 semaphore(%run_scoped3A : memref<!tpu.dma_semaphore, #tpu.memory_space<semaphore_mem>>) src(%arg15 : memref<80x128xf32, #tpu.memory_space<vmem>>) dst(%dma_wait3A_85 : memref<80x128xf32, #tpu.memory_space<vmem_shared>>)
      tpu.yield
    }) : () -> ()
    %mul3A_12 = arith.constant 640 : i32
    %mul3A_13 = arith.muli %arg1, %mul3A_12 : i32
    %add3A_14 = arith.constant 80 : i32
    %add3A_15 = arith.addi %mul3A_13, %add3A_14 : i32
    "tpu.region"() ({
      %run_scoped3A = tpu.sem_alloc : memref<!tpu.dma_semaphore, #tpu.memory_space<semaphore_mem>>
      %dma_start3A_78 = arith.constant 0 : i32
      %dma_start3A_79 = tpu.memref_slice %arg17[%add3A_15, %dma_start3A_78] : memref<10240x128xf32, #tpu.memory_space<vmem_shared>> -> memref<80x128xf32, #tpu.memory_space<vmem_shared>>
      %dma_start3A_80 = arith.constant 0 : i32
      %dma_start3A_81 = tpu.memref_slice %arg17[%add3A_15, %dma_start3A_80] : memref<10240x128xf32, #tpu.memory_space<vmem_shared>> -> memref<80x128xf32, #tpu.memory_space<vmem_shared>>
      tpu.enqueue_dma source(%arg15 : memref<80x128xf32, #tpu.memory_space<vmem>>) target(%dma_start3A_81 : memref<80x128xf32, #tpu.memory_space<vmem_shared>>) target_semaphore(%run_scoped3A : memref<!tpu.dma_semaphore, #tpu.memory_space<semaphore_mem>>)
      %dma_wait3A_82 = arith.constant 0 : i32
      %dma_wait3A_83 = tpu.memref_slice %arg17[%add3A_15, %dma_wait3A_82] : memref<10240x128xf32, #tpu.memory_space<vmem_shared>> -> memref<80x128xf32, #tpu.memory_space<vmem_shared>>
      %dma_wait3A_84 = arith.constant 0 : i32
      %dma_wait3A_85 = tpu.memref_slice %arg17[%add3A_15, %dma_wait3A_84] : memref<10240x128xf32, #tpu.memory_space<vmem_shared>> -> memref<80x128xf32, #tpu.memory_space<vmem_shared>>
      tpu.wait_dma2 semaphore(%run_scoped3A : memref<!tpu.dma_semaphore, #tpu.memory_space<semaphore_mem>>) src(%arg15 : memref<80x128xf32, #tpu.memory_space<vmem>>) dst(%dma_wait3A_85 : memref<80x128xf32, #tpu.memory_space<vmem_shared>>)
      tpu.yield
    }) : () -> ()
    %mul3A_16 = arith.constant 640 : i32
    %mul3A_17 = arith.muli %arg1, %mul3A_16 : i32
    %add3A_18 = arith.constant 160 : i32
    %add3A_19 = arith.addi %mul3A_17, %add3A_18 : i32
    "tpu.region"() ({
      %run_scoped3A = tpu.sem_alloc : memref<!tpu.dma_semaphore, #tpu.memory_space<semaphore_mem>>
      %dma_start3A_78 = arith.constant 0 : i32
      %dma_start3A_79 = tpu.memref_slice %arg17[%add3A_19, %dma_start3A_78] : memref<10240x128xf32, #tpu.memory_space<vmem_shared>> -> memref<80x128xf32, #tpu.memory_space<vmem_shared>>
      %dma_start3A_80 = arith.constant 0 : i32
      %dma_start3A_81 = tpu.memref_slice %arg17[%add3A_19, %dma_start3A_80] : memref<10240x128xf32, #tpu.memory_space<vmem_shared>> -> memref<80x128xf32, #tpu.memory_space<vmem_shared>>
      tpu.enqueue_dma source(%arg15 : memref<80x128xf32, #tpu.memory_space<vmem>>) target(%dma_start3A_81 : memref<80x128xf32, #tpu.memory_space<vmem_shared>>) target_semaphore(%run_scoped3A : memref<!tpu.dma_semaphore, #tpu.memory_space<semaphore_mem>>)
      %dma_wait3A_82 = arith.constant 0 : i32
      %dma_wait3A_83 = tpu.memref_slice %arg17[%add3A_19, %dma_wait3A_82] : memref<10240x128xf32, #tpu.memory_space<vmem_shared>> -> memref<80x128xf32, #tpu.memory_space<vmem_shared>>
      %dma_wait3A_84 = arith.constant 0 : i32
      %dma_wait3A_85 = tpu.memref_slice %arg17[%add3A_19, %dma_wait3A_84] : memref<10240x128xf32, #tpu.memory_space<vmem_shared>> -> memref<80x128xf32, #tpu.memory_space<vmem_shared>>
      tpu.wait_dma2 semaphore(%run_scoped3A : memref<!tpu.dma_semaphore, #tpu.memory_space<semaphore_mem>>) src(%arg15 : memref<80x128xf32, #tpu.memory_space<vmem>>) dst(%dma_wait3A_85 : memref<80x128xf32, #tpu.memory_space<vmem_shared>>)
      tpu.yield
    }) : () -> ()
    %mul3A_20 = arith.constant 640 : i32
    %mul3A_21 = arith.muli %arg1, %mul3A_20 : i32
    %add3A_22 = arith.constant 240 : i32
    %add3A_23 = arith.addi %mul3A_21, %add3A_22 : i32
    "tpu.region"() ({
      %run_scoped3A = tpu.sem_alloc : memref<!tpu.dma_semaphore, #tpu.memory_space<semaphore_mem>>
      %dma_start3A_78 = arith.constant 0 : i32
      %dma_start3A_79 = tpu.memref_slice %arg17[%add3A_23, %dma_start3A_78] : memref<10240x128xf32, #tpu.memory_space<vmem_shared>> -> memref<80x128xf32, #tpu.memory_space<vmem_shared>>
      %dma_start3A_80 = arith.constant 0 : i32
      %dma_start3A_81 = tpu.memref_slice %arg17[%add3A_23, %dma_start3A_80] : memref<10240x128xf32, #tpu.memory_space<vmem_shared>> -> memref<80x128xf32, #tpu.memory_space<vmem_shared>>
      tpu.enqueue_dma source(%arg15 : memref<80x128xf32, #tpu.memory_space<vmem>>) target(%dma_start3A_81 : memref<80x128xf32, #tpu.memory_space<vmem_shared>>) target_semaphore(%run_scoped3A : memref<!tpu.dma_semaphore, #tpu.memory_space<semaphore_mem>>)
      %dma_wait3A_82 = arith.constant 0 : i32
      %dma_wait3A_83 = tpu.memref_slice %arg17[%add3A_23, %dma_wait3A_82] : memref<10240x128xf32, #tpu.memory_space<vmem_shared>> -> memref<80x128xf32, #tpu.memory_space<vmem_shared>>
      %dma_wait3A_84 = arith.constant 0 : i32
      %dma_wait3A_85 = tpu.memref_slice %arg17[%add3A_23, %dma_wait3A_84] : memref<10240x128xf32, #tpu.memory_space<vmem_shared>> -> memref<80x128xf32, #tpu.memory_space<vmem_shared>>
      tpu.wait_dma2 semaphore(%run_scoped3A : memref<!tpu.dma_semaphore, #tpu.memory_space<semaphore_mem>>) src(%arg15 : memref<80x128xf32, #tpu.memory_space<vmem>>) dst(%dma_wait3A_85 : memref<80x128xf32, #tpu.memory_space<vmem_shared>>)
      tpu.yield
    }) : () -> ()
    %mul3A_24 = arith.constant 640 : i32
    %mul3A_25 = arith.muli %arg1, %mul3A_24 : i32
    %add3A_26 = arith.constant 320 : i32
    %add3A_27 = arith.addi %mul3A_25, %add3A_26 : i32
    "tpu.region"() ({
      %run_scoped3A = tpu.sem_alloc : memref<!tpu.dma_semaphore, #tpu.memory_space<semaphore_mem>>
      %dma_start3A_78 = arith.constant 0 : i32
      %dma_start3A_79 = tpu.memref_slice %arg17[%add3A_27, %dma_start3A_78] : memref<10240x128xf32, #tpu.memory_space<vmem_shared>> -> memref<80x128xf32, #tpu.memory_space<vmem_shared>>
      %dma_start3A_80 = arith.constant 0 : i32
      %dma_start3A_81 = tpu.memref_slice %arg17[%add3A_27, %dma_start3A_80] : memref<10240x128xf32, #tpu.memory_space<vmem_shared>> -> memref<80x128xf32, #tpu.memory_space<vmem_shared>>
      tpu.enqueue_dma source(%arg15 : memref<80x128xf32, #tpu.memory_space<vmem>>) target(%dma_start3A_81 : memref<80x128xf32, #tpu.memory_space<vmem_shared>>) target_semaphore(%run_scoped3A : memref<!tpu.dma_semaphore, #tpu.memory_space<semaphore_mem>>)
      %dma_wait3A_82 = arith.constant 0 : i32
      %dma_wait3A_83 = tpu.memref_slice %arg17[%add3A_27, %dma_wait3A_82] : memref<10240x128xf32, #tpu.memory_space<vmem_shared>> -> memref<80x128xf32, #tpu.memory_space<vmem_shared>>
      %dma_wait3A_84 = arith.constant 0 : i32
      %dma_wait3A_85 = tpu.memref_slice %arg17[%add3A_27, %dma_wait3A_84] : memref<10240x128xf32, #tpu.memory_space<vmem_shared>> -> memref<80x128xf32, #tpu.memory_space<vmem_shared>>
      tpu.wait_dma2 semaphore(%run_scoped3A : memref<!tpu.dma_semaphore, #tpu.memory_space<semaphore_mem>>) src(%arg15 : memref<80x128xf32, #tpu.memory_space<vmem>>) dst(%dma_wait3A_85 : memref<80x128xf32, #tpu.memory_space<vmem_shared>>)
      tpu.yield
    }) : () -> ()
    %mul3A_28 = arith.constant 640 : i32
    %mul3A_29 = arith.muli %arg1, %mul3A_28 : i32
    %add3A_30 = arith.constant 400 : i32
    %add3A_31 = arith.addi %mul3A_29, %add3A_30 : i32
    "tpu.region"() ({
      %run_scoped3A = tpu.sem_alloc : memref<!tpu.dma_semaphore, #tpu.memory_space<semaphore_mem>>
      %dma_start3A_78 = arith.constant 0 : i32
      %dma_start3A_79 = tpu.memref_slice %arg17[%add3A_31, %dma_start3A_78] : memref<10240x128xf32, #tpu.memory_space<vmem_shared>> -> memref<80x128xf32, #tpu.memory_space<vmem_shared>>
      %dma_start3A_80 = arith.constant 0 : i32
      %dma_start3A_81 = tpu.memref_slice %arg17[%add3A_31, %dma_start3A_80] : memref<10240x128xf32, #tpu.memory_space<vmem_shared>> -> memref<80x128xf32, #tpu.memory_space<vmem_shared>>
      tpu.enqueue_dma source(%arg15 : memref<80x128xf32, #tpu.memory_space<vmem>>) target(%dma_start3A_81 : memref<80x128xf32, #tpu.memory_space<vmem_shared>>) target_semaphore(%run_scoped3A : memref<!tpu.dma_semaphore, #tpu.memory_space<semaphore_mem>>)
      %dma_wait3A_82 = arith.constant 0 : i32
      %dma_wait3A_83 = tpu.memref_slice %arg17[%add3A_31, %dma_wait3A_82] : memref<10240x128xf32, #tpu.memory_space<vmem_shared>> -> memref<80x128xf32, #tpu.memory_space<vmem_shared>>
      %dma_wait3A_84 = arith.constant 0 : i32
      %dma_wait3A_85 = tpu.memref_slice %arg17[%add3A_31, %dma_wait3A_84] : memref<10240x128xf32, #tpu.memory_space<vmem_shared>> -> memref<80x128xf32, #tpu.memory_space<vmem_shared>>
      tpu.wait_dma2 semaphore(%run_scoped3A : memref<!tpu.dma_semaphore, #tpu.memory_space<semaphore_mem>>) src(%arg15 : memref<80x128xf32, #tpu.memory_space<vmem>>) dst(%dma_wait3A_85 : memref<80x128xf32, #tpu.memory_space<vmem_shared>>)
      tpu.yield
    }) : () -> ()
    %mul3A_32 = arith.constant 640 : i32
    %mul3A_33 = arith.muli %arg1, %mul3A_32 : i32
    %add3A_34 = arith.constant 480 : i32
    %add3A_35 = arith.addi %mul3A_33, %add3A_34 : i32
    "tpu.region"() ({
      %run_scoped3A = tpu.sem_alloc : memref<!tpu.dma_semaphore, #tpu.memory_space<semaphore_mem>>
      %dma_start3A_78 = arith.constant 0 : i32
      %dma_start3A_79 = tpu.memref_slice %arg17[%add3A_35, %dma_start3A_78] : memref<10240x128xf32, #tpu.memory_space<vmem_shared>> -> memref<80x128xf32, #tpu.memory_space<vmem_shared>>
      %dma_start3A_80 = arith.constant 0 : i32
      %dma_start3A_81 = tpu.memref_slice %arg17[%add3A_35, %dma_start3A_80] : memref<10240x128xf32, #tpu.memory_space<vmem_shared>> -> memref<80x128xf32, #tpu.memory_space<vmem_shared>>
      tpu.enqueue_dma source(%arg15 : memref<80x128xf32, #tpu.memory_space<vmem>>) target(%dma_start3A_81 : memref<80x128xf32, #tpu.memory_space<vmem_shared>>) target_semaphore(%run_scoped3A : memref<!tpu.dma_semaphore, #tpu.memory_space<semaphore_mem>>)
      %dma_wait3A_82 = arith.constant 0 : i32
      %dma_wait3A_83 = tpu.memref_slice %arg17[%add3A_35, %dma_wait3A_82] : memref<10240x128xf32, #tpu.memory_space<vmem_shared>> -> memref<80x128xf32, #tpu.memory_space<vmem_shared>>
      %dma_wait3A_84 = arith.constant 0 : i32
      %dma_wait3A_85 = tpu.memref_slice %arg17[%add3A_35, %dma_wait3A_84] : memref<10240x128xf32, #tpu.memory_space<vmem_shared>> -> memref<80x128xf32, #tpu.memory_space<vmem_shared>>
      tpu.wait_dma2 semaphore(%run_scoped3A : memref<!tpu.dma_semaphore, #tpu.memory_space<semaphore_mem>>) src(%arg15 : memref<80x128xf32, #tpu.memory_space<vmem>>) dst(%dma_wait3A_85 : memref<80x128xf32, #tpu.memory_space<vmem_shared>>)
      tpu.yield
    }) : () -> ()
    %mul3A_36 = arith.constant 640 : i32
    %mul3A_37 = arith.muli %arg1, %mul3A_36 : i32
    %add3A_38 = arith.constant 560 : i32
    %add3A_39 = arith.addi %mul3A_37, %add3A_38 : i32
    "tpu.region"() ({
      %run_scoped3A = tpu.sem_alloc : memref<!tpu.dma_semaphore, #tpu.memory_space<semaphore_mem>>
      %dma_start3A_78 = arith.constant 0 : i32
      %dma_start3A_79 = tpu.memref_slice %arg17[%add3A_39, %dma_start3A_78] : memref<10240x128xf32, #tpu.memory_space<vmem_shared>> -> memref<80x128xf32, #tpu.memory_space<vmem_shared>>
      %dma_start3A_80 = arith.constant 0 : i32
      %dma_start3A_81 = tpu.memref_slice %arg17[%add3A_39, %dma_start3A_80] : memref<10240x128xf32, #tpu.memory_space<vmem_shared>> -> memref<80x128xf32, #tpu.memory_space<vmem_shared>>
      tpu.enqueue_dma source(%arg15 : memref<80x128xf32, #tpu.memory_space<vmem>>) target(%dma_start3A_81 : memref<80x128xf32, #tpu.memory_space<vmem_shared>>) target_semaphore(%run_scoped3A : memref<!tpu.dma_semaphore, #tpu.memory_space<semaphore_mem>>)
      %dma_wait3A_82 = arith.constant 0 : i32
      %dma_wait3A_83 = tpu.memref_slice %arg17[%add3A_39, %dma_wait3A_82] : memref<10240x128xf32, #tpu.memory_space<vmem_shared>> -> memref<80x128xf32, #tpu.memory_space<vmem_shared>>
      %dma_wait3A_84 = arith.constant 0 : i32
      %dma_wait3A_85 = tpu.memref_slice %arg17[%add3A_39, %dma_wait3A_84] : memref<10240x128xf32, #tpu.memory_space<vmem_shared>> -> memref<80x128xf32, #tpu.memory_space<vmem_shared>>
      tpu.wait_dma2 semaphore(%run_scoped3A : memref<!tpu.dma_semaphore, #tpu.memory_space<semaphore_mem>>) src(%arg15 : memref<80x128xf32, #tpu.memory_space<vmem>>) dst(%dma_wait3A_85 : memref<80x128xf32, #tpu.memory_space<vmem_shared>>)
      tpu.yield
    }) : () -> ()
    "tpu.region"() ({
      %run_scoped3A = tpu.sem_alloc : memref<!tpu.dma_semaphore, #tpu.memory_space<semaphore_mem>>
      %dma_start3A_78 = arith.constant 0 : i32
      %dma_start3A_79 = arith.constant 0 : i32
      %dma_start3A_80 = tpu.memref_slice %arg6[%add3A, %dma_start3A_78, %dma_start3A_79] : memref<32x125x80xf32, #tpu.memory_space<hbm>> -> memref<1x125x80xf32, #tpu.memory_space<hbm>>
      %dma_start3A_81 = tpu.memref_squeeze %dma_start3A_80 : memref<1x125x80xf32, #tpu.memory_space<hbm>> -> memref<125x80xf32, #tpu.memory_space<hbm>>
      %dma_start3A_82 = arith.constant 0 : i32
      %dma_start3A_83 = arith.constant 0 : i32
      %dma_start3A_84 = tpu.memref_slice %arg6[%add3A, %dma_start3A_82, %dma_start3A_83] : memref<32x125x80xf32, #tpu.memory_space<hbm>> -> memref<1x125x80xf32, #tpu.memory_space<hbm>>
      %dma_start3A_85 = tpu.memref_squeeze %dma_start3A_84 : memref<1x125x80xf32, #tpu.memory_space<hbm>> -> memref<125x80xf32, #tpu.memory_space<hbm>>
      tpu.enqueue_dma source(%dma_start3A_85 : memref<125x80xf32, #tpu.memory_space<hbm>>) target(%arg10 : memref<125x80xf32, #tpu.memory_space<vmem>>) target_semaphore(%run_scoped3A : memref<!tpu.dma_semaphore, #tpu.memory_space<semaphore_mem>>)
      %dma_wait3A_86 = arith.constant 0 : i32
      %dma_wait3A_87 = arith.constant 0 : i32
      %dma_wait3A_88 = tpu.memref_slice %arg6[%add3A, %dma_wait3A_86, %dma_wait3A_87] : memref<32x125x80xf32, #tpu.memory_space<hbm>> -> memref<1x125x80xf32, #tpu.memory_space<hbm>>
      %dma_wait3A_89 = tpu.memref_squeeze %dma_wait3A_88 : memref<1x125x80xf32, #tpu.memory_space<hbm>> -> memref<125x80xf32, #tpu.memory_space<hbm>>
      %dma_wait3A_90 = arith.constant 0 : i32
      %dma_wait3A_91 = arith.constant 0 : i32
      %dma_wait3A_92 = tpu.memref_slice %arg6[%add3A, %dma_wait3A_90, %dma_wait3A_91] : memref<32x125x80xf32, #tpu.memory_space<hbm>> -> memref<1x125x80xf32, #tpu.memory_space<hbm>>
      %dma_wait3A_93 = tpu.memref_squeeze %dma_wait3A_92 : memref<1x125x80xf32, #tpu.memory_space<hbm>> -> memref<125x80xf32, #tpu.memory_space<hbm>>
      tpu.wait_dma2 semaphore(%run_scoped3A : memref<!tpu.dma_semaphore, #tpu.memory_space<semaphore_mem>>) src(%dma_wait3A_93 : memref<125x80xf32, #tpu.memory_space<hbm>>) dst(%arg10 : memref<125x80xf32, #tpu.memory_space<vmem>>)
      tpu.yield
    }) : () -> ()
    %barrier3A = arith.constant 0 : index
    tpu.barrier barrier_id(%barrier3A)
    %mul3A_40 = arith.constant 0 : i32
    %mul3A_41 = arith.muli %add3A, %mul3A_40 : i32
    "tpu.region"() ({
      %run_scoped3A = tpu.sem_alloc : memref<!tpu.dma_semaphore, #tpu.memory_space<semaphore_mem>>
      %dma_start3A_78 = arith.constant 0 : i32
      %dma_start3A_79 = arith.constant 0 : i32
      %dma_start3A_80 = tpu.memref_slice %arg4[%add3A, %dma_start3A_78, %dma_start3A_79] : memref<32x125x80xi32, #tpu.memory_space<hbm>> -> memref<1x125x80xi32, #tpu.memory_space<hbm>>
      %dma_start3A_81 = tpu.memref_squeeze %dma_start3A_80 : memref<1x125x80xi32, #tpu.memory_space<hbm>> -> memref<125x80xi32, #tpu.memory_space<hbm>>
      %dma_start3A_82 = arith.constant 0 : i32
      %dma_start3A_83 = tpu.memref_slice %dma_start3A_81[%mul3A_41, %dma_start3A_82] : memref<125x80xi32, #tpu.memory_space<hbm>> -> memref<1x80xi32, #tpu.memory_space<hbm>>
      %dma_start3A_84 = tpu.memref_squeeze %dma_start3A_83 : memref<1x80xi32, #tpu.memory_space<hbm>> -> memref<80xi32, #tpu.memory_space<hbm>>
      %dma_start3A_85 = arith.constant 0 : i32
      %dma_start3A_86 = arith.constant 0 : i32
      %dma_start3A_87 = tpu.memref_slice %arg4[%add3A, %dma_start3A_85, %dma_start3A_86] : memref<32x125x80xi32, #tpu.memory_space<hbm>> -> memref<1x125x80xi32, #tpu.memory_space<hbm>>
      %dma_start3A_88 = tpu.memref_squeeze %dma_start3A_87 : memref<1x125x80xi32, #tpu.memory_space<hbm>> -> memref<125x80xi32, #tpu.memory_space<hbm>>
      %dma_start3A_89 = arith.constant 0 : i32
      %dma_start3A_90 = tpu.memref_slice %dma_start3A_88[%mul3A_41, %dma_start3A_89] : memref<125x80xi32, #tpu.memory_space<hbm>> -> memref<1x80xi32, #tpu.memory_space<hbm>>
      %dma_start3A_91 = tpu.memref_squeeze %dma_start3A_90 : memref<1x80xi32, #tpu.memory_space<hbm>> -> memref<80xi32, #tpu.memory_space<hbm>>
      tpu.enqueue_dma source(%dma_start3A_91 : memref<80xi32, #tpu.memory_space<hbm>>) target(%arg8 : memref<80xi32, #tpu.memory_space<vmem>>) target_semaphore(%run_scoped3A : memref<!tpu.dma_semaphore, #tpu.memory_space<semaphore_mem>>)
      %dma_wait3A_92 = arith.constant 0 : i32
      %dma_wait3A_93 = arith.constant 0 : i32
      %dma_wait3A_94 = tpu.memref_slice %arg4[%add3A, %dma_wait3A_92, %dma_wait3A_93] : memref<32x125x80xi32, #tpu.memory_space<hbm>> -> memref<1x125x80xi32, #tpu.memory_space<hbm>>
      %dma_wait3A_95 = tpu.memref_squeeze %dma_wait3A_94 : memref<1x125x80xi32, #tpu.memory_space<hbm>> -> memref<125x80xi32, #tpu.memory_space<hbm>>
      %dma_wait3A_96 = arith.constant 0 : i32
      %dma_wait3A_97 = tpu.memref_slice %dma_wait3A_95[%mul3A_41, %dma_wait3A_96] : memref<125x80xi32, #tpu.memory_space<hbm>> -> memref<1x80xi32, #tpu.memory_space<hbm>>
      %dma_wait3A_98 = tpu.memref_squeeze %dma_wait3A_97 : memref<1x80xi32, #tpu.memory_space<hbm>> -> memref<80xi32, #tpu.memory_space<hbm>>
      %dma_wait3A_99 = arith.constant 0 : i32
      %dma_wait3A_100 = arith.constant 0 : i32
      %dma_wait3A_101 = tpu.memref_slice %arg4[%add3A, %dma_wait3A_99, %dma_wait3A_100] : memref<32x125x80xi32, #tpu.memory_space<hbm>> -> memref<1x125x80xi32, #tpu.memory_space<hbm>>
      %dma_wait3A_102 = tpu.memref_squeeze %dma_wait3A_101 : memref<1x125x80xi32, #tpu.memory_space<hbm>> -> memref<125x80xi32, #tpu.memory_space<hbm>>
      %dma_wait3A_103 = arith.constant 0 : i32
      %dma_wait3A_104 = tpu.memref_slice %dma_wait3A_102[%mul3A_41, %dma_wait3A_103] : memref<125x80xi32, #tpu.memory_space<hbm>> -> memref<1x80xi32, #tpu.memory_space<hbm>>
      %dma_wait3A_105 = tpu.memref_squeeze %dma_wait3A_104 : memref<1x80xi32, #tpu.memory_space<hbm>> -> memref<80xi32, #tpu.memory_space<hbm>>
      tpu.wait_dma2 semaphore(%run_scoped3A : memref<!tpu.dma_semaphore, #tpu.memory_space<semaphore_mem>>) src(%dma_wait3A_105 : memref<80xi32, #tpu.memory_space<hbm>>) dst(%arg8 : memref<80xi32, #tpu.memory_space<vmem>>)
      tpu.yield
    }) : () -> ()
    %dma_start3A = arith.constant 0 : i32
    %dma_start3A_42 = arith.constant 0 : i32
    %dma_start3A_43 = tpu.memref_slice %arg2[%dma_start3A, %dma_start3A_42] : memref<10000x128xf32, #tpu.memory_space<hbm>> -> memref<10000x128xf32, #tpu.memory_space<hbm>>
    tpu.enqueue_indirect_dma source(%dma_start3A_43 : memref<10000x128xf32, #tpu.memory_space<hbm>>) target(%arg11 : memref<80x128xf32, #tpu.memory_space<vmem>>) offsets(%arg8 : memref<80xi32, #tpu.memory_space<vmem>>) semaphore(%arg18 : memref<!tpu.dma_semaphore, #tpu.memory_space<semaphore_mem>>)
    %add3A_44 = arith.addi %mul3A_2, %mul3A_41 : i32
    %dma_start3A_45 = arith.constant 0 : i32
    %dma_start3A_46 = arith.constant 0 : i32
    %dma_start3A_47 = tpu.memref_slice %arg3[%add3A_44, %dma_start3A_45, %dma_start3A_46] : memref<4000x80x128xf32, #tpu.memory_space<hbm>> -> memref<1x80x128xf32, #tpu.memory_space<hbm>>
    %dma_start3A_48 = tpu.memref_squeeze %dma_start3A_47 : memref<1x80x128xf32, #tpu.memory_space<hbm>> -> memref<80x128xf32, #tpu.memory_space<hbm>>
    %dma_start3A_49 = arith.constant 0 : i32
    %dma_start3A_50 = arith.constant 0 : i32
    %dma_start3A_51 = tpu.memref_slice %arg3[%add3A_44, %dma_start3A_49, %dma_start3A_50] : memref<4000x80x128xf32, #tpu.memory_space<hbm>> -> memref<1x80x128xf32, #tpu.memory_space<hbm>>
    %dma_start3A_52 = tpu.memref_squeeze %dma_start3A_51 : memref<1x80x128xf32, #tpu.memory_space<hbm>> -> memref<80x128xf32, #tpu.memory_space<hbm>>
    tpu.enqueue_dma source(%dma_start3A_52 : memref<80x128xf32, #tpu.memory_space<hbm>>) target(%arg13 : memref<80x128xf32, #tpu.memory_space<vmem>>) target_semaphore(%arg19 : memref<!tpu.dma_semaphore, #tpu.memory_space<semaphore_mem>>)
    %scan3A_53 = arith.constant 0 : i32
    %scan3A_54 = arith.constant 0 : i32
    %scan3A_55 = arith.constant 125 : i32
    %scan3A_56 = arith.addi %scan3A_54, %scan3A_55 : i32
    %scan3A_57 = arith.constant 1 : i32
    scf.for %scan3A_78 = %scan3A_54 to %scan3A_56 step %scan3A_57  : i32 {
      %ge3A = arith.constant 1 : i32
      %ge3A_79 = arith.cmpi sge, %scan3A_78, %ge3A : i32
      %convert_element_type3A = arith.extui %ge3A_79 : i1 to i32
      %cond3A = arith.constant 0 : i32
      %cond3A_80 = arith.cmpi ne, %convert_element_type3A, %cond3A : i32
      scf.if %cond3A_80 {
        %dma_wait3A_173 = arith.constant 0 : i32
        %dma_wait3A_174 = arith.constant 0 : i32
        %dma_wait3A_175 = tpu.memref_slice %arg17[%dma_wait3A_173, %dma_wait3A_174] : memref<10240x128xf32, #tpu.memory_space<vmem_shared>> -> memref<10240x128xf32, #tpu.memory_space<vmem_shared>>
        tpu.wait_indirect_dma semaphore(%arg20 : memref<!tpu.dma_semaphore, #tpu.memory_space<semaphore_mem>>) src(%arg15 : memref<80x128xf32, #tpu.memory_space<vmem>>) dst(%dma_wait3A_175 : memref<10240x128xf32, #tpu.memory_space<vmem_shared>>)
      } else {
      }
      %dma_start3A_81 = arith.constant 0 : i32
      %dma_start3A_82 = arith.constant 0 : i32
      %dma_start3A_83 = tpu.memref_slice %arg5[%add3A, %dma_start3A_81, %dma_start3A_82] : memref<32x125x80xi32, #tpu.memory_space<hbm>> -> memref<1x125x80xi32, #tpu.memory_space<hbm>>
      %dma_start3A_84 = tpu.memref_squeeze %dma_start3A_83 : memref<1x125x80xi32, #tpu.memory_space<hbm>> -> memref<125x80xi32, #tpu.memory_space<hbm>>
      %dma_start3A_85 = arith.constant 0 : i32
      %dma_start3A_86 = tpu.memref_slice %dma_start3A_84[%scan3A_78, %dma_start3A_85] : memref<125x80xi32, #tpu.memory_space<hbm>> -> memref<1x80xi32, #tpu.memory_space<hbm>>
      %dma_start3A_87 = tpu.memref_squeeze %dma_start3A_86 : memref<1x80xi32, #tpu.memory_space<hbm>> -> memref<80xi32, #tpu.memory_space<hbm>>
      %dma_start3A_88 = arith.constant 0 : i32
      %dma_start3A_89 = arith.constant 0 : i32
      %dma_start3A_90 = tpu.memref_slice %arg5[%add3A, %dma_start3A_88, %dma_start3A_89] : memref<32x125x80xi32, #tpu.memory_space<hbm>> -> memref<1x125x80xi32, #tpu.memory_space<hbm>>
      %dma_start3A_91 = tpu.memref_squeeze %dma_start3A_90 : memref<1x125x80xi32, #tpu.memory_space<hbm>> -> memref<125x80xi32, #tpu.memory_space<hbm>>
      %dma_start3A_92 = arith.constant 0 : i32
      %dma_start3A_93 = tpu.memref_slice %dma_start3A_91[%scan3A_78, %dma_start3A_92] : memref<125x80xi32, #tpu.memory_space<hbm>> -> memref<1x80xi32, #tpu.memory_space<hbm>>
      %dma_start3A_94 = tpu.memref_squeeze %dma_start3A_93 : memref<1x80xi32, #tpu.memory_space<hbm>> -> memref<80xi32, #tpu.memory_space<hbm>>
      tpu.enqueue_dma source(%dma_start3A_94 : memref<80xi32, #tpu.memory_space<hbm>>) target(%arg9 : memref<80xi32, #tpu.memory_space<vmem>>) target_semaphore(%arg22 : memref<!tpu.dma_semaphore, #tpu.memory_space<semaphore_mem>>)
      %dma_wait3A_95 = arith.constant 0 : i32
      %dma_wait3A_96 = arith.constant 0 : i32
      %dma_wait3A_97 = tpu.memref_slice %arg2[%dma_wait3A_95, %dma_wait3A_96] : memref<10000x128xf32, #tpu.memory_space<hbm>> -> memref<10000x128xf32, #tpu.memory_space<hbm>>
      tpu.wait_indirect_dma semaphore(%arg18 : memref<!tpu.dma_semaphore, #tpu.memory_space<semaphore_mem>>) src(%dma_wait3A_97 : memref<10000x128xf32, #tpu.memory_space<hbm>>) dst(%arg11 : memref<80x128xf32, #tpu.memory_space<vmem>>)
      %add3A_98 = arith.constant 1 : i32
      %add3A_99 = arith.addi %scan3A_78, %add3A_98 : i32
      %min3A = arith.constant 124 : i32
      %min3A_100 = arith.minsi %add3A_99, %min3A : i32
      %dma_start3A_101 = arith.constant 0 : i32
      %dma_start3A_102 = arith.constant 0 : i32
      %dma_start3A_103 = tpu.memref_slice %arg4[%add3A, %dma_start3A_101, %dma_start3A_102] : memref<32x125x80xi32, #tpu.memory_space<hbm>> -> memref<1x125x80xi32, #tpu.memory_space<hbm>>
      %dma_start3A_104 = tpu.memref_squeeze %dma_start3A_103 : memref<1x125x80xi32, #tpu.memory_space<hbm>> -> memref<125x80xi32, #tpu.memory_space<hbm>>
      %dma_start3A_105 = arith.constant 0 : i32
      %dma_start3A_106 = tpu.memref_slice %dma_start3A_104[%min3A_100, %dma_start3A_105] : memref<125x80xi32, #tpu.memory_space<hbm>> -> memref<1x80xi32, #tpu.memory_space<hbm>>
      %dma_start3A_107 = tpu.memref_squeeze %dma_start3A_106 : memref<1x80xi32, #tpu.memory_space<hbm>> -> memref<80xi32, #tpu.memory_space<hbm>>
      %dma_start3A_108 = arith.constant 0 : i32
      %dma_start3A_109 = arith.constant 0 : i32
      %dma_start3A_110 = tpu.memref_slice %arg4[%add3A, %dma_start3A_108, %dma_start3A_109] : memref<32x125x80xi32, #tpu.memory_space<hbm>> -> memref<1x125x80xi32, #tpu.memory_space<hbm>>
      %dma_start3A_111 = tpu.memref_squeeze %dma_start3A_110 : memref<1x125x80xi32, #tpu.memory_space<hbm>> -> memref<125x80xi32, #tpu.memory_space<hbm>>
      %dma_start3A_112 = arith.constant 0 : i32
      %dma_start3A_113 = tpu.memref_slice %dma_start3A_111[%min3A_100, %dma_start3A_112] : memref<125x80xi32, #tpu.memory_space<hbm>> -> memref<1x80xi32, #tpu.memory_space<hbm>>
      %dma_start3A_114 = tpu.memref_squeeze %dma_start3A_113 : memref<1x80xi32, #tpu.memory_space<hbm>> -> memref<80xi32, #tpu.memory_space<hbm>>
      tpu.enqueue_dma source(%dma_start3A_114 : memref<80xi32, #tpu.memory_space<hbm>>) target(%arg8 : memref<80xi32, #tpu.memory_space<vmem>>) target_semaphore(%arg21 : memref<!tpu.dma_semaphore, #tpu.memory_space<semaphore_mem>>)
      %add3A_115 = arith.addi %mul3A_2, %scan3A_78 : i32
      %dma_wait3A_116 = arith.constant 0 : i32
      %dma_wait3A_117 = arith.constant 0 : i32
      %dma_wait3A_118 = tpu.memref_slice %arg3[%add3A_115, %dma_wait3A_116, %dma_wait3A_117] : memref<4000x80x128xf32, #tpu.memory_space<hbm>> -> memref<1x80x128xf32, #tpu.memory_space<hbm>>
      %dma_wait3A_119 = tpu.memref_squeeze %dma_wait3A_118 : memref<1x80x128xf32, #tpu.memory_space<hbm>> -> memref<80x128xf32, #tpu.memory_space<hbm>>
      %dma_wait3A_120 = arith.constant 0 : i32
      %dma_wait3A_121 = arith.constant 0 : i32
      %dma_wait3A_122 = tpu.memref_slice %arg3[%add3A_115, %dma_wait3A_120, %dma_wait3A_121] : memref<4000x80x128xf32, #tpu.memory_space<hbm>> -> memref<1x80x128xf32, #tpu.memory_space<hbm>>
      %dma_wait3A_123 = tpu.memref_squeeze %dma_wait3A_122 : memref<1x80x128xf32, #tpu.memory_space<hbm>> -> memref<80x128xf32, #tpu.memory_space<hbm>>
      tpu.wait_dma2 semaphore(%arg19 : memref<!tpu.dma_semaphore, #tpu.memory_space<semaphore_mem>>) src(%dma_wait3A_123 : memref<80x128xf32, #tpu.memory_space<hbm>>) dst(%arg13 : memref<80x128xf32, #tpu.memory_space<vmem>>)
      %scan3A_124 = arith.constant 0 : i32
      %scan3A_125 = arith.constant 0 : i32
      %scan3A_126 = arith.constant 5 : i32
      %scan3A_127 = arith.addi %scan3A_125, %scan3A_126 : i32
      %scan3A_128 = arith.constant 1 : i32
      scf.for %scan3A_173 = %scan3A_125 to %scan3A_127 step %scan3A_128  : i32 {
        %mul3A_174 = arith.constant 16 : i32
        %mul3A_175 = arith.muli %scan3A_173, %mul3A_174 : i32
        %get3A = arith.index_cast %scan3A_78 : i32 to index
        %get3A_176 = arith.index_cast %mul3A_175 : i32 to index
        %get3A_177 = tpu.vector_load %arg10[%get3A, %get3A_176] {strides = array<i32>} : memref<125x80xf32, #tpu.memory_space<vmem>>, vector<1x16xf32>,
        %get3A_178 = vector.shape_cast %get3A_177 : vector<1x16xf32> to vector<16xf32>
        %slice3A = vector.extract_strided_slice %get3A_178 {offsets = [0], sizes = [1], strides = [1]} : vector<16xf32> to vector<1xf32>
        %squeeze3A = vector.extract %slice3A[0] : f32 from vector<1xf32>
        %mul3A_179 = arith.constant 16 : i32
        %mul3A_180 = arith.muli %scan3A_173, %mul3A_179 : i32
        %add3A_181 = arith.constant 0 : i32
        %add3A_182 = arith.addi %mul3A_180, %add3A_181 : i32
        %get3A_183 = arith.index_cast %add3A_182 : i32 to index
        %get3A_184 = arith.constant 0 : index
        %get3A_185 = tpu.vector_load %arg11[%get3A_183, %get3A_184] {strides = array<i32>} : memref<80x128xf32, #tpu.memory_space<vmem>>, vector<1x16xf32>,
        %get3A_186 = vector.shape_cast %get3A_185 : vector<1x16xf32> to vector<16xf32>
        %get3A_187 = arith.index_cast %add3A_182 : i32 to index
        %get3A_188 = arith.constant 0 : index
        %get3A_189 = tpu.vector_load %arg13[%get3A_187, %get3A_188] {strides = array<i32>} : memref<80x128xf32, #tpu.memory_space<vmem>>, vector<1x16xf32>,
        %get3A_190 = vector.shape_cast %get3A_189 : vector<1x16xf32> to vector<16xf32>
        %add3A_191 = arith.addf %get3A_186, %get3A_190 : vector<16xf32>
        %max3A = arith.constant 0.000000e+00 : f32
        %max3A_192 = vector.broadcast %max3A : f32 to vector<16xf32>
        %max3A_193 = arith.maximumf %add3A_191, %max3A_192 : vector<16xf32>
        %mul3A_194 = vector.broadcast %squeeze3A : f32 to vector<16xf32>
        %mul3A_195 = arith.mulf %max3A_193, %mul3A_194 : vector<16xf32>
        %swap3A = arith.index_cast %add3A_182 : i32 to index
        %swap3A_196 = arith.constant 0 : index
        %swap3A_197 = tpu.vector_load %arg15[%swap3A, %swap3A_196] {strides = array<i32>} : memref<80x128xf32, #tpu.memory_space<vmem>>, vector<1x16xf32>,
        %swap3A_198 = vector.shape_cast %swap3A_197 : vector<1x16xf32> to vector<16xf32>
        %swap3A_199 = vector.shape_cast %mul3A_195 : vector<16xf32> to vector<1x16xf32>
        tpu.vector_store %arg15[%swap3A, %swap3A_196], %swap3A_199 {strides = array<i32>} : memref<80x128xf32, #tpu.memory_space<vmem>>, vector<1x16xf32>,
        %get3A_200 = arith.index_cast %add3A_182 : i32 to index
        %get3A_201 = arith.constant 16 : index
        %get3A_202 = tpu.vector_load %arg11[%get3A_200, %get3A_201] {strides = array<i32>} : memref<80x128xf32, #tpu.memory_space<vmem>>, vector<1x16xf32>,
        %get3A_203 = vector.shape_cast %get3A_202 : vector<1x16xf32> to vector<16xf32>
        %get3A_204 = arith.index_cast %add3A_182 : i32 to index
        %get3A_205 = arith.constant 16 : index
        %get3A_206 = tpu.vector_load %arg13[%get3A_204, %get3A_205] {strides = array<i32>} : memref<80x128xf32, #tpu.memory_space<vmem>>, vector<1x16xf32>,
        %get3A_207 = vector.shape_cast %get3A_206 : vector<1x16xf32> to vector<16xf32>
        %add3A_208 = arith.addf %get3A_203, %get3A_207 : vector<16xf32>
        %max3A_209 = arith.constant 0.000000e+00 : f32
        %max3A_210 = vector.broadcast %max3A_209 : f32 to vector<16xf32>
        %max3A_211 = arith.maximumf %add3A_208, %max3A_210 : vector<16xf32>
        %mul3A_212 = vector.broadcast %squeeze3A : f32 to vector<16xf32>
        %mul3A_213 = arith.mulf %max3A_211, %mul3A_212 : vector<16xf32>
        %swap3A_214 = arith.index_cast %add3A_182 : i32 to index
        %swap3A_215 = arith.constant 16 : index
        %swap3A_216 = tpu.vector_load %arg15[%swap3A_214, %swap3A_215] {strides = array<i32>} : memref<80x128xf32, #tpu.memory_space<vmem>>, vector<1x16xf32>,
        %swap3A_217 = vector.shape_cast %swap3A_216 : vector<1x16xf32> to vector<16xf32>
        %swap3A_218 = vector.shape_cast %mul3A_213 : vector<16xf32> to vector<1x16xf32>
        tpu.vector_store %arg15[%swap3A_214, %swap3A_215], %swap3A_218 {strides = array<i32>} : memref<80x128xf32, #tpu.memory_space<vmem>>, vector<1x16xf32>,
        %get3A_219 = arith.index_cast %add3A_182 : i32 to index
        %get3A_220 = arith.constant 32 : index
        %get3A_221 = tpu.vector_load %arg11[%get3A_219, %get3A_220] {strides = array<i32>} : memref<80x128xf32, #tpu.memory_space<vmem>>, vector<1x16xf32>,
        %get3A_222 = vector.shape_cast %get3A_221 : vector<1x16xf32> to vector<16xf32>
        %get3A_223 = arith.index_cast %add3A_182 : i32 to index
        %get3A_224 = arith.constant 32 : index
        %get3A_225 = tpu.vector_load %arg13[%get3A_223, %get3A_224] {strides = array<i32>} : memref<80x128xf32, #tpu.memory_space<vmem>>, vector<1x16xf32>,
        %get3A_226 = vector.shape_cast %get3A_225 : vector<1x16xf32> to vector<16xf32>
        %add3A_227 = arith.addf %get3A_222, %get3A_226 : vector<16xf32>
        %max3A_228 = arith.constant 0.000000e+00 : f32
        %max3A_229 = vector.broadcast %max3A_228 : f32 to vector<16xf32>
        %max3A_230 = arith.maximumf %add3A_227, %max3A_229 : vector<16xf32>
        %mul3A_231 = vector.broadcast %squeeze3A : f32 to vector<16xf32>
        %mul3A_232 = arith.mulf %max3A_230, %mul3A_231 : vector<16xf32>
        %swap3A_233 = arith.index_cast %add3A_182 : i32 to index
        %swap3A_234 = arith.constant 32 : index
        %swap3A_235 = tpu.vector_load %arg15[%swap3A_233, %swap3A_234] {strides = array<i32>} : memref<80x128xf32, #tpu.memory_space<vmem>>, vector<1x16xf32>,
        %swap3A_236 = vector.shape_cast %swap3A_235 : vector<1x16xf32> to vector<16xf32>
        %swap3A_237 = vector.shape_cast %mul3A_232 : vector<16xf32> to vector<1x16xf32>
        tpu.vector_store %arg15[%swap3A_233, %swap3A_234], %swap3A_237 {strides = array<i32>} : memref<80x128xf32, #tpu.memory_space<vmem>>, vector<1x16xf32>,
        %get3A_238 = arith.index_cast %add3A_182 : i32 to index
        %get3A_239 = arith.constant 48 : index
        %get3A_240 = tpu.vector_load %arg11[%get3A_238, %get3A_239] {strides = array<i32>} : memref<80x128xf32, #tpu.memory_space<vmem>>, vector<1x16xf32>,
        %get3A_241 = vector.shape_cast %get3A_240 : vector<1x16xf32> to vector<16xf32>
        %get3A_242 = arith.index_cast %add3A_182 : i32 to index
        %get3A_243 = arith.constant 48 : index
        %get3A_244 = tpu.vector_load %arg13[%get3A_242, %get3A_243] {strides = array<i32>} : memref<80x128xf32, #tpu.memory_space<vmem>>, vector<1x16xf32>,
        %get3A_245 = vector.shape_cast %get3A_244 : vector<1x16xf32> to vector<16xf32>
        %add3A_246 = arith.addf %get3A_241, %get3A_245 : vector<16xf32>
        %max3A_247 = arith.constant 0.000000e+00 : f32
        %max3A_248 = vector.broadcast %max3A_247 : f32 to vector<16xf32>
        %max3A_249 = arith.maximumf %add3A_246, %max3A_248 : vector<16xf32>
        %mul3A_250 = vector.broadcast %squeeze3A : f32 to vector<16xf32>
        %mul3A_251 = arith.mulf %max3A_249, %mul3A_250 : vector<16xf32>
        %swap3A_252 = arith.index_cast %add3A_182 : i32 to index
        %swap3A_253 = arith.constant 48 : index
        %swap3A_254 = tpu.vector_load %arg15[%swap3A_252, %swap3A_253] {strides = array<i32>} : memref<80x128xf32, #tpu.memory_space<vmem>>, vector<1x16xf32>,
        %swap3A_255 = vector.shape_cast %swap3A_254 : vector<1x16xf32> to vector<16xf32>
        %swap3A_256 = vector.shape_cast %mul3A_251 : vector<16xf32> to vector<1x16xf32>
        tpu.vector_store %arg15[%swap3A_252, %swap3A_253], %swap3A_256 {strides = array<i32>} : memref<80x128xf32, #tpu.memory_space<vmem>>, vector<1x16xf32>,
        %get3A_257 = arith.index_cast %add3A_182 : i32 to index
        %get3A_258 = arith.constant 64 : index
        %get3A_259 = tpu.vector_load %arg11[%get3A_257, %get3A_258] {strides = array<i32>} : memref<80x128xf32, #tpu.memory_space<vmem>>, vector<1x16xf32>,
        %get3A_260 = vector.shape_cast %get3A_259 : vector<1x16xf32> to vector<16xf32>
        %get3A_261 = arith.index_cast %add3A_182 : i32 to index
        %get3A_262 = arith.constant 64 : index
        %get3A_263 = tpu.vector_load %arg13[%get3A_261, %get3A_262] {strides = array<i32>} : memref<80x128xf32, #tpu.memory_space<vmem>>, vector<1x16xf32>,
        %get3A_264 = vector.shape_cast %get3A_263 : vector<1x16xf32> to vector<16xf32>
        %add3A_265 = arith.addf %get3A_260, %get3A_264 : vector<16xf32>
        %max3A_266 = arith.constant 0.000000e+00 : f32
        %max3A_267 = vector.broadcast %max3A_266 : f32 to vector<16xf32>
        %max3A_268 = arith.maximumf %add3A_265, %max3A_267 : vector<16xf32>
        %mul3A_269 = vector.broadcast %squeeze3A : f32 to vector<16xf32>
        %mul3A_270 = arith.mulf %max3A_268, %mul3A_269 : vector<16xf32>
        %swap3A_271 = arith.index_cast %add3A_182 : i32 to index
        %swap3A_272 = arith.constant 64 : index
        %swap3A_273 = tpu.vector_load %arg15[%swap3A_271, %swap3A_272] {strides = array<i32>} : memref<80x128xf32, #tpu.memory_space<vmem>>, vector<1x16xf32>,
        %swap3A_274 = vector.shape_cast %swap3A_273 : vector<1x16xf32> to vector<16xf32>
        %swap3A_275 = vector.shape_cast %mul3A_270 : vector<16xf32> to vector<1x16xf32>
        tpu.vector_store %arg15[%swap3A_271, %swap3A_272], %swap3A_275 {strides = array<i32>} : memref<80x128xf32, #tpu.memory_space<vmem>>, vector<1x16xf32>,
        %get3A_276 = arith.index_cast %add3A_182 : i32 to index
        %get3A_277 = arith.constant 80 : index
        %get3A_278 = tpu.vector_load %arg11[%get3A_276, %get3A_277] {strides = array<i32>} : memref<80x128xf32, #tpu.memory_space<vmem>>, vector<1x16xf32>,
        %get3A_279 = vector.shape_cast %get3A_278 : vector<1x16xf32> to vector<16xf32>
        %get3A_280 = arith.index_cast %add3A_182 : i32 to index
        %get3A_281 = arith.constant 80 : index
        %get3A_282 = tpu.vector_load %arg13[%get3A_280, %get3A_281] {strides = array<i32>} : memref<80x128xf32, #tpu.memory_space<vmem>>, vector<1x16xf32>,
        %get3A_283 = vector.shape_cast %get3A_282 : vector<1x16xf32> to vector<16xf32>
        %add3A_284 = arith.addf %get3A_279, %get3A_283 : vector<16xf32>
        %max3A_285 = arith.constant 0.000000e+00 : f32
        %max3A_286 = vector.broadcast %max3A_285 : f32 to vector<16xf32>
        %max3A_287 = arith.maximumf %add3A_284, %max3A_286 : vector<16xf32>
        %mul3A_288 = vector.broadcast %squeeze3A : f32 to vector<16xf32>
        %mul3A_289 = arith.mulf %max3A_287, %mul3A_288 : vector<16xf32>
        %swap3A_290 = arith.index_cast %add3A_182 : i32 to index
        %swap3A_291 = arith.constant 80 : index
        %swap3A_292 = tpu.vector_load %arg15[%swap3A_290, %swap3A_291] {strides = array<i32>} : memref<80x128xf32, #tpu.memory_space<vmem>>, vector<1x16xf32>,
        %swap3A_293 = vector.shape_cast %swap3A_292 : vector<1x16xf32> to vector<16xf32>
        %swap3A_294 = vector.shape_cast %mul3A_289 : vector<16xf32> to vector<1x16xf32>
        tpu.vector_store %arg15[%swap3A_290, %swap3A_291], %swap3A_294 {strides = array<i32>} : memref<80x128xf32, #tpu.memory_space<vmem>>, vector<1x16xf32>,
        %get3A_295 = arith.index_cast %add3A_182 : i32 to index
        %get3A_296 = arith.constant 96 : index
        %get3A_297 = tpu.vector_load %arg11[%get3A_295, %get3A_296] {strides = array<i32>} : memref<80x128xf32, #tpu.memory_space<vmem>>, vector<1x16xf32>,
        %get3A_298 = vector.shape_cast %get3A_297 : vector<1x16xf32> to vector<16xf32>
        %get3A_299 = arith.index_cast %add3A_182 : i32 to index
        %get3A_300 = arith.constant 96 : index
        %get3A_301 = tpu.vector_load %arg13[%get3A_299, %get3A_300] {strides = array<i32>} : memref<80x128xf32, #tpu.memory_space<vmem>>, vector<1x16xf32>,
        %get3A_302 = vector.shape_cast %get3A_301 : vector<1x16xf32> to vector<16xf32>
        %add3A_303 = arith.addf %get3A_298, %get3A_302 : vector<16xf32>
        %max3A_304 = arith.constant 0.000000e+00 : f32
        %max3A_305 = vector.broadcast %max3A_304 : f32 to vector<16xf32>
        %max3A_306 = arith.maximumf %add3A_303, %max3A_305 : vector<16xf32>
        %mul3A_307 = vector.broadcast %squeeze3A : f32 to vector<16xf32>
        %mul3A_308 = arith.mulf %max3A_306, %mul3A_307 : vector<16xf32>
        %swap3A_309 = arith.index_cast %add3A_182 : i32 to index
        %swap3A_310 = arith.constant 96 : index
        %swap3A_311 = tpu.vector_load %arg15[%swap3A_309, %swap3A_310] {strides = array<i32>} : memref<80x128xf32, #tpu.memory_space<vmem>>, vector<1x16xf32>,
        %swap3A_312 = vector.shape_cast %swap3A_311 : vector<1x16xf32> to vector<16xf32>
        %swap3A_313 = vector.shape_cast %mul3A_308 : vector<16xf32> to vector<1x16xf32>
        tpu.vector_store %arg15[%swap3A_309, %swap3A_310], %swap3A_313 {strides = array<i32>} : memref<80x128xf32, #tpu.memory_space<vmem>>, vector<1x16xf32>,
        %get3A_314 = arith.index_cast %add3A_182 : i32 to index
        %get3A_315 = arith.constant 112 : index
        %get3A_316 = tpu.vector_load %arg11[%get3A_314, %get3A_315] {strides = array<i32>} : memref<80x128xf32, #tpu.memory_space<vmem>>, vector<1x16xf32>,
        %get3A_317 = vector.shape_cast %get3A_316 : vector<1x16xf32> to vector<16xf32>
        %get3A_318 = arith.index_cast %add3A_182 : i32 to index
        %get3A_319 = arith.constant 112 : index
        %get3A_320 = tpu.vector_load %arg13[%get3A_318, %get3A_319] {strides = array<i32>} : memref<80x128xf32, #tpu.memory_space<vmem>>, vector<1x16xf32>,
        %get3A_321 = vector.shape_cast %get3A_320 : vector<1x16xf32> to vector<16xf32>
        %add3A_322 = arith.addf %get3A_317, %get3A_321 : vector<16xf32>
        %max3A_323 = arith.constant 0.000000e+00 : f32
        %max3A_324 = vector.broadcast %max3A_323 : f32 to vector<16xf32>
        %max3A_325 = arith.maximumf %add3A_322, %max3A_324 : vector<16xf32>
        %mul3A_326 = vector.broadcast %squeeze3A : f32 to vector<16xf32>
        %mul3A_327 = arith.mulf %max3A_325, %mul3A_326 : vector<16xf32>
        %swap3A_328 = arith.index_cast %add3A_182 : i32 to index
        %swap3A_329 = arith.constant 112 : index
        %swap3A_330 = tpu.vector_load %arg15[%swap3A_328, %swap3A_329] {strides = array<i32>} : memref<80x128xf32, #tpu.memory_space<vmem>>, vector<1x16xf32>,
        %swap3A_331 = vector.shape_cast %swap3A_330 : vector<1x16xf32> to vector<16xf32>
        %swap3A_332 = vector.shape_cast %mul3A_327 : vector<16xf32> to vector<1x16xf32>
        tpu.vector_store %arg15[%swap3A_328, %swap3A_329], %swap3A_332 {strides = array<i32>} : memref<80x128xf32, #tpu.memory_space<vmem>>, vector<1x16xf32>,
        %slice3A_333 = vector.extract_strided_slice %get3A_178 {offsets = [1], sizes = [1], strides = [1]} : vector<16xf32> to vector<1xf32>
        %squeeze3A_334 = vector.extract %slice3A_333[0] : f32 from vector<1xf32>
        %mul3A_335 = arith.constant 16 : i32
        %mul3A_336 = arith.muli %scan3A_173, %mul3A_335 : i32
        %add3A_337 = arith.constant 1 : i32
        %add3A_338 = arith.addi %mul3A_336, %add3A_337 : i32
        %get3A_339 = arith.index_cast %add3A_338 : i32 to index
        %get3A_340 = arith.constant 0 : index
        %get3A_341 = tpu.vector_load %arg11[%get3A_339, %get3A_340] {strides = array<i32>} : memref<80x128xf32, #tpu.memory_space<vmem>>, vector<1x16xf32>,
        %get3A_342 = vector.shape_cast %get3A_341 : vector<1x16xf32> to vector<16xf32>
        %get3A_343 = arith.index_cast %add3A_338 : i32 to index
        %get3A_344 = arith.constant 0 : index
        %get3A_345 = tpu.vector_load %arg13[%get3A_343, %get3A_344] {strides = array<i32>} : memref<80x128xf32, #tpu.memory_space<vmem>>, vector<1x16xf32>,
        %get3A_346 = vector.shape_cast %get3A_345 : vector<1x16xf32> to vector<16xf32>
        %add3A_347 = arith.addf %get3A_342, %get3A_346 : vector<16xf32>
        %max3A_348 = arith.constant 0.000000e+00 : f32
        %max3A_349 = vector.broadcast %max3A_348 : f32 to vector<16xf32>
        %max3A_350 = arith.maximumf %add3A_347, %max3A_349 : vector<16xf32>
        %mul3A_351 = vector.broadcast %squeeze3A_334 : f32 to vector<16xf32>
        %mul3A_352 = arith.mulf %max3A_350, %mul3A_351 : vector<16xf32>
        %swap3A_353 = arith.index_cast %add3A_338 : i32 to index
        %swap3A_354 = arith.constant 0 : index
        %swap3A_355 = tpu.vector_load %arg15[%swap3A_353, %swap3A_354] {strides = array<i32>} : memref<80x128xf32, #tpu.memory_space<vmem>>, vector<1x16xf32>,
        %swap3A_356 = vector.shape_cast %swap3A_355 : vector<1x16xf32> to vector<16xf32>
        %swap3A_357 = vector.shape_cast %mul3A_352 : vector<16xf32> to vector<1x16xf32>
        tpu.vector_store %arg15[%swap3A_353, %swap3A_354], %swap3A_357 {strides = array<i32>} : memref<80x128xf32, #tpu.memory_space<vmem>>, vector<1x16xf32>,
        %get3A_358 = arith.index_cast %add3A_338 : i32 to index
        %get3A_359 = arith.constant 16 : index
        %get3A_360 = tpu.vector_load %arg11[%get3A_358, %get3A_359] {strides = array<i32>} : memref<80x128xf32, #tpu.memory_space<vmem>>, vector<1x16xf32>,
        %get3A_361 = vector.shape_cast %get3A_360 : vector<1x16xf32> to vector<16xf32>
        %get3A_362 = arith.index_cast %add3A_338 : i32 to index
        %get3A_363 = arith.constant 16 : index
        %get3A_364 = tpu.vector_load %arg13[%get3A_362, %get3A_363] {strides = array<i32>} : memref<80x128xf32, #tpu.memory_space<vmem>>, vector<1x16xf32>,
        %get3A_365 = vector.shape_cast %get3A_364 : vector<1x16xf32> to vector<16xf32>
        %add3A_366 = arith.addf %get3A_361, %get3A_365 : vector<16xf32>
        %max3A_367 = arith.constant 0.000000e+00 : f32
        %max3A_368 = vector.broadcast %max3A_367 : f32 to vector<16xf32>
        %max3A_369 = arith.maximumf %add3A_366, %max3A_368 : vector<16xf32>
        %mul3A_370 = vector.broadcast %squeeze3A_334 : f32 to vector<16xf32>
        %mul3A_371 = arith.mulf %max3A_369, %mul3A_370 : vector<16xf32>
        %swap3A_372 = arith.index_cast %add3A_338 : i32 to index
        %swap3A_373 = arith.constant 16 : index
        %swap3A_374 = tpu.vector_load %arg15[%swap3A_372, %swap3A_373] {strides = array<i32>} : memref<80x128xf32, #tpu.memory_space<vmem>>, vector<1x16xf32>,
        %swap3A_375 = vector.shape_cast %swap3A_374 : vector<1x16xf32> to vector<16xf32>
        %swap3A_376 = vector.shape_cast %mul3A_371 : vector<16xf32> to vector<1x16xf32>
        tpu.vector_store %arg15[%swap3A_372, %swap3A_373], %swap3A_376 {strides = array<i32>} : memref<80x128xf32, #tpu.memory_space<vmem>>, vector<1x16xf32>,
        %get3A_377 = arith.index_cast %add3A_338 : i32 to index
        %get3A_378 = arith.constant 32 : index
        %get3A_379 = tpu.vector_load %arg11[%get3A_377, %get3A_378] {strides = array<i32>} : memref<80x128xf32, #tpu.memory_space<vmem>>, vector<1x16xf32>,
        %get3A_380 = vector.shape_cast %get3A_379 : vector<1x16xf32> to vector<16xf32>
        %get3A_381 = arith.index_cast %add3A_338 : i32 to index
        %get3A_382 = arith.constant 32 : index
        %get3A_383 = tpu.vector_load %arg13[%get3A_381, %get3A_382] {strides = array<i32>} : memref<80x128xf32, #tpu.memory_space<vmem>>, vector<1x16xf32>,
        %get3A_384 = vector.shape_cast %get3A_383 : vector<1x16xf32> to vector<16xf32>
        %add3A_385 = arith.addf %get3A_380, %get3A_384 : vector<16xf32>
        %max3A_386 = arith.constant 0.000000e+00 : f32
        %max3A_387 = vector.broadcast %max3A_386 : f32 to vector<16xf32>
        %max3A_388 = arith.maximumf %add3A_385, %max3A_387 : vector<16xf32>
        %mul3A_389 = vector.broadcast %squeeze3A_334 : f32 to vector<16xf32>
        %mul3A_390 = arith.mulf %max3A_388, %mul3A_389 : vector<16xf32>
        %swap3A_391 = arith.index_cast %add3A_338 : i32 to index
        %swap3A_392 = arith.constant 32 : index
        %swap3A_393 = tpu.vector_load %arg15[%swap3A_391, %swap3A_392] {strides = array<i32>} : memref<80x128xf32, #tpu.memory_space<vmem>>, vector<1x16xf32>,
        %swap3A_394 = vector.shape_cast %swap3A_393 : vector<1x16xf32> to vector<16xf32>
        %swap3A_395 = vector.shape_cast %mul3A_390 : vector<16xf32> to vector<1x16xf32>
        tpu.vector_store %arg15[%swap3A_391, %swap3A_392], %swap3A_395 {strides = array<i32>} : memref<80x128xf32, #tpu.memory_space<vmem>>, vector<1x16xf32>,
        %get3A_396 = arith.index_cast %add3A_338 : i32 to index
        %get3A_397 = arith.constant 48 : index
        %get3A_398 = tpu.vector_load %arg11[%get3A_396, %get3A_397] {strides = array<i32>} : memref<80x128xf32, #tpu.memory_space<vmem>>, vector<1x16xf32>,
        %get3A_399 = vector.shape_cast %get3A_398 : vector<1x16xf32> to vector<16xf32>
        %get3A_400 = arith.index_cast %add3A_338 : i32 to index
        %get3A_401 = arith.constant 48 : index
        %get3A_402 = tpu.vector_load %arg13[%get3A_400, %get3A_401] {strides = array<i32>} : memref<80x128xf32, #tpu.memory_space<vmem>>, vector<1x16xf32>,
        %get3A_403 = vector.shape_cast %get3A_402 : vector<1x16xf32> to vector<16xf32>
        %add3A_404 = arith.addf %get3A_399, %get3A_403 : vector<16xf32>
        %max3A_405 = arith.constant 0.000000e+00 : f32
        %max3A_406 = vector.broadcast %max3A_405 : f32 to vector<16xf32>
        %max3A_407 = arith.maximumf %add3A_404, %max3A_406 : vector<16xf32>
        %mul3A_408 = vector.broadcast %squeeze3A_334 : f32 to vector<16xf32>
        %mul3A_409 = arith.mulf %max3A_407, %mul3A_408 : vector<16xf32>
        %swap3A_410 = arith.index_cast %add3A_338 : i32 to index
        %swap3A_411 = arith.constant 48 : index
        %swap3A_412 = tpu.vector_load %arg15[%swap3A_410, %swap3A_411] {strides = array<i32>} : memref<80x128xf32, #tpu.memory_space<vmem>>, vector<1x16xf32>,
        %swap3A_413 = vector.shape_cast %swap3A_412 : vector<1x16xf32> to vector<16xf32>
        %swap3A_414 = vector.shape_cast %mul3A_409 : vector<16xf32> to vector<1x16xf32>
        tpu.vector_store %arg15[%swap3A_410, %swap3A_411], %swap3A_414 {strides = array<i32>} : memref<80x128xf32, #tpu.memory_space<vmem>>, vector<1x16xf32>,
        %get3A_415 = arith.index_cast %add3A_338 : i32 to index
        %get3A_416 = arith.constant 64 : index
        %get3A_417 = tpu.vector_load %arg11[%get3A_415, %get3A_416] {strides = array<i32>} : memref<80x128xf32, #tpu.memory_space<vmem>>, vector<1x16xf32>,
        %get3A_418 = vector.shape_cast %get3A_417 : vector<1x16xf32> to vector<16xf32>
        %get3A_419 = arith.index_cast %add3A_338 : i32 to index
        %get3A_420 = arith.constant 64 : index
        %get3A_421 = tpu.vector_load %arg13[%get3A_419, %get3A_420] {strides = array<i32>} : memref<80x128xf32, #tpu.memory_space<vmem>>, vector<1x16xf32>,
        %get3A_422 = vector.shape_cast %get3A_421 : vector<1x16xf32> to vector<16xf32>
        %add3A_423 = arith.addf %get3A_418, %get3A_422 : vector<16xf32>
        %max3A_424 = arith.constant 0.000000e+00 : f32
        %max3A_425 = vector.broadcast %max3A_424 : f32 to vector<16xf32>
        %max3A_426 = arith.maximumf %add3A_423, %max3A_425 : vector<16xf32>
        %mul3A_427 = vector.broadcast %squeeze3A_334 : f32 to vector<16xf32>
        %mul3A_428 = arith.mulf %max3A_426, %mul3A_427 : vector<16xf32>
        %swap3A_429 = arith.index_cast %add3A_338 : i32 to index
        %swap3A_430 = arith.constant 64 : index
        %swap3A_431 = tpu.vector_load %arg15[%swap3A_429, %swap3A_430] {strides = array<i32>} : memref<80x128xf32, #tpu.memory_space<vmem>>, vector<1x16xf32>,
        %swap3A_432 = vector.shape_cast %swap3A_431 : vector<1x16xf32> to vector<16xf32>
        %swap3A_433 = vector.shape_cast %mul3A_428 : vector<16xf32> to vector<1x16xf32>
        tpu.vector_store %arg15[%swap3A_429, %swap3A_430], %swap3A_433 {strides = array<i32>} : memref<80x128xf32, #tpu.memory_space<vmem>>, vector<1x16xf32>,
        %get3A_434 = arith.index_cast %add3A_338 : i32 to index
        %get3A_435 = arith.constant 80 : index
        %get3A_436 = tpu.vector_load %arg11[%get3A_434, %get3A_435] {strides = array<i32>} : memref<80x128xf32, #tpu.memory_space<vmem>>, vector<1x16xf32>,
        %get3A_437 = vector.shape_cast %get3A_436 : vector<1x16xf32> to vector<16xf32>
        %get3A_438 = arith.index_cast %add3A_338 : i32 to index
        %get3A_439 = arith.constant 80 : index
        %get3A_440 = tpu.vector_load %arg13[%get3A_438, %get3A_439] {strides = array<i32>} : memref<80x128xf32, #tpu.memory_space<vmem>>, vector<1x16xf32>,
        %get3A_441 = vector.shape_cast %get3A_440 : vector<1x16xf32> to vector<16xf32>
        %add3A_442 = arith.addf %get3A_437, %get3A_441 : vector<16xf32>
        %max3A_443 = arith.constant 0.000000e+00 : f32
        %max3A_444 = vector.broadcast %max3A_443 : f32 to vector<16xf32>
        %max3A_445 = arith.maximumf %add3A_442, %max3A_444 : vector<16xf32>
        %mul3A_446 = vector.broadcast %squeeze3A_334 : f32 to vector<16xf32>
        %mul3A_447 = arith.mulf %max3A_445, %mul3A_446 : vector<16xf32>
        %swap3A_448 = arith.index_cast %add3A_338 : i32 to index
        %swap3A_449 = arith.constant 80 : index
        %swap3A_450 = tpu.vector_load %arg15[%swap3A_448, %swap3A_449] {strides = array<i32>} : memref<80x128xf32, #tpu.memory_space<vmem>>, vector<1x16xf32>,
        %swap3A_451 = vector.shape_cast %swap3A_450 : vector<1x16xf32> to vector<16xf32>
        %swap3A_452 = vector.shape_cast %mul3A_447 : vector<16xf32> to vector<1x16xf32>
        tpu.vector_store %arg15[%swap3A_448, %swap3A_449], %swap3A_452 {strides = array<i32>} : memref<80x128xf32, #tpu.memory_space<vmem>>, vector<1x16xf32>,
        %get3A_453 = arith.index_cast %add3A_338 : i32 to index
        %get3A_454 = arith.constant 96 : index
        %get3A_455 = tpu.vector_load %arg11[%get3A_453, %get3A_454] {strides = array<i32>} : memref<80x128xf32, #tpu.memory_space<vmem>>, vector<1x16xf32>,
        %get3A_456 = vector.shape_cast %get3A_455 : vector<1x16xf32> to vector<16xf32>
        %get3A_457 = arith.index_cast %add3A_338 : i32 to index
        %get3A_458 = arith.constant 96 : index
        %get3A_459 = tpu.vector_load %arg13[%get3A_457, %get3A_458] {strides = array<i32>} : memref<80x128xf32, #tpu.memory_space<vmem>>, vector<1x16xf32>,
        %get3A_460 = vector.shape_cast %get3A_459 : vector<1x16xf32> to vector<16xf32>
        %add3A_461 = arith.addf %get3A_456, %get3A_460 : vector<16xf32>
        %max3A_462 = arith.constant 0.000000e+00 : f32
        %max3A_463 = vector.broadcast %max3A_462 : f32 to vector<16xf32>
        %max3A_464 = arith.maximumf %add3A_461, %max3A_463 : vector<16xf32>
        %mul3A_465 = vector.broadcast %squeeze3A_334 : f32 to vector<16xf32>
        %mul3A_466 = arith.mulf %max3A_464, %mul3A_465 : vector<16xf32>
        %swap3A_467 = arith.index_cast %add3A_338 : i32 to index
        %swap3A_468 = arith.constant 96 : index
        %swap3A_469 = tpu.vector_load %arg15[%swap3A_467, %swap3A_468] {strides = array<i32>} : memref<80x128xf32, #tpu.memory_space<vmem>>, vector<1x16xf32>,
        %swap3A_470 = vector.shape_cast %swap3A_469 : vector<1x16xf32> to vector<16xf32>
        %swap3A_471 = vector.shape_cast %mul3A_466 : vector<16xf32> to vector<1x16xf32>
        tpu.vector_store %arg15[%swap3A_467, %swap3A_468], %swap3A_471 {strides = array<i32>} : memref<80x128xf32, #tpu.memory_space<vmem>>, vector<1x16xf32>,
        %get3A_472 = arith.index_cast %add3A_338 : i32 to index
        %get3A_473 = arith.constant 112 : index
        %get3A_474 = tpu.vector_load %arg11[%get3A_472, %get3A_473] {strides = array<i32>} : memref<80x128xf32, #tpu.memory_space<vmem>>, vector<1x16xf32>,
        %get3A_475 = vector.shape_cast %get3A_474 : vector<1x16xf32> to vector<16xf32>
        %get3A_476 = arith.index_cast %add3A_338 : i32 to index
        %get3A_477 = arith.constant 112 : index
        %get3A_478 = tpu.vector_load %arg13[%get3A_476, %get3A_477] {strides = array<i32>} : memref<80x128xf32, #tpu.memory_space<vmem>>, vector<1x16xf32>,
        %get3A_479 = vector.shape_cast %get3A_478 : vector<1x16xf32> to vector<16xf32>
        %add3A_480 = arith.addf %get3A_475, %get3A_479 : vector<16xf32>
        %max3A_481 = arith.constant 0.000000e+00 : f32
        %max3A_482 = vector.broadcast %max3A_481 : f32 to vector<16xf32>
        %max3A_483 = arith.maximumf %add3A_480, %max3A_482 : vector<16xf32>
        %mul3A_484 = vector.broadcast %squeeze3A_334 : f32 to vector<16xf32>
        %mul3A_485 = arith.mulf %max3A_483, %mul3A_484 : vector<16xf32>
        %swap3A_486 = arith.index_cast %add3A_338 : i32 to index
        %swap3A_487 = arith.constant 112 : index
        %swap3A_488 = tpu.vector_load %arg15[%swap3A_486, %swap3A_487] {strides = array<i32>} : memref<80x128xf32, #tpu.memory_space<vmem>>, vector<1x16xf32>,
        %swap3A_489 = vector.shape_cast %swap3A_488 : vector<1x16xf32> to vector<16xf32>
        %swap3A_490 = vector.shape_cast %mul3A_485 : vector<16xf32> to vector<1x16xf32>
        tpu.vector_store %arg15[%swap3A_486, %swap3A_487], %swap3A_490 {strides = array<i32>} : memref<80x128xf32, #tpu.memory_space<vmem>>, vector<1x16xf32>,
        %slice3A_491 = vector.extract_strided_slice %get3A_178 {offsets = [2], sizes = [1], strides = [1]} : vector<16xf32> to vector<1xf32>
        %squeeze3A_492 = vector.extract %slice3A_491[0] : f32 from vector<1xf32>
        %mul3A_493 = arith.constant 16 : i32
        %mul3A_494 = arith.muli %scan3A_173, %mul3A_493 : i32
        %add3A_495 = arith.constant 2 : i32
        %add3A_496 = arith.addi %mul3A_494, %add3A_495 : i32
        %get3A_497 = arith.index_cast %add3A_496 : i32 to index
        %get3A_498 = arith.constant 0 : index
        %get3A_499 = tpu.vector_load %arg11[%get3A_497, %get3A_498] {strides = array<i32>} : memref<80x128xf32, #tpu.memory_space<vmem>>, vector<1x16xf32>,
        %get3A_500 = vector.shape_cast %get3A_499 : vector<1x16xf32> to vector<16xf32>
        %get3A_501 = arith.index_cast %add3A_496 : i32 to index
        %get3A_502 = arith.constant 0 : index
        %get3A_503 = tpu.vector_load %arg13[%get3A_501, %get3A_502] {strides = array<i32>} : memref<80x128xf32, #tpu.memory_space<vmem>>, vector<1x16xf32>,
        %get3A_504 = vector.shape_cast %get3A_503 : vector<1x16xf32> to vector<16xf32>
        %add3A_505 = arith.addf %get3A_500, %get3A_504 : vector<16xf32>
        %max3A_506 = arith.constant 0.000000e+00 : f32
        %max3A_507 = vector.broadcast %max3A_506 : f32 to vector<16xf32>
        %max3A_508 = arith.maximumf %add3A_505, %max3A_507 : vector<16xf32>
        %mul3A_509 = vector.broadcast %squeeze3A_492 : f32 to vector<16xf32>
        %mul3A_510 = arith.mulf %max3A_508, %mul3A_509 : vector<16xf32>
        %swap3A_511 = arith.index_cast %add3A_496 : i32 to index
        %swap3A_512 = arith.constant 0 : index
        %swap3A_513 = tpu.vector_load %arg15[%swap3A_511, %swap3A_512] {strides = array<i32>} : memref<80x128xf32, #tpu.memory_space<vmem>>, vector<1x16xf32>,
        %swap3A_514 = vector.shape_cast %swap3A_513 : vector<1x16xf32> to vector<16xf32>
        %swap3A_515 = vector.shape_cast %mul3A_510 : vector<16xf32> to vector<1x16xf32>
        tpu.vector_store %arg15[%swap3A_511, %swap3A_512], %swap3A_515 {strides = array<i32>} : memref<80x128xf32, #tpu.memory_space<vmem>>, vector<1x16xf32>,
        %get3A_516 = arith.index_cast %add3A_496 : i32 to index
        %get3A_517 = arith.constant 16 : index
        %get3A_518 = tpu.vector_load %arg11[%get3A_516, %get3A_517] {strides = array<i32>} : memref<80x128xf32, #tpu.memory_space<vmem>>, vector<1x16xf32>,
        %get3A_519 = vector.shape_cast %get3A_518 : vector<1x16xf32> to vector<16xf32>
        %get3A_520 = arith.index_cast %add3A_496 : i32 to index
        %get3A_521 = arith.constant 16 : index
        %get3A_522 = tpu.vector_load %arg13[%get3A_520, %get3A_521] {strides = array<i32>} : memref<80x128xf32, #tpu.memory_space<vmem>>, vector<1x16xf32>,
        %get3A_523 = vector.shape_cast %get3A_522 : vector<1x16xf32> to vector<16xf32>
        %add3A_524 = arith.addf %get3A_519, %get3A_523 : vector<16xf32>
        %max3A_525 = arith.constant 0.000000e+00 : f32
        %max3A_526 = vector.broadcast %max3A_525 : f32 to vector<16xf32>
        %max3A_527 = arith.maximumf %add3A_524, %max3A_526 : vector<16xf32>
        %mul3A_528 = vector.broadcast %squeeze3A_492 : f32 to vector<16xf32>
        %mul3A_529 = arith.mulf %max3A_527, %mul3A_528 : vector<16xf32>
        %swap3A_530 = arith.index_cast %add3A_496 : i32 to index
        %swap3A_531 = arith.constant 16 : index
        %swap3A_532 = tpu.vector_load %arg15[%swap3A_530, %swap3A_531] {strides = array<i32>} : memref<80x128xf32, #tpu.memory_space<vmem>>, vector<1x16xf32>,
        %swap3A_533 = vector.shape_cast %swap3A_532 : vector<1x16xf32> to vector<16xf32>
        %swap3A_534 = vector.shape_cast %mul3A_529 : vector<16xf32> to vector<1x16xf32>
        tpu.vector_store %arg15[%swap3A_530, %swap3A_531], %swap3A_534 {strides = array<i32>} : memref<80x128xf32, #tpu.memory_space<vmem>>, vector<1x16xf32>,
        %get3A_535 = arith.index_cast %add3A_496 : i32 to index
        %get3A_536 = arith.constant 32 : index
        %get3A_537 = tpu.vector_load %arg11[%get3A_535, %get3A_536] {strides = array<i32>} : memref<80x128xf32, #tpu.memory_space<vmem>>, vector<1x16xf32>,
        %get3A_538 = vector.shape_cast %get3A_537 : vector<1x16xf32> to vector<16xf32>
        %get3A_539 = arith.index_cast %add3A_496 : i32 to index
        %get3A_540 = arith.constant 32 : index
        %get3A_541 = tpu.vector_load %arg13[%get3A_539, %get3A_540] {strides = array<i32>} : memref<80x128xf32, #tpu.memory_space<vmem>>, vector<1x16xf32>,
        %get3A_542 = vector.shape_cast %get3A_541 : vector<1x16xf32> to vector<16xf32>
        %add3A_543 = arith.addf %get3A_538, %get3A_542 : vector<16xf32>
        %max3A_544 = arith.constant 0.000000e+00 : f32
        %max3A_545 = vector.broadcast %max3A_544 : f32 to vector<16xf32>
        %max3A_546 = arith.maximumf %add3A_543, %max3A_545 : vector<16xf32>
        %mul3A_547 = vector.broadcast %squeeze3A_492 : f32 to vector<16xf32>
        %mul3A_548 = arith.mulf %max3A_546, %mul3A_547 : vector<16xf32>
        %swap3A_549 = arith.index_cast %add3A_496 : i32 to index
        %swap3A_550 = arith.constant 32 : index
        %swap3A_551 = tpu.vector_load %arg15[%swap3A_549, %swap3A_550] {strides = array<i32>} : memref<80x128xf32, #tpu.memory_space<vmem>>, vector<1x16xf32>,
        %swap3A_552 = vector.shape_cast %swap3A_551 : vector<1x16xf32> to vector<16xf32>
        %swap3A_553 = vector.shape_cast %mul3A_548 : vector<16xf32> to vector<1x16xf32>
        tpu.vector_store %arg15[%swap3A_549, %swap3A_550], %swap3A_553 {strides = array<i32>} : memref<80x128xf32, #tpu.memory_space<vmem>>, vector<1x16xf32>,
        %get3A_554 = arith.index_cast %add3A_496 : i32 to index
        %get3A_555 = arith.constant 48 : index
        %get3A_556 = tpu.vector_load %arg11[%get3A_554, %get3A_555] {strides = array<i32>} : memref<80x128xf32, #tpu.memory_space<vmem>>, vector<1x16xf32>,
        %get3A_557 = vector.shape_cast %get3A_556 : vector<1x16xf32> to vector<16xf32>
        %get3A_558 = arith.index_cast %add3A_496 : i32 to index
        %get3A_559 = arith.constant 48 : index
        %get3A_560 = tpu.vector_load %arg13[%get3A_558, %get3A_559] {strides = array<i32>} : memref<80x128xf32, #tpu.memory_space<vmem>>, vector<1x16xf32>,
        %get3A_561 = vector.shape_cast %get3A_560 : vector<1x16xf32> to vector<16xf32>
        %add3A_562 = arith.addf %get3A_557, %get3A_561 : vector<16xf32>
        %max3A_563 = arith.constant 0.000000e+00 : f32
        %max3A_564 = vector.broadcast %max3A_563 : f32 to vector<16xf32>
        %max3A_565 = arith.maximumf %add3A_562, %max3A_564 : vector<16xf32>
        %mul3A_566 = vector.broadcast %squeeze3A_492 : f32 to vector<16xf32>
        %mul3A_567 = arith.mulf %max3A_565, %mul3A_566 : vector<16xf32>
        %swap3A_568 = arith.index_cast %add3A_496 : i32 to index
        %swap3A_569 = arith.constant 48 : index
        %swap3A_570 = tpu.vector_load %arg15[%swap3A_568, %swap3A_569] {strides = array<i32>} : memref<80x128xf32, #tpu.memory_space<vmem>>, vector<1x16xf32>,
        %swap3A_571 = vector.shape_cast %swap3A_570 : vector<1x16xf32> to vector<16xf32>
        %swap3A_572 = vector.shape_cast %mul3A_567 : vector<16xf32> to vector<1x16xf32>
        tpu.vector_store %arg15[%swap3A_568, %swap3A_569], %swap3A_572 {strides = array<i32>} : memref<80x128xf32, #tpu.memory_space<vmem>>, vector<1x16xf32>,
        %get3A_573 = arith.index_cast %add3A_496 : i32 to index
        %get3A_574 = arith.constant 64 : index
        %get3A_575 = tpu.vector_load %arg11[%get3A_573, %get3A_574] {strides = array<i32>} : memref<80x128xf32, #tpu.memory_space<vmem>>, vector<1x16xf32>,
        %get3A_576 = vector.shape_cast %get3A_575 : vector<1x16xf32> to vector<16xf32>
        %get3A_577 = arith.index_cast %add3A_496 : i32 to index
        %get3A_578 = arith.constant 64 : index
        %get3A_579 = tpu.vector_load %arg13[%get3A_577, %get3A_578] {strides = array<i32>} : memref<80x128xf32, #tpu.memory_space<vmem>>, vector<1x16xf32>,
        %get3A_580 = vector.shape_cast %get3A_579 : vector<1x16xf32> to vector<16xf32>
        %add3A_581 = arith.addf %get3A_576, %get3A_580 : vector<16xf32>
        %max3A_582 = arith.constant 0.000000e+00 : f32
        %max3A_583 = vector.broadcast %max3A_582 : f32 to vector<16xf32>
        %max3A_584 = arith.maximumf %add3A_581, %max3A_583 : vector<16xf32>
        %mul3A_585 = vector.broadcast %squeeze3A_492 : f32 to vector<16xf32>
        %mul3A_586 = arith.mulf %max3A_584, %mul3A_585 : vector<16xf32>
        %swap3A_587 = arith.index_cast %add3A_496 : i32 to index
        %swap3A_588 = arith.constant 64 : index
        %swap3A_589 = tpu.vector_load %arg15[%swap3A_587, %swap3A_588] {strides = array<i32>} : memref<80x128xf32, #tpu.memory_space<vmem>>, vector<1x16xf32>,
        %swap3A_590 = vector.shape_cast %swap3A_589 : vector<1x16xf32> to vector<16xf32>
        %swap3A_591 = vector.shape_cast %mul3A_586 : vector<16xf32> to vector<1x16xf32>
        tpu.vector_store %arg15[%swap3A_587, %swap3A_588], %swap3A_591 {strides = array<i32>} : memref<80x128xf32, #tpu.memory_space<vmem>>, vector<1x16xf32>,
        %get3A_592 = arith.index_cast %add3A_496 : i32 to index
        %get3A_593 = arith.constant 80 : index
        %get3A_594 = tpu.vector_load %arg11[%get3A_592, %get3A_593] {strides = array<i32>} : memref<80x128xf32, #tpu.memory_space<vmem>>, vector<1x16xf32>,
        %get3A_595 = vector.shape_cast %get3A_594 : vector<1x16xf32> to vector<16xf32>
        %get3A_596 = arith.index_cast %add3A_496 : i32 to index
        %get3A_597 = arith.constant 80 : index
        %get3A_598 = tpu.vector_load %arg13[%get3A_596, %get3A_597] {strides = array<i32>} : memref<80x128xf32, #tpu.memory_space<vmem>>, vector<1x16xf32>,
        %get3A_599 = vector.shape_cast %get3A_598 : vector<1x16xf32> to vector<16xf32>
        %add3A_600 = arith.addf %get3A_595, %get3A_599 : vector<16xf32>
        %max3A_601 = arith.constant 0.000000e+00 : f32
        %max3A_602 = vector.broadcast %max3A_601 : f32 to vector<16xf32>
        %max3A_603 = arith.maximumf %add3A_600, %max3A_602 : vector<16xf32>
        %mul3A_604 = vector.broadcast %squeeze3A_492 : f32 to vector<16xf32>
        %mul3A_605 = arith.mulf %max3A_603, %mul3A_604 : vector<16xf32>
        %swap3A_606 = arith.index_cast %add3A_496 : i32 to index
        %swap3A_607 = arith.constant 80 : index
        %swap3A_608 = tpu.vector_load %arg15[%swap3A_606, %swap3A_607] {strides = array<i32>} : memref<80x128xf32, #tpu.memory_space<vmem>>, vector<1x16xf32>,
        %swap3A_609 = vector.shape_cast %swap3A_608 : vector<1x16xf32> to vector<16xf32>
        %swap3A_610 = vector.shape_cast %mul3A_605 : vector<16xf32> to vector<1x16xf32>
        tpu.vector_store %arg15[%swap3A_606, %swap3A_607], %swap3A_610 {strides = array<i32>} : memref<80x128xf32, #tpu.memory_space<vmem>>, vector<1x16xf32>,
        %get3A_611 = arith.index_cast %add3A_496 : i32 to index
        %get3A_612 = arith.constant 96 : index
        %get3A_613 = tpu.vector_load %arg11[%get3A_611, %get3A_612] {strides = array<i32>} : memref<80x128xf32, #tpu.memory_space<vmem>>, vector<1x16xf32>,
        %get3A_614 = vector.shape_cast %get3A_613 : vector<1x16xf32> to vector<16xf32>
        %get3A_615 = arith.index_cast %add3A_496 : i32 to index
        %get3A_616 = arith.constant 96 : index
        %get3A_617 = tpu.vector_load %arg13[%get3A_615, %get3A_616] {strides = array<i32>} : memref<80x128xf32, #tpu.memory_space<vmem>>, vector<1x16xf32>,
        %get3A_618 = vector.shape_cast %get3A_617 : vector<1x16xf32> to vector<16xf32>
        %add3A_619 = arith.addf %get3A_614, %get3A_618 : vector<16xf32>
        %max3A_620 = arith.constant 0.000000e+00 : f32
        %max3A_621 = vector.broadcast %max3A_620 : f32 to vector<16xf32>
        %max3A_622 = arith.maximumf %add3A_619, %max3A_621 : vector<16xf32>
        %mul3A_623 = vector.broadcast %squeeze3A_492 : f32 to vector<16xf32>
        %mul3A_624 = arith.mulf %max3A_622, %mul3A_623 : vector<16xf32>
        %swap3A_625 = arith.index_cast %add3A_496 : i32 to index
        %swap3A_626 = arith.constant 96 : index
        %swap3A_627 = tpu.vector_load %arg15[%swap3A_625, %swap3A_626] {strides = array<i32>} : memref<80x128xf32, #tpu.memory_space<vmem>>, vector<1x16xf32>,
        %swap3A_628 = vector.shape_cast %swap3A_627 : vector<1x16xf32> to vector<16xf32>
        %swap3A_629 = vector.shape_cast %mul3A_624 : vector<16xf32> to vector<1x16xf32>
        tpu.vector_store %arg15[%swap3A_625, %swap3A_626], %swap3A_629 {strides = array<i32>} : memref<80x128xf32, #tpu.memory_space<vmem>>, vector<1x16xf32>,
        %get3A_630 = arith.index_cast %add3A_496 : i32 to index
        %get3A_631 = arith.constant 112 : index
        %get3A_632 = tpu.vector_load %arg11[%get3A_630, %get3A_631] {strides = array<i32>} : memref<80x128xf32, #tpu.memory_space<vmem>>, vector<1x16xf32>,
        %get3A_633 = vector.shape_cast %get3A_632 : vector<1x16xf32> to vector<16xf32>
        %get3A_634 = arith.index_cast %add3A_496 : i32 to index
        %get3A_635 = arith.constant 112 : index
        %get3A_636 = tpu.vector_load %arg13[%get3A_634, %get3A_635] {strides = array<i32>} : memref<80x128xf32, #tpu.memory_space<vmem>>, vector<1x16xf32>,
        %get3A_637 = vector.shape_cast %get3A_636 : vector<1x16xf32> to vector<16xf32>
        %add3A_638 = arith.addf %get3A_633, %get3A_637 : vector<16xf32>
        %max3A_639 = arith.constant 0.000000e+00 : f32
        %max3A_640 = vector.broadcast %max3A_639 : f32 to vector<16xf32>
        %max3A_641 = arith.maximumf %add3A_638, %max3A_640 : vector<16xf32>
        %mul3A_642 = vector.broadcast %squeeze3A_492 : f32 to vector<16xf32>
        %mul3A_643 = arith.mulf %max3A_641, %mul3A_642 : vector<16xf32>
        %swap3A_644 = arith.index_cast %add3A_496 : i32 to index
        %swap3A_645 = arith.constant 112 : index
        %swap3A_646 = tpu.vector_load %arg15[%swap3A_644, %swap3A_645] {strides = array<i32>} : memref<80x128xf32, #tpu.memory_space<vmem>>, vector<1x16xf32>,
        %swap3A_647 = vector.shape_cast %swap3A_646 : vector<1x16xf32> to vector<16xf32>
        %swap3A_648 = vector.shape_cast %mul3A_643 : vector<16xf32> to vector<1x16xf32>
        tpu.vector_store %arg15[%swap3A_644, %swap3A_645], %swap3A_648 {strides = array<i32>} : memref<80x128xf32, #tpu.memory_space<vmem>>, vector<1x16xf32>,
        %slice3A_649 = vector.extract_strided_slice %get3A_178 {offsets = [3], sizes = [1], strides = [1]} : vector<16xf32> to vector<1xf32>
        %squeeze3A_650 = vector.extract %slice3A_649[0] : f32 from vector<1xf32>
        %mul3A_651 = arith.constant 16 : i32
        %mul3A_652 = arith.muli %scan3A_173, %mul3A_651 : i32
        %add3A_653 = arith.constant 3 : i32
        %add3A_654 = arith.addi %mul3A_652, %add3A_653 : i32
        %get3A_655 = arith.index_cast %add3A_654 : i32 to index
        %get3A_656 = arith.constant 0 : index
        %get3A_657 = tpu.vector_load %arg11[%get3A_655, %get3A_656] {strides = array<i32>} : memref<80x128xf32, #tpu.memory_space<vmem>>, vector<1x16xf32>,
        %get3A_658 = vector.shape_cast %get3A_657 : vector<1x16xf32> to vector<16xf32>
        %get3A_659 = arith.index_cast %add3A_654 : i32 to index
        %get3A_660 = arith.constant 0 : index
        %get3A_661 = tpu.vector_load %arg13[%get3A_659, %get3A_660] {strides = array<i32>} : memref<80x128xf32, #tpu.memory_space<vmem>>, vector<1x16xf32>,
        %get3A_662 = vector.shape_cast %get3A_661 : vector<1x16xf32> to vector<16xf32>
        %add3A_663 = arith.addf %get3A_658, %get3A_662 : vector<16xf32>
        %max3A_664 = arith.constant 0.000000e+00 : f32
        %max3A_665 = vector.broadcast %max3A_664 : f32 to vector<16xf32>
        %max3A_666 = arith.maximumf %add3A_663, %max3A_665 : vector<16xf32>
        %mul3A_667 = vector.broadcast %squeeze3A_650 : f32 to vector<16xf32>
        %mul3A_668 = arith.mulf %max3A_666, %mul3A_667 : vector<16xf32>
        %swap3A_669 = arith.index_cast %add3A_654 : i32 to index
        %swap3A_670 = arith.constant 0 : index
        %swap3A_671 = tpu.vector_load %arg15[%swap3A_669, %swap3A_670] {strides = array<i32>} : memref<80x128xf32, #tpu.memory_space<vmem>>, vector<1x16xf32>,
        %swap3A_672 = vector.shape_cast %swap3A_671 : vector<1x16xf32> to vector<16xf32>
        %swap3A_673 = vector.shape_cast %mul3A_668 : vector<16xf32> to vector<1x16xf32>
        tpu.vector_store %arg15[%swap3A_669, %swap3A_670], %swap3A_673 {strides = array<i32>} : memref<80x128xf32, #tpu.memory_space<vmem>>, vector<1x16xf32>,
        %get3A_674 = arith.index_cast %add3A_654 : i32 to index
        %get3A_675 = arith.constant 16 : index
        %get3A_676 = tpu.vector_load %arg11[%get3A_674, %get3A_675] {strides = array<i32>} : memref<80x128xf32, #tpu.memory_space<vmem>>, vector<1x16xf32>,
        %get3A_677 = vector.shape_cast %get3A_676 : vector<1x16xf32> to vector<16xf32>
        %get3A_678 = arith.index_cast %add3A_654 : i32 to index
        %get3A_679 = arith.constant 16 : index
        %get3A_680 = tpu.vector_load %arg13[%get3A_678, %get3A_679] {strides = array<i32>} : memref<80x128xf32, #tpu.memory_space<vmem>>, vector<1x16xf32>,
        %get3A_681 = vector.shape_cast %get3A_680 : vector<1x16xf32> to vector<16xf32>
        %add3A_682 = arith.addf %get3A_677, %get3A_681 : vector<16xf32>
        %max3A_683 = arith.constant 0.000000e+00 : f32
        %max3A_684 = vector.broadcast %max3A_683 : f32 to vector<16xf32>
        %max3A_685 = arith.maximumf %add3A_682, %max3A_684 : vector<16xf32>
        %mul3A_686 = vector.broadcast %squeeze3A_650 : f32 to vector<16xf32>
        %mul3A_687 = arith.mulf %max3A_685, %mul3A_686 : vector<16xf32>
        %swap3A_688 = arith.index_cast %add3A_654 : i32 to index
        %swap3A_689 = arith.constant 16 : index
        %swap3A_690 = tpu.vector_load %arg15[%swap3A_688, %swap3A_689] {strides = array<i32>} : memref<80x128xf32, #tpu.memory_space<vmem>>, vector<1x16xf32>,
        %swap3A_691 = vector.shape_cast %swap3A_690 : vector<1x16xf32> to vector<16xf32>
        %swap3A_692 = vector.shape_cast %mul3A_687 : vector<16xf32> to vector<1x16xf32>
        tpu.vector_store %arg15[%swap3A_688, %swap3A_689], %swap3A_692 {strides = array<i32>} : memref<80x128xf32, #tpu.memory_space<vmem>>, vector<1x16xf32>,
        %get3A_693 = arith.index_cast %add3A_654 : i32 to index
        %get3A_694 = arith.constant 32 : index
        %get3A_695 = tpu.vector_load %arg11[%get3A_693, %get3A_694] {strides = array<i32>} : memref<80x128xf32, #tpu.memory_space<vmem>>, vector<1x16xf32>,
        %get3A_696 = vector.shape_cast %get3A_695 : vector<1x16xf32> to vector<16xf32>
        %get3A_697 = arith.index_cast %add3A_654 : i32 to index
        %get3A_698 = arith.constant 32 : index
        %get3A_699 = tpu.vector_load %arg13[%get3A_697, %get3A_698] {strides = array<i32>} : memref<80x128xf32, #tpu.memory_space<vmem>>, vector<1x16xf32>,
        %get3A_700 = vector.shape_cast %get3A_699 : vector<1x16xf32> to vector<16xf32>
        %add3A_701 = arith.addf %get3A_696, %get3A_700 : vector<16xf32>
        %max3A_702 = arith.constant 0.000000e+00 : f32
        %max3A_703 = vector.broadcast %max3A_702 : f32 to vector<16xf32>
        %max3A_704 = arith.maximumf %add3A_701, %max3A_703 : vector<16xf32>
        %mul3A_705 = vector.broadcast %squeeze3A_650 : f32 to vector<16xf32>
        %mul3A_706 = arith.mulf %max3A_704, %mul3A_705 : vector<16xf32>
        %swap3A_707 = arith.index_cast %add3A_654 : i32 to index
        %swap3A_708 = arith.constant 32 : index
        %swap3A_709 = tpu.vector_load %arg15[%swap3A_707, %swap3A_708] {strides = array<i32>} : memref<80x128xf32, #tpu.memory_space<vmem>>, vector<1x16xf32>,
        %swap3A_710 = vector.shape_cast %swap3A_709 : vector<1x16xf32> to vector<16xf32>
        %swap3A_711 = vector.shape_cast %mul3A_706 : vector<16xf32> to vector<1x16xf32>
        tpu.vector_store %arg15[%swap3A_707, %swap3A_708], %swap3A_711 {strides = array<i32>} : memref<80x128xf32, #tpu.memory_space<vmem>>, vector<1x16xf32>,
        %get3A_712 = arith.index_cast %add3A_654 : i32 to index
        %get3A_713 = arith.constant 48 : index
        %get3A_714 = tpu.vector_load %arg11[%get3A_712, %get3A_713] {strides = array<i32>} : memref<80x128xf32, #tpu.memory_space<vmem>>, vector<1x16xf32>,
        %get3A_715 = vector.shape_cast %get3A_714 : vector<1x16xf32> to vector<16xf32>
        %get3A_716 = arith.index_cast %add3A_654 : i32 to index
        %get3A_717 = arith.constant 48 : index
        %get3A_718 = tpu.vector_load %arg13[%get3A_716, %get3A_717] {strides = array<i32>} : memref<80x128xf32, #tpu.memory_space<vmem>>, vector<1x16xf32>,
        %get3A_719 = vector.shape_cast %get3A_718 : vector<1x16xf32> to vector<16xf32>
        %add3A_720 = arith.addf %get3A_715, %get3A_719 : vector<16xf32>
        %max3A_721 = arith.constant 0.000000e+00 : f32
        %max3A_722 = vector.broadcast %max3A_721 : f32 to vector<16xf32>
        %max3A_723 = arith.maximumf %add3A_720, %max3A_722 : vector<16xf32>
        %mul3A_724 = vector.broadcast %squeeze3A_650 : f32 to vector<16xf32>
        %mul3A_725 = arith.mulf %max3A_723, %mul3A_724 : vector<16xf32>
        %swap3A_726 = arith.index_cast %add3A_654 : i32 to index
        %swap3A_727 = arith.constant 48 : index
        %swap3A_728 = tpu.vector_load %arg15[%swap3A_726, %swap3A_727] {strides = array<i32>} : memref<80x128xf32, #tpu.memory_space<vmem>>, vector<1x16xf32>,
        %swap3A_729 = vector.shape_cast %swap3A_728 : vector<1x16xf32> to vector<16xf32>
        %swap3A_730 = vector.shape_cast %mul3A_725 : vector<16xf32> to vector<1x16xf32>
        tpu.vector_store %arg15[%swap3A_726, %swap3A_727], %swap3A_730 {strides = array<i32>} : memref<80x128xf32, #tpu.memory_space<vmem>>, vector<1x16xf32>,
        %get3A_731 = arith.index_cast %add3A_654 : i32 to index
        %get3A_732 = arith.constant 64 : index
        %get3A_733 = tpu.vector_load %arg11[%get3A_731, %get3A_732] {strides = array<i32>} : memref<80x128xf32, #tpu.memory_space<vmem>>, vector<1x16xf32>,
        %get3A_734 = vector.shape_cast %get3A_733 : vector<1x16xf32> to vector<16xf32>
        %get3A_735 = arith.index_cast %add3A_654 : i32 to index
        %get3A_736 = arith.constant 64 : index
        %get3A_737 = tpu.vector_load %arg13[%get3A_735, %get3A_736] {strides = array<i32>} : memref<80x128xf32, #tpu.memory_space<vmem>>, vector<1x16xf32>,
        %get3A_738 = vector.shape_cast %get3A_737 : vector<1x16xf32> to vector<16xf32>
        %add3A_739 = arith.addf %get3A_734, %get3A_738 : vector<16xf32>
        %max3A_740 = arith.constant 0.000000e+00 : f32
        %max3A_741 = vector.broadcast %max3A_740 : f32 to vector<16xf32>
        %max3A_742 = arith.maximumf %add3A_739, %max3A_741 : vector<16xf32>
        %mul3A_743 = vector.broadcast %squeeze3A_650 : f32 to vector<16xf32>
        %mul3A_744 = arith.mulf %max3A_742, %mul3A_743 : vector<16xf32>
        %swap3A_745 = arith.index_cast %add3A_654 : i32 to index
        %swap3A_746 = arith.constant 64 : index
        %swap3A_747 = tpu.vector_load %arg15[%swap3A_745, %swap3A_746] {strides = array<i32>} : memref<80x128xf32, #tpu.memory_space<vmem>>, vector<1x16xf32>,
        %swap3A_748 = vector.shape_cast %swap3A_747 : vector<1x16xf32> to vector<16xf32>
        %swap3A_749 = vector.shape_cast %mul3A_744 : vector<16xf32> to vector<1x16xf32>
        tpu.vector_store %arg15[%swap3A_745, %swap3A_746], %swap3A_749 {strides = array<i32>} : memref<80x128xf32, #tpu.memory_space<vmem>>, vector<1x16xf32>,
        %get3A_750 = arith.index_cast %add3A_654 : i32 to index
        %get3A_751 = arith.constant 80 : index
        %get3A_752 = tpu.vector_load %arg11[%get3A_750, %get3A_751] {strides = array<i32>} : memref<80x128xf32, #tpu.memory_space<vmem>>, vector<1x16xf32>,
        %get3A_753 = vector.shape_cast %get3A_752 : vector<1x16xf32> to vector<16xf32>
        %get3A_754 = arith.index_cast %add3A_654 : i32 to index
        %get3A_755 = arith.constant 80 : index
        %get3A_756 = tpu.vector_load %arg13[%get3A_754, %get3A_755] {strides = array<i32>} : memref<80x128xf32, #tpu.memory_space<vmem>>, vector<1x16xf32>,
        %get3A_757 = vector.shape_cast %get3A_756 : vector<1x16xf32> to vector<16xf32>
        %add3A_758 = arith.addf %get3A_753, %get3A_757 : vector<16xf32>
        %max3A_759 = arith.constant 0.000000e+00 : f32
        %max3A_760 = vector.broadcast %max3A_759 : f32 to vector<16xf32>
        %max3A_761 = arith.maximumf %add3A_758, %max3A_760 : vector<16xf32>
        %mul3A_762 = vector.broadcast %squeeze3A_650 : f32 to vector<16xf32>
        %mul3A_763 = arith.mulf %max3A_761, %mul3A_762 : vector<16xf32>
        %swap3A_764 = arith.index_cast %add3A_654 : i32 to index
        %swap3A_765 = arith.constant 80 : index
        %swap3A_766 = tpu.vector_load %arg15[%swap3A_764, %swap3A_765] {strides = array<i32>} : memref<80x128xf32, #tpu.memory_space<vmem>>, vector<1x16xf32>,
        %swap3A_767 = vector.shape_cast %swap3A_766 : vector<1x16xf32> to vector<16xf32>
        %swap3A_768 = vector.shape_cast %mul3A_763 : vector<16xf32> to vector<1x16xf32>
        tpu.vector_store %arg15[%swap3A_764, %swap3A_765], %swap3A_768 {strides = array<i32>} : memref<80x128xf32, #tpu.memory_space<vmem>>, vector<1x16xf32>,
        %get3A_769 = arith.index_cast %add3A_654 : i32 to index
        %get3A_770 = arith.constant 96 : index
        %get3A_771 = tpu.vector_load %arg11[%get3A_769, %get3A_770] {strides = array<i32>} : memref<80x128xf32, #tpu.memory_space<vmem>>, vector<1x16xf32>,
        %get3A_772 = vector.shape_cast %get3A_771 : vector<1x16xf32> to vector<16xf32>
        %get3A_773 = arith.index_cast %add3A_654 : i32 to index
        %get3A_774 = arith.constant 96 : index
        %get3A_775 = tpu.vector_load %arg13[%get3A_773, %get3A_774] {strides = array<i32>} : memref<80x128xf32, #tpu.memory_space<vmem>>, vector<1x16xf32>,
        %get3A_776 = vector.shape_cast %get3A_775 : vector<1x16xf32> to vector<16xf32>
        %add3A_777 = arith.addf %get3A_772, %get3A_776 : vector<16xf32>
        %max3A_778 = arith.constant 0.000000e+00 : f32
        %max3A_779 = vector.broadcast %max3A_778 : f32 to vector<16xf32>
        %max3A_780 = arith.maximumf %add3A_777, %max3A_779 : vector<16xf32>
        %mul3A_781 = vector.broadcast %squeeze3A_650 : f32 to vector<16xf32>
        %mul3A_782 = arith.mulf %max3A_780, %mul3A_781 : vector<16xf32>
        %swap3A_783 = arith.index_cast %add3A_654 : i32 to index
        %swap3A_784 = arith.constant 96 : index
        %swap3A_785 = tpu.vector_load %arg15[%swap3A_783, %swap3A_784] {strides = array<i32>} : memref<80x128xf32, #tpu.memory_space<vmem>>, vector<1x16xf32>,
        %swap3A_786 = vector.shape_cast %swap3A_785 : vector<1x16xf32> to vector<16xf32>
        %swap3A_787 = vector.shape_cast %mul3A_782 : vector<16xf32> to vector<1x16xf32>
        tpu.vector_store %arg15[%swap3A_783, %swap3A_784], %swap3A_787 {strides = array<i32>} : memref<80x128xf32, #tpu.memory_space<vmem>>, vector<1x16xf32>,
        %get3A_788 = arith.index_cast %add3A_654 : i32 to index
        %get3A_789 = arith.constant 112 : index
        %get3A_790 = tpu.vector_load %arg11[%get3A_788, %get3A_789] {strides = array<i32>} : memref<80x128xf32, #tpu.memory_space<vmem>>, vector<1x16xf32>,
        %get3A_791 = vector.shape_cast %get3A_790 : vector<1x16xf32> to vector<16xf32>
        %get3A_792 = arith.index_cast %add3A_654 : i32 to index
        %get3A_793 = arith.constant 112 : index
        %get3A_794 = tpu.vector_load %arg13[%get3A_792, %get3A_793] {strides = array<i32>} : memref<80x128xf32, #tpu.memory_space<vmem>>, vector<1x16xf32>,
        %get3A_795 = vector.shape_cast %get3A_794 : vector<1x16xf32> to vector<16xf32>
        %add3A_796 = arith.addf %get3A_791, %get3A_795 : vector<16xf32>
        %max3A_797 = arith.constant 0.000000e+00 : f32
        %max3A_798 = vector.broadcast %max3A_797 : f32 to vector<16xf32>
        %max3A_799 = arith.maximumf %add3A_796, %max3A_798 : vector<16xf32>
        %mul3A_800 = vector.broadcast %squeeze3A_650 : f32 to vector<16xf32>
        %mul3A_801 = arith.mulf %max3A_799, %mul3A_800 : vector<16xf32>
        %swap3A_802 = arith.index_cast %add3A_654 : i32 to index
        %swap3A_803 = arith.constant 112 : index
        %swap3A_804 = tpu.vector_load %arg15[%swap3A_802, %swap3A_803] {strides = array<i32>} : memref<80x128xf32, #tpu.memory_space<vmem>>, vector<1x16xf32>,
        %swap3A_805 = vector.shape_cast %swap3A_804 : vector<1x16xf32> to vector<16xf32>
        %swap3A_806 = vector.shape_cast %mul3A_801 : vector<16xf32> to vector<1x16xf32>
        tpu.vector_store %arg15[%swap3A_802, %swap3A_803], %swap3A_806 {strides = array<i32>} : memref<80x128xf32, #tpu.memory_space<vmem>>, vector<1x16xf32>,
        %slice3A_807 = vector.extract_strided_slice %get3A_178 {offsets = [4], sizes = [1], strides = [1]} : vector<16xf32> to vector<1xf32>
        %squeeze3A_808 = vector.extract %slice3A_807[0] : f32 from vector<1xf32>
        %mul3A_809 = arith.constant 16 : i32
        %mul3A_810 = arith.muli %scan3A_173, %mul3A_809 : i32
        %add3A_811 = arith.constant 4 : i32
        %add3A_812 = arith.addi %mul3A_810, %add3A_811 : i32
        %get3A_813 = arith.index_cast %add3A_812 : i32 to index
        %get3A_814 = arith.constant 0 : index
        %get3A_815 = tpu.vector_load %arg11[%get3A_813, %get3A_814] {strides = array<i32>} : memref<80x128xf32, #tpu.memory_space<vmem>>, vector<1x16xf32>,
        %get3A_816 = vector.shape_cast %get3A_815 : vector<1x16xf32> to vector<16xf32>
        %get3A_817 = arith.index_cast %add3A_812 : i32 to index
        %get3A_818 = arith.constant 0 : index
        %get3A_819 = tpu.vector_load %arg13[%get3A_817, %get3A_818] {strides = array<i32>} : memref<80x128xf32, #tpu.memory_space<vmem>>, vector<1x16xf32>,
        %get3A_820 = vector.shape_cast %get3A_819 : vector<1x16xf32> to vector<16xf32>
        %add3A_821 = arith.addf %get3A_816, %get3A_820 : vector<16xf32>
        %max3A_822 = arith.constant 0.000000e+00 : f32
        %max3A_823 = vector.broadcast %max3A_822 : f32 to vector<16xf32>
        %max3A_824 = arith.maximumf %add3A_821, %max3A_823 : vector<16xf32>
        %mul3A_825 = vector.broadcast %squeeze3A_808 : f32 to vector<16xf32>
        %mul3A_826 = arith.mulf %max3A_824, %mul3A_825 : vector<16xf32>
        %swap3A_827 = arith.index_cast %add3A_812 : i32 to index
        %swap3A_828 = arith.constant 0 : index
        %swap3A_829 = tpu.vector_load %arg15[%swap3A_827, %swap3A_828] {strides = array<i32>} : memref<80x128xf32, #tpu.memory_space<vmem>>, vector<1x16xf32>,
        %swap3A_830 = vector.shape_cast %swap3A_829 : vector<1x16xf32> to vector<16xf32>
        %swap3A_831 = vector.shape_cast %mul3A_826 : vector<16xf32> to vector<1x16xf32>
        tpu.vector_store %arg15[%swap3A_827, %swap3A_828], %swap3A_831 {strides = array<i32>} : memref<80x128xf32, #tpu.memory_space<vmem>>, vector<1x16xf32>,
        %get3A_832 = arith.index_cast %add3A_812 : i32 to index
        %get3A_833 = arith.constant 16 : index
        %get3A_834 = tpu.vector_load %arg11[%get3A_832, %get3A_833] {strides = array<i32>} : memref<80x128xf32, #tpu.memory_space<vmem>>, vector<1x16xf32>,
        %get3A_835 = vector.shape_cast %get3A_834 : vector<1x16xf32> to vector<16xf32>
        %get3A_836 = arith.index_cast %add3A_812 : i32 to index
        %get3A_837 = arith.constant 16 : index
        %get3A_838 = tpu.vector_load %arg13[%get3A_836, %get3A_837] {strides = array<i32>} : memref<80x128xf32, #tpu.memory_space<vmem>>, vector<1x16xf32>,
        %get3A_839 = vector.shape_cast %get3A_838 : vector<1x16xf32> to vector<16xf32>
        %add3A_840 = arith.addf %get3A_835, %get3A_839 : vector<16xf32>
        %max3A_841 = arith.constant 0.000000e+00 : f32
        %max3A_842 = vector.broadcast %max3A_841 : f32 to vector<16xf32>
        %max3A_843 = arith.maximumf %add3A_840, %max3A_842 : vector<16xf32>
        %mul3A_844 = vector.broadcast %squeeze3A_808 : f32 to vector<16xf32>
        %mul3A_845 = arith.mulf %max3A_843, %mul3A_844 : vector<16xf32>
        %swap3A_846 = arith.index_cast %add3A_812 : i32 to index
        %swap3A_847 = arith.constant 16 : index
        %swap3A_848 = tpu.vector_load %arg15[%swap3A_846, %swap3A_847] {strides = array<i32>} : memref<80x128xf32, #tpu.memory_space<vmem>>, vector<1x16xf32>,
        %swap3A_849 = vector.shape_cast %swap3A_848 : vector<1x16xf32> to vector<16xf32>
        %swap3A_850 = vector.shape_cast %mul3A_845 : vector<16xf32> to vector<1x16xf32>
        tpu.vector_store %arg15[%swap3A_846, %swap3A_847], %swap3A_850 {strides = array<i32>} : memref<80x128xf32, #tpu.memory_space<vmem>>, vector<1x16xf32>,
        %get3A_851 = arith.index_cast %add3A_812 : i32 to index
        %get3A_852 = arith.constant 32 : index
        %get3A_853 = tpu.vector_load %arg11[%get3A_851, %get3A_852] {strides = array<i32>} : memref<80x128xf32, #tpu.memory_space<vmem>>, vector<1x16xf32>,
        %get3A_854 = vector.shape_cast %get3A_853 : vector<1x16xf32> to vector<16xf32>
        %get3A_855 = arith.index_cast %add3A_812 : i32 to index
        %get3A_856 = arith.constant 32 : index
        %get3A_857 = tpu.vector_load %arg13[%get3A_855, %get3A_856] {strides = array<i32>} : memref<80x128xf32, #tpu.memory_space<vmem>>, vector<1x16xf32>,
        %get3A_858 = vector.shape_cast %get3A_857 : vector<1x16xf32> to vector<16xf32>
        %add3A_859 = arith.addf %get3A_854, %get3A_858 : vector<16xf32>
        %max3A_860 = arith.constant 0.000000e+00 : f32
        %max3A_861 = vector.broadcast %max3A_860 : f32 to vector<16xf32>
        %max3A_862 = arith.maximumf %add3A_859, %max3A_861 : vector<16xf32>
        %mul3A_863 = vector.broadcast %squeeze3A_808 : f32 to vector<16xf32>
        %mul3A_864 = arith.mulf %max3A_862, %mul3A_863 : vector<16xf32>
        %swap3A_865 = arith.index_cast %add3A_812 : i32 to index
        %swap3A_866 = arith.constant 32 : index
        %swap3A_867 = tpu.vector_load %arg15[%swap3A_865, %swap3A_866] {strides = array<i32>} : memref<80x128xf32, #tpu.memory_space<vmem>>, vector<1x16xf32>,
        %swap3A_868 = vector.shape_cast %swap3A_867 : vector<1x16xf32> to vector<16xf32>
        %swap3A_869 = vector.shape_cast %mul3A_864 : vector<16xf32> to vector<1x16xf32>
        tpu.vector_store %arg15[%swap3A_865, %swap3A_866], %swap3A_869 {strides = array<i32>} : memref<80x128xf32, #tpu.memory_space<vmem>>, vector<1x16xf32>,
        %get3A_870 = arith.index_cast %add3A_812 : i32 to index
        %get3A_871 = arith.constant 48 : index
        %get3A_872 = tpu.vector_load %arg11[%get3A_870, %get3A_871] {strides = array<i32>} : memref<80x128xf32, #tpu.memory_space<vmem>>, vector<1x16xf32>,
        %get3A_873 = vector.shape_cast %get3A_872 : vector<1x16xf32> to vector<16xf32>
        %get3A_874 = arith.index_cast %add3A_812 : i32 to index
        %get3A_875 = arith.constant 48 : index
        %get3A_876 = tpu.vector_load %arg13[%get3A_874, %get3A_875] {strides = array<i32>} : memref<80x128xf32, #tpu.memory_space<vmem>>, vector<1x16xf32>,
        %get3A_877 = vector.shape_cast %get3A_876 : vector<1x16xf32> to vector<16xf32>
        %add3A_878 = arith.addf %get3A_873, %get3A_877 : vector<16xf32>
        %max3A_879 = arith.constant 0.000000e+00 : f32
        %max3A_880 = vector.broadcast %max3A_879 : f32 to vector<16xf32>
        %max3A_881 = arith.maximumf %add3A_878, %max3A_880 : vector<16xf32>
        %mul3A_882 = vector.broadcast %squeeze3A_808 : f32 to vector<16xf32>
        %mul3A_883 = arith.mulf %max3A_881, %mul3A_882 : vector<16xf32>
        %swap3A_884 = arith.index_cast %add3A_812 : i32 to index
        %swap3A_885 = arith.constant 48 : index
        %swap3A_886 = tpu.vector_load %arg15[%swap3A_884, %swap3A_885] {strides = array<i32>} : memref<80x128xf32, #tpu.memory_space<vmem>>, vector<1x16xf32>,
        %swap3A_887 = vector.shape_cast %swap3A_886 : vector<1x16xf32> to vector<16xf32>
        %swap3A_888 = vector.shape_cast %mul3A_883 : vector<16xf32> to vector<1x16xf32>
        tpu.vector_store %arg15[%swap3A_884, %swap3A_885], %swap3A_888 {strides = array<i32>} : memref<80x128xf32, #tpu.memory_space<vmem>>, vector<1x16xf32>,
        %get3A_889 = arith.index_cast %add3A_812 : i32 to index
        %get3A_890 = arith.constant 64 : index
        %get3A_891 = tpu.vector_load %arg11[%get3A_889, %get3A_890] {strides = array<i32>} : memref<80x128xf32, #tpu.memory_space<vmem>>, vector<1x16xf32>,
        %get3A_892 = vector.shape_cast %get3A_891 : vector<1x16xf32> to vector<16xf32>
        %get3A_893 = arith.index_cast %add3A_812 : i32 to index
        %get3A_894 = arith.constant 64 : index
        %get3A_895 = tpu.vector_load %arg13[%get3A_893, %get3A_894] {strides = array<i32>} : memref<80x128xf32, #tpu.memory_space<vmem>>, vector<1x16xf32>,
        %get3A_896 = vector.shape_cast %get3A_895 : vector<1x16xf32> to vector<16xf32>
        %add3A_897 = arith.addf %get3A_892, %get3A_896 : vector<16xf32>
        %max3A_898 = arith.constant 0.000000e+00 : f32
        %max3A_899 = vector.broadcast %max3A_898 : f32 to vector<16xf32>
        %max3A_900 = arith.maximumf %add3A_897, %max3A_899 : vector<16xf32>
        %mul3A_901 = vector.broadcast %squeeze3A_808 : f32 to vector<16xf32>
        %mul3A_902 = arith.mulf %max3A_900, %mul3A_901 : vector<16xf32>
        %swap3A_903 = arith.index_cast %add3A_812 : i32 to index
        %swap3A_904 = arith.constant 64 : index
        %swap3A_905 = tpu.vector_load %arg15[%swap3A_903, %swap3A_904] {strides = array<i32>} : memref<80x128xf32, #tpu.memory_space<vmem>>, vector<1x16xf32>,
        %swap3A_906 = vector.shape_cast %swap3A_905 : vector<1x16xf32> to vector<16xf32>
        %swap3A_907 = vector.shape_cast %mul3A_902 : vector<16xf32> to vector<1x16xf32>
        tpu.vector_store %arg15[%swap3A_903, %swap3A_904], %swap3A_907 {strides = array<i32>} : memref<80x128xf32, #tpu.memory_space<vmem>>, vector<1x16xf32>,
        %get3A_908 = arith.index_cast %add3A_812 : i32 to index
        %get3A_909 = arith.constant 80 : index
        %get3A_910 = tpu.vector_load %arg11[%get3A_908, %get3A_909] {strides = array<i32>} : memref<80x128xf32, #tpu.memory_space<vmem>>, vector<1x16xf32>,
        %get3A_911 = vector.shape_cast %get3A_910 : vector<1x16xf32> to vector<16xf32>
        %get3A_912 = arith.index_cast %add3A_812 : i32 to index
        %get3A_913 = arith.constant 80 : index
        %get3A_914 = tpu.vector_load %arg13[%get3A_912, %get3A_913] {strides = array<i32>} : memref<80x128xf32, #tpu.memory_space<vmem>>, vector<1x16xf32>,
        %get3A_915 = vector.shape_cast %get3A_914 : vector<1x16xf32> to vector<16xf32>
        %add3A_916 = arith.addf %get3A_911, %get3A_915 : vector<16xf32>
        %max3A_917 = arith.constant 0.000000e+00 : f32
        %max3A_918 = vector.broadcast %max3A_917 : f32 to vector<16xf32>
        %max3A_919 = arith.maximumf %add3A_916, %max3A_918 : vector<16xf32>
        %mul3A_920 = vector.broadcast %squeeze3A_808 : f32 to vector<16xf32>
        %mul3A_921 = arith.mulf %max3A_919, %mul3A_920 : vector<16xf32>
        %swap3A_922 = arith.index_cast %add3A_812 : i32 to index
        %swap3A_923 = arith.constant 80 : index
        %swap3A_924 = tpu.vector_load %arg15[%swap3A_922, %swap3A_923] {strides = array<i32>} : memref<80x128xf32, #tpu.memory_space<vmem>>, vector<1x16xf32>,
        %swap3A_925 = vector.shape_cast %swap3A_924 : vector<1x16xf32> to vector<16xf32>
        %swap3A_926 = vector.shape_cast %mul3A_921 : vector<16xf32> to vector<1x16xf32>
        tpu.vector_store %arg15[%swap3A_922, %swap3A_923], %swap3A_926 {strides = array<i32>} : memref<80x128xf32, #tpu.memory_space<vmem>>, vector<1x16xf32>,
        %get3A_927 = arith.index_cast %add3A_812 : i32 to index
        %get3A_928 = arith.constant 96 : index
        %get3A_929 = tpu.vector_load %arg11[%get3A_927, %get3A_928] {strides = array<i32>} : memref<80x128xf32, #tpu.memory_space<vmem>>, vector<1x16xf32>,
        %get3A_930 = vector.shape_cast %get3A_929 : vector<1x16xf32> to vector<16xf32>
        %get3A_931 = arith.index_cast %add3A_812 : i32 to index
        %get3A_932 = arith.constant 96 : index
        %get3A_933 = tpu.vector_load %arg13[%get3A_931, %get3A_932] {strides = array<i32>} : memref<80x128xf32, #tpu.memory_space<vmem>>, vector<1x16xf32>,
        %get3A_934 = vector.shape_cast %get3A_933 : vector<1x16xf32> to vector<16xf32>
        %add3A_935 = arith.addf %get3A_930, %get3A_934 : vector<16xf32>
        %max3A_936 = arith.constant 0.000000e+00 : f32
        %max3A_937 = vector.broadcast %max3A_936 : f32 to vector<16xf32>
        %max3A_938 = arith.maximumf %add3A_935, %max3A_937 : vector<16xf32>
        %mul3A_939 = vector.broadcast %squeeze3A_808 : f32 to vector<16xf32>
        %mul3A_940 = arith.mulf %max3A_938, %mul3A_939 : vector<16xf32>
        %swap3A_941 = arith.index_cast %add3A_812 : i32 to index
        %swap3A_942 = arith.constant 96 : index
        %swap3A_943 = tpu.vector_load %arg15[%swap3A_941, %swap3A_942] {strides = array<i32>} : memref<80x128xf32, #tpu.memory_space<vmem>>, vector<1x16xf32>,
        %swap3A_944 = vector.shape_cast %swap3A_943 : vector<1x16xf32> to vector<16xf32>
        %swap3A_945 = vector.shape_cast %mul3A_940 : vector<16xf32> to vector<1x16xf32>
        tpu.vector_store %arg15[%swap3A_941, %swap3A_942], %swap3A_945 {strides = array<i32>} : memref<80x128xf32, #tpu.memory_space<vmem>>, vector<1x16xf32>,
        %get3A_946 = arith.index_cast %add3A_812 : i32 to index
        %get3A_947 = arith.constant 112 : index
        %get3A_948 = tpu.vector_load %arg11[%get3A_946, %get3A_947] {strides = array<i32>} : memref<80x128xf32, #tpu.memory_space<vmem>>, vector<1x16xf32>,
        %get3A_949 = vector.shape_cast %get3A_948 : vector<1x16xf32> to vector<16xf32>
        %get3A_950 = arith.index_cast %add3A_812 : i32 to index
        %get3A_951 = arith.constant 112 : index
        %get3A_952 = tpu.vector_load %arg13[%get3A_950, %get3A_951] {strides = array<i32>} : memref<80x128xf32, #tpu.memory_space<vmem>>, vector<1x16xf32>,
        %get3A_953 = vector.shape_cast %get3A_952 : vector<1x16xf32> to vector<16xf32>
        %add3A_954 = arith.addf %get3A_949, %get3A_953 : vector<16xf32>
        %max3A_955 = arith.constant 0.000000e+00 : f32
        %max3A_956 = vector.broadcast %max3A_955 : f32 to vector<16xf32>
        %max3A_957 = arith.maximumf %add3A_954, %max3A_956 : vector<16xf32>
        %mul3A_958 = vector.broadcast %squeeze3A_808 : f32 to vector<16xf32>
        %mul3A_959 = arith.mulf %max3A_957, %mul3A_958 : vector<16xf32>
        %swap3A_960 = arith.index_cast %add3A_812 : i32 to index
        %swap3A_961 = arith.constant 112 : index
        %swap3A_962 = tpu.vector_load %arg15[%swap3A_960, %swap3A_961] {strides = array<i32>} : memref<80x128xf32, #tpu.memory_space<vmem>>, vector<1x16xf32>,
        %swap3A_963 = vector.shape_cast %swap3A_962 : vector<1x16xf32> to vector<16xf32>
        %swap3A_964 = vector.shape_cast %mul3A_959 : vector<16xf32> to vector<1x16xf32>
        tpu.vector_store %arg15[%swap3A_960, %swap3A_961], %swap3A_964 {strides = array<i32>} : memref<80x128xf32, #tpu.memory_space<vmem>>, vector<1x16xf32>,
        %slice3A_965 = vector.extract_strided_slice %get3A_178 {offsets = [5], sizes = [1], strides = [1]} : vector<16xf32> to vector<1xf32>
        %squeeze3A_966 = vector.extract %slice3A_965[0] : f32 from vector<1xf32>
        %mul3A_967 = arith.constant 16 : i32
        %mul3A_968 = arith.muli %scan3A_173, %mul3A_967 : i32
        %add3A_969 = arith.constant 5 : i32
        %add3A_970 = arith.addi %mul3A_968, %add3A_969 : i32
        %get3A_971 = arith.index_cast %add3A_970 : i32 to index
        %get3A_972 = arith.constant 0 : index
        %get3A_973 = tpu.vector_load %arg11[%get3A_971, %get3A_972] {strides = array<i32>} : memref<80x128xf32, #tpu.memory_space<vmem>>, vector<1x16xf32>,
        %get3A_974 = vector.shape_cast %get3A_973 : vector<1x16xf32> to vector<16xf32>
        %get3A_975 = arith.index_cast %add3A_970 : i32 to index
        %get3A_976 = arith.constant 0 : index
        %get3A_977 = tpu.vector_load %arg13[%get3A_975, %get3A_976] {strides = array<i32>} : memref<80x128xf32, #tpu.memory_space<vmem>>, vector<1x16xf32>,
        %get3A_978 = vector.shape_cast %get3A_977 : vector<1x16xf32> to vector<16xf32>
        %add3A_979 = arith.addf %get3A_974, %get3A_978 : vector<16xf32>
        %max3A_980 = arith.constant 0.000000e+00 : f32
        %max3A_981 = vector.broadcast %max3A_980 : f32 to vector<16xf32>
        %max3A_982 = arith.maximumf %add3A_979, %max3A_981 : vector<16xf32>
        %mul3A_983 = vector.broadcast %squeeze3A_966 : f32 to vector<16xf32>
        %mul3A_984 = arith.mulf %max3A_982, %mul3A_983 : vector<16xf32>
        %swap3A_985 = arith.index_cast %add3A_970 : i32 to index
        %swap3A_986 = arith.constant 0 : index
        %swap3A_987 = tpu.vector_load %arg15[%swap3A_985, %swap3A_986] {strides = array<i32>} : memref<80x128xf32, #tpu.memory_space<vmem>>, vector<1x16xf32>,
        %swap3A_988 = vector.shape_cast %swap3A_987 : vector<1x16xf32> to vector<16xf32>
        %swap3A_989 = vector.shape_cast %mul3A_984 : vector<16xf32> to vector<1x16xf32>
        tpu.vector_store %arg15[%swap3A_985, %swap3A_986], %swap3A_989 {strides = array<i32>} : memref<80x128xf32, #tpu.memory_space<vmem>>, vector<1x16xf32>,
        %get3A_990 = arith.index_cast %add3A_970 : i32 to index
        %get3A_991 = arith.constant 16 : index
        %get3A_992 = tpu.vector_load %arg11[%get3A_990, %get3A_991] {strides = array<i32>} : memref<80x128xf32, #tpu.memory_space<vmem>>, vector<1x16xf32>,
        %get3A_993 = vector.shape_cast %get3A_992 : vector<1x16xf32> to vector<16xf32>
        %get3A_994 = arith.index_cast %add3A_970 : i32 to index
        %get3A_995 = arith.constant 16 : index
        %get3A_996 = tpu.vector_load %arg13[%get3A_994, %get3A_995] {strides = array<i32>} : memref<80x128xf32, #tpu.memory_space<vmem>>, vector<1x16xf32>,
        %get3A_997 = vector.shape_cast %get3A_996 : vector<1x16xf32> to vector<16xf32>
        %add3A_998 = arith.addf %get3A_993, %get3A_997 : vector<16xf32>
        %max3A_999 = arith.constant 0.000000e+00 : f32
        %max3A_1000 = vector.broadcast %max3A_999 : f32 to vector<16xf32>
        %max3A_1001 = arith.maximumf %add3A_998, %max3A_1000 : vector<16xf32>
        %mul3A_1002 = vector.broadcast %squeeze3A_966 : f32 to vector<16xf32>
        %mul3A_1003 = arith.mulf %max3A_1001, %mul3A_1002 : vector<16xf32>
        %swap3A_1004 = arith.index_cast %add3A_970 : i32 to index
        %swap3A_1005 = arith.constant 16 : index
        %swap3A_1006 = tpu.vector_load %arg15[%swap3A_1004, %swap3A_1005] {strides = array<i32>} : memref<80x128xf32, #tpu.memory_space<vmem>>, vector<1x16xf32>,
        %swap3A_1007 = vector.shape_cast %swap3A_1006 : vector<1x16xf32> to vector<16xf32>
        %swap3A_1008 = vector.shape_cast %mul3A_1003 : vector<16xf32> to vector<1x16xf32>
        tpu.vector_store %arg15[%swap3A_1004, %swap3A_1005], %swap3A_1008 {strides = array<i32>} : memref<80x128xf32, #tpu.memory_space<vmem>>, vector<1x16xf32>,
        %get3A_1009 = arith.index_cast %add3A_970 : i32 to index
        %get3A_1010 = arith.constant 32 : index
        %get3A_1011 = tpu.vector_load %arg11[%get3A_1009, %get3A_1010] {strides = array<i32>} : memref<80x128xf32, #tpu.memory_space<vmem>>, vector<1x16xf32>,
        %get3A_1012 = vector.shape_cast %get3A_1011 : vector<1x16xf32> to vector<16xf32>
        %get3A_1013 = arith.index_cast %add3A_970 : i32 to index
        %get3A_1014 = arith.constant 32 : index
        %get3A_1015 = tpu.vector_load %arg13[%get3A_1013, %get3A_1014] {strides = array<i32>} : memref<80x128xf32, #tpu.memory_space<vmem>>, vector<1x16xf32>,
        %get3A_1016 = vector.shape_cast %get3A_1015 : vector<1x16xf32> to vector<16xf32>
        %add3A_1017 = arith.addf %get3A_1012, %get3A_1016 : vector<16xf32>
        %max3A_1018 = arith.constant 0.000000e+00 : f32
        %max3A_1019 = vector.broadcast %max3A_1018 : f32 to vector<16xf32>
        %max3A_1020 = arith.maximumf %add3A_1017, %max3A_1019 : vector<16xf32>
        %mul3A_1021 = vector.broadcast %squeeze3A_966 : f32 to vector<16xf32>
        %mul3A_1022 = arith.mulf %max3A_1020, %mul3A_1021 : vector<16xf32>
        %swap3A_1023 = arith.index_cast %add3A_970 : i32 to index
        %swap3A_1024 = arith.constant 32 : index
        %swap3A_1025 = tpu.vector_load %arg15[%swap3A_1023, %swap3A_1024] {strides = array<i32>} : memref<80x128xf32, #tpu.memory_space<vmem>>, vector<1x16xf32>,
        %swap3A_1026 = vector.shape_cast %swap3A_1025 : vector<1x16xf32> to vector<16xf32>
        %swap3A_1027 = vector.shape_cast %mul3A_1022 : vector<16xf32> to vector<1x16xf32>
        tpu.vector_store %arg15[%swap3A_1023, %swap3A_1024], %swap3A_1027 {strides = array<i32>} : memref<80x128xf32, #tpu.memory_space<vmem>>, vector<1x16xf32>,
        %get3A_1028 = arith.index_cast %add3A_970 : i32 to index
        %get3A_1029 = arith.constant 48 : index
        %get3A_1030 = tpu.vector_load %arg11[%get3A_1028, %get3A_1029] {strides = array<i32>} : memref<80x128xf32, #tpu.memory_space<vmem>>, vector<1x16xf32>,
        %get3A_1031 = vector.shape_cast %get3A_1030 : vector<1x16xf32> to vector<16xf32>
        %get3A_1032 = arith.index_cast %add3A_970 : i32 to index
        %get3A_1033 = arith.constant 48 : index
        %get3A_1034 = tpu.vector_load %arg13[%get3A_1032, %get3A_1033] {strides = array<i32>} : memref<80x128xf32, #tpu.memory_space<vmem>>, vector<1x16xf32>,
        %get3A_1035 = vector.shape_cast %get3A_1034 : vector<1x16xf32> to vector<16xf32>
        %add3A_1036 = arith.addf %get3A_1031, %get3A_1035 : vector<16xf32>
        %max3A_1037 = arith.constant 0.000000e+00 : f32
        %max3A_1038 = vector.broadcast %max3A_1037 : f32 to vector<16xf32>
        %max3A_1039 = arith.maximumf %add3A_1036, %max3A_1038 : vector<16xf32>
        %mul3A_1040 = vector.broadcast %squeeze3A_966 : f32 to vector<16xf32>
        %mul3A_1041 = arith.mulf %max3A_1039, %mul3A_1040 : vector<16xf32>
        %swap3A_1042 = arith.index_cast %add3A_970 : i32 to index
        %swap3A_1043 = arith.constant 48 : index
        %swap3A_1044 = tpu.vector_load %arg15[%swap3A_1042, %swap3A_1043] {strides = array<i32>} : memref<80x128xf32, #tpu.memory_space<vmem>>, vector<1x16xf32>,
        %swap3A_1045 = vector.shape_cast %swap3A_1044 : vector<1x16xf32> to vector<16xf32>
        %swap3A_1046 = vector.shape_cast %mul3A_1041 : vector<16xf32> to vector<1x16xf32>
        tpu.vector_store %arg15[%swap3A_1042, %swap3A_1043], %swap3A_1046 {strides = array<i32>} : memref<80x128xf32, #tpu.memory_space<vmem>>, vector<1x16xf32>,
        %get3A_1047 = arith.index_cast %add3A_970 : i32 to index
        %get3A_1048 = arith.constant 64 : index
        %get3A_1049 = tpu.vector_load %arg11[%get3A_1047, %get3A_1048] {strides = array<i32>} : memref<80x128xf32, #tpu.memory_space<vmem>>, vector<1x16xf32>,
        %get3A_1050 = vector.shape_cast %get3A_1049 : vector<1x16xf32> to vector<16xf32>
        %get3A_1051 = arith.index_cast %add3A_970 : i32 to index
        %get3A_1052 = arith.constant 64 : index
        %get3A_1053 = tpu.vector_load %arg13[%get3A_1051, %get3A_1052] {strides = array<i32>} : memref<80x128xf32, #tpu.memory_space<vmem>>, vector<1x16xf32>,
        %get3A_1054 = vector.shape_cast %get3A_1053 : vector<1x16xf32> to vector<16xf32>
        %add3A_1055 = arith.addf %get3A_1050, %get3A_1054 : vector<16xf32>
        %max3A_1056 = arith.constant 0.000000e+00 : f32
        %max3A_1057 = vector.broadcast %max3A_1056 : f32 to vector<16xf32>
        %max3A_1058 = arith.maximumf %add3A_1055, %max3A_1057 : vector<16xf32>
        %mul3A_1059 = vector.broadcast %squeeze3A_966 : f32 to vector<16xf32>
        %mul3A_1060 = arith.mulf %max3A_1058, %mul3A_1059 : vector<16xf32>
        %swap3A_1061 = arith.index_cast %add3A_970 : i32 to index
        %swap3A_1062 = arith.constant 64 : index
        %swap3A_1063 = tpu.vector_load %arg15[%swap3A_1061, %swap3A_1062] {strides = array<i32>} : memref<80x128xf32, #tpu.memory_space<vmem>>, vector<1x16xf32>,
        %swap3A_1064 = vector.shape_cast %swap3A_1063 : vector<1x16xf32> to vector<16xf32>
        %swap3A_1065 = vector.shape_cast %mul3A_1060 : vector<16xf32> to vector<1x16xf32>
        tpu.vector_store %arg15[%swap3A_1061, %swap3A_1062], %swap3A_1065 {strides = array<i32>} : memref<80x128xf32, #tpu.memory_space<vmem>>, vector<1x16xf32>,
        %get3A_1066 = arith.index_cast %add3A_970 : i32 to index
        %get3A_1067 = arith.constant 80 : index
        %get3A_1068 = tpu.vector_load %arg11[%get3A_1066, %get3A_1067] {strides = array<i32>} : memref<80x128xf32, #tpu.memory_space<vmem>>, vector<1x16xf32>,
        %get3A_1069 = vector.shape_cast %get3A_1068 : vector<1x16xf32> to vector<16xf32>
        %get3A_1070 = arith.index_cast %add3A_970 : i32 to index
        %get3A_1071 = arith.constant 80 : index
        %get3A_1072 = tpu.vector_load %arg13[%get3A_1070, %get3A_1071] {strides = array<i32>} : memref<80x128xf32, #tpu.memory_space<vmem>>, vector<1x16xf32>,
        %get3A_1073 = vector.shape_cast %get3A_1072 : vector<1x16xf32> to vector<16xf32>
        %add3A_1074 = arith.addf %get3A_1069, %get3A_1073 : vector<16xf32>
        %max3A_1075 = arith.constant 0.000000e+00 : f32
        %max3A_1076 = vector.broadcast %max3A_1075 : f32 to vector<16xf32>
        %max3A_1077 = arith.maximumf %add3A_1074, %max3A_1076 : vector<16xf32>
        %mul3A_1078 = vector.broadcast %squeeze3A_966 : f32 to vector<16xf32>
        %mul3A_1079 = arith.mulf %max3A_1077, %mul3A_1078 : vector<16xf32>
        %swap3A_1080 = arith.index_cast %add3A_970 : i32 to index
        %swap3A_1081 = arith.constant 80 : index
        %swap3A_1082 = tpu.vector_load %arg15[%swap3A_1080, %swap3A_1081] {strides = array<i32>} : memref<80x128xf32, #tpu.memory_space<vmem>>, vector<1x16xf32>,
        %swap3A_1083 = vector.shape_cast %swap3A_1082 : vector<1x16xf32> to vector<16xf32>
        %swap3A_1084 = vector.shape_cast %mul3A_1079 : vector<16xf32> to vector<1x16xf32>
        tpu.vector_store %arg15[%swap3A_1080, %swap3A_1081], %swap3A_1084 {strides = array<i32>} : memref<80x128xf32, #tpu.memory_space<vmem>>, vector<1x16xf32>,
        %get3A_1085 = arith.index_cast %add3A_970 : i32 to index
        %get3A_1086 = arith.constant 96 : index
        %get3A_1087 = tpu.vector_load %arg11[%get3A_1085, %get3A_1086] {strides = array<i32>} : memref<80x128xf32, #tpu.memory_space<vmem>>, vector<1x16xf32>,
        %get3A_1088 = vector.shape_cast %get3A_1087 : vector<1x16xf32> to vector<16xf32>
        %get3A_1089 = arith.index_cast %add3A_970 : i32 to index
        %get3A_1090 = arith.constant 96 : index
        %get3A_1091 = tpu.vector_load %arg13[%get3A_1089, %get3A_1090] {strides = array<i32>} : memref<80x128xf32, #tpu.memory_space<vmem>>, vector<1x16xf32>,
        %get3A_1092 = vector.shape_cast %get3A_1091 : vector<1x16xf32> to vector<16xf32>
        %add3A_1093 = arith.addf %get3A_1088, %get3A_1092 : vector<16xf32>
        %max3A_1094 = arith.constant 0.000000e+00 : f32
        %max3A_1095 = vector.broadcast %max3A_1094 : f32 to vector<16xf32>
        %max3A_1096 = arith.maximumf %add3A_1093, %max3A_1095 : vector<16xf32>
        %mul3A_1097 = vector.broadcast %squeeze3A_966 : f32 to vector<16xf32>
        %mul3A_1098 = arith.mulf %max3A_1096, %mul3A_1097 : vector<16xf32>
        %swap3A_1099 = arith.index_cast %add3A_970 : i32 to index
        %swap3A_1100 = arith.constant 96 : index
        %swap3A_1101 = tpu.vector_load %arg15[%swap3A_1099, %swap3A_1100] {strides = array<i32>} : memref<80x128xf32, #tpu.memory_space<vmem>>, vector<1x16xf32>,
        %swap3A_1102 = vector.shape_cast %swap3A_1101 : vector<1x16xf32> to vector<16xf32>
        %swap3A_1103 = vector.shape_cast %mul3A_1098 : vector<16xf32> to vector<1x16xf32>
        tpu.vector_store %arg15[%swap3A_1099, %swap3A_1100], %swap3A_1103 {strides = array<i32>} : memref<80x128xf32, #tpu.memory_space<vmem>>, vector<1x16xf32>,
        %get3A_1104 = arith.index_cast %add3A_970 : i32 to index
        %get3A_1105 = arith.constant 112 : index
        %get3A_1106 = tpu.vector_load %arg11[%get3A_1104, %get3A_1105] {strides = array<i32>} : memref<80x128xf32, #tpu.memory_space<vmem>>, vector<1x16xf32>,
        %get3A_1107 = vector.shape_cast %get3A_1106 : vector<1x16xf32> to vector<16xf32>
        %get3A_1108 = arith.index_cast %add3A_970 : i32 to index
        %get3A_1109 = arith.constant 112 : index
        %get3A_1110 = tpu.vector_load %arg13[%get3A_1108, %get3A_1109] {strides = array<i32>} : memref<80x128xf32, #tpu.memory_space<vmem>>, vector<1x16xf32>,
        %get3A_1111 = vector.shape_cast %get3A_1110 : vector<1x16xf32> to vector<16xf32>
        %add3A_1112 = arith.addf %get3A_1107, %get3A_1111 : vector<16xf32>
        %max3A_1113 = arith.constant 0.000000e+00 : f32
        %max3A_1114 = vector.broadcast %max3A_1113 : f32 to vector<16xf32>
        %max3A_1115 = arith.maximumf %add3A_1112, %max3A_1114 : vector<16xf32>
        %mul3A_1116 = vector.broadcast %squeeze3A_966 : f32 to vector<16xf32>
        %mul3A_1117 = arith.mulf %max3A_1115, %mul3A_1116 : vector<16xf32>
        %swap3A_1118 = arith.index_cast %add3A_970 : i32 to index
        %swap3A_1119 = arith.constant 112 : index
        %swap3A_1120 = tpu.vector_load %arg15[%swap3A_1118, %swap3A_1119] {strides = array<i32>} : memref<80x128xf32, #tpu.memory_space<vmem>>, vector<1x16xf32>,
        %swap3A_1121 = vector.shape_cast %swap3A_1120 : vector<1x16xf32> to vector<16xf32>
        %swap3A_1122 = vector.shape_cast %mul3A_1117 : vector<16xf32> to vector<1x16xf32>
        tpu.vector_store %arg15[%swap3A_1118, %swap3A_1119], %swap3A_1122 {strides = array<i32>} : memref<80x128xf32, #tpu.memory_space<vmem>>, vector<1x16xf32>,
        %slice3A_1123 = vector.extract_strided_slice %get3A_178 {offsets = [6], sizes = [1], strides = [1]} : vector<16xf32> to vector<1xf32>
        %squeeze3A_1124 = vector.extract %slice3A_1123[0] : f32 from vector<1xf32>
        %mul3A_1125 = arith.constant 16 : i32
        %mul3A_1126 = arith.muli %scan3A_173, %mul3A_1125 : i32
        %add3A_1127 = arith.constant 6 : i32
        %add3A_1128 = arith.addi %mul3A_1126, %add3A_1127 : i32
        %get3A_1129 = arith.index_cast %add3A_1128 : i32 to index
        %get3A_1130 = arith.constant 0 : index
        %get3A_1131 = tpu.vector_load %arg11[%get3A_1129, %get3A_1130] {strides = array<i32>} : memref<80x128xf32, #tpu.memory_space<vmem>>, vector<1x16xf32>,
        %get3A_1132 = vector.shape_cast %get3A_1131 : vector<1x16xf32> to vector<16xf32>
        %get3A_1133 = arith.index_cast %add3A_1128 : i32 to index
        %get3A_1134 = arith.constant 0 : index
        %get3A_1135 = tpu.vector_load %arg13[%get3A_1133, %get3A_1134] {strides = array<i32>} : memref<80x128xf32, #tpu.memory_space<vmem>>, vector<1x16xf32>,
        %get3A_1136 = vector.shape_cast %get3A_1135 : vector<1x16xf32> to vector<16xf32>
        %add3A_1137 = arith.addf %get3A_1132, %get3A_1136 : vector<16xf32>
        %max3A_1138 = arith.constant 0.000000e+00 : f32
        %max3A_1139 = vector.broadcast %max3A_1138 : f32 to vector<16xf32>
        %max3A_1140 = arith.maximumf %add3A_1137, %max3A_1139 : vector<16xf32>
        %mul3A_1141 = vector.broadcast %squeeze3A_1124 : f32 to vector<16xf32>
        %mul3A_1142 = arith.mulf %max3A_1140, %mul3A_1141 : vector<16xf32>
        %swap3A_1143 = arith.index_cast %add3A_1128 : i32 to index
        %swap3A_1144 = arith.constant 0 : index
        %swap3A_1145 = tpu.vector_load %arg15[%swap3A_1143, %swap3A_1144] {strides = array<i32>} : memref<80x128xf32, #tpu.memory_space<vmem>>, vector<1x16xf32>,
        %swap3A_1146 = vector.shape_cast %swap3A_1145 : vector<1x16xf32> to vector<16xf32>
        %swap3A_1147 = vector.shape_cast %mul3A_1142 : vector<16xf32> to vector<1x16xf32>
        tpu.vector_store %arg15[%swap3A_1143, %swap3A_1144], %swap3A_1147 {strides = array<i32>} : memref<80x128xf32, #tpu.memory_space<vmem>>, vector<1x16xf32>,
        %get3A_1148 = arith.index_cast %add3A_1128 : i32 to index
        %get3A_1149 = arith.constant 16 : index
        %get3A_1150 = tpu.vector_load %arg11[%get3A_1148, %get3A_1149] {strides = array<i32>} : memref<80x128xf32, #tpu.memory_space<vmem>>, vector<1x16xf32>,
        %get3A_1151 = vector.shape_cast %get3A_1150 : vector<1x16xf32> to vector<16xf32>
        %get3A_1152 = arith.index_cast %add3A_1128 : i32 to index
        %get3A_1153 = arith.constant 16 : index
        %get3A_1154 = tpu.vector_load %arg13[%get3A_1152, %get3A_1153] {strides = array<i32>} : memref<80x128xf32, #tpu.memory_space<vmem>>, vector<1x16xf32>,
        %get3A_1155 = vector.shape_cast %get3A_1154 : vector<1x16xf32> to vector<16xf32>
        %add3A_1156 = arith.addf %get3A_1151, %get3A_1155 : vector<16xf32>
        %max3A_1157 = arith.constant 0.000000e+00 : f32
        %max3A_1158 = vector.broadcast %max3A_1157 : f32 to vector<16xf32>
        %max3A_1159 = arith.maximumf %add3A_1156, %max3A_1158 : vector<16xf32>
        %mul3A_1160 = vector.broadcast %squeeze3A_1124 : f32 to vector<16xf32>
        %mul3A_1161 = arith.mulf %max3A_1159, %mul3A_1160 : vector<16xf32>
        %swap3A_1162 = arith.index_cast %add3A_1128 : i32 to index
        %swap3A_1163 = arith.constant 16 : index
        %swap3A_1164 = tpu.vector_load %arg15[%swap3A_1162, %swap3A_1163] {strides = array<i32>} : memref<80x128xf32, #tpu.memory_space<vmem>>, vector<1x16xf32>,
        %swap3A_1165 = vector.shape_cast %swap3A_1164 : vector<1x16xf32> to vector<16xf32>
        %swap3A_1166 = vector.shape_cast %mul3A_1161 : vector<16xf32> to vector<1x16xf32>
        tpu.vector_store %arg15[%swap3A_1162, %swap3A_1163], %swap3A_1166 {strides = array<i32>} : memref<80x128xf32, #tpu.memory_space<vmem>>, vector<1x16xf32>,
        %get3A_1167 = arith.index_cast %add3A_1128 : i32 to index
        %get3A_1168 = arith.constant 32 : index
        %get3A_1169 = tpu.vector_load %arg11[%get3A_1167, %get3A_1168] {strides = array<i32>} : memref<80x128xf32, #tpu.memory_space<vmem>>, vector<1x16xf32>,
        %get3A_1170 = vector.shape_cast %get3A_1169 : vector<1x16xf32> to vector<16xf32>
        %get3A_1171 = arith.index_cast %add3A_1128 : i32 to index
        %get3A_1172 = arith.constant 32 : index
        %get3A_1173 = tpu.vector_load %arg13[%get3A_1171, %get3A_1172] {strides = array<i32>} : memref<80x128xf32, #tpu.memory_space<vmem>>, vector<1x16xf32>,
        %get3A_1174 = vector.shape_cast %get3A_1173 : vector<1x16xf32> to vector<16xf32>
        %add3A_1175 = arith.addf %get3A_1170, %get3A_1174 : vector<16xf32>
        %max3A_1176 = arith.constant 0.000000e+00 : f32
        %max3A_1177 = vector.broadcast %max3A_1176 : f32 to vector<16xf32>
        %max3A_1178 = arith.maximumf %add3A_1175, %max3A_1177 : vector<16xf32>
        %mul3A_1179 = vector.broadcast %squeeze3A_1124 : f32 to vector<16xf32>
        %mul3A_1180 = arith.mulf %max3A_1178, %mul3A_1179 : vector<16xf32>
        %swap3A_1181 = arith.index_cast %add3A_1128 : i32 to index
        %swap3A_1182 = arith.constant 32 : index
        %swap3A_1183 = tpu.vector_load %arg15[%swap3A_1181, %swap3A_1182] {strides = array<i32>} : memref<80x128xf32, #tpu.memory_space<vmem>>, vector<1x16xf32>,
        %swap3A_1184 = vector.shape_cast %swap3A_1183 : vector<1x16xf32> to vector<16xf32>
        %swap3A_1185 = vector.shape_cast %mul3A_1180 : vector<16xf32> to vector<1x16xf32>
        tpu.vector_store %arg15[%swap3A_1181, %swap3A_1182], %swap3A_1185 {strides = array<i32>} : memref<80x128xf32, #tpu.memory_space<vmem>>, vector<1x16xf32>,
        %get3A_1186 = arith.index_cast %add3A_1128 : i32 to index
        %get3A_1187 = arith.constant 48 : index
        %get3A_1188 = tpu.vector_load %arg11[%get3A_1186, %get3A_1187] {strides = array<i32>} : memref<80x128xf32, #tpu.memory_space<vmem>>, vector<1x16xf32>,
        %get3A_1189 = vector.shape_cast %get3A_1188 : vector<1x16xf32> to vector<16xf32>
        %get3A_1190 = arith.index_cast %add3A_1128 : i32 to index
        %get3A_1191 = arith.constant 48 : index
        %get3A_1192 = tpu.vector_load %arg13[%get3A_1190, %get3A_1191] {strides = array<i32>} : memref<80x128xf32, #tpu.memory_space<vmem>>, vector<1x16xf32>,
        %get3A_1193 = vector.shape_cast %get3A_1192 : vector<1x16xf32> to vector<16xf32>
        %add3A_1194 = arith.addf %get3A_1189, %get3A_1193 : vector<16xf32>
        %max3A_1195 = arith.constant 0.000000e+00 : f32
        %max3A_1196 = vector.broadcast %max3A_1195 : f32 to vector<16xf32>
        %max3A_1197 = arith.maximumf %add3A_1194, %max3A_1196 : vector<16xf32>
        %mul3A_1198 = vector.broadcast %squeeze3A_1124 : f32 to vector<16xf32>
        %mul3A_1199 = arith.mulf %max3A_1197, %mul3A_1198 : vector<16xf32>
        %swap3A_1200 = arith.index_cast %add3A_1128 : i32 to index
        %swap3A_1201 = arith.constant 48 : index
        %swap3A_1202 = tpu.vector_load %arg15[%swap3A_1200, %swap3A_1201] {strides = array<i32>} : memref<80x128xf32, #tpu.memory_space<vmem>>, vector<1x16xf32>,
        %swap3A_1203 = vector.shape_cast %swap3A_1202 : vector<1x16xf32> to vector<16xf32>
        %swap3A_1204 = vector.shape_cast %mul3A_1199 : vector<16xf32> to vector<1x16xf32>
        tpu.vector_store %arg15[%swap3A_1200, %swap3A_1201], %swap3A_1204 {strides = array<i32>} : memref<80x128xf32, #tpu.memory_space<vmem>>, vector<1x16xf32>,
        %get3A_1205 = arith.index_cast %add3A_1128 : i32 to index
        %get3A_1206 = arith.constant 64 : index
        %get3A_1207 = tpu.vector_load %arg11[%get3A_1205, %get3A_1206] {strides = array<i32>} : memref<80x128xf32, #tpu.memory_space<vmem>>, vector<1x16xf32>,
        %get3A_1208 = vector.shape_cast %get3A_1207 : vector<1x16xf32> to vector<16xf32>
        %get3A_1209 = arith.index_cast %add3A_1128 : i32 to index
        %get3A_1210 = arith.constant 64 : index
        %get3A_1211 = tpu.vector_load %arg13[%get3A_1209, %get3A_1210] {strides = array<i32>} : memref<80x128xf32, #tpu.memory_space<vmem>>, vector<1x16xf32>,
        %get3A_1212 = vector.shape_cast %get3A_1211 : vector<1x16xf32> to vector<16xf32>
        %add3A_1213 = arith.addf %get3A_1208, %get3A_1212 : vector<16xf32>
        %max3A_1214 = arith.constant 0.000000e+00 : f32
        %max3A_1215 = vector.broadcast %max3A_1214 : f32 to vector<16xf32>
        %max3A_1216 = arith.maximumf %add3A_1213, %max3A_1215 : vector<16xf32>
        %mul3A_1217 = vector.broadcast %squeeze3A_1124 : f32 to vector<16xf32>
        %mul3A_1218 = arith.mulf %max3A_1216, %mul3A_1217 : vector<16xf32>
        %swap3A_1219 = arith.index_cast %add3A_1128 : i32 to index
        %swap3A_1220 = arith.constant 64 : index
        %swap3A_1221 = tpu.vector_load %arg15[%swap3A_1219, %swap3A_1220] {strides = array<i32>} : memref<80x128xf32, #tpu.memory_space<vmem>>, vector<1x16xf32>,
        %swap3A_1222 = vector.shape_cast %swap3A_1221 : vector<1x16xf32> to vector<16xf32>
        %swap3A_1223 = vector.shape_cast %mul3A_1218 : vector<16xf32> to vector<1x16xf32>
        tpu.vector_store %arg15[%swap3A_1219, %swap3A_1220], %swap3A_1223 {strides = array<i32>} : memref<80x128xf32, #tpu.memory_space<vmem>>, vector<1x16xf32>,
        %get3A_1224 = arith.index_cast %add3A_1128 : i32 to index
        %get3A_1225 = arith.constant 80 : index
        %get3A_1226 = tpu.vector_load %arg11[%get3A_1224, %get3A_1225] {strides = array<i32>} : memref<80x128xf32, #tpu.memory_space<vmem>>, vector<1x16xf32>,
        %get3A_1227 = vector.shape_cast %get3A_1226 : vector<1x16xf32> to vector<16xf32>
        %get3A_1228 = arith.index_cast %add3A_1128 : i32 to index
        %get3A_1229 = arith.constant 80 : index
        %get3A_1230 = tpu.vector_load %arg13[%get3A_1228, %get3A_1229] {strides = array<i32>} : memref<80x128xf32, #tpu.memory_space<vmem>>, vector<1x16xf32>,
        %get3A_1231 = vector.shape_cast %get3A_1230 : vector<1x16xf32> to vector<16xf32>
        %add3A_1232 = arith.addf %get3A_1227, %get3A_1231 : vector<16xf32>
        %max3A_1233 = arith.constant 0.000000e+00 : f32
        %max3A_1234 = vector.broadcast %max3A_1233 : f32 to vector<16xf32>
        %max3A_1235 = arith.maximumf %add3A_1232, %max3A_1234 : vector<16xf32>
        %mul3A_1236 = vector.broadcast %squeeze3A_1124 : f32 to vector<16xf32>
        %mul3A_1237 = arith.mulf %max3A_1235, %mul3A_1236 : vector<16xf32>
        %swap3A_1238 = arith.index_cast %add3A_1128 : i32 to index
        %swap3A_1239 = arith.constant 80 : index
        %swap3A_1240 = tpu.vector_load %arg15[%swap3A_1238, %swap3A_1239] {strides = array<i32>} : memref<80x128xf32, #tpu.memory_space<vmem>>, vector<1x16xf32>,
        %swap3A_1241 = vector.shape_cast %swap3A_1240 : vector<1x16xf32> to vector<16xf32>
        %swap3A_1242 = vector.shape_cast %mul3A_1237 : vector<16xf32> to vector<1x16xf32>
        tpu.vector_store %arg15[%swap3A_1238, %swap3A_1239], %swap3A_1242 {strides = array<i32>} : memref<80x128xf32, #tpu.memory_space<vmem>>, vector<1x16xf32>,
        %get3A_1243 = arith.index_cast %add3A_1128 : i32 to index
        %get3A_1244 = arith.constant 96 : index
        %get3A_1245 = tpu.vector_load %arg11[%get3A_1243, %get3A_1244] {strides = array<i32>} : memref<80x128xf32, #tpu.memory_space<vmem>>, vector<1x16xf32>,
        %get3A_1246 = vector.shape_cast %get3A_1245 : vector<1x16xf32> to vector<16xf32>
        %get3A_1247 = arith.index_cast %add3A_1128 : i32 to index
        %get3A_1248 = arith.constant 96 : index
        %get3A_1249 = tpu.vector_load %arg13[%get3A_1247, %get3A_1248] {strides = array<i32>} : memref<80x128xf32, #tpu.memory_space<vmem>>, vector<1x16xf32>,
        %get3A_1250 = vector.shape_cast %get3A_1249 : vector<1x16xf32> to vector<16xf32>
        %add3A_1251 = arith.addf %get3A_1246, %get3A_1250 : vector<16xf32>
        %max3A_1252 = arith.constant 0.000000e+00 : f32
        %max3A_1253 = vector.broadcast %max3A_1252 : f32 to vector<16xf32>
        %max3A_1254 = arith.maximumf %add3A_1251, %max3A_1253 : vector<16xf32>
        %mul3A_1255 = vector.broadcast %squeeze3A_1124 : f32 to vector<16xf32>
        %mul3A_1256 = arith.mulf %max3A_1254, %mul3A_1255 : vector<16xf32>
        %swap3A_1257 = arith.index_cast %add3A_1128 : i32 to index
        %swap3A_1258 = arith.constant 96 : index
        %swap3A_1259 = tpu.vector_load %arg15[%swap3A_1257, %swap3A_1258] {strides = array<i32>} : memref<80x128xf32, #tpu.memory_space<vmem>>, vector<1x16xf32>,
        %swap3A_1260 = vector.shape_cast %swap3A_1259 : vector<1x16xf32> to vector<16xf32>
        %swap3A_1261 = vector.shape_cast %mul3A_1256 : vector<16xf32> to vector<1x16xf32>
        tpu.vector_store %arg15[%swap3A_1257, %swap3A_1258], %swap3A_1261 {strides = array<i32>} : memref<80x128xf32, #tpu.memory_space<vmem>>, vector<1x16xf32>,
        %get3A_1262 = arith.index_cast %add3A_1128 : i32 to index
        %get3A_1263 = arith.constant 112 : index
        %get3A_1264 = tpu.vector_load %arg11[%get3A_1262, %get3A_1263] {strides = array<i32>} : memref<80x128xf32, #tpu.memory_space<vmem>>, vector<1x16xf32>,
        %get3A_1265 = vector.shape_cast %get3A_1264 : vector<1x16xf32> to vector<16xf32>
        %get3A_1266 = arith.index_cast %add3A_1128 : i32 to index
        %get3A_1267 = arith.constant 112 : index
        %get3A_1268 = tpu.vector_load %arg13[%get3A_1266, %get3A_1267] {strides = array<i32>} : memref<80x128xf32, #tpu.memory_space<vmem>>, vector<1x16xf32>,
        %get3A_1269 = vector.shape_cast %get3A_1268 : vector<1x16xf32> to vector<16xf32>
        %add3A_1270 = arith.addf %get3A_1265, %get3A_1269 : vector<16xf32>
        %max3A_1271 = arith.constant 0.000000e+00 : f32
        %max3A_1272 = vector.broadcast %max3A_1271 : f32 to vector<16xf32>
        %max3A_1273 = arith.maximumf %add3A_1270, %max3A_1272 : vector<16xf32>
        %mul3A_1274 = vector.broadcast %squeeze3A_1124 : f32 to vector<16xf32>
        %mul3A_1275 = arith.mulf %max3A_1273, %mul3A_1274 : vector<16xf32>
        %swap3A_1276 = arith.index_cast %add3A_1128 : i32 to index
        %swap3A_1277 = arith.constant 112 : index
        %swap3A_1278 = tpu.vector_load %arg15[%swap3A_1276, %swap3A_1277] {strides = array<i32>} : memref<80x128xf32, #tpu.memory_space<vmem>>, vector<1x16xf32>,
        %swap3A_1279 = vector.shape_cast %swap3A_1278 : vector<1x16xf32> to vector<16xf32>
        %swap3A_1280 = vector.shape_cast %mul3A_1275 : vector<16xf32> to vector<1x16xf32>
        tpu.vector_store %arg15[%swap3A_1276, %swap3A_1277], %swap3A_1280 {strides = array<i32>} : memref<80x128xf32, #tpu.memory_space<vmem>>, vector<1x16xf32>,
        %slice3A_1281 = vector.extract_strided_slice %get3A_178 {offsets = [7], sizes = [1], strides = [1]} : vector<16xf32> to vector<1xf32>
        %squeeze3A_1282 = vector.extract %slice3A_1281[0] : f32 from vector<1xf32>
        %mul3A_1283 = arith.constant 16 : i32
        %mul3A_1284 = arith.muli %scan3A_173, %mul3A_1283 : i32
        %add3A_1285 = arith.constant 7 : i32
        %add3A_1286 = arith.addi %mul3A_1284, %add3A_1285 : i32
        %get3A_1287 = arith.index_cast %add3A_1286 : i32 to index
        %get3A_1288 = arith.constant 0 : index
        %get3A_1289 = tpu.vector_load %arg11[%get3A_1287, %get3A_1288] {strides = array<i32>} : memref<80x128xf32, #tpu.memory_space<vmem>>, vector<1x16xf32>,
        %get3A_1290 = vector.shape_cast %get3A_1289 : vector<1x16xf32> to vector<16xf32>
        %get3A_1291 = arith.index_cast %add3A_1286 : i32 to index
        %get3A_1292 = arith.constant 0 : index
        %get3A_1293 = tpu.vector_load %arg13[%get3A_1291, %get3A_1292] {strides = array<i32>} : memref<80x128xf32, #tpu.memory_space<vmem>>, vector<1x16xf32>,
        %get3A_1294 = vector.shape_cast %get3A_1293 : vector<1x16xf32> to vector<16xf32>
        %add3A_1295 = arith.addf %get3A_1290, %get3A_1294 : vector<16xf32>
        %max3A_1296 = arith.constant 0.000000e+00 : f32
        %max3A_1297 = vector.broadcast %max3A_1296 : f32 to vector<16xf32>
        %max3A_1298 = arith.maximumf %add3A_1295, %max3A_1297 : vector<16xf32>
        %mul3A_1299 = vector.broadcast %squeeze3A_1282 : f32 to vector<16xf32>
        %mul3A_1300 = arith.mulf %max3A_1298, %mul3A_1299 : vector<16xf32>
        %swap3A_1301 = arith.index_cast %add3A_1286 : i32 to index
        %swap3A_1302 = arith.constant 0 : index
        %swap3A_1303 = tpu.vector_load %arg15[%swap3A_1301, %swap3A_1302] {strides = array<i32>} : memref<80x128xf32, #tpu.memory_space<vmem>>, vector<1x16xf32>,
        %swap3A_1304 = vector.shape_cast %swap3A_1303 : vector<1x16xf32> to vector<16xf32>
        %swap3A_1305 = vector.shape_cast %mul3A_1300 : vector<16xf32> to vector<1x16xf32>
        tpu.vector_store %arg15[%swap3A_1301, %swap3A_1302], %swap3A_1305 {strides = array<i32>} : memref<80x128xf32, #tpu.memory_space<vmem>>, vector<1x16xf32>,
        %get3A_1306 = arith.index_cast %add3A_1286 : i32 to index
        %get3A_1307 = arith.constant 16 : index
        %get3A_1308 = tpu.vector_load %arg11[%get3A_1306, %get3A_1307] {strides = array<i32>} : memref<80x128xf32, #tpu.memory_space<vmem>>, vector<1x16xf32>,
        %get3A_1309 = vector.shape_cast %get3A_1308 : vector<1x16xf32> to vector<16xf32>
        %get3A_1310 = arith.index_cast %add3A_1286 : i32 to index
        %get3A_1311 = arith.constant 16 : index
        %get3A_1312 = tpu.vector_load %arg13[%get3A_1310, %get3A_1311] {strides = array<i32>} : memref<80x128xf32, #tpu.memory_space<vmem>>, vector<1x16xf32>,
        %get3A_1313 = vector.shape_cast %get3A_1312 : vector<1x16xf32> to vector<16xf32>
        %add3A_1314 = arith.addf %get3A_1309, %get3A_1313 : vector<16xf32>
        %max3A_1315 = arith.constant 0.000000e+00 : f32
        %max3A_1316 = vector.broadcast %max3A_1315 : f32 to vector<16xf32>
        %max3A_1317 = arith.maximumf %add3A_1314, %max3A_1316 : vector<16xf32>
        %mul3A_1318 = vector.broadcast %squeeze3A_1282 : f32 to vector<16xf32>
        %mul3A_1319 = arith.mulf %max3A_1317, %mul3A_1318 : vector<16xf32>
        %swap3A_1320 = arith.index_cast %add3A_1286 : i32 to index
        %swap3A_1321 = arith.constant 16 : index
        %swap3A_1322 = tpu.vector_load %arg15[%swap3A_1320, %swap3A_1321] {strides = array<i32>} : memref<80x128xf32, #tpu.memory_space<vmem>>, vector<1x16xf32>,
        %swap3A_1323 = vector.shape_cast %swap3A_1322 : vector<1x16xf32> to vector<16xf32>
        %swap3A_1324 = vector.shape_cast %mul3A_1319 : vector<16xf32> to vector<1x16xf32>
        tpu.vector_store %arg15[%swap3A_1320, %swap3A_1321], %swap3A_1324 {strides = array<i32>} : memref<80x128xf32, #tpu.memory_space<vmem>>, vector<1x16xf32>,
        %get3A_1325 = arith.index_cast %add3A_1286 : i32 to index
        %get3A_1326 = arith.constant 32 : index
        %get3A_1327 = tpu.vector_load %arg11[%get3A_1325, %get3A_1326] {strides = array<i32>} : memref<80x128xf32, #tpu.memory_space<vmem>>, vector<1x16xf32>,
        %get3A_1328 = vector.shape_cast %get3A_1327 : vector<1x16xf32> to vector<16xf32>
        %get3A_1329 = arith.index_cast %add3A_1286 : i32 to index
        %get3A_1330 = arith.constant 32 : index
        %get3A_1331 = tpu.vector_load %arg13[%get3A_1329, %get3A_1330] {strides = array<i32>} : memref<80x128xf32, #tpu.memory_space<vmem>>, vector<1x16xf32>,
        %get3A_1332 = vector.shape_cast %get3A_1331 : vector<1x16xf32> to vector<16xf32>
        %add3A_1333 = arith.addf %get3A_1328, %get3A_1332 : vector<16xf32>
        %max3A_1334 = arith.constant 0.000000e+00 : f32
        %max3A_1335 = vector.broadcast %max3A_1334 : f32 to vector<16xf32>
        %max3A_1336 = arith.maximumf %add3A_1333, %max3A_1335 : vector<16xf32>
        %mul3A_1337 = vector.broadcast %squeeze3A_1282 : f32 to vector<16xf32>
        %mul3A_1338 = arith.mulf %max3A_1336, %mul3A_1337 : vector<16xf32>
        %swap3A_1339 = arith.index_cast %add3A_1286 : i32 to index
        %swap3A_1340 = arith.constant 32 : index
        %swap3A_1341 = tpu.vector_load %arg15[%swap3A_1339, %swap3A_1340] {strides = array<i32>} : memref<80x128xf32, #tpu.memory_space<vmem>>, vector<1x16xf32>,
        %swap3A_1342 = vector.shape_cast %swap3A_1341 : vector<1x16xf32> to vector<16xf32>
        %swap3A_1343 = vector.shape_cast %mul3A_1338 : vector<16xf32> to vector<1x16xf32>
        tpu.vector_store %arg15[%swap3A_1339, %swap3A_1340], %swap3A_1343 {strides = array<i32>} : memref<80x128xf32, #tpu.memory_space<vmem>>, vector<1x16xf32>,
        %get3A_1344 = arith.index_cast %add3A_1286 : i32 to index
        %get3A_1345 = arith.constant 48 : index
        %get3A_1346 = tpu.vector_load %arg11[%get3A_1344, %get3A_1345] {strides = array<i32>} : memref<80x128xf32, #tpu.memory_space<vmem>>, vector<1x16xf32>,
        %get3A_1347 = vector.shape_cast %get3A_1346 : vector<1x16xf32> to vector<16xf32>
        %get3A_1348 = arith.index_cast %add3A_1286 : i32 to index
        %get3A_1349 = arith.constant 48 : index
        %get3A_1350 = tpu.vector_load %arg13[%get3A_1348, %get3A_1349] {strides = array<i32>} : memref<80x128xf32, #tpu.memory_space<vmem>>, vector<1x16xf32>,
        %get3A_1351 = vector.shape_cast %get3A_1350 : vector<1x16xf32> to vector<16xf32>
        %add3A_1352 = arith.addf %get3A_1347, %get3A_1351 : vector<16xf32>
        %max3A_1353 = arith.constant 0.000000e+00 : f32
        %max3A_1354 = vector.broadcast %max3A_1353 : f32 to vector<16xf32>
        %max3A_1355 = arith.maximumf %add3A_1352, %max3A_1354 : vector<16xf32>
        %mul3A_1356 = vector.broadcast %squeeze3A_1282 : f32 to vector<16xf32>
        %mul3A_1357 = arith.mulf %max3A_1355, %mul3A_1356 : vector<16xf32>
        %swap3A_1358 = arith.index_cast %add3A_1286 : i32 to index
        %swap3A_1359 = arith.constant 48 : index
        %swap3A_1360 = tpu.vector_load %arg15[%swap3A_1358, %swap3A_1359] {strides = array<i32>} : memref<80x128xf32, #tpu.memory_space<vmem>>, vector<1x16xf32>,
        %swap3A_1361 = vector.shape_cast %swap3A_1360 : vector<1x16xf32> to vector<16xf32>
        %swap3A_1362 = vector.shape_cast %mul3A_1357 : vector<16xf32> to vector<1x16xf32>
        tpu.vector_store %arg15[%swap3A_1358, %swap3A_1359], %swap3A_1362 {strides = array<i32>} : memref<80x128xf32, #tpu.memory_space<vmem>>, vector<1x16xf32>,
        %get3A_1363 = arith.index_cast %add3A_1286 : i32 to index
        %get3A_1364 = arith.constant 64 : index
        %get3A_1365 = tpu.vector_load %arg11[%get3A_1363, %get3A_1364] {strides = array<i32>} : memref<80x128xf32, #tpu.memory_space<vmem>>, vector<1x16xf32>,
        %get3A_1366 = vector.shape_cast %get3A_1365 : vector<1x16xf32> to vector<16xf32>
        %get3A_1367 = arith.index_cast %add3A_1286 : i32 to index
        %get3A_1368 = arith.constant 64 : index
        %get3A_1369 = tpu.vector_load %arg13[%get3A_1367, %get3A_1368] {strides = array<i32>} : memref<80x128xf32, #tpu.memory_space<vmem>>, vector<1x16xf32>,
        %get3A_1370 = vector.shape_cast %get3A_1369 : vector<1x16xf32> to vector<16xf32>
        %add3A_1371 = arith.addf %get3A_1366, %get3A_1370 : vector<16xf32>
        %max3A_1372 = arith.constant 0.000000e+00 : f32
        %max3A_1373 = vector.broadcast %max3A_1372 : f32 to vector<16xf32>
        %max3A_1374 = arith.maximumf %add3A_1371, %max3A_1373 : vector<16xf32>
        %mul3A_1375 = vector.broadcast %squeeze3A_1282 : f32 to vector<16xf32>
        %mul3A_1376 = arith.mulf %max3A_1374, %mul3A_1375 : vector<16xf32>
        %swap3A_1377 = arith.index_cast %add3A_1286 : i32 to index
        %swap3A_1378 = arith.constant 64 : index
        %swap3A_1379 = tpu.vector_load %arg15[%swap3A_1377, %swap3A_1378] {strides = array<i32>} : memref<80x128xf32, #tpu.memory_space<vmem>>, vector<1x16xf32>,
        %swap3A_1380 = vector.shape_cast %swap3A_1379 : vector<1x16xf32> to vector<16xf32>
        %swap3A_1381 = vector.shape_cast %mul3A_1376 : vector<16xf32> to vector<1x16xf32>
        tpu.vector_store %arg15[%swap3A_1377, %swap3A_1378], %swap3A_1381 {strides = array<i32>} : memref<80x128xf32, #tpu.memory_space<vmem>>, vector<1x16xf32>,
        %get3A_1382 = arith.index_cast %add3A_1286 : i32 to index
        %get3A_1383 = arith.constant 80 : index
        %get3A_1384 = tpu.vector_load %arg11[%get3A_1382, %get3A_1383] {strides = array<i32>} : memref<80x128xf32, #tpu.memory_space<vmem>>, vector<1x16xf32>,
        %get3A_1385 = vector.shape_cast %get3A_1384 : vector<1x16xf32> to vector<16xf32>
        %get3A_1386 = arith.index_cast %add3A_1286 : i32 to index
        %get3A_1387 = arith.constant 80 : index
        %get3A_1388 = tpu.vector_load %arg13[%get3A_1386, %get3A_1387] {strides = array<i32>} : memref<80x128xf32, #tpu.memory_space<vmem>>, vector<1x16xf32>,
        %get3A_1389 = vector.shape_cast %get3A_1388 : vector<1x16xf32> to vector<16xf32>
        %add3A_1390 = arith.addf %get3A_1385, %get3A_1389 : vector<16xf32>
        %max3A_1391 = arith.constant 0.000000e+00 : f32
        %max3A_1392 = vector.broadcast %max3A_1391 : f32 to vector<16xf32>
        %max3A_1393 = arith.maximumf %add3A_1390, %max3A_1392 : vector<16xf32>
        %mul3A_1394 = vector.broadcast %squeeze3A_1282 : f32 to vector<16xf32>
        %mul3A_1395 = arith.mulf %max3A_1393, %mul3A_1394 : vector<16xf32>
        %swap3A_1396 = arith.index_cast %add3A_1286 : i32 to index
        %swap3A_1397 = arith.constant 80 : index
        %swap3A_1398 = tpu.vector_load %arg15[%swap3A_1396, %swap3A_1397] {strides = array<i32>} : memref<80x128xf32, #tpu.memory_space<vmem>>, vector<1x16xf32>,
        %swap3A_1399 = vector.shape_cast %swap3A_1398 : vector<1x16xf32> to vector<16xf32>
        %swap3A_1400 = vector.shape_cast %mul3A_1395 : vector<16xf32> to vector<1x16xf32>
        tpu.vector_store %arg15[%swap3A_1396, %swap3A_1397], %swap3A_1400 {strides = array<i32>} : memref<80x128xf32, #tpu.memory_space<vmem>>, vector<1x16xf32>,
        %get3A_1401 = arith.index_cast %add3A_1286 : i32 to index
        %get3A_1402 = arith.constant 96 : index
        %get3A_1403 = tpu.vector_load %arg11[%get3A_1401, %get3A_1402] {strides = array<i32>} : memref<80x128xf32, #tpu.memory_space<vmem>>, vector<1x16xf32>,
        %get3A_1404 = vector.shape_cast %get3A_1403 : vector<1x16xf32> to vector<16xf32>
        %get3A_1405 = arith.index_cast %add3A_1286 : i32 to index
        %get3A_1406 = arith.constant 96 : index
        %get3A_1407 = tpu.vector_load %arg13[%get3A_1405, %get3A_1406] {strides = array<i32>} : memref<80x128xf32, #tpu.memory_space<vmem>>, vector<1x16xf32>,
        %get3A_1408 = vector.shape_cast %get3A_1407 : vector<1x16xf32> to vector<16xf32>
        %add3A_1409 = arith.addf %get3A_1404, %get3A_1408 : vector<16xf32>
        %max3A_1410 = arith.constant 0.000000e+00 : f32
        %max3A_1411 = vector.broadcast %max3A_1410 : f32 to vector<16xf32>
        %max3A_1412 = arith.maximumf %add3A_1409, %max3A_1411 : vector<16xf32>
        %mul3A_1413 = vector.broadcast %squeeze3A_1282 : f32 to vector<16xf32>
        %mul3A_1414 = arith.mulf %max3A_1412, %mul3A_1413 : vector<16xf32>
        %swap3A_1415 = arith.index_cast %add3A_1286 : i32 to index
        %swap3A_1416 = arith.constant 96 : index
        %swap3A_1417 = tpu.vector_load %arg15[%swap3A_1415, %swap3A_1416] {strides = array<i32>} : memref<80x128xf32, #tpu.memory_space<vmem>>, vector<1x16xf32>,
        %swap3A_1418 = vector.shape_cast %swap3A_1417 : vector<1x16xf32> to vector<16xf32>
        %swap3A_1419 = vector.shape_cast %mul3A_1414 : vector<16xf32> to vector<1x16xf32>
        tpu.vector_store %arg15[%swap3A_1415, %swap3A_1416], %swap3A_1419 {strides = array<i32>} : memref<80x128xf32, #tpu.memory_space<vmem>>, vector<1x16xf32>,
        %get3A_1420 = arith.index_cast %add3A_1286 : i32 to index
        %get3A_1421 = arith.constant 112 : index
        %get3A_1422 = tpu.vector_load %arg11[%get3A_1420, %get3A_1421] {strides = array<i32>} : memref<80x128xf32, #tpu.memory_space<vmem>>, vector<1x16xf32>,
        %get3A_1423 = vector.shape_cast %get3A_1422 : vector<1x16xf32> to vector<16xf32>
        %get3A_1424 = arith.index_cast %add3A_1286 : i32 to index
        %get3A_1425 = arith.constant 112 : index
        %get3A_1426 = tpu.vector_load %arg13[%get3A_1424, %get3A_1425] {strides = array<i32>} : memref<80x128xf32, #tpu.memory_space<vmem>>, vector<1x16xf32>,
        %get3A_1427 = vector.shape_cast %get3A_1426 : vector<1x16xf32> to vector<16xf32>
        %add3A_1428 = arith.addf %get3A_1423, %get3A_1427 : vector<16xf32>
        %max3A_1429 = arith.constant 0.000000e+00 : f32
        %max3A_1430 = vector.broadcast %max3A_1429 : f32 to vector<16xf32>
        %max3A_1431 = arith.maximumf %add3A_1428, %max3A_1430 : vector<16xf32>
        %mul3A_1432 = vector.broadcast %squeeze3A_1282 : f32 to vector<16xf32>
        %mul3A_1433 = arith.mulf %max3A_1431, %mul3A_1432 : vector<16xf32>
        %swap3A_1434 = arith.index_cast %add3A_1286 : i32 to index
        %swap3A_1435 = arith.constant 112 : index
        %swap3A_1436 = tpu.vector_load %arg15[%swap3A_1434, %swap3A_1435] {strides = array<i32>} : memref<80x128xf32, #tpu.memory_space<vmem>>, vector<1x16xf32>,
        %swap3A_1437 = vector.shape_cast %swap3A_1436 : vector<1x16xf32> to vector<16xf32>
        %swap3A_1438 = vector.shape_cast %mul3A_1433 : vector<16xf32> to vector<1x16xf32>
        tpu.vector_store %arg15[%swap3A_1434, %swap3A_1435], %swap3A_1438 {strides = array<i32>} : memref<80x128xf32, #tpu.memory_space<vmem>>, vector<1x16xf32>,
        %slice3A_1439 = vector.extract_strided_slice %get3A_178 {offsets = [8], sizes = [1], strides = [1]} : vector<16xf32> to vector<1xf32>
        %squeeze3A_1440 = vector.extract %slice3A_1439[0] : f32 from vector<1xf32>
        %mul3A_1441 = arith.constant 16 : i32
        %mul3A_1442 = arith.muli %scan3A_173, %mul3A_1441 : i32
        %add3A_1443 = arith.constant 8 : i32
        %add3A_1444 = arith.addi %mul3A_1442, %add3A_1443 : i32
        %get3A_1445 = arith.index_cast %add3A_1444 : i32 to index
        %get3A_1446 = arith.constant 0 : index
        %get3A_1447 = tpu.vector_load %arg11[%get3A_1445, %get3A_1446] {strides = array<i32>} : memref<80x128xf32, #tpu.memory_space<vmem>>, vector<1x16xf32>,
        %get3A_1448 = vector.shape_cast %get3A_1447 : vector<1x16xf32> to vector<16xf32>
        %get3A_1449 = arith.index_cast %add3A_1444 : i32 to index
        %get3A_1450 = arith.constant 0 : index
        %get3A_1451 = tpu.vector_load %arg13[%get3A_1449, %get3A_1450] {strides = array<i32>} : memref<80x128xf32, #tpu.memory_space<vmem>>, vector<1x16xf32>,
        %get3A_1452 = vector.shape_cast %get3A_1451 : vector<1x16xf32> to vector<16xf32>
        %add3A_1453 = arith.addf %get3A_1448, %get3A_1452 : vector<16xf32>
        %max3A_1454 = arith.constant 0.000000e+00 : f32
        %max3A_1455 = vector.broadcast %max3A_1454 : f32 to vector<16xf32>
        %max3A_1456 = arith.maximumf %add3A_1453, %max3A_1455 : vector<16xf32>
        %mul3A_1457 = vector.broadcast %squeeze3A_1440 : f32 to vector<16xf32>
        %mul3A_1458 = arith.mulf %max3A_1456, %mul3A_1457 : vector<16xf32>
        %swap3A_1459 = arith.index_cast %add3A_1444 : i32 to index
        %swap3A_1460 = arith.constant 0 : index
        %swap3A_1461 = tpu.vector_load %arg15[%swap3A_1459, %swap3A_1460] {strides = array<i32>} : memref<80x128xf32, #tpu.memory_space<vmem>>, vector<1x16xf32>,
        %swap3A_1462 = vector.shape_cast %swap3A_1461 : vector<1x16xf32> to vector<16xf32>
        %swap3A_1463 = vector.shape_cast %mul3A_1458 : vector<16xf32> to vector<1x16xf32>
        tpu.vector_store %arg15[%swap3A_1459, %swap3A_1460], %swap3A_1463 {strides = array<i32>} : memref<80x128xf32, #tpu.memory_space<vmem>>, vector<1x16xf32>,
        %get3A_1464 = arith.index_cast %add3A_1444 : i32 to index
        %get3A_1465 = arith.constant 16 : index
        %get3A_1466 = tpu.vector_load %arg11[%get3A_1464, %get3A_1465] {strides = array<i32>} : memref<80x128xf32, #tpu.memory_space<vmem>>, vector<1x16xf32>,
        %get3A_1467 = vector.shape_cast %get3A_1466 : vector<1x16xf32> to vector<16xf32>
        %get3A_1468 = arith.index_cast %add3A_1444 : i32 to index
        %get3A_1469 = arith.constant 16 : index
        %get3A_1470 = tpu.vector_load %arg13[%get3A_1468, %get3A_1469] {strides = array<i32>} : memref<80x128xf32, #tpu.memory_space<vmem>>, vector<1x16xf32>,
        %get3A_1471 = vector.shape_cast %get3A_1470 : vector<1x16xf32> to vector<16xf32>
        %add3A_1472 = arith.addf %get3A_1467, %get3A_1471 : vector<16xf32>
        %max3A_1473 = arith.constant 0.000000e+00 : f32
        %max3A_1474 = vector.broadcast %max3A_1473 : f32 to vector<16xf32>
        %max3A_1475 = arith.maximumf %add3A_1472, %max3A_1474 : vector<16xf32>
        %mul3A_1476 = vector.broadcast %squeeze3A_1440 : f32 to vector<16xf32>
        %mul3A_1477 = arith.mulf %max3A_1475, %mul3A_1476 : vector<16xf32>
        %swap3A_1478 = arith.index_cast %add3A_1444 : i32 to index
        %swap3A_1479 = arith.constant 16 : index
        %swap3A_1480 = tpu.vector_load %arg15[%swap3A_1478, %swap3A_1479] {strides = array<i32>} : memref<80x128xf32, #tpu.memory_space<vmem>>, vector<1x16xf32>,
        %swap3A_1481 = vector.shape_cast %swap3A_1480 : vector<1x16xf32> to vector<16xf32>
        %swap3A_1482 = vector.shape_cast %mul3A_1477 : vector<16xf32> to vector<1x16xf32>
        tpu.vector_store %arg15[%swap3A_1478, %swap3A_1479], %swap3A_1482 {strides = array<i32>} : memref<80x128xf32, #tpu.memory_space<vmem>>, vector<1x16xf32>,
        %get3A_1483 = arith.index_cast %add3A_1444 : i32 to index
        %get3A_1484 = arith.constant 32 : index
        %get3A_1485 = tpu.vector_load %arg11[%get3A_1483, %get3A_1484] {strides = array<i32>} : memref<80x128xf32, #tpu.memory_space<vmem>>, vector<1x16xf32>,
        %get3A_1486 = vector.shape_cast %get3A_1485 : vector<1x16xf32> to vector<16xf32>
        %get3A_1487 = arith.index_cast %add3A_1444 : i32 to index
        %get3A_1488 = arith.constant 32 : index
        %get3A_1489 = tpu.vector_load %arg13[%get3A_1487, %get3A_1488] {strides = array<i32>} : memref<80x128xf32, #tpu.memory_space<vmem>>, vector<1x16xf32>,
        %get3A_1490 = vector.shape_cast %get3A_1489 : vector<1x16xf32> to vector<16xf32>
        %add3A_1491 = arith.addf %get3A_1486, %get3A_1490 : vector<16xf32>
        %max3A_1492 = arith.constant 0.000000e+00 : f32
        %max3A_1493 = vector.broadcast %max3A_1492 : f32 to vector<16xf32>
        %max3A_1494 = arith.maximumf %add3A_1491, %max3A_1493 : vector<16xf32>
        %mul3A_1495 = vector.broadcast %squeeze3A_1440 : f32 to vector<16xf32>
        %mul3A_1496 = arith.mulf %max3A_1494, %mul3A_1495 : vector<16xf32>
        %swap3A_1497 = arith.index_cast %add3A_1444 : i32 to index
        %swap3A_1498 = arith.constant 32 : index
        %swap3A_1499 = tpu.vector_load %arg15[%swap3A_1497, %swap3A_1498] {strides = array<i32>} : memref<80x128xf32, #tpu.memory_space<vmem>>, vector<1x16xf32>,
        %swap3A_1500 = vector.shape_cast %swap3A_1499 : vector<1x16xf32> to vector<16xf32>
        %swap3A_1501 = vector.shape_cast %mul3A_1496 : vector<16xf32> to vector<1x16xf32>
        tpu.vector_store %arg15[%swap3A_1497, %swap3A_1498], %swap3A_1501 {strides = array<i32>} : memref<80x128xf32, #tpu.memory_space<vmem>>, vector<1x16xf32>,
        %get3A_1502 = arith.index_cast %add3A_1444 : i32 to index
        %get3A_1503 = arith.constant 48 : index
        %get3A_1504 = tpu.vector_load %arg11[%get3A_1502, %get3A_1503] {strides = array<i32>} : memref<80x128xf32, #tpu.memory_space<vmem>>, vector<1x16xf32>,
        %get3A_1505 = vector.shape_cast %get3A_1504 : vector<1x16xf32> to vector<16xf32>
        %get3A_1506 = arith.index_cast %add3A_1444 : i32 to index
        %get3A_1507 = arith.constant 48 : index
        %get3A_1508 = tpu.vector_load %arg13[%get3A_1506, %get3A_1507] {strides = array<i32>} : memref<80x128xf32, #tpu.memory_space<vmem>>, vector<1x16xf32>,
        %get3A_1509 = vector.shape_cast %get3A_1508 : vector<1x16xf32> to vector<16xf32>
        %add3A_1510 = arith.addf %get3A_1505, %get3A_1509 : vector<16xf32>
        %max3A_1511 = arith.constant 0.000000e+00 : f32
        %max3A_1512 = vector.broadcast %max3A_1511 : f32 to vector<16xf32>
        %max3A_1513 = arith.maximumf %add3A_1510, %max3A_1512 : vector<16xf32>
        %mul3A_1514 = vector.broadcast %squeeze3A_1440 : f32 to vector<16xf32>
        %mul3A_1515 = arith.mulf %max3A_1513, %mul3A_1514 : vector<16xf32>
        %swap3A_1516 = arith.index_cast %add3A_1444 : i32 to index
        %swap3A_1517 = arith.constant 48 : index
        %swap3A_1518 = tpu.vector_load %arg15[%swap3A_1516, %swap3A_1517] {strides = array<i32>} : memref<80x128xf32, #tpu.memory_space<vmem>>, vector<1x16xf32>,
        %swap3A_1519 = vector.shape_cast %swap3A_1518 : vector<1x16xf32> to vector<16xf32>
        %swap3A_1520 = vector.shape_cast %mul3A_1515 : vector<16xf32> to vector<1x16xf32>
        tpu.vector_store %arg15[%swap3A_1516, %swap3A_1517], %swap3A_1520 {strides = array<i32>} : memref<80x128xf32, #tpu.memory_space<vmem>>, vector<1x16xf32>,
        %get3A_1521 = arith.index_cast %add3A_1444 : i32 to index
        %get3A_1522 = arith.constant 64 : index
        %get3A_1523 = tpu.vector_load %arg11[%get3A_1521, %get3A_1522] {strides = array<i32>} : memref<80x128xf32, #tpu.memory_space<vmem>>, vector<1x16xf32>,
        %get3A_1524 = vector.shape_cast %get3A_1523 : vector<1x16xf32> to vector<16xf32>
        %get3A_1525 = arith.index_cast %add3A_1444 : i32 to index
        %get3A_1526 = arith.constant 64 : index
        %get3A_1527 = tpu.vector_load %arg13[%get3A_1525, %get3A_1526] {strides = array<i32>} : memref<80x128xf32, #tpu.memory_space<vmem>>, vector<1x16xf32>,
        %get3A_1528 = vector.shape_cast %get3A_1527 : vector<1x16xf32> to vector<16xf32>
        %add3A_1529 = arith.addf %get3A_1524, %get3A_1528 : vector<16xf32>
        %max3A_1530 = arith.constant 0.000000e+00 : f32
        %max3A_1531 = vector.broadcast %max3A_1530 : f32 to vector<16xf32>
        %max3A_1532 = arith.maximumf %add3A_1529, %max3A_1531 : vector<16xf32>
        %mul3A_1533 = vector.broadcast %squeeze3A_1440 : f32 to vector<16xf32>
        %mul3A_1534 = arith.mulf %max3A_1532, %mul3A_1533 : vector<16xf32>
        %swap3A_1535 = arith.index_cast %add3A_1444 : i32 to index
        %swap3A_1536 = arith.constant 64 : index
        %swap3A_1537 = tpu.vector_load %arg15[%swap3A_1535, %swap3A_1536] {strides = array<i32>} : memref<80x128xf32, #tpu.memory_space<vmem>>, vector<1x16xf32>,
        %swap3A_1538 = vector.shape_cast %swap3A_1537 : vector<1x16xf32> to vector<16xf32>
        %swap3A_1539 = vector.shape_cast %mul3A_1534 : vector<16xf32> to vector<1x16xf32>
        tpu.vector_store %arg15[%swap3A_1535, %swap3A_1536], %swap3A_1539 {strides = array<i32>} : memref<80x128xf32, #tpu.memory_space<vmem>>, vector<1x16xf32>,
        %get3A_1540 = arith.index_cast %add3A_1444 : i32 to index
        %get3A_1541 = arith.constant 80 : index
        %get3A_1542 = tpu.vector_load %arg11[%get3A_1540, %get3A_1541] {strides = array<i32>} : memref<80x128xf32, #tpu.memory_space<vmem>>, vector<1x16xf32>,
        %get3A_1543 = vector.shape_cast %get3A_1542 : vector<1x16xf32> to vector<16xf32>
        %get3A_1544 = arith.index_cast %add3A_1444 : i32 to index
        %get3A_1545 = arith.constant 80 : index
        %get3A_1546 = tpu.vector_load %arg13[%get3A_1544, %get3A_1545] {strides = array<i32>} : memref<80x128xf32, #tpu.memory_space<vmem>>, vector<1x16xf32>,
        %get3A_1547 = vector.shape_cast %get3A_1546 : vector<1x16xf32> to vector<16xf32>
        %add3A_1548 = arith.addf %get3A_1543, %get3A_1547 : vector<16xf32>
        %max3A_1549 = arith.constant 0.000000e+00 : f32
        %max3A_1550 = vector.broadcast %max3A_1549 : f32 to vector<16xf32>
        %max3A_1551 = arith.maximumf %add3A_1548, %max3A_1550 : vector<16xf32>
        %mul3A_1552 = vector.broadcast %squeeze3A_1440 : f32 to vector<16xf32>
        %mul3A_1553 = arith.mulf %max3A_1551, %mul3A_1552 : vector<16xf32>
        %swap3A_1554 = arith.index_cast %add3A_1444 : i32 to index
        %swap3A_1555 = arith.constant 80 : index
        %swap3A_1556 = tpu.vector_load %arg15[%swap3A_1554, %swap3A_1555] {strides = array<i32>} : memref<80x128xf32, #tpu.memory_space<vmem>>, vector<1x16xf32>,
        %swap3A_1557 = vector.shape_cast %swap3A_1556 : vector<1x16xf32> to vector<16xf32>
        %swap3A_1558 = vector.shape_cast %mul3A_1553 : vector<16xf32> to vector<1x16xf32>
        tpu.vector_store %arg15[%swap3A_1554, %swap3A_1555], %swap3A_1558 {strides = array<i32>} : memref<80x128xf32, #tpu.memory_space<vmem>>, vector<1x16xf32>,
        %get3A_1559 = arith.index_cast %add3A_1444 : i32 to index
        %get3A_1560 = arith.constant 96 : index
        %get3A_1561 = tpu.vector_load %arg11[%get3A_1559, %get3A_1560] {strides = array<i32>} : memref<80x128xf32, #tpu.memory_space<vmem>>, vector<1x16xf32>,
        %get3A_1562 = vector.shape_cast %get3A_1561 : vector<1x16xf32> to vector<16xf32>
        %get3A_1563 = arith.index_cast %add3A_1444 : i32 to index
        %get3A_1564 = arith.constant 96 : index
        %get3A_1565 = tpu.vector_load %arg13[%get3A_1563, %get3A_1564] {strides = array<i32>} : memref<80x128xf32, #tpu.memory_space<vmem>>, vector<1x16xf32>,
        %get3A_1566 = vector.shape_cast %get3A_1565 : vector<1x16xf32> to vector<16xf32>
        %add3A_1567 = arith.addf %get3A_1562, %get3A_1566 : vector<16xf32>
        %max3A_1568 = arith.constant 0.000000e+00 : f32
        %max3A_1569 = vector.broadcast %max3A_1568 : f32 to vector<16xf32>
        %max3A_1570 = arith.maximumf %add3A_1567, %max3A_1569 : vector<16xf32>
        %mul3A_1571 = vector.broadcast %squeeze3A_1440 : f32 to vector<16xf32>
        %mul3A_1572 = arith.mulf %max3A_1570, %mul3A_1571 : vector<16xf32>
        %swap3A_1573 = arith.index_cast %add3A_1444 : i32 to index
        %swap3A_1574 = arith.constant 96 : index
        %swap3A_1575 = tpu.vector_load %arg15[%swap3A_1573, %swap3A_1574] {strides = array<i32>} : memref<80x128xf32, #tpu.memory_space<vmem>>, vector<1x16xf32>,
        %swap3A_1576 = vector.shape_cast %swap3A_1575 : vector<1x16xf32> to vector<16xf32>
        %swap3A_1577 = vector.shape_cast %mul3A_1572 : vector<16xf32> to vector<1x16xf32>
        tpu.vector_store %arg15[%swap3A_1573, %swap3A_1574], %swap3A_1577 {strides = array<i32>} : memref<80x128xf32, #tpu.memory_space<vmem>>, vector<1x16xf32>,
        %get3A_1578 = arith.index_cast %add3A_1444 : i32 to index
        %get3A_1579 = arith.constant 112 : index
        %get3A_1580 = tpu.vector_load %arg11[%get3A_1578, %get3A_1579] {strides = array<i32>} : memref<80x128xf32, #tpu.memory_space<vmem>>, vector<1x16xf32>,
        %get3A_1581 = vector.shape_cast %get3A_1580 : vector<1x16xf32> to vector<16xf32>
        %get3A_1582 = arith.index_cast %add3A_1444 : i32 to index
        %get3A_1583 = arith.constant 112 : index
        %get3A_1584 = tpu.vector_load %arg13[%get3A_1582, %get3A_1583] {strides = array<i32>} : memref<80x128xf32, #tpu.memory_space<vmem>>, vector<1x16xf32>,
        %get3A_1585 = vector.shape_cast %get3A_1584 : vector<1x16xf32> to vector<16xf32>
        %add3A_1586 = arith.addf %get3A_1581, %get3A_1585 : vector<16xf32>
        %max3A_1587 = arith.constant 0.000000e+00 : f32
        %max3A_1588 = vector.broadcast %max3A_1587 : f32 to vector<16xf32>
        %max3A_1589 = arith.maximumf %add3A_1586, %max3A_1588 : vector<16xf32>
        %mul3A_1590 = vector.broadcast %squeeze3A_1440 : f32 to vector<16xf32>
        %mul3A_1591 = arith.mulf %max3A_1589, %mul3A_1590 : vector<16xf32>
        %swap3A_1592 = arith.index_cast %add3A_1444 : i32 to index
        %swap3A_1593 = arith.constant 112 : index
        %swap3A_1594 = tpu.vector_load %arg15[%swap3A_1592, %swap3A_1593] {strides = array<i32>} : memref<80x128xf32, #tpu.memory_space<vmem>>, vector<1x16xf32>,
        %swap3A_1595 = vector.shape_cast %swap3A_1594 : vector<1x16xf32> to vector<16xf32>
        %swap3A_1596 = vector.shape_cast %mul3A_1591 : vector<16xf32> to vector<1x16xf32>
        tpu.vector_store %arg15[%swap3A_1592, %swap3A_1593], %swap3A_1596 {strides = array<i32>} : memref<80x128xf32, #tpu.memory_space<vmem>>, vector<1x16xf32>,
        %slice3A_1597 = vector.extract_strided_slice %get3A_178 {offsets = [9], sizes = [1], strides = [1]} : vector<16xf32> to vector<1xf32>
        %squeeze3A_1598 = vector.extract %slice3A_1597[0] : f32 from vector<1xf32>
        %mul3A_1599 = arith.constant 16 : i32
        %mul3A_1600 = arith.muli %scan3A_173, %mul3A_1599 : i32
        %add3A_1601 = arith.constant 9 : i32
        %add3A_1602 = arith.addi %mul3A_1600, %add3A_1601 : i32
        %get3A_1603 = arith.index_cast %add3A_1602 : i32 to index
        %get3A_1604 = arith.constant 0 : index
        %get3A_1605 = tpu.vector_load %arg11[%get3A_1603, %get3A_1604] {strides = array<i32>} : memref<80x128xf32, #tpu.memory_space<vmem>>, vector<1x16xf32>,
        %get3A_1606 = vector.shape_cast %get3A_1605 : vector<1x16xf32> to vector<16xf32>
        %get3A_1607 = arith.index_cast %add3A_1602 : i32 to index
        %get3A_1608 = arith.constant 0 : index
        %get3A_1609 = tpu.vector_load %arg13[%get3A_1607, %get3A_1608] {strides = array<i32>} : memref<80x128xf32, #tpu.memory_space<vmem>>, vector<1x16xf32>,
        %get3A_1610 = vector.shape_cast %get3A_1609 : vector<1x16xf32> to vector<16xf32>
        %add3A_1611 = arith.addf %get3A_1606, %get3A_1610 : vector<16xf32>
        %max3A_1612 = arith.constant 0.000000e+00 : f32
        %max3A_1613 = vector.broadcast %max3A_1612 : f32 to vector<16xf32>
        %max3A_1614 = arith.maximumf %add3A_1611, %max3A_1613 : vector<16xf32>
        %mul3A_1615 = vector.broadcast %squeeze3A_1598 : f32 to vector<16xf32>
        %mul3A_1616 = arith.mulf %max3A_1614, %mul3A_1615 : vector<16xf32>
        %swap3A_1617 = arith.index_cast %add3A_1602 : i32 to index
        %swap3A_1618 = arith.constant 0 : index
        %swap3A_1619 = tpu.vector_load %arg15[%swap3A_1617, %swap3A_1618] {strides = array<i32>} : memref<80x128xf32, #tpu.memory_space<vmem>>, vector<1x16xf32>,
        %swap3A_1620 = vector.shape_cast %swap3A_1619 : vector<1x16xf32> to vector<16xf32>
        %swap3A_1621 = vector.shape_cast %mul3A_1616 : vector<16xf32> to vector<1x16xf32>
        tpu.vector_store %arg15[%swap3A_1617, %swap3A_1618], %swap3A_1621 {strides = array<i32>} : memref<80x128xf32, #tpu.memory_space<vmem>>, vector<1x16xf32>,
        %get3A_1622 = arith.index_cast %add3A_1602 : i32 to index
        %get3A_1623 = arith.constant 16 : index
        %get3A_1624 = tpu.vector_load %arg11[%get3A_1622, %get3A_1623] {strides = array<i32>} : memref<80x128xf32, #tpu.memory_space<vmem>>, vector<1x16xf32>,
        %get3A_1625 = vector.shape_cast %get3A_1624 : vector<1x16xf32> to vector<16xf32>
        %get3A_1626 = arith.index_cast %add3A_1602 : i32 to index
        %get3A_1627 = arith.constant 16 : index
        %get3A_1628 = tpu.vector_load %arg13[%get3A_1626, %get3A_1627] {strides = array<i32>} : memref<80x128xf32, #tpu.memory_space<vmem>>, vector<1x16xf32>,
        %get3A_1629 = vector.shape_cast %get3A_1628 : vector<1x16xf32> to vector<16xf32>
        %add3A_1630 = arith.addf %get3A_1625, %get3A_1629 : vector<16xf32>
        %max3A_1631 = arith.constant 0.000000e+00 : f32
        %max3A_1632 = vector.broadcast %max3A_1631 : f32 to vector<16xf32>
        %max3A_1633 = arith.maximumf %add3A_1630, %max3A_1632 : vector<16xf32>
        %mul3A_1634 = vector.broadcast %squeeze3A_1598 : f32 to vector<16xf32>
        %mul3A_1635 = arith.mulf %max3A_1633, %mul3A_1634 : vector<16xf32>
        %swap3A_1636 = arith.index_cast %add3A_1602 : i32 to index
        %swap3A_1637 = arith.constant 16 : index
        %swap3A_1638 = tpu.vector_load %arg15[%swap3A_1636, %swap3A_1637] {strides = array<i32>} : memref<80x128xf32, #tpu.memory_space<vmem>>, vector<1x16xf32>,
        %swap3A_1639 = vector.shape_cast %swap3A_1638 : vector<1x16xf32> to vector<16xf32>
        %swap3A_1640 = vector.shape_cast %mul3A_1635 : vector<16xf32> to vector<1x16xf32>
        tpu.vector_store %arg15[%swap3A_1636, %swap3A_1637], %swap3A_1640 {strides = array<i32>} : memref<80x128xf32, #tpu.memory_space<vmem>>, vector<1x16xf32>,
        %get3A_1641 = arith.index_cast %add3A_1602 : i32 to index
        %get3A_1642 = arith.constant 32 : index
        %get3A_1643 = tpu.vector_load %arg11[%get3A_1641, %get3A_1642] {strides = array<i32>} : memref<80x128xf32, #tpu.memory_space<vmem>>, vector<1x16xf32>,
        %get3A_1644 = vector.shape_cast %get3A_1643 : vector<1x16xf32> to vector<16xf32>
        %get3A_1645 = arith.index_cast %add3A_1602 : i32 to index
        %get3A_1646 = arith.constant 32 : index
        %get3A_1647 = tpu.vector_load %arg13[%get3A_1645, %get3A_1646] {strides = array<i32>} : memref<80x128xf32, #tpu.memory_space<vmem>>, vector<1x16xf32>,
        %get3A_1648 = vector.shape_cast %get3A_1647 : vector<1x16xf32> to vector<16xf32>
        %add3A_1649 = arith.addf %get3A_1644, %get3A_1648 : vector<16xf32>
        %max3A_1650 = arith.constant 0.000000e+00 : f32
        %max3A_1651 = vector.broadcast %max3A_1650 : f32 to vector<16xf32>
        %max3A_1652 = arith.maximumf %add3A_1649, %max3A_1651 : vector<16xf32>
        %mul3A_1653 = vector.broadcast %squeeze3A_1598 : f32 to vector<16xf32>
        %mul3A_1654 = arith.mulf %max3A_1652, %mul3A_1653 : vector<16xf32>
        %swap3A_1655 = arith.index_cast %add3A_1602 : i32 to index
        %swap3A_1656 = arith.constant 32 : index
        %swap3A_1657 = tpu.vector_load %arg15[%swap3A_1655, %swap3A_1656] {strides = array<i32>} : memref<80x128xf32, #tpu.memory_space<vmem>>, vector<1x16xf32>,
        %swap3A_1658 = vector.shape_cast %swap3A_1657 : vector<1x16xf32> to vector<16xf32>
        %swap3A_1659 = vector.shape_cast %mul3A_1654 : vector<16xf32> to vector<1x16xf32>
        tpu.vector_store %arg15[%swap3A_1655, %swap3A_1656], %swap3A_1659 {strides = array<i32>} : memref<80x128xf32, #tpu.memory_space<vmem>>, vector<1x16xf32>,
        %get3A_1660 = arith.index_cast %add3A_1602 : i32 to index
        %get3A_1661 = arith.constant 48 : index
        %get3A_1662 = tpu.vector_load %arg11[%get3A_1660, %get3A_1661] {strides = array<i32>} : memref<80x128xf32, #tpu.memory_space<vmem>>, vector<1x16xf32>,
        %get3A_1663 = vector.shape_cast %get3A_1662 : vector<1x16xf32> to vector<16xf32>
        %get3A_1664 = arith.index_cast %add3A_1602 : i32 to index
        %get3A_1665 = arith.constant 48 : index
        %get3A_1666 = tpu.vector_load %arg13[%get3A_1664, %get3A_1665] {strides = array<i32>} : memref<80x128xf32, #tpu.memory_space<vmem>>, vector<1x16xf32>,
        %get3A_1667 = vector.shape_cast %get3A_1666 : vector<1x16xf32> to vector<16xf32>
        %add3A_1668 = arith.addf %get3A_1663, %get3A_1667 : vector<16xf32>
        %max3A_1669 = arith.constant 0.000000e+00 : f32
        %max3A_1670 = vector.broadcast %max3A_1669 : f32 to vector<16xf32>
        %max3A_1671 = arith.maximumf %add3A_1668, %max3A_1670 : vector<16xf32>
        %mul3A_1672 = vector.broadcast %squeeze3A_1598 : f32 to vector<16xf32>
        %mul3A_1673 = arith.mulf %max3A_1671, %mul3A_1672 : vector<16xf32>
        %swap3A_1674 = arith.index_cast %add3A_1602 : i32 to index
        %swap3A_1675 = arith.constant 48 : index
        %swap3A_1676 = tpu.vector_load %arg15[%swap3A_1674, %swap3A_1675] {strides = array<i32>} : memref<80x128xf32, #tpu.memory_space<vmem>>, vector<1x16xf32>,
        %swap3A_1677 = vector.shape_cast %swap3A_1676 : vector<1x16xf32> to vector<16xf32>
        %swap3A_1678 = vector.shape_cast %mul3A_1673 : vector<16xf32> to vector<1x16xf32>
        tpu.vector_store %arg15[%swap3A_1674, %swap3A_1675], %swap3A_1678 {strides = array<i32>} : memref<80x128xf32, #tpu.memory_space<vmem>>, vector<1x16xf32>,
        %get3A_1679 = arith.index_cast %add3A_1602 : i32 to index
        %get3A_1680 = arith.constant 64 : index
        %get3A_1681 = tpu.vector_load %arg11[%get3A_1679, %get3A_1680] {strides = array<i32>} : memref<80x128xf32, #tpu.memory_space<vmem>>, vector<1x16xf32>,
        %get3A_1682 = vector.shape_cast %get3A_1681 : vector<1x16xf32> to vector<16xf32>
        %get3A_1683 = arith.index_cast %add3A_1602 : i32 to index
        %get3A_1684 = arith.constant 64 : index
        %get3A_1685 = tpu.vector_load %arg13[%get3A_1683, %get3A_1684] {strides = array<i32>} : memref<80x128xf32, #tpu.memory_space<vmem>>, vector<1x16xf32>,
        %get3A_1686 = vector.shape_cast %get3A_1685 : vector<1x16xf32> to vector<16xf32>
        %add3A_1687 = arith.addf %get3A_1682, %get3A_1686 : vector<16xf32>
        %max3A_1688 = arith.constant 0.000000e+00 : f32
        %max3A_1689 = vector.broadcast %max3A_1688 : f32 to vector<16xf32>
        %max3A_1690 = arith.maximumf %add3A_1687, %max3A_1689 : vector<16xf32>
        %mul3A_1691 = vector.broadcast %squeeze3A_1598 : f32 to vector<16xf32>
        %mul3A_1692 = arith.mulf %max3A_1690, %mul3A_1691 : vector<16xf32>
        %swap3A_1693 = arith.index_cast %add3A_1602 : i32 to index
        %swap3A_1694 = arith.constant 64 : index
        %swap3A_1695 = tpu.vector_load %arg15[%swap3A_1693, %swap3A_1694] {strides = array<i32>} : memref<80x128xf32, #tpu.memory_space<vmem>>, vector<1x16xf32>,
        %swap3A_1696 = vector.shape_cast %swap3A_1695 : vector<1x16xf32> to vector<16xf32>
        %swap3A_1697 = vector.shape_cast %mul3A_1692 : vector<16xf32> to vector<1x16xf32>
        tpu.vector_store %arg15[%swap3A_1693, %swap3A_1694], %swap3A_1697 {strides = array<i32>} : memref<80x128xf32, #tpu.memory_space<vmem>>, vector<1x16xf32>,
        %get3A_1698 = arith.index_cast %add3A_1602 : i32 to index
        %get3A_1699 = arith.constant 80 : index
        %get3A_1700 = tpu.vector_load %arg11[%get3A_1698, %get3A_1699] {strides = array<i32>} : memref<80x128xf32, #tpu.memory_space<vmem>>, vector<1x16xf32>,
        %get3A_1701 = vector.shape_cast %get3A_1700 : vector<1x16xf32> to vector<16xf32>
        %get3A_1702 = arith.index_cast %add3A_1602 : i32 to index
        %get3A_1703 = arith.constant 80 : index
        %get3A_1704 = tpu.vector_load %arg13[%get3A_1702, %get3A_1703] {strides = array<i32>} : memref<80x128xf32, #tpu.memory_space<vmem>>, vector<1x16xf32>,
        %get3A_1705 = vector.shape_cast %get3A_1704 : vector<1x16xf32> to vector<16xf32>
        %add3A_1706 = arith.addf %get3A_1701, %get3A_1705 : vector<16xf32>
        %max3A_1707 = arith.constant 0.000000e+00 : f32
        %max3A_1708 = vector.broadcast %max3A_1707 : f32 to vector<16xf32>
        %max3A_1709 = arith.maximumf %add3A_1706, %max3A_1708 : vector<16xf32>
        %mul3A_1710 = vector.broadcast %squeeze3A_1598 : f32 to vector<16xf32>
        %mul3A_1711 = arith.mulf %max3A_1709, %mul3A_1710 : vector<16xf32>
        %swap3A_1712 = arith.index_cast %add3A_1602 : i32 to index
        %swap3A_1713 = arith.constant 80 : index
        %swap3A_1714 = tpu.vector_load %arg15[%swap3A_1712, %swap3A_1713] {strides = array<i32>} : memref<80x128xf32, #tpu.memory_space<vmem>>, vector<1x16xf32>,
        %swap3A_1715 = vector.shape_cast %swap3A_1714 : vector<1x16xf32> to vector<16xf32>
        %swap3A_1716 = vector.shape_cast %mul3A_1711 : vector<16xf32> to vector<1x16xf32>
        tpu.vector_store %arg15[%swap3A_1712, %swap3A_1713], %swap3A_1716 {strides = array<i32>} : memref<80x128xf32, #tpu.memory_space<vmem>>, vector<1x16xf32>,
        %get3A_1717 = arith.index_cast %add3A_1602 : i32 to index
        %get3A_1718 = arith.constant 96 : index
        %get3A_1719 = tpu.vector_load %arg11[%get3A_1717, %get3A_1718] {strides = array<i32>} : memref<80x128xf32, #tpu.memory_space<vmem>>, vector<1x16xf32>,
        %get3A_1720 = vector.shape_cast %get3A_1719 : vector<1x16xf32> to vector<16xf32>
        %get3A_1721 = arith.index_cast %add3A_1602 : i32 to index
        %get3A_1722 = arith.constant 96 : index
        %get3A_1723 = tpu.vector_load %arg13[%get3A_1721, %get3A_1722] {strides = array<i32>} : memref<80x128xf32, #tpu.memory_space<vmem>>, vector<1x16xf32>,
        %get3A_1724 = vector.shape_cast %get3A_1723 : vector<1x16xf32> to vector<16xf32>
        %add3A_1725 = arith.addf %get3A_1720, %get3A_1724 : vector<16xf32>
        %max3A_1726 = arith.constant 0.000000e+00 : f32
        %max3A_1727 = vector.broadcast %max3A_1726 : f32 to vector<16xf32>
        %max3A_1728 = arith.maximumf %add3A_1725, %max3A_1727 : vector<16xf32>
        %mul3A_1729 = vector.broadcast %squeeze3A_1598 : f32 to vector<16xf32>
        %mul3A_1730 = arith.mulf %max3A_1728, %mul3A_1729 : vector<16xf32>
        %swap3A_1731 = arith.index_cast %add3A_1602 : i32 to index
        %swap3A_1732 = arith.constant 96 : index
        %swap3A_1733 = tpu.vector_load %arg15[%swap3A_1731, %swap3A_1732] {strides = array<i32>} : memref<80x128xf32, #tpu.memory_space<vmem>>, vector<1x16xf32>,
        %swap3A_1734 = vector.shape_cast %swap3A_1733 : vector<1x16xf32> to vector<16xf32>
        %swap3A_1735 = vector.shape_cast %mul3A_1730 : vector<16xf32> to vector<1x16xf32>
        tpu.vector_store %arg15[%swap3A_1731, %swap3A_1732], %swap3A_1735 {strides = array<i32>} : memref<80x128xf32, #tpu.memory_space<vmem>>, vector<1x16xf32>,
        %get3A_1736 = arith.index_cast %add3A_1602 : i32 to index
        %get3A_1737 = arith.constant 112 : index
        %get3A_1738 = tpu.vector_load %arg11[%get3A_1736, %get3A_1737] {strides = array<i32>} : memref<80x128xf32, #tpu.memory_space<vmem>>, vector<1x16xf32>,
        %get3A_1739 = vector.shape_cast %get3A_1738 : vector<1x16xf32> to vector<16xf32>
        %get3A_1740 = arith.index_cast %add3A_1602 : i32 to index
        %get3A_1741 = arith.constant 112 : index
        %get3A_1742 = tpu.vector_load %arg13[%get3A_1740, %get3A_1741] {strides = array<i32>} : memref<80x128xf32, #tpu.memory_space<vmem>>, vector<1x16xf32>,
        %get3A_1743 = vector.shape_cast %get3A_1742 : vector<1x16xf32> to vector<16xf32>
        %add3A_1744 = arith.addf %get3A_1739, %get3A_1743 : vector<16xf32>
        %max3A_1745 = arith.constant 0.000000e+00 : f32
        %max3A_1746 = vector.broadcast %max3A_1745 : f32 to vector<16xf32>
        %max3A_1747 = arith.maximumf %add3A_1744, %max3A_1746 : vector<16xf32>
        %mul3A_1748 = vector.broadcast %squeeze3A_1598 : f32 to vector<16xf32>
        %mul3A_1749 = arith.mulf %max3A_1747, %mul3A_1748 : vector<16xf32>
        %swap3A_1750 = arith.index_cast %add3A_1602 : i32 to index
        %swap3A_1751 = arith.constant 112 : index
        %swap3A_1752 = tpu.vector_load %arg15[%swap3A_1750, %swap3A_1751] {strides = array<i32>} : memref<80x128xf32, #tpu.memory_space<vmem>>, vector<1x16xf32>,
        %swap3A_1753 = vector.shape_cast %swap3A_1752 : vector<1x16xf32> to vector<16xf32>
        %swap3A_1754 = vector.shape_cast %mul3A_1749 : vector<16xf32> to vector<1x16xf32>
        tpu.vector_store %arg15[%swap3A_1750, %swap3A_1751], %swap3A_1754 {strides = array<i32>} : memref<80x128xf32, #tpu.memory_space<vmem>>, vector<1x16xf32>,
        %slice3A_1755 = vector.extract_strided_slice %get3A_178 {offsets = [10], sizes = [1], strides = [1]} : vector<16xf32> to vector<1xf32>
        %squeeze3A_1756 = vector.extract %slice3A_1755[0] : f32 from vector<1xf32>
        %mul3A_1757 = arith.constant 16 : i32
        %mul3A_1758 = arith.muli %scan3A_173, %mul3A_1757 : i32
        %add3A_1759 = arith.constant 10 : i32
        %add3A_1760 = arith.addi %mul3A_1758, %add3A_1759 : i32
        %get3A_1761 = arith.index_cast %add3A_1760 : i32 to index
        %get3A_1762 = arith.constant 0 : index
        %get3A_1763 = tpu.vector_load %arg11[%get3A_1761, %get3A_1762] {strides = array<i32>} : memref<80x128xf32, #tpu.memory_space<vmem>>, vector<1x16xf32>,
        %get3A_1764 = vector.shape_cast %get3A_1763 : vector<1x16xf32> to vector<16xf32>
        %get3A_1765 = arith.index_cast %add3A_1760 : i32 to index
        %get3A_1766 = arith.constant 0 : index
        %get3A_1767 = tpu.vector_load %arg13[%get3A_1765, %get3A_1766] {strides = array<i32>} : memref<80x128xf32, #tpu.memory_space<vmem>>, vector<1x16xf32>,
        %get3A_1768 = vector.shape_cast %get3A_1767 : vector<1x16xf32> to vector<16xf32>
        %add3A_1769 = arith.addf %get3A_1764, %get3A_1768 : vector<16xf32>
        %max3A_1770 = arith.constant 0.000000e+00 : f32
        %max3A_1771 = vector.broadcast %max3A_1770 : f32 to vector<16xf32>
        %max3A_1772 = arith.maximumf %add3A_1769, %max3A_1771 : vector<16xf32>
        %mul3A_1773 = vector.broadcast %squeeze3A_1756 : f32 to vector<16xf32>
        %mul3A_1774 = arith.mulf %max3A_1772, %mul3A_1773 : vector<16xf32>
        %swap3A_1775 = arith.index_cast %add3A_1760 : i32 to index
        %swap3A_1776 = arith.constant 0 : index
        %swap3A_1777 = tpu.vector_load %arg15[%swap3A_1775, %swap3A_1776] {strides = array<i32>} : memref<80x128xf32, #tpu.memory_space<vmem>>, vector<1x16xf32>,
        %swap3A_1778 = vector.shape_cast %swap3A_1777 : vector<1x16xf32> to vector<16xf32>
        %swap3A_1779 = vector.shape_cast %mul3A_1774 : vector<16xf32> to vector<1x16xf32>
        tpu.vector_store %arg15[%swap3A_1775, %swap3A_1776], %swap3A_1779 {strides = array<i32>} : memref<80x128xf32, #tpu.memory_space<vmem>>, vector<1x16xf32>,
        %get3A_1780 = arith.index_cast %add3A_1760 : i32 to index
        %get3A_1781 = arith.constant 16 : index
        %get3A_1782 = tpu.vector_load %arg11[%get3A_1780, %get3A_1781] {strides = array<i32>} : memref<80x128xf32, #tpu.memory_space<vmem>>, vector<1x16xf32>,
        %get3A_1783 = vector.shape_cast %get3A_1782 : vector<1x16xf32> to vector<16xf32>
        %get3A_1784 = arith.index_cast %add3A_1760 : i32 to index
        %get3A_1785 = arith.constant 16 : index
        %get3A_1786 = tpu.vector_load %arg13[%get3A_1784, %get3A_1785] {strides = array<i32>} : memref<80x128xf32, #tpu.memory_space<vmem>>, vector<1x16xf32>,
        %get3A_1787 = vector.shape_cast %get3A_1786 : vector<1x16xf32> to vector<16xf32>
        %add3A_1788 = arith.addf %get3A_1783, %get3A_1787 : vector<16xf32>
        %max3A_1789 = arith.constant 0.000000e+00 : f32
        %max3A_1790 = vector.broadcast %max3A_1789 : f32 to vector<16xf32>
        %max3A_1791 = arith.maximumf %add3A_1788, %max3A_1790 : vector<16xf32>
        %mul3A_1792 = vector.broadcast %squeeze3A_1756 : f32 to vector<16xf32>
        %mul3A_1793 = arith.mulf %max3A_1791, %mul3A_1792 : vector<16xf32>
        %swap3A_1794 = arith.index_cast %add3A_1760 : i32 to index
        %swap3A_1795 = arith.constant 16 : index
        %swap3A_1796 = tpu.vector_load %arg15[%swap3A_1794, %swap3A_1795] {strides = array<i32>} : memref<80x128xf32, #tpu.memory_space<vmem>>, vector<1x16xf32>,
        %swap3A_1797 = vector.shape_cast %swap3A_1796 : vector<1x16xf32> to vector<16xf32>
        %swap3A_1798 = vector.shape_cast %mul3A_1793 : vector<16xf32> to vector<1x16xf32>
        tpu.vector_store %arg15[%swap3A_1794, %swap3A_1795], %swap3A_1798 {strides = array<i32>} : memref<80x128xf32, #tpu.memory_space<vmem>>, vector<1x16xf32>,
        %get3A_1799 = arith.index_cast %add3A_1760 : i32 to index
        %get3A_1800 = arith.constant 32 : index
        %get3A_1801 = tpu.vector_load %arg11[%get3A_1799, %get3A_1800] {strides = array<i32>} : memref<80x128xf32, #tpu.memory_space<vmem>>, vector<1x16xf32>,
        %get3A_1802 = vector.shape_cast %get3A_1801 : vector<1x16xf32> to vector<16xf32>
        %get3A_1803 = arith.index_cast %add3A_1760 : i32 to index
        %get3A_1804 = arith.constant 32 : index
        %get3A_1805 = tpu.vector_load %arg13[%get3A_1803, %get3A_1804] {strides = array<i32>} : memref<80x128xf32, #tpu.memory_space<vmem>>, vector<1x16xf32>,
        %get3A_1806 = vector.shape_cast %get3A_1805 : vector<1x16xf32> to vector<16xf32>
        %add3A_1807 = arith.addf %get3A_1802, %get3A_1806 : vector<16xf32>
        %max3A_1808 = arith.constant 0.000000e+00 : f32
        %max3A_1809 = vector.broadcast %max3A_1808 : f32 to vector<16xf32>
        %max3A_1810 = arith.maximumf %add3A_1807, %max3A_1809 : vector<16xf32>
        %mul3A_1811 = vector.broadcast %squeeze3A_1756 : f32 to vector<16xf32>
        %mul3A_1812 = arith.mulf %max3A_1810, %mul3A_1811 : vector<16xf32>
        %swap3A_1813 = arith.index_cast %add3A_1760 : i32 to index
        %swap3A_1814 = arith.constant 32 : index
        %swap3A_1815 = tpu.vector_load %arg15[%swap3A_1813, %swap3A_1814] {strides = array<i32>} : memref<80x128xf32, #tpu.memory_space<vmem>>, vector<1x16xf32>,
        %swap3A_1816 = vector.shape_cast %swap3A_1815 : vector<1x16xf32> to vector<16xf32>
        %swap3A_1817 = vector.shape_cast %mul3A_1812 : vector<16xf32> to vector<1x16xf32>
        tpu.vector_store %arg15[%swap3A_1813, %swap3A_1814], %swap3A_1817 {strides = array<i32>} : memref<80x128xf32, #tpu.memory_space<vmem>>, vector<1x16xf32>,
        %get3A_1818 = arith.index_cast %add3A_1760 : i32 to index
        %get3A_1819 = arith.constant 48 : index
        %get3A_1820 = tpu.vector_load %arg11[%get3A_1818, %get3A_1819] {strides = array<i32>} : memref<80x128xf32, #tpu.memory_space<vmem>>, vector<1x16xf32>,
        %get3A_1821 = vector.shape_cast %get3A_1820 : vector<1x16xf32> to vector<16xf32>
        %get3A_1822 = arith.index_cast %add3A_1760 : i32 to index
        %get3A_1823 = arith.constant 48 : index
        %get3A_1824 = tpu.vector_load %arg13[%get3A_1822, %get3A_1823] {strides = array<i32>} : memref<80x128xf32, #tpu.memory_space<vmem>>, vector<1x16xf32>,
        %get3A_1825 = vector.shape_cast %get3A_1824 : vector<1x16xf32> to vector<16xf32>
        %add3A_1826 = arith.addf %get3A_1821, %get3A_1825 : vector<16xf32>
        %max3A_1827 = arith.constant 0.000000e+00 : f32
        %max3A_1828 = vector.broadcast %max3A_1827 : f32 to vector<16xf32>
        %max3A_1829 = arith.maximumf %add3A_1826, %max3A_1828 : vector<16xf32>
        %mul3A_1830 = vector.broadcast %squeeze3A_1756 : f32 to vector<16xf32>
        %mul3A_1831 = arith.mulf %max3A_1829, %mul3A_1830 : vector<16xf32>
        %swap3A_1832 = arith.index_cast %add3A_1760 : i32 to index
        %swap3A_1833 = arith.constant 48 : index
        %swap3A_1834 = tpu.vector_load %arg15[%swap3A_1832, %swap3A_1833] {strides = array<i32>} : memref<80x128xf32, #tpu.memory_space<vmem>>, vector<1x16xf32>,
        %swap3A_1835 = vector.shape_cast %swap3A_1834 : vector<1x16xf32> to vector<16xf32>
        %swap3A_1836 = vector.shape_cast %mul3A_1831 : vector<16xf32> to vector<1x16xf32>
        tpu.vector_store %arg15[%swap3A_1832, %swap3A_1833], %swap3A_1836 {strides = array<i32>} : memref<80x128xf32, #tpu.memory_space<vmem>>, vector<1x16xf32>,
        %get3A_1837 = arith.index_cast %add3A_1760 : i32 to index
        %get3A_1838 = arith.constant 64 : index
        %get3A_1839 = tpu.vector_load %arg11[%get3A_1837, %get3A_1838] {strides = array<i32>} : memref<80x128xf32, #tpu.memory_space<vmem>>, vector<1x16xf32>,
        %get3A_1840 = vector.shape_cast %get3A_1839 : vector<1x16xf32> to vector<16xf32>
        %get3A_1841 = arith.index_cast %add3A_1760 : i32 to index
        %get3A_1842 = arith.constant 64 : index
        %get3A_1843 = tpu.vector_load %arg13[%get3A_1841, %get3A_1842] {strides = array<i32>} : memref<80x128xf32, #tpu.memory_space<vmem>>, vector<1x16xf32>,
        %get3A_1844 = vector.shape_cast %get3A_1843 : vector<1x16xf32> to vector<16xf32>
        %add3A_1845 = arith.addf %get3A_1840, %get3A_1844 : vector<16xf32>
        %max3A_1846 = arith.constant 0.000000e+00 : f32
        %max3A_1847 = vector.broadcast %max3A_1846 : f32 to vector<16xf32>
        %max3A_1848 = arith.maximumf %add3A_1845, %max3A_1847 : vector<16xf32>
        %mul3A_1849 = vector.broadcast %squeeze3A_1756 : f32 to vector<16xf32>
        %mul3A_1850 = arith.mulf %max3A_1848, %mul3A_1849 : vector<16xf32>
        %swap3A_1851 = arith.index_cast %add3A_1760 : i32 to index
        %swap3A_1852 = arith.constant 64 : index
        %swap3A_1853 = tpu.vector_load %arg15[%swap3A_1851, %swap3A_1852] {strides = array<i32>} : memref<80x128xf32, #tpu.memory_space<vmem>>, vector<1x16xf32>,
        %swap3A_1854 = vector.shape_cast %swap3A_1853 : vector<1x16xf32> to vector<16xf32>
        %swap3A_1855 = vector.shape_cast %mul3A_1850 : vector<16xf32> to vector<1x16xf32>
        tpu.vector_store %arg15[%swap3A_1851, %swap3A_1852], %swap3A_1855 {strides = array<i32>} : memref<80x128xf32, #tpu.memory_space<vmem>>, vector<1x16xf32>,
        %get3A_1856 = arith.index_cast %add3A_1760 : i32 to index
        %get3A_1857 = arith.constant 80 : index
        %get3A_1858 = tpu.vector_load %arg11[%get3A_1856, %get3A_1857] {strides = array<i32>} : memref<80x128xf32, #tpu.memory_space<vmem>>, vector<1x16xf32>,
        %get3A_1859 = vector.shape_cast %get3A_1858 : vector<1x16xf32> to vector<16xf32>
        %get3A_1860 = arith.index_cast %add3A_1760 : i32 to index
        %get3A_1861 = arith.constant 80 : index
        %get3A_1862 = tpu.vector_load %arg13[%get3A_1860, %get3A_1861] {strides = array<i32>} : memref<80x128xf32, #tpu.memory_space<vmem>>, vector<1x16xf32>,
        %get3A_1863 = vector.shape_cast %get3A_1862 : vector<1x16xf32> to vector<16xf32>
        %add3A_1864 = arith.addf %get3A_1859, %get3A_1863 : vector<16xf32>
        %max3A_1865 = arith.constant 0.000000e+00 : f32
        %max3A_1866 = vector.broadcast %max3A_1865 : f32 to vector<16xf32>
        %max3A_1867 = arith.maximumf %add3A_1864, %max3A_1866 : vector<16xf32>
        %mul3A_1868 = vector.broadcast %squeeze3A_1756 : f32 to vector<16xf32>
        %mul3A_1869 = arith.mulf %max3A_1867, %mul3A_1868 : vector<16xf32>
        %swap3A_1870 = arith.index_cast %add3A_1760 : i32 to index
        %swap3A_1871 = arith.constant 80 : index
        %swap3A_1872 = tpu.vector_load %arg15[%swap3A_1870, %swap3A_1871] {strides = array<i32>} : memref<80x128xf32, #tpu.memory_space<vmem>>, vector<1x16xf32>,
        %swap3A_1873 = vector.shape_cast %swap3A_1872 : vector<1x16xf32> to vector<16xf32>
        %swap3A_1874 = vector.shape_cast %mul3A_1869 : vector<16xf32> to vector<1x16xf32>
        tpu.vector_store %arg15[%swap3A_1870, %swap3A_1871], %swap3A_1874 {strides = array<i32>} : memref<80x128xf32, #tpu.memory_space<vmem>>, vector<1x16xf32>,
        %get3A_1875 = arith.index_cast %add3A_1760 : i32 to index
        %get3A_1876 = arith.constant 96 : index
        %get3A_1877 = tpu.vector_load %arg11[%get3A_1875, %get3A_1876] {strides = array<i32>} : memref<80x128xf32, #tpu.memory_space<vmem>>, vector<1x16xf32>,
        %get3A_1878 = vector.shape_cast %get3A_1877 : vector<1x16xf32> to vector<16xf32>
        %get3A_1879 = arith.index_cast %add3A_1760 : i32 to index
        %get3A_1880 = arith.constant 96 : index
        %get3A_1881 = tpu.vector_load %arg13[%get3A_1879, %get3A_1880] {strides = array<i32>} : memref<80x128xf32, #tpu.memory_space<vmem>>, vector<1x16xf32>,
        %get3A_1882 = vector.shape_cast %get3A_1881 : vector<1x16xf32> to vector<16xf32>
        %add3A_1883 = arith.addf %get3A_1878, %get3A_1882 : vector<16xf32>
        %max3A_1884 = arith.constant 0.000000e+00 : f32
        %max3A_1885 = vector.broadcast %max3A_1884 : f32 to vector<16xf32>
        %max3A_1886 = arith.maximumf %add3A_1883, %max3A_1885 : vector<16xf32>
        %mul3A_1887 = vector.broadcast %squeeze3A_1756 : f32 to vector<16xf32>
        %mul3A_1888 = arith.mulf %max3A_1886, %mul3A_1887 : vector<16xf32>
        %swap3A_1889 = arith.index_cast %add3A_1760 : i32 to index
        %swap3A_1890 = arith.constant 96 : index
        %swap3A_1891 = tpu.vector_load %arg15[%swap3A_1889, %swap3A_1890] {strides = array<i32>} : memref<80x128xf32, #tpu.memory_space<vmem>>, vector<1x16xf32>,
        %swap3A_1892 = vector.shape_cast %swap3A_1891 : vector<1x16xf32> to vector<16xf32>
        %swap3A_1893 = vector.shape_cast %mul3A_1888 : vector<16xf32> to vector<1x16xf32>
        tpu.vector_store %arg15[%swap3A_1889, %swap3A_1890], %swap3A_1893 {strides = array<i32>} : memref<80x128xf32, #tpu.memory_space<vmem>>, vector<1x16xf32>,
        %get3A_1894 = arith.index_cast %add3A_1760 : i32 to index
        %get3A_1895 = arith.constant 112 : index
        %get3A_1896 = tpu.vector_load %arg11[%get3A_1894, %get3A_1895] {strides = array<i32>} : memref<80x128xf32, #tpu.memory_space<vmem>>, vector<1x16xf32>,
        %get3A_1897 = vector.shape_cast %get3A_1896 : vector<1x16xf32> to vector<16xf32>
        %get3A_1898 = arith.index_cast %add3A_1760 : i32 to index
        %get3A_1899 = arith.constant 112 : index
        %get3A_1900 = tpu.vector_load %arg13[%get3A_1898, %get3A_1899] {strides = array<i32>} : memref<80x128xf32, #tpu.memory_space<vmem>>, vector<1x16xf32>,
        %get3A_1901 = vector.shape_cast %get3A_1900 : vector<1x16xf32> to vector<16xf32>
        %add3A_1902 = arith.addf %get3A_1897, %get3A_1901 : vector<16xf32>
        %max3A_1903 = arith.constant 0.000000e+00 : f32
        %max3A_1904 = vector.broadcast %max3A_1903 : f32 to vector<16xf32>
        %max3A_1905 = arith.maximumf %add3A_1902, %max3A_1904 : vector<16xf32>
        %mul3A_1906 = vector.broadcast %squeeze3A_1756 : f32 to vector<16xf32>
        %mul3A_1907 = arith.mulf %max3A_1905, %mul3A_1906 : vector<16xf32>
        %swap3A_1908 = arith.index_cast %add3A_1760 : i32 to index
        %swap3A_1909 = arith.constant 112 : index
        %swap3A_1910 = tpu.vector_load %arg15[%swap3A_1908, %swap3A_1909] {strides = array<i32>} : memref<80x128xf32, #tpu.memory_space<vmem>>, vector<1x16xf32>,
        %swap3A_1911 = vector.shape_cast %swap3A_1910 : vector<1x16xf32> to vector<16xf32>
        %swap3A_1912 = vector.shape_cast %mul3A_1907 : vector<16xf32> to vector<1x16xf32>
        tpu.vector_store %arg15[%swap3A_1908, %swap3A_1909], %swap3A_1912 {strides = array<i32>} : memref<80x128xf32, #tpu.memory_space<vmem>>, vector<1x16xf32>,
        %slice3A_1913 = vector.extract_strided_slice %get3A_178 {offsets = [11], sizes = [1], strides = [1]} : vector<16xf32> to vector<1xf32>
        %squeeze3A_1914 = vector.extract %slice3A_1913[0] : f32 from vector<1xf32>
        %mul3A_1915 = arith.constant 16 : i32
        %mul3A_1916 = arith.muli %scan3A_173, %mul3A_1915 : i32
        %add3A_1917 = arith.constant 11 : i32
        %add3A_1918 = arith.addi %mul3A_1916, %add3A_1917 : i32
        %get3A_1919 = arith.index_cast %add3A_1918 : i32 to index
        %get3A_1920 = arith.constant 0 : index
        %get3A_1921 = tpu.vector_load %arg11[%get3A_1919, %get3A_1920] {strides = array<i32>} : memref<80x128xf32, #tpu.memory_space<vmem>>, vector<1x16xf32>,
        %get3A_1922 = vector.shape_cast %get3A_1921 : vector<1x16xf32> to vector<16xf32>
        %get3A_1923 = arith.index_cast %add3A_1918 : i32 to index
        %get3A_1924 = arith.constant 0 : index
        %get3A_1925 = tpu.vector_load %arg13[%get3A_1923, %get3A_1924] {strides = array<i32>} : memref<80x128xf32, #tpu.memory_space<vmem>>, vector<1x16xf32>,
        %get3A_1926 = vector.shape_cast %get3A_1925 : vector<1x16xf32> to vector<16xf32>
        %add3A_1927 = arith.addf %get3A_1922, %get3A_1926 : vector<16xf32>
        %max3A_1928 = arith.constant 0.000000e+00 : f32
        %max3A_1929 = vector.broadcast %max3A_1928 : f32 to vector<16xf32>
        %max3A_1930 = arith.maximumf %add3A_1927, %max3A_1929 : vector<16xf32>
        %mul3A_1931 = vector.broadcast %squeeze3A_1914 : f32 to vector<16xf32>
        %mul3A_1932 = arith.mulf %max3A_1930, %mul3A_1931 : vector<16xf32>
        %swap3A_1933 = arith.index_cast %add3A_1918 : i32 to index
        %swap3A_1934 = arith.constant 0 : index
        %swap3A_1935 = tpu.vector_load %arg15[%swap3A_1933, %swap3A_1934] {strides = array<i32>} : memref<80x128xf32, #tpu.memory_space<vmem>>, vector<1x16xf32>,
        %swap3A_1936 = vector.shape_cast %swap3A_1935 : vector<1x16xf32> to vector<16xf32>
        %swap3A_1937 = vector.shape_cast %mul3A_1932 : vector<16xf32> to vector<1x16xf32>
        tpu.vector_store %arg15[%swap3A_1933, %swap3A_1934], %swap3A_1937 {strides = array<i32>} : memref<80x128xf32, #tpu.memory_space<vmem>>, vector<1x16xf32>,
        %get3A_1938 = arith.index_cast %add3A_1918 : i32 to index
        %get3A_1939 = arith.constant 16 : index
        %get3A_1940 = tpu.vector_load %arg11[%get3A_1938, %get3A_1939] {strides = array<i32>} : memref<80x128xf32, #tpu.memory_space<vmem>>, vector<1x16xf32>,
        %get3A_1941 = vector.shape_cast %get3A_1940 : vector<1x16xf32> to vector<16xf32>
        %get3A_1942 = arith.index_cast %add3A_1918 : i32 to index
        %get3A_1943 = arith.constant 16 : index
        %get3A_1944 = tpu.vector_load %arg13[%get3A_1942, %get3A_1943] {strides = array<i32>} : memref<80x128xf32, #tpu.memory_space<vmem>>, vector<1x16xf32>,
        %get3A_1945 = vector.shape_cast %get3A_1944 : vector<1x16xf32> to vector<16xf32>
        %add3A_1946 = arith.addf %get3A_1941, %get3A_1945 : vector<16xf32>
        %max3A_1947 = arith.constant 0.000000e+00 : f32
        %max3A_1948 = vector.broadcast %max3A_1947 : f32 to vector<16xf32>
        %max3A_1949 = arith.maximumf %add3A_1946, %max3A_1948 : vector<16xf32>
        %mul3A_1950 = vector.broadcast %squeeze3A_1914 : f32 to vector<16xf32>
        %mul3A_1951 = arith.mulf %max3A_1949, %mul3A_1950 : vector<16xf32>
        %swap3A_1952 = arith.index_cast %add3A_1918 : i32 to index
        %swap3A_1953 = arith.constant 16 : index
        %swap3A_1954 = tpu.vector_load %arg15[%swap3A_1952, %swap3A_1953] {strides = array<i32>} : memref<80x128xf32, #tpu.memory_space<vmem>>, vector<1x16xf32>,
        %swap3A_1955 = vector.shape_cast %swap3A_1954 : vector<1x16xf32> to vector<16xf32>
        %swap3A_1956 = vector.shape_cast %mul3A_1951 : vector<16xf32> to vector<1x16xf32>
        tpu.vector_store %arg15[%swap3A_1952, %swap3A_1953], %swap3A_1956 {strides = array<i32>} : memref<80x128xf32, #tpu.memory_space<vmem>>, vector<1x16xf32>,
        %get3A_1957 = arith.index_cast %add3A_1918 : i32 to index
        %get3A_1958 = arith.constant 32 : index
        %get3A_1959 = tpu.vector_load %arg11[%get3A_1957, %get3A_1958] {strides = array<i32>} : memref<80x128xf32, #tpu.memory_space<vmem>>, vector<1x16xf32>,
        %get3A_1960 = vector.shape_cast %get3A_1959 : vector<1x16xf32> to vector<16xf32>
        %get3A_1961 = arith.index_cast %add3A_1918 : i32 to index
        %get3A_1962 = arith.constant 32 : index
        %get3A_1963 = tpu.vector_load %arg13[%get3A_1961, %get3A_1962] {strides = array<i32>} : memref<80x128xf32, #tpu.memory_space<vmem>>, vector<1x16xf32>,
        %get3A_1964 = vector.shape_cast %get3A_1963 : vector<1x16xf32> to vector<16xf32>
        %add3A_1965 = arith.addf %get3A_1960, %get3A_1964 : vector<16xf32>
        %max3A_1966 = arith.constant 0.000000e+00 : f32
        %max3A_1967 = vector.broadcast %max3A_1966 : f32 to vector<16xf32>
        %max3A_1968 = arith.maximumf %add3A_1965, %max3A_1967 : vector<16xf32>
        %mul3A_1969 = vector.broadcast %squeeze3A_1914 : f32 to vector<16xf32>
        %mul3A_1970 = arith.mulf %max3A_1968, %mul3A_1969 : vector<16xf32>
        %swap3A_1971 = arith.index_cast %add3A_1918 : i32 to index
        %swap3A_1972 = arith.constant 32 : index
        %swap3A_1973 = tpu.vector_load %arg15[%swap3A_1971, %swap3A_1972] {strides = array<i32>} : memref<80x128xf32, #tpu.memory_space<vmem>>, vector<1x16xf32>,
        %swap3A_1974 = vector.shape_cast %swap3A_1973 : vector<1x16xf32> to vector<16xf32>
        %swap3A_1975 = vector.shape_cast %mul3A_1970 : vector<16xf32> to vector<1x16xf32>
        tpu.vector_store %arg15[%swap3A_1971, %swap3A_1972], %swap3A_1975 {strides = array<i32>} : memref<80x128xf32, #tpu.memory_space<vmem>>, vector<1x16xf32>,
        %get3A_1976 = arith.index_cast %add3A_1918 : i32 to index
        %get3A_1977 = arith.constant 48 : index
        %get3A_1978 = tpu.vector_load %arg11[%get3A_1976, %get3A_1977] {strides = array<i32>} : memref<80x128xf32, #tpu.memory_space<vmem>>, vector<1x16xf32>,
        %get3A_1979 = vector.shape_cast %get3A_1978 : vector<1x16xf32> to vector<16xf32>
        %get3A_1980 = arith.index_cast %add3A_1918 : i32 to index
        %get3A_1981 = arith.constant 48 : index
        %get3A_1982 = tpu.vector_load %arg13[%get3A_1980, %get3A_1981] {strides = array<i32>} : memref<80x128xf32, #tpu.memory_space<vmem>>, vector<1x16xf32>,
        %get3A_1983 = vector.shape_cast %get3A_1982 : vector<1x16xf32> to vector<16xf32>
        %add3A_1984 = arith.addf %get3A_1979, %get3A_1983 : vector<16xf32>
        %max3A_1985 = arith.constant 0.000000e+00 : f32
        %max3A_1986 = vector.broadcast %max3A_1985 : f32 to vector<16xf32>
        %max3A_1987 = arith.maximumf %add3A_1984, %max3A_1986 : vector<16xf32>
        %mul3A_1988 = vector.broadcast %squeeze3A_1914 : f32 to vector<16xf32>
        %mul3A_1989 = arith.mulf %max3A_1987, %mul3A_1988 : vector<16xf32>
        %swap3A_1990 = arith.index_cast %add3A_1918 : i32 to index
        %swap3A_1991 = arith.constant 48 : index
        %swap3A_1992 = tpu.vector_load %arg15[%swap3A_1990, %swap3A_1991] {strides = array<i32>} : memref<80x128xf32, #tpu.memory_space<vmem>>, vector<1x16xf32>,
        %swap3A_1993 = vector.shape_cast %swap3A_1992 : vector<1x16xf32> to vector<16xf32>
        %swap3A_1994 = vector.shape_cast %mul3A_1989 : vector<16xf32> to vector<1x16xf32>
        tpu.vector_store %arg15[%swap3A_1990, %swap3A_1991], %swap3A_1994 {strides = array<i32>} : memref<80x128xf32, #tpu.memory_space<vmem>>, vector<1x16xf32>,
        %get3A_1995 = arith.index_cast %add3A_1918 : i32 to index
        %get3A_1996 = arith.constant 64 : index
        %get3A_1997 = tpu.vector_load %arg11[%get3A_1995, %get3A_1996] {strides = array<i32>} : memref<80x128xf32, #tpu.memory_space<vmem>>, vector<1x16xf32>,
        %get3A_1998 = vector.shape_cast %get3A_1997 : vector<1x16xf32> to vector<16xf32>
        %get3A_1999 = arith.index_cast %add3A_1918 : i32 to index
        %get3A_2000 = arith.constant 64 : index
        %get3A_2001 = tpu.vector_load %arg13[%get3A_1999, %get3A_2000] {strides = array<i32>} : memref<80x128xf32, #tpu.memory_space<vmem>>, vector<1x16xf32>,
        %get3A_2002 = vector.shape_cast %get3A_2001 : vector<1x16xf32> to vector<16xf32>
        %add3A_2003 = arith.addf %get3A_1998, %get3A_2002 : vector<16xf32>
        %max3A_2004 = arith.constant 0.000000e+00 : f32
        %max3A_2005 = vector.broadcast %max3A_2004 : f32 to vector<16xf32>
        %max3A_2006 = arith.maximumf %add3A_2003, %max3A_2005 : vector<16xf32>
        %mul3A_2007 = vector.broadcast %squeeze3A_1914 : f32 to vector<16xf32>
        %mul3A_2008 = arith.mulf %max3A_2006, %mul3A_2007 : vector<16xf32>
        %swap3A_2009 = arith.index_cast %add3A_1918 : i32 to index
        %swap3A_2010 = arith.constant 64 : index
        %swap3A_2011 = tpu.vector_load %arg15[%swap3A_2009, %swap3A_2010] {strides = array<i32>} : memref<80x128xf32, #tpu.memory_space<vmem>>, vector<1x16xf32>,
        %swap3A_2012 = vector.shape_cast %swap3A_2011 : vector<1x16xf32> to vector<16xf32>
        %swap3A_2013 = vector.shape_cast %mul3A_2008 : vector<16xf32> to vector<1x16xf32>
        tpu.vector_store %arg15[%swap3A_2009, %swap3A_2010], %swap3A_2013 {strides = array<i32>} : memref<80x128xf32, #tpu.memory_space<vmem>>, vector<1x16xf32>,
        %get3A_2014 = arith.index_cast %add3A_1918 : i32 to index
        %get3A_2015 = arith.constant 80 : index
        %get3A_2016 = tpu.vector_load %arg11[%get3A_2014, %get3A_2015] {strides = array<i32>} : memref<80x128xf32, #tpu.memory_space<vmem>>, vector<1x16xf32>,
        %get3A_2017 = vector.shape_cast %get3A_2016 : vector<1x16xf32> to vector<16xf32>
        %get3A_2018 = arith.index_cast %add3A_1918 : i32 to index
        %get3A_2019 = arith.constant 80 : index
        %get3A_2020 = tpu.vector_load %arg13[%get3A_2018, %get3A_2019] {strides = array<i32>} : memref<80x128xf32, #tpu.memory_space<vmem>>, vector<1x16xf32>,
        %get3A_2021 = vector.shape_cast %get3A_2020 : vector<1x16xf32> to vector<16xf32>
        %add3A_2022 = arith.addf %get3A_2017, %get3A_2021 : vector<16xf32>
        %max3A_2023 = arith.constant 0.000000e+00 : f32
        %max3A_2024 = vector.broadcast %max3A_2023 : f32 to vector<16xf32>
        %max3A_2025 = arith.maximumf %add3A_2022, %max3A_2024 : vector<16xf32>
        %mul3A_2026 = vector.broadcast %squeeze3A_1914 : f32 to vector<16xf32>
        %mul3A_2027 = arith.mulf %max3A_2025, %mul3A_2026 : vector<16xf32>
        %swap3A_2028 = arith.index_cast %add3A_1918 : i32 to index
        %swap3A_2029 = arith.constant 80 : index
        %swap3A_2030 = tpu.vector_load %arg15[%swap3A_2028, %swap3A_2029] {strides = array<i32>} : memref<80x128xf32, #tpu.memory_space<vmem>>, vector<1x16xf32>,
        %swap3A_2031 = vector.shape_cast %swap3A_2030 : vector<1x16xf32> to vector<16xf32>
        %swap3A_2032 = vector.shape_cast %mul3A_2027 : vector<16xf32> to vector<1x16xf32>
        tpu.vector_store %arg15[%swap3A_2028, %swap3A_2029], %swap3A_2032 {strides = array<i32>} : memref<80x128xf32, #tpu.memory_space<vmem>>, vector<1x16xf32>,
        %get3A_2033 = arith.index_cast %add3A_1918 : i32 to index
        %get3A_2034 = arith.constant 96 : index
        %get3A_2035 = tpu.vector_load %arg11[%get3A_2033, %get3A_2034] {strides = array<i32>} : memref<80x128xf32, #tpu.memory_space<vmem>>, vector<1x16xf32>,
        %get3A_2036 = vector.shape_cast %get3A_2035 : vector<1x16xf32> to vector<16xf32>
        %get3A_2037 = arith.index_cast %add3A_1918 : i32 to index
        %get3A_2038 = arith.constant 96 : index
        %get3A_2039 = tpu.vector_load %arg13[%get3A_2037, %get3A_2038] {strides = array<i32>} : memref<80x128xf32, #tpu.memory_space<vmem>>, vector<1x16xf32>,
        %get3A_2040 = vector.shape_cast %get3A_2039 : vector<1x16xf32> to vector<16xf32>
        %add3A_2041 = arith.addf %get3A_2036, %get3A_2040 : vector<16xf32>
        %max3A_2042 = arith.constant 0.000000e+00 : f32
        %max3A_2043 = vector.broadcast %max3A_2042 : f32 to vector<16xf32>
        %max3A_2044 = arith.maximumf %add3A_2041, %max3A_2043 : vector<16xf32>
        %mul3A_2045 = vector.broadcast %squeeze3A_1914 : f32 to vector<16xf32>
        %mul3A_2046 = arith.mulf %max3A_2044, %mul3A_2045 : vector<16xf32>
        %swap3A_2047 = arith.index_cast %add3A_1918 : i32 to index
        %swap3A_2048 = arith.constant 96 : index
        %swap3A_2049 = tpu.vector_load %arg15[%swap3A_2047, %swap3A_2048] {strides = array<i32>} : memref<80x128xf32, #tpu.memory_space<vmem>>, vector<1x16xf32>,
        %swap3A_2050 = vector.shape_cast %swap3A_2049 : vector<1x16xf32> to vector<16xf32>
        %swap3A_2051 = vector.shape_cast %mul3A_2046 : vector<16xf32> to vector<1x16xf32>
        tpu.vector_store %arg15[%swap3A_2047, %swap3A_2048], %swap3A_2051 {strides = array<i32>} : memref<80x128xf32, #tpu.memory_space<vmem>>, vector<1x16xf32>,
        %get3A_2052 = arith.index_cast %add3A_1918 : i32 to index
        %get3A_2053 = arith.constant 112 : index
        %get3A_2054 = tpu.vector_load %arg11[%get3A_2052, %get3A_2053] {strides = array<i32>} : memref<80x128xf32, #tpu.memory_space<vmem>>, vector<1x16xf32>,
        %get3A_2055 = vector.shape_cast %get3A_2054 : vector<1x16xf32> to vector<16xf32>
        %get3A_2056 = arith.index_cast %add3A_1918 : i32 to index
        %get3A_2057 = arith.constant 112 : index
        %get3A_2058 = tpu.vector_load %arg13[%get3A_2056, %get3A_2057] {strides = array<i32>} : memref<80x128xf32, #tpu.memory_space<vmem>>, vector<1x16xf32>,
        %get3A_2059 = vector.shape_cast %get3A_2058 : vector<1x16xf32> to vector<16xf32>
        %add3A_2060 = arith.addf %get3A_2055, %get3A_2059 : vector<16xf32>
        %max3A_2061 = arith.constant 0.000000e+00 : f32
        %max3A_2062 = vector.broadcast %max3A_2061 : f32 to vector<16xf32>
        %max3A_2063 = arith.maximumf %add3A_2060, %max3A_2062 : vector<16xf32>
        %mul3A_2064 = vector.broadcast %squeeze3A_1914 : f32 to vector<16xf32>
        %mul3A_2065 = arith.mulf %max3A_2063, %mul3A_2064 : vector<16xf32>
        %swap3A_2066 = arith.index_cast %add3A_1918 : i32 to index
        %swap3A_2067 = arith.constant 112 : index
        %swap3A_2068 = tpu.vector_load %arg15[%swap3A_2066, %swap3A_2067] {strides = array<i32>} : memref<80x128xf32, #tpu.memory_space<vmem>>, vector<1x16xf32>,
        %swap3A_2069 = vector.shape_cast %swap3A_2068 : vector<1x16xf32> to vector<16xf32>
        %swap3A_2070 = vector.shape_cast %mul3A_2065 : vector<16xf32> to vector<1x16xf32>
        tpu.vector_store %arg15[%swap3A_2066, %swap3A_2067], %swap3A_2070 {strides = array<i32>} : memref<80x128xf32, #tpu.memory_space<vmem>>, vector<1x16xf32>,
        %slice3A_2071 = vector.extract_strided_slice %get3A_178 {offsets = [12], sizes = [1], strides = [1]} : vector<16xf32> to vector<1xf32>
        %squeeze3A_2072 = vector.extract %slice3A_2071[0] : f32 from vector<1xf32>
        %mul3A_2073 = arith.constant 16 : i32
        %mul3A_2074 = arith.muli %scan3A_173, %mul3A_2073 : i32
        %add3A_2075 = arith.constant 12 : i32
        %add3A_2076 = arith.addi %mul3A_2074, %add3A_2075 : i32
        %get3A_2077 = arith.index_cast %add3A_2076 : i32 to index
        %get3A_2078 = arith.constant 0 : index
        %get3A_2079 = tpu.vector_load %arg11[%get3A_2077, %get3A_2078] {strides = array<i32>} : memref<80x128xf32, #tpu.memory_space<vmem>>, vector<1x16xf32>,
        %get3A_2080 = vector.shape_cast %get3A_2079 : vector<1x16xf32> to vector<16xf32>
        %get3A_2081 = arith.index_cast %add3A_2076 : i32 to index
        %get3A_2082 = arith.constant 0 : index
        %get3A_2083 = tpu.vector_load %arg13[%get3A_2081, %get3A_2082] {strides = array<i32>} : memref<80x128xf32, #tpu.memory_space<vmem>>, vector<1x16xf32>,
        %get3A_2084 = vector.shape_cast %get3A_2083 : vector<1x16xf32> to vector<16xf32>
        %add3A_2085 = arith.addf %get3A_2080, %get3A_2084 : vector<16xf32>
        %max3A_2086 = arith.constant 0.000000e+00 : f32
        %max3A_2087 = vector.broadcast %max3A_2086 : f32 to vector<16xf32>
        %max3A_2088 = arith.maximumf %add3A_2085, %max3A_2087 : vector<16xf32>
        %mul3A_2089 = vector.broadcast %squeeze3A_2072 : f32 to vector<16xf32>
        %mul3A_2090 = arith.mulf %max3A_2088, %mul3A_2089 : vector<16xf32>
        %swap3A_2091 = arith.index_cast %add3A_2076 : i32 to index
        %swap3A_2092 = arith.constant 0 : index
        %swap3A_2093 = tpu.vector_load %arg15[%swap3A_2091, %swap3A_2092] {strides = array<i32>} : memref<80x128xf32, #tpu.memory_space<vmem>>, vector<1x16xf32>,
        %swap3A_2094 = vector.shape_cast %swap3A_2093 : vector<1x16xf32> to vector<16xf32>
        %swap3A_2095 = vector.shape_cast %mul3A_2090 : vector<16xf32> to vector<1x16xf32>
        tpu.vector_store %arg15[%swap3A_2091, %swap3A_2092], %swap3A_2095 {strides = array<i32>} : memref<80x128xf32, #tpu.memory_space<vmem>>, vector<1x16xf32>,
        %get3A_2096 = arith.index_cast %add3A_2076 : i32 to index
        %get3A_2097 = arith.constant 16 : index
        %get3A_2098 = tpu.vector_load %arg11[%get3A_2096, %get3A_2097] {strides = array<i32>} : memref<80x128xf32, #tpu.memory_space<vmem>>, vector<1x16xf32>,
        %get3A_2099 = vector.shape_cast %get3A_2098 : vector<1x16xf32> to vector<16xf32>
        %get3A_2100 = arith.index_cast %add3A_2076 : i32 to index
        %get3A_2101 = arith.constant 16 : index
        %get3A_2102 = tpu.vector_load %arg13[%get3A_2100, %get3A_2101] {strides = array<i32>} : memref<80x128xf32, #tpu.memory_space<vmem>>, vector<1x16xf32>,
        %get3A_2103 = vector.shape_cast %get3A_2102 : vector<1x16xf32> to vector<16xf32>
        %add3A_2104 = arith.addf %get3A_2099, %get3A_2103 : vector<16xf32>
        %max3A_2105 = arith.constant 0.000000e+00 : f32
        %max3A_2106 = vector.broadcast %max3A_2105 : f32 to vector<16xf32>
        %max3A_2107 = arith.maximumf %add3A_2104, %max3A_2106 : vector<16xf32>
        %mul3A_2108 = vector.broadcast %squeeze3A_2072 : f32 to vector<16xf32>
        %mul3A_2109 = arith.mulf %max3A_2107, %mul3A_2108 : vector<16xf32>
        %swap3A_2110 = arith.index_cast %add3A_2076 : i32 to index
        %swap3A_2111 = arith.constant 16 : index
        %swap3A_2112 = tpu.vector_load %arg15[%swap3A_2110, %swap3A_2111] {strides = array<i32>} : memref<80x128xf32, #tpu.memory_space<vmem>>, vector<1x16xf32>,
        %swap3A_2113 = vector.shape_cast %swap3A_2112 : vector<1x16xf32> to vector<16xf32>
        %swap3A_2114 = vector.shape_cast %mul3A_2109 : vector<16xf32> to vector<1x16xf32>
        tpu.vector_store %arg15[%swap3A_2110, %swap3A_2111], %swap3A_2114 {strides = array<i32>} : memref<80x128xf32, #tpu.memory_space<vmem>>, vector<1x16xf32>,
        %get3A_2115 = arith.index_cast %add3A_2076 : i32 to index
        %get3A_2116 = arith.constant 32 : index
        %get3A_2117 = tpu.vector_load %arg11[%get3A_2115, %get3A_2116] {strides = array<i32>} : memref<80x128xf32, #tpu.memory_space<vmem>>, vector<1x16xf32>,
        %get3A_2118 = vector.shape_cast %get3A_2117 : vector<1x16xf32> to vector<16xf32>
        %get3A_2119 = arith.index_cast %add3A_2076 : i32 to index
        %get3A_2120 = arith.constant 32 : index
        %get3A_2121 = tpu.vector_load %arg13[%get3A_2119, %get3A_2120] {strides = array<i32>} : memref<80x128xf32, #tpu.memory_space<vmem>>, vector<1x16xf32>,
        %get3A_2122 = vector.shape_cast %get3A_2121 : vector<1x16xf32> to vector<16xf32>
        %add3A_2123 = arith.addf %get3A_2118, %get3A_2122 : vector<16xf32>
        %max3A_2124 = arith.constant 0.000000e+00 : f32
        %max3A_2125 = vector.broadcast %max3A_2124 : f32 to vector<16xf32>
        %max3A_2126 = arith.maximumf %add3A_2123, %max3A_2125 : vector<16xf32>
        %mul3A_2127 = vector.broadcast %squeeze3A_2072 : f32 to vector<16xf32>
        %mul3A_2128 = arith.mulf %max3A_2126, %mul3A_2127 : vector<16xf32>
        %swap3A_2129 = arith.index_cast %add3A_2076 : i32 to index
        %swap3A_2130 = arith.constant 32 : index
        %swap3A_2131 = tpu.vector_load %arg15[%swap3A_2129, %swap3A_2130] {strides = array<i32>} : memref<80x128xf32, #tpu.memory_space<vmem>>, vector<1x16xf32>,
        %swap3A_2132 = vector.shape_cast %swap3A_2131 : vector<1x16xf32> to vector<16xf32>
        %swap3A_2133 = vector.shape_cast %mul3A_2128 : vector<16xf32> to vector<1x16xf32>
        tpu.vector_store %arg15[%swap3A_2129, %swap3A_2130], %swap3A_2133 {strides = array<i32>} : memref<80x128xf32, #tpu.memory_space<vmem>>, vector<1x16xf32>,
        %get3A_2134 = arith.index_cast %add3A_2076 : i32 to index
        %get3A_2135 = arith.constant 48 : index
        %get3A_2136 = tpu.vector_load %arg11[%get3A_2134, %get3A_2135] {strides = array<i32>} : memref<80x128xf32, #tpu.memory_space<vmem>>, vector<1x16xf32>,
        %get3A_2137 = vector.shape_cast %get3A_2136 : vector<1x16xf32> to vector<16xf32>
        %get3A_2138 = arith.index_cast %add3A_2076 : i32 to index
        %get3A_2139 = arith.constant 48 : index
        %get3A_2140 = tpu.vector_load %arg13[%get3A_2138, %get3A_2139] {strides = array<i32>} : memref<80x128xf32, #tpu.memory_space<vmem>>, vector<1x16xf32>,
        %get3A_2141 = vector.shape_cast %get3A_2140 : vector<1x16xf32> to vector<16xf32>
        %add3A_2142 = arith.addf %get3A_2137, %get3A_2141 : vector<16xf32>
        %max3A_2143 = arith.constant 0.000000e+00 : f32
        %max3A_2144 = vector.broadcast %max3A_2143 : f32 to vector<16xf32>
        %max3A_2145 = arith.maximumf %add3A_2142, %max3A_2144 : vector<16xf32>
        %mul3A_2146 = vector.broadcast %squeeze3A_2072 : f32 to vector<16xf32>
        %mul3A_2147 = arith.mulf %max3A_2145, %mul3A_2146 : vector<16xf32>
        %swap3A_2148 = arith.index_cast %add3A_2076 : i32 to index
        %swap3A_2149 = arith.constant 48 : index
        %swap3A_2150 = tpu.vector_load %arg15[%swap3A_2148, %swap3A_2149] {strides = array<i32>} : memref<80x128xf32, #tpu.memory_space<vmem>>, vector<1x16xf32>,
        %swap3A_2151 = vector.shape_cast %swap3A_2150 : vector<1x16xf32> to vector<16xf32>
        %swap3A_2152 = vector.shape_cast %mul3A_2147 : vector<16xf32> to vector<1x16xf32>
        tpu.vector_store %arg15[%swap3A_2148, %swap3A_2149], %swap3A_2152 {strides = array<i32>} : memref<80x128xf32, #tpu.memory_space<vmem>>, vector<1x16xf32>,
        %get3A_2153 = arith.index_cast %add3A_2076 : i32 to index
        %get3A_2154 = arith.constant 64 : index
        %get3A_2155 = tpu.vector_load %arg11[%get3A_2153, %get3A_2154] {strides = array<i32>} : memref<80x128xf32, #tpu.memory_space<vmem>>, vector<1x16xf32>,
        %get3A_2156 = vector.shape_cast %get3A_2155 : vector<1x16xf32> to vector<16xf32>
        %get3A_2157 = arith.index_cast %add3A_2076 : i32 to index
        %get3A_2158 = arith.constant 64 : index
        %get3A_2159 = tpu.vector_load %arg13[%get3A_2157, %get3A_2158] {strides = array<i32>} : memref<80x128xf32, #tpu.memory_space<vmem>>, vector<1x16xf32>,
        %get3A_2160 = vector.shape_cast %get3A_2159 : vector<1x16xf32> to vector<16xf32>
        %add3A_2161 = arith.addf %get3A_2156, %get3A_2160 : vector<16xf32>
        %max3A_2162 = arith.constant 0.000000e+00 : f32
        %max3A_2163 = vector.broadcast %max3A_2162 : f32 to vector<16xf32>
        %max3A_2164 = arith.maximumf %add3A_2161, %max3A_2163 : vector<16xf32>
        %mul3A_2165 = vector.broadcast %squeeze3A_2072 : f32 to vector<16xf32>
        %mul3A_2166 = arith.mulf %max3A_2164, %mul3A_2165 : vector<16xf32>
        %swap3A_2167 = arith.index_cast %add3A_2076 : i32 to index
        %swap3A_2168 = arith.constant 64 : index
        %swap3A_2169 = tpu.vector_load %arg15[%swap3A_2167, %swap3A_2168] {strides = array<i32>} : memref<80x128xf32, #tpu.memory_space<vmem>>, vector<1x16xf32>,
        %swap3A_2170 = vector.shape_cast %swap3A_2169 : vector<1x16xf32> to vector<16xf32>
        %swap3A_2171 = vector.shape_cast %mul3A_2166 : vector<16xf32> to vector<1x16xf32>
        tpu.vector_store %arg15[%swap3A_2167, %swap3A_2168], %swap3A_2171 {strides = array<i32>} : memref<80x128xf32, #tpu.memory_space<vmem>>, vector<1x16xf32>,
        %get3A_2172 = arith.index_cast %add3A_2076 : i32 to index
        %get3A_2173 = arith.constant 80 : index
        %get3A_2174 = tpu.vector_load %arg11[%get3A_2172, %get3A_2173] {strides = array<i32>} : memref<80x128xf32, #tpu.memory_space<vmem>>, vector<1x16xf32>,
        %get3A_2175 = vector.shape_cast %get3A_2174 : vector<1x16xf32> to vector<16xf32>
        %get3A_2176 = arith.index_cast %add3A_2076 : i32 to index
        %get3A_2177 = arith.constant 80 : index
        %get3A_2178 = tpu.vector_load %arg13[%get3A_2176, %get3A_2177] {strides = array<i32>} : memref<80x128xf32, #tpu.memory_space<vmem>>, vector<1x16xf32>,
        %get3A_2179 = vector.shape_cast %get3A_2178 : vector<1x16xf32> to vector<16xf32>
        %add3A_2180 = arith.addf %get3A_2175, %get3A_2179 : vector<16xf32>
        %max3A_2181 = arith.constant 0.000000e+00 : f32
        %max3A_2182 = vector.broadcast %max3A_2181 : f32 to vector<16xf32>
        %max3A_2183 = arith.maximumf %add3A_2180, %max3A_2182 : vector<16xf32>
        %mul3A_2184 = vector.broadcast %squeeze3A_2072 : f32 to vector<16xf32>
        %mul3A_2185 = arith.mulf %max3A_2183, %mul3A_2184 : vector<16xf32>
        %swap3A_2186 = arith.index_cast %add3A_2076 : i32 to index
        %swap3A_2187 = arith.constant 80 : index
        %swap3A_2188 = tpu.vector_load %arg15[%swap3A_2186, %swap3A_2187] {strides = array<i32>} : memref<80x128xf32, #tpu.memory_space<vmem>>, vector<1x16xf32>,
        %swap3A_2189 = vector.shape_cast %swap3A_2188 : vector<1x16xf32> to vector<16xf32>
        %swap3A_2190 = vector.shape_cast %mul3A_2185 : vector<16xf32> to vector<1x16xf32>
        tpu.vector_store %arg15[%swap3A_2186, %swap3A_2187], %swap3A_2190 {strides = array<i32>} : memref<80x128xf32, #tpu.memory_space<vmem>>, vector<1x16xf32>,
        %get3A_2191 = arith.index_cast %add3A_2076 : i32 to index
        %get3A_2192 = arith.constant 96 : index
        %get3A_2193 = tpu.vector_load %arg11[%get3A_2191, %get3A_2192] {strides = array<i32>} : memref<80x128xf32, #tpu.memory_space<vmem>>, vector<1x16xf32>,
        %get3A_2194 = vector.shape_cast %get3A_2193 : vector<1x16xf32> to vector<16xf32>
        %get3A_2195 = arith.index_cast %add3A_2076 : i32 to index
        %get3A_2196 = arith.constant 96 : index
        %get3A_2197 = tpu.vector_load %arg13[%get3A_2195, %get3A_2196] {strides = array<i32>} : memref<80x128xf32, #tpu.memory_space<vmem>>, vector<1x16xf32>,
        %get3A_2198 = vector.shape_cast %get3A_2197 : vector<1x16xf32> to vector<16xf32>
        %add3A_2199 = arith.addf %get3A_2194, %get3A_2198 : vector<16xf32>
        %max3A_2200 = arith.constant 0.000000e+00 : f32
        %max3A_2201 = vector.broadcast %max3A_2200 : f32 to vector<16xf32>
        %max3A_2202 = arith.maximumf %add3A_2199, %max3A_2201 : vector<16xf32>
        %mul3A_2203 = vector.broadcast %squeeze3A_2072 : f32 to vector<16xf32>
        %mul3A_2204 = arith.mulf %max3A_2202, %mul3A_2203 : vector<16xf32>
        %swap3A_2205 = arith.index_cast %add3A_2076 : i32 to index
        %swap3A_2206 = arith.constant 96 : index
        %swap3A_2207 = tpu.vector_load %arg15[%swap3A_2205, %swap3A_2206] {strides = array<i32>} : memref<80x128xf32, #tpu.memory_space<vmem>>, vector<1x16xf32>,
        %swap3A_2208 = vector.shape_cast %swap3A_2207 : vector<1x16xf32> to vector<16xf32>
        %swap3A_2209 = vector.shape_cast %mul3A_2204 : vector<16xf32> to vector<1x16xf32>
        tpu.vector_store %arg15[%swap3A_2205, %swap3A_2206], %swap3A_2209 {strides = array<i32>} : memref<80x128xf32, #tpu.memory_space<vmem>>, vector<1x16xf32>,
        %get3A_2210 = arith.index_cast %add3A_2076 : i32 to index
        %get3A_2211 = arith.constant 112 : index
        %get3A_2212 = tpu.vector_load %arg11[%get3A_2210, %get3A_2211] {strides = array<i32>} : memref<80x128xf32, #tpu.memory_space<vmem>>, vector<1x16xf32>,
        %get3A_2213 = vector.shape_cast %get3A_2212 : vector<1x16xf32> to vector<16xf32>
        %get3A_2214 = arith.index_cast %add3A_2076 : i32 to index
        %get3A_2215 = arith.constant 112 : index
        %get3A_2216 = tpu.vector_load %arg13[%get3A_2214, %get3A_2215] {strides = array<i32>} : memref<80x128xf32, #tpu.memory_space<vmem>>, vector<1x16xf32>,
        %get3A_2217 = vector.shape_cast %get3A_2216 : vector<1x16xf32> to vector<16xf32>
        %add3A_2218 = arith.addf %get3A_2213, %get3A_2217 : vector<16xf32>
        %max3A_2219 = arith.constant 0.000000e+00 : f32
        %max3A_2220 = vector.broadcast %max3A_2219 : f32 to vector<16xf32>
        %max3A_2221 = arith.maximumf %add3A_2218, %max3A_2220 : vector<16xf32>
        %mul3A_2222 = vector.broadcast %squeeze3A_2072 : f32 to vector<16xf32>
        %mul3A_2223 = arith.mulf %max3A_2221, %mul3A_2222 : vector<16xf32>
        %swap3A_2224 = arith.index_cast %add3A_2076 : i32 to index
        %swap3A_2225 = arith.constant 112 : index
        %swap3A_2226 = tpu.vector_load %arg15[%swap3A_2224, %swap3A_2225] {strides = array<i32>} : memref<80x128xf32, #tpu.memory_space<vmem>>, vector<1x16xf32>,
        %swap3A_2227 = vector.shape_cast %swap3A_2226 : vector<1x16xf32> to vector<16xf32>
        %swap3A_2228 = vector.shape_cast %mul3A_2223 : vector<16xf32> to vector<1x16xf32>
        tpu.vector_store %arg15[%swap3A_2224, %swap3A_2225], %swap3A_2228 {strides = array<i32>} : memref<80x128xf32, #tpu.memory_space<vmem>>, vector<1x16xf32>,
        %slice3A_2229 = vector.extract_strided_slice %get3A_178 {offsets = [13], sizes = [1], strides = [1]} : vector<16xf32> to vector<1xf32>
        %squeeze3A_2230 = vector.extract %slice3A_2229[0] : f32 from vector<1xf32>
        %mul3A_2231 = arith.constant 16 : i32
        %mul3A_2232 = arith.muli %scan3A_173, %mul3A_2231 : i32
        %add3A_2233 = arith.constant 13 : i32
        %add3A_2234 = arith.addi %mul3A_2232, %add3A_2233 : i32
        %get3A_2235 = arith.index_cast %add3A_2234 : i32 to index
        %get3A_2236 = arith.constant 0 : index
        %get3A_2237 = tpu.vector_load %arg11[%get3A_2235, %get3A_2236] {strides = array<i32>} : memref<80x128xf32, #tpu.memory_space<vmem>>, vector<1x16xf32>,
        %get3A_2238 = vector.shape_cast %get3A_2237 : vector<1x16xf32> to vector<16xf32>
        %get3A_2239 = arith.index_cast %add3A_2234 : i32 to index
        %get3A_2240 = arith.constant 0 : index
        %get3A_2241 = tpu.vector_load %arg13[%get3A_2239, %get3A_2240] {strides = array<i32>} : memref<80x128xf32, #tpu.memory_space<vmem>>, vector<1x16xf32>,
        %get3A_2242 = vector.shape_cast %get3A_2241 : vector<1x16xf32> to vector<16xf32>
        %add3A_2243 = arith.addf %get3A_2238, %get3A_2242 : vector<16xf32>
        %max3A_2244 = arith.constant 0.000000e+00 : f32
        %max3A_2245 = vector.broadcast %max3A_2244 : f32 to vector<16xf32>
        %max3A_2246 = arith.maximumf %add3A_2243, %max3A_2245 : vector<16xf32>
        %mul3A_2247 = vector.broadcast %squeeze3A_2230 : f32 to vector<16xf32>
        %mul3A_2248 = arith.mulf %max3A_2246, %mul3A_2247 : vector<16xf32>
        %swap3A_2249 = arith.index_cast %add3A_2234 : i32 to index
        %swap3A_2250 = arith.constant 0 : index
        %swap3A_2251 = tpu.vector_load %arg15[%swap3A_2249, %swap3A_2250] {strides = array<i32>} : memref<80x128xf32, #tpu.memory_space<vmem>>, vector<1x16xf32>,
        %swap3A_2252 = vector.shape_cast %swap3A_2251 : vector<1x16xf32> to vector<16xf32>
        %swap3A_2253 = vector.shape_cast %mul3A_2248 : vector<16xf32> to vector<1x16xf32>
        tpu.vector_store %arg15[%swap3A_2249, %swap3A_2250], %swap3A_2253 {strides = array<i32>} : memref<80x128xf32, #tpu.memory_space<vmem>>, vector<1x16xf32>,
        %get3A_2254 = arith.index_cast %add3A_2234 : i32 to index
        %get3A_2255 = arith.constant 16 : index
        %get3A_2256 = tpu.vector_load %arg11[%get3A_2254, %get3A_2255] {strides = array<i32>} : memref<80x128xf32, #tpu.memory_space<vmem>>, vector<1x16xf32>,
        %get3A_2257 = vector.shape_cast %get3A_2256 : vector<1x16xf32> to vector<16xf32>
        %get3A_2258 = arith.index_cast %add3A_2234 : i32 to index
        %get3A_2259 = arith.constant 16 : index
        %get3A_2260 = tpu.vector_load %arg13[%get3A_2258, %get3A_2259] {strides = array<i32>} : memref<80x128xf32, #tpu.memory_space<vmem>>, vector<1x16xf32>,
        %get3A_2261 = vector.shape_cast %get3A_2260 : vector<1x16xf32> to vector<16xf32>
        %add3A_2262 = arith.addf %get3A_2257, %get3A_2261 : vector<16xf32>
        %max3A_2263 = arith.constant 0.000000e+00 : f32
        %max3A_2264 = vector.broadcast %max3A_2263 : f32 to vector<16xf32>
        %max3A_2265 = arith.maximumf %add3A_2262, %max3A_2264 : vector<16xf32>
        %mul3A_2266 = vector.broadcast %squeeze3A_2230 : f32 to vector<16xf32>
        %mul3A_2267 = arith.mulf %max3A_2265, %mul3A_2266 : vector<16xf32>
        %swap3A_2268 = arith.index_cast %add3A_2234 : i32 to index
        %swap3A_2269 = arith.constant 16 : index
        %swap3A_2270 = tpu.vector_load %arg15[%swap3A_2268, %swap3A_2269] {strides = array<i32>} : memref<80x128xf32, #tpu.memory_space<vmem>>, vector<1x16xf32>,
        %swap3A_2271 = vector.shape_cast %swap3A_2270 : vector<1x16xf32> to vector<16xf32>
        %swap3A_2272 = vector.shape_cast %mul3A_2267 : vector<16xf32> to vector<1x16xf32>
        tpu.vector_store %arg15[%swap3A_2268, %swap3A_2269], %swap3A_2272 {strides = array<i32>} : memref<80x128xf32, #tpu.memory_space<vmem>>, vector<1x16xf32>,
        %get3A_2273 = arith.index_cast %add3A_2234 : i32 to index
        %get3A_2274 = arith.constant 32 : index
        %get3A_2275 = tpu.vector_load %arg11[%get3A_2273, %get3A_2274] {strides = array<i32>} : memref<80x128xf32, #tpu.memory_space<vmem>>, vector<1x16xf32>,
        %get3A_2276 = vector.shape_cast %get3A_2275 : vector<1x16xf32> to vector<16xf32>
        %get3A_2277 = arith.index_cast %add3A_2234 : i32 to index
        %get3A_2278 = arith.constant 32 : index
        %get3A_2279 = tpu.vector_load %arg13[%get3A_2277, %get3A_2278] {strides = array<i32>} : memref<80x128xf32, #tpu.memory_space<vmem>>, vector<1x16xf32>,
        %get3A_2280 = vector.shape_cast %get3A_2279 : vector<1x16xf32> to vector<16xf32>
        %add3A_2281 = arith.addf %get3A_2276, %get3A_2280 : vector<16xf32>
        %max3A_2282 = arith.constant 0.000000e+00 : f32
        %max3A_2283 = vector.broadcast %max3A_2282 : f32 to vector<16xf32>
        %max3A_2284 = arith.maximumf %add3A_2281, %max3A_2283 : vector<16xf32>
        %mul3A_2285 = vector.broadcast %squeeze3A_2230 : f32 to vector<16xf32>
        %mul3A_2286 = arith.mulf %max3A_2284, %mul3A_2285 : vector<16xf32>
        %swap3A_2287 = arith.index_cast %add3A_2234 : i32 to index
        %swap3A_2288 = arith.constant 32 : index
        %swap3A_2289 = tpu.vector_load %arg15[%swap3A_2287, %swap3A_2288] {strides = array<i32>} : memref<80x128xf32, #tpu.memory_space<vmem>>, vector<1x16xf32>,
        %swap3A_2290 = vector.shape_cast %swap3A_2289 : vector<1x16xf32> to vector<16xf32>
        %swap3A_2291 = vector.shape_cast %mul3A_2286 : vector<16xf32> to vector<1x16xf32>
        tpu.vector_store %arg15[%swap3A_2287, %swap3A_2288], %swap3A_2291 {strides = array<i32>} : memref<80x128xf32, #tpu.memory_space<vmem>>, vector<1x16xf32>,
        %get3A_2292 = arith.index_cast %add3A_2234 : i32 to index
        %get3A_2293 = arith.constant 48 : index
        %get3A_2294 = tpu.vector_load %arg11[%get3A_2292, %get3A_2293] {strides = array<i32>} : memref<80x128xf32, #tpu.memory_space<vmem>>, vector<1x16xf32>,
        %get3A_2295 = vector.shape_cast %get3A_2294 : vector<1x16xf32> to vector<16xf32>
        %get3A_2296 = arith.index_cast %add3A_2234 : i32 to index
        %get3A_2297 = arith.constant 48 : index
        %get3A_2298 = tpu.vector_load %arg13[%get3A_2296, %get3A_2297] {strides = array<i32>} : memref<80x128xf32, #tpu.memory_space<vmem>>, vector<1x16xf32>,
        %get3A_2299 = vector.shape_cast %get3A_2298 : vector<1x16xf32> to vector<16xf32>
        %add3A_2300 = arith.addf %get3A_2295, %get3A_2299 : vector<16xf32>
        %max3A_2301 = arith.constant 0.000000e+00 : f32
        %max3A_2302 = vector.broadcast %max3A_2301 : f32 to vector<16xf32>
        %max3A_2303 = arith.maximumf %add3A_2300, %max3A_2302 : vector<16xf32>
        %mul3A_2304 = vector.broadcast %squeeze3A_2230 : f32 to vector<16xf32>
        %mul3A_2305 = arith.mulf %max3A_2303, %mul3A_2304 : vector<16xf32>
        %swap3A_2306 = arith.index_cast %add3A_2234 : i32 to index
        %swap3A_2307 = arith.constant 48 : index
        %swap3A_2308 = tpu.vector_load %arg15[%swap3A_2306, %swap3A_2307] {strides = array<i32>} : memref<80x128xf32, #tpu.memory_space<vmem>>, vector<1x16xf32>,
        %swap3A_2309 = vector.shape_cast %swap3A_2308 : vector<1x16xf32> to vector<16xf32>
        %swap3A_2310 = vector.shape_cast %mul3A_2305 : vector<16xf32> to vector<1x16xf32>
        tpu.vector_store %arg15[%swap3A_2306, %swap3A_2307], %swap3A_2310 {strides = array<i32>} : memref<80x128xf32, #tpu.memory_space<vmem>>, vector<1x16xf32>,
        %get3A_2311 = arith.index_cast %add3A_2234 : i32 to index
        %get3A_2312 = arith.constant 64 : index
        %get3A_2313 = tpu.vector_load %arg11[%get3A_2311, %get3A_2312] {strides = array<i32>} : memref<80x128xf32, #tpu.memory_space<vmem>>, vector<1x16xf32>,
        %get3A_2314 = vector.shape_cast %get3A_2313 : vector<1x16xf32> to vector<16xf32>
        %get3A_2315 = arith.index_cast %add3A_2234 : i32 to index
        %get3A_2316 = arith.constant 64 : index
        %get3A_2317 = tpu.vector_load %arg13[%get3A_2315, %get3A_2316] {strides = array<i32>} : memref<80x128xf32, #tpu.memory_space<vmem>>, vector<1x16xf32>,
        %get3A_2318 = vector.shape_cast %get3A_2317 : vector<1x16xf32> to vector<16xf32>
        %add3A_2319 = arith.addf %get3A_2314, %get3A_2318 : vector<16xf32>
        %max3A_2320 = arith.constant 0.000000e+00 : f32
        %max3A_2321 = vector.broadcast %max3A_2320 : f32 to vector<16xf32>
        %max3A_2322 = arith.maximumf %add3A_2319, %max3A_2321 : vector<16xf32>
        %mul3A_2323 = vector.broadcast %squeeze3A_2230 : f32 to vector<16xf32>
        %mul3A_2324 = arith.mulf %max3A_2322, %mul3A_2323 : vector<16xf32>
        %swap3A_2325 = arith.index_cast %add3A_2234 : i32 to index
        %swap3A_2326 = arith.constant 64 : index
        %swap3A_2327 = tpu.vector_load %arg15[%swap3A_2325, %swap3A_2326] {strides = array<i32>} : memref<80x128xf32, #tpu.memory_space<vmem>>, vector<1x16xf32>,
        %swap3A_2328 = vector.shape_cast %swap3A_2327 : vector<1x16xf32> to vector<16xf32>
        %swap3A_2329 = vector.shape_cast %mul3A_2324 : vector<16xf32> to vector<1x16xf32>
        tpu.vector_store %arg15[%swap3A_2325, %swap3A_2326], %swap3A_2329 {strides = array<i32>} : memref<80x128xf32, #tpu.memory_space<vmem>>, vector<1x16xf32>,
        %get3A_2330 = arith.index_cast %add3A_2234 : i32 to index
        %get3A_2331 = arith.constant 80 : index
        %get3A_2332 = tpu.vector_load %arg11[%get3A_2330, %get3A_2331] {strides = array<i32>} : memref<80x128xf32, #tpu.memory_space<vmem>>, vector<1x16xf32>,
        %get3A_2333 = vector.shape_cast %get3A_2332 : vector<1x16xf32> to vector<16xf32>
        %get3A_2334 = arith.index_cast %add3A_2234 : i32 to index
        %get3A_2335 = arith.constant 80 : index
        %get3A_2336 = tpu.vector_load %arg13[%get3A_2334, %get3A_2335] {strides = array<i32>} : memref<80x128xf32, #tpu.memory_space<vmem>>, vector<1x16xf32>,
        %get3A_2337 = vector.shape_cast %get3A_2336 : vector<1x16xf32> to vector<16xf32>
        %add3A_2338 = arith.addf %get3A_2333, %get3A_2337 : vector<16xf32>
        %max3A_2339 = arith.constant 0.000000e+00 : f32
        %max3A_2340 = vector.broadcast %max3A_2339 : f32 to vector<16xf32>
        %max3A_2341 = arith.maximumf %add3A_2338, %max3A_2340 : vector<16xf32>
        %mul3A_2342 = vector.broadcast %squeeze3A_2230 : f32 to vector<16xf32>
        %mul3A_2343 = arith.mulf %max3A_2341, %mul3A_2342 : vector<16xf32>
        %swap3A_2344 = arith.index_cast %add3A_2234 : i32 to index
        %swap3A_2345 = arith.constant 80 : index
        %swap3A_2346 = tpu.vector_load %arg15[%swap3A_2344, %swap3A_2345] {strides = array<i32>} : memref<80x128xf32, #tpu.memory_space<vmem>>, vector<1x16xf32>,
        %swap3A_2347 = vector.shape_cast %swap3A_2346 : vector<1x16xf32> to vector<16xf32>
        %swap3A_2348 = vector.shape_cast %mul3A_2343 : vector<16xf32> to vector<1x16xf32>
        tpu.vector_store %arg15[%swap3A_2344, %swap3A_2345], %swap3A_2348 {strides = array<i32>} : memref<80x128xf32, #tpu.memory_space<vmem>>, vector<1x16xf32>,
        %get3A_2349 = arith.index_cast %add3A_2234 : i32 to index
        %get3A_2350 = arith.constant 96 : index
        %get3A_2351 = tpu.vector_load %arg11[%get3A_2349, %get3A_2350] {strides = array<i32>} : memref<80x128xf32, #tpu.memory_space<vmem>>, vector<1x16xf32>,
        %get3A_2352 = vector.shape_cast %get3A_2351 : vector<1x16xf32> to vector<16xf32>
        %get3A_2353 = arith.index_cast %add3A_2234 : i32 to index
        %get3A_2354 = arith.constant 96 : index
        %get3A_2355 = tpu.vector_load %arg13[%get3A_2353, %get3A_2354] {strides = array<i32>} : memref<80x128xf32, #tpu.memory_space<vmem>>, vector<1x16xf32>,
        %get3A_2356 = vector.shape_cast %get3A_2355 : vector<1x16xf32> to vector<16xf32>
        %add3A_2357 = arith.addf %get3A_2352, %get3A_2356 : vector<16xf32>
        %max3A_2358 = arith.constant 0.000000e+00 : f32
        %max3A_2359 = vector.broadcast %max3A_2358 : f32 to vector<16xf32>
        %max3A_2360 = arith.maximumf %add3A_2357, %max3A_2359 : vector<16xf32>
        %mul3A_2361 = vector.broadcast %squeeze3A_2230 : f32 to vector<16xf32>
        %mul3A_2362 = arith.mulf %max3A_2360, %mul3A_2361 : vector<16xf32>
        %swap3A_2363 = arith.index_cast %add3A_2234 : i32 to index
        %swap3A_2364 = arith.constant 96 : index
        %swap3A_2365 = tpu.vector_load %arg15[%swap3A_2363, %swap3A_2364] {strides = array<i32>} : memref<80x128xf32, #tpu.memory_space<vmem>>, vector<1x16xf32>,
        %swap3A_2366 = vector.shape_cast %swap3A_2365 : vector<1x16xf32> to vector<16xf32>
        %swap3A_2367 = vector.shape_cast %mul3A_2362 : vector<16xf32> to vector<1x16xf32>
        tpu.vector_store %arg15[%swap3A_2363, %swap3A_2364], %swap3A_2367 {strides = array<i32>} : memref<80x128xf32, #tpu.memory_space<vmem>>, vector<1x16xf32>,
        %get3A_2368 = arith.index_cast %add3A_2234 : i32 to index
        %get3A_2369 = arith.constant 112 : index
        %get3A_2370 = tpu.vector_load %arg11[%get3A_2368, %get3A_2369] {strides = array<i32>} : memref<80x128xf32, #tpu.memory_space<vmem>>, vector<1x16xf32>,
        %get3A_2371 = vector.shape_cast %get3A_2370 : vector<1x16xf32> to vector<16xf32>
        %get3A_2372 = arith.index_cast %add3A_2234 : i32 to index
        %get3A_2373 = arith.constant 112 : index
        %get3A_2374 = tpu.vector_load %arg13[%get3A_2372, %get3A_2373] {strides = array<i32>} : memref<80x128xf32, #tpu.memory_space<vmem>>, vector<1x16xf32>,
        %get3A_2375 = vector.shape_cast %get3A_2374 : vector<1x16xf32> to vector<16xf32>
        %add3A_2376 = arith.addf %get3A_2371, %get3A_2375 : vector<16xf32>
        %max3A_2377 = arith.constant 0.000000e+00 : f32
        %max3A_2378 = vector.broadcast %max3A_2377 : f32 to vector<16xf32>
        %max3A_2379 = arith.maximumf %add3A_2376, %max3A_2378 : vector<16xf32>
        %mul3A_2380 = vector.broadcast %squeeze3A_2230 : f32 to vector<16xf32>
        %mul3A_2381 = arith.mulf %max3A_2379, %mul3A_2380 : vector<16xf32>
        %swap3A_2382 = arith.index_cast %add3A_2234 : i32 to index
        %swap3A_2383 = arith.constant 112 : index
        %swap3A_2384 = tpu.vector_load %arg15[%swap3A_2382, %swap3A_2383] {strides = array<i32>} : memref<80x128xf32, #tpu.memory_space<vmem>>, vector<1x16xf32>,
        %swap3A_2385 = vector.shape_cast %swap3A_2384 : vector<1x16xf32> to vector<16xf32>
        %swap3A_2386 = vector.shape_cast %mul3A_2381 : vector<16xf32> to vector<1x16xf32>
        tpu.vector_store %arg15[%swap3A_2382, %swap3A_2383], %swap3A_2386 {strides = array<i32>} : memref<80x128xf32, #tpu.memory_space<vmem>>, vector<1x16xf32>,
        %slice3A_2387 = vector.extract_strided_slice %get3A_178 {offsets = [14], sizes = [1], strides = [1]} : vector<16xf32> to vector<1xf32>
        %squeeze3A_2388 = vector.extract %slice3A_2387[0] : f32 from vector<1xf32>
        %mul3A_2389 = arith.constant 16 : i32
        %mul3A_2390 = arith.muli %scan3A_173, %mul3A_2389 : i32
        %add3A_2391 = arith.constant 14 : i32
        %add3A_2392 = arith.addi %mul3A_2390, %add3A_2391 : i32
        %get3A_2393 = arith.index_cast %add3A_2392 : i32 to index
        %get3A_2394 = arith.constant 0 : index
        %get3A_2395 = tpu.vector_load %arg11[%get3A_2393, %get3A_2394] {strides = array<i32>} : memref<80x128xf32, #tpu.memory_space<vmem>>, vector<1x16xf32>,
        %get3A_2396 = vector.shape_cast %get3A_2395 : vector<1x16xf32> to vector<16xf32>
        %get3A_2397 = arith.index_cast %add3A_2392 : i32 to index
        %get3A_2398 = arith.constant 0 : index
        %get3A_2399 = tpu.vector_load %arg13[%get3A_2397, %get3A_2398] {strides = array<i32>} : memref<80x128xf32, #tpu.memory_space<vmem>>, vector<1x16xf32>,
        %get3A_2400 = vector.shape_cast %get3A_2399 : vector<1x16xf32> to vector<16xf32>
        %add3A_2401 = arith.addf %get3A_2396, %get3A_2400 : vector<16xf32>
        %max3A_2402 = arith.constant 0.000000e+00 : f32
        %max3A_2403 = vector.broadcast %max3A_2402 : f32 to vector<16xf32>
        %max3A_2404 = arith.maximumf %add3A_2401, %max3A_2403 : vector<16xf32>
        %mul3A_2405 = vector.broadcast %squeeze3A_2388 : f32 to vector<16xf32>
        %mul3A_2406 = arith.mulf %max3A_2404, %mul3A_2405 : vector<16xf32>
        %swap3A_2407 = arith.index_cast %add3A_2392 : i32 to index
        %swap3A_2408 = arith.constant 0 : index
        %swap3A_2409 = tpu.vector_load %arg15[%swap3A_2407, %swap3A_2408] {strides = array<i32>} : memref<80x128xf32, #tpu.memory_space<vmem>>, vector<1x16xf32>,
        %swap3A_2410 = vector.shape_cast %swap3A_2409 : vector<1x16xf32> to vector<16xf32>
        %swap3A_2411 = vector.shape_cast %mul3A_2406 : vector<16xf32> to vector<1x16xf32>
        tpu.vector_store %arg15[%swap3A_2407, %swap3A_2408], %swap3A_2411 {strides = array<i32>} : memref<80x128xf32, #tpu.memory_space<vmem>>, vector<1x16xf32>,
        %get3A_2412 = arith.index_cast %add3A_2392 : i32 to index
        %get3A_2413 = arith.constant 16 : index
        %get3A_2414 = tpu.vector_load %arg11[%get3A_2412, %get3A_2413] {strides = array<i32>} : memref<80x128xf32, #tpu.memory_space<vmem>>, vector<1x16xf32>,
        %get3A_2415 = vector.shape_cast %get3A_2414 : vector<1x16xf32> to vector<16xf32>
        %get3A_2416 = arith.index_cast %add3A_2392 : i32 to index
        %get3A_2417 = arith.constant 16 : index
        %get3A_2418 = tpu.vector_load %arg13[%get3A_2416, %get3A_2417] {strides = array<i32>} : memref<80x128xf32, #tpu.memory_space<vmem>>, vector<1x16xf32>,
        %get3A_2419 = vector.shape_cast %get3A_2418 : vector<1x16xf32> to vector<16xf32>
        %add3A_2420 = arith.addf %get3A_2415, %get3A_2419 : vector<16xf32>
        %max3A_2421 = arith.constant 0.000000e+00 : f32
        %max3A_2422 = vector.broadcast %max3A_2421 : f32 to vector<16xf32>
        %max3A_2423 = arith.maximumf %add3A_2420, %max3A_2422 : vector<16xf32>
        %mul3A_2424 = vector.broadcast %squeeze3A_2388 : f32 to vector<16xf32>
        %mul3A_2425 = arith.mulf %max3A_2423, %mul3A_2424 : vector<16xf32>
        %swap3A_2426 = arith.index_cast %add3A_2392 : i32 to index
        %swap3A_2427 = arith.constant 16 : index
        %swap3A_2428 = tpu.vector_load %arg15[%swap3A_2426, %swap3A_2427] {strides = array<i32>} : memref<80x128xf32, #tpu.memory_space<vmem>>, vector<1x16xf32>,
        %swap3A_2429 = vector.shape_cast %swap3A_2428 : vector<1x16xf32> to vector<16xf32>
        %swap3A_2430 = vector.shape_cast %mul3A_2425 : vector<16xf32> to vector<1x16xf32>
        tpu.vector_store %arg15[%swap3A_2426, %swap3A_2427], %swap3A_2430 {strides = array<i32>} : memref<80x128xf32, #tpu.memory_space<vmem>>, vector<1x16xf32>,
        %get3A_2431 = arith.index_cast %add3A_2392 : i32 to index
        %get3A_2432 = arith.constant 32 : index
        %get3A_2433 = tpu.vector_load %arg11[%get3A_2431, %get3A_2432] {strides = array<i32>} : memref<80x128xf32, #tpu.memory_space<vmem>>, vector<1x16xf32>,
        %get3A_2434 = vector.shape_cast %get3A_2433 : vector<1x16xf32> to vector<16xf32>
        %get3A_2435 = arith.index_cast %add3A_2392 : i32 to index
        %get3A_2436 = arith.constant 32 : index
        %get3A_2437 = tpu.vector_load %arg13[%get3A_2435, %get3A_2436] {strides = array<i32>} : memref<80x128xf32, #tpu.memory_space<vmem>>, vector<1x16xf32>,
        %get3A_2438 = vector.shape_cast %get3A_2437 : vector<1x16xf32> to vector<16xf32>
        %add3A_2439 = arith.addf %get3A_2434, %get3A_2438 : vector<16xf32>
        %max3A_2440 = arith.constant 0.000000e+00 : f32
        %max3A_2441 = vector.broadcast %max3A_2440 : f32 to vector<16xf32>
        %max3A_2442 = arith.maximumf %add3A_2439, %max3A_2441 : vector<16xf32>
        %mul3A_2443 = vector.broadcast %squeeze3A_2388 : f32 to vector<16xf32>
        %mul3A_2444 = arith.mulf %max3A_2442, %mul3A_2443 : vector<16xf32>
        %swap3A_2445 = arith.index_cast %add3A_2392 : i32 to index
        %swap3A_2446 = arith.constant 32 : index
        %swap3A_2447 = tpu.vector_load %arg15[%swap3A_2445, %swap3A_2446] {strides = array<i32>} : memref<80x128xf32, #tpu.memory_space<vmem>>, vector<1x16xf32>,
        %swap3A_2448 = vector.shape_cast %swap3A_2447 : vector<1x16xf32> to vector<16xf32>
        %swap3A_2449 = vector.shape_cast %mul3A_2444 : vector<16xf32> to vector<1x16xf32>
        tpu.vector_store %arg15[%swap3A_2445, %swap3A_2446], %swap3A_2449 {strides = array<i32>} : memref<80x128xf32, #tpu.memory_space<vmem>>, vector<1x16xf32>,
        %get3A_2450 = arith.index_cast %add3A_2392 : i32 to index
        %get3A_2451 = arith.constant 48 : index
        %get3A_2452 = tpu.vector_load %arg11[%get3A_2450, %get3A_2451] {strides = array<i32>} : memref<80x128xf32, #tpu.memory_space<vmem>>, vector<1x16xf32>,
        %get3A_2453 = vector.shape_cast %get3A_2452 : vector<1x16xf32> to vector<16xf32>
        %get3A_2454 = arith.index_cast %add3A_2392 : i32 to index
        %get3A_2455 = arith.constant 48 : index
        %get3A_2456 = tpu.vector_load %arg13[%get3A_2454, %get3A_2455] {strides = array<i32>} : memref<80x128xf32, #tpu.memory_space<vmem>>, vector<1x16xf32>,
        %get3A_2457 = vector.shape_cast %get3A_2456 : vector<1x16xf32> to vector<16xf32>
        %add3A_2458 = arith.addf %get3A_2453, %get3A_2457 : vector<16xf32>
        %max3A_2459 = arith.constant 0.000000e+00 : f32
        %max3A_2460 = vector.broadcast %max3A_2459 : f32 to vector<16xf32>
        %max3A_2461 = arith.maximumf %add3A_2458, %max3A_2460 : vector<16xf32>
        %mul3A_2462 = vector.broadcast %squeeze3A_2388 : f32 to vector<16xf32>
        %mul3A_2463 = arith.mulf %max3A_2461, %mul3A_2462 : vector<16xf32>
        %swap3A_2464 = arith.index_cast %add3A_2392 : i32 to index
        %swap3A_2465 = arith.constant 48 : index
        %swap3A_2466 = tpu.vector_load %arg15[%swap3A_2464, %swap3A_2465] {strides = array<i32>} : memref<80x128xf32, #tpu.memory_space<vmem>>, vector<1x16xf32>,
        %swap3A_2467 = vector.shape_cast %swap3A_2466 : vector<1x16xf32> to vector<16xf32>
        %swap3A_2468 = vector.shape_cast %mul3A_2463 : vector<16xf32> to vector<1x16xf32>
        tpu.vector_store %arg15[%swap3A_2464, %swap3A_2465], %swap3A_2468 {strides = array<i32>} : memref<80x128xf32, #tpu.memory_space<vmem>>, vector<1x16xf32>,
        %get3A_2469 = arith.index_cast %add3A_2392 : i32 to index
        %get3A_2470 = arith.constant 64 : index
        %get3A_2471 = tpu.vector_load %arg11[%get3A_2469, %get3A_2470] {strides = array<i32>} : memref<80x128xf32, #tpu.memory_space<vmem>>, vector<1x16xf32>,
        %get3A_2472 = vector.shape_cast %get3A_2471 : vector<1x16xf32> to vector<16xf32>
        %get3A_2473 = arith.index_cast %add3A_2392 : i32 to index
        %get3A_2474 = arith.constant 64 : index
        %get3A_2475 = tpu.vector_load %arg13[%get3A_2473, %get3A_2474] {strides = array<i32>} : memref<80x128xf32, #tpu.memory_space<vmem>>, vector<1x16xf32>,
        %get3A_2476 = vector.shape_cast %get3A_2475 : vector<1x16xf32> to vector<16xf32>
        %add3A_2477 = arith.addf %get3A_2472, %get3A_2476 : vector<16xf32>
        %max3A_2478 = arith.constant 0.000000e+00 : f32
        %max3A_2479 = vector.broadcast %max3A_2478 : f32 to vector<16xf32>
        %max3A_2480 = arith.maximumf %add3A_2477, %max3A_2479 : vector<16xf32>
        %mul3A_2481 = vector.broadcast %squeeze3A_2388 : f32 to vector<16xf32>
        %mul3A_2482 = arith.mulf %max3A_2480, %mul3A_2481 : vector<16xf32>
        %swap3A_2483 = arith.index_cast %add3A_2392 : i32 to index
        %swap3A_2484 = arith.constant 64 : index
        %swap3A_2485 = tpu.vector_load %arg15[%swap3A_2483, %swap3A_2484] {strides = array<i32>} : memref<80x128xf32, #tpu.memory_space<vmem>>, vector<1x16xf32>,
        %swap3A_2486 = vector.shape_cast %swap3A_2485 : vector<1x16xf32> to vector<16xf32>
        %swap3A_2487 = vector.shape_cast %mul3A_2482 : vector<16xf32> to vector<1x16xf32>
        tpu.vector_store %arg15[%swap3A_2483, %swap3A_2484], %swap3A_2487 {strides = array<i32>} : memref<80x128xf32, #tpu.memory_space<vmem>>, vector<1x16xf32>,
        %get3A_2488 = arith.index_cast %add3A_2392 : i32 to index
        %get3A_2489 = arith.constant 80 : index
        %get3A_2490 = tpu.vector_load %arg11[%get3A_2488, %get3A_2489] {strides = array<i32>} : memref<80x128xf32, #tpu.memory_space<vmem>>, vector<1x16xf32>,
        %get3A_2491 = vector.shape_cast %get3A_2490 : vector<1x16xf32> to vector<16xf32>
        %get3A_2492 = arith.index_cast %add3A_2392 : i32 to index
        %get3A_2493 = arith.constant 80 : index
        %get3A_2494 = tpu.vector_load %arg13[%get3A_2492, %get3A_2493] {strides = array<i32>} : memref<80x128xf32, #tpu.memory_space<vmem>>, vector<1x16xf32>,
        %get3A_2495 = vector.shape_cast %get3A_2494 : vector<1x16xf32> to vector<16xf32>
        %add3A_2496 = arith.addf %get3A_2491, %get3A_2495 : vector<16xf32>
        %max3A_2497 = arith.constant 0.000000e+00 : f32
        %max3A_2498 = vector.broadcast %max3A_2497 : f32 to vector<16xf32>
        %max3A_2499 = arith.maximumf %add3A_2496, %max3A_2498 : vector<16xf32>
        %mul3A_2500 = vector.broadcast %squeeze3A_2388 : f32 to vector<16xf32>
        %mul3A_2501 = arith.mulf %max3A_2499, %mul3A_2500 : vector<16xf32>
        %swap3A_2502 = arith.index_cast %add3A_2392 : i32 to index
        %swap3A_2503 = arith.constant 80 : index
        %swap3A_2504 = tpu.vector_load %arg15[%swap3A_2502, %swap3A_2503] {strides = array<i32>} : memref<80x128xf32, #tpu.memory_space<vmem>>, vector<1x16xf32>,
        %swap3A_2505 = vector.shape_cast %swap3A_2504 : vector<1x16xf32> to vector<16xf32>
        %swap3A_2506 = vector.shape_cast %mul3A_2501 : vector<16xf32> to vector<1x16xf32>
        tpu.vector_store %arg15[%swap3A_2502, %swap3A_2503], %swap3A_2506 {strides = array<i32>} : memref<80x128xf32, #tpu.memory_space<vmem>>, vector<1x16xf32>,
        %get3A_2507 = arith.index_cast %add3A_2392 : i32 to index
        %get3A_2508 = arith.constant 96 : index
        %get3A_2509 = tpu.vector_load %arg11[%get3A_2507, %get3A_2508] {strides = array<i32>} : memref<80x128xf32, #tpu.memory_space<vmem>>, vector<1x16xf32>,
        %get3A_2510 = vector.shape_cast %get3A_2509 : vector<1x16xf32> to vector<16xf32>
        %get3A_2511 = arith.index_cast %add3A_2392 : i32 to index
        %get3A_2512 = arith.constant 96 : index
        %get3A_2513 = tpu.vector_load %arg13[%get3A_2511, %get3A_2512] {strides = array<i32>} : memref<80x128xf32, #tpu.memory_space<vmem>>, vector<1x16xf32>,
        %get3A_2514 = vector.shape_cast %get3A_2513 : vector<1x16xf32> to vector<16xf32>
        %add3A_2515 = arith.addf %get3A_2510, %get3A_2514 : vector<16xf32>
        %max3A_2516 = arith.constant 0.000000e+00 : f32
        %max3A_2517 = vector.broadcast %max3A_2516 : f32 to vector<16xf32>
        %max3A_2518 = arith.maximumf %add3A_2515, %max3A_2517 : vector<16xf32>
        %mul3A_2519 = vector.broadcast %squeeze3A_2388 : f32 to vector<16xf32>
        %mul3A_2520 = arith.mulf %max3A_2518, %mul3A_2519 : vector<16xf32>
        %swap3A_2521 = arith.index_cast %add3A_2392 : i32 to index
        %swap3A_2522 = arith.constant 96 : index
        %swap3A_2523 = tpu.vector_load %arg15[%swap3A_2521, %swap3A_2522] {strides = array<i32>} : memref<80x128xf32, #tpu.memory_space<vmem>>, vector<1x16xf32>,
        %swap3A_2524 = vector.shape_cast %swap3A_2523 : vector<1x16xf32> to vector<16xf32>
        %swap3A_2525 = vector.shape_cast %mul3A_2520 : vector<16xf32> to vector<1x16xf32>
        tpu.vector_store %arg15[%swap3A_2521, %swap3A_2522], %swap3A_2525 {strides = array<i32>} : memref<80x128xf32, #tpu.memory_space<vmem>>, vector<1x16xf32>,
        %get3A_2526 = arith.index_cast %add3A_2392 : i32 to index
        %get3A_2527 = arith.constant 112 : index
        %get3A_2528 = tpu.vector_load %arg11[%get3A_2526, %get3A_2527] {strides = array<i32>} : memref<80x128xf32, #tpu.memory_space<vmem>>, vector<1x16xf32>,
        %get3A_2529 = vector.shape_cast %get3A_2528 : vector<1x16xf32> to vector<16xf32>
        %get3A_2530 = arith.index_cast %add3A_2392 : i32 to index
        %get3A_2531 = arith.constant 112 : index
        %get3A_2532 = tpu.vector_load %arg13[%get3A_2530, %get3A_2531] {strides = array<i32>} : memref<80x128xf32, #tpu.memory_space<vmem>>, vector<1x16xf32>,
        %get3A_2533 = vector.shape_cast %get3A_2532 : vector<1x16xf32> to vector<16xf32>
        %add3A_2534 = arith.addf %get3A_2529, %get3A_2533 : vector<16xf32>
        %max3A_2535 = arith.constant 0.000000e+00 : f32
        %max3A_2536 = vector.broadcast %max3A_2535 : f32 to vector<16xf32>
        %max3A_2537 = arith.maximumf %add3A_2534, %max3A_2536 : vector<16xf32>
        %mul3A_2538 = vector.broadcast %squeeze3A_2388 : f32 to vector<16xf32>
        %mul3A_2539 = arith.mulf %max3A_2537, %mul3A_2538 : vector<16xf32>
        %swap3A_2540 = arith.index_cast %add3A_2392 : i32 to index
        %swap3A_2541 = arith.constant 112 : index
        %swap3A_2542 = tpu.vector_load %arg15[%swap3A_2540, %swap3A_2541] {strides = array<i32>} : memref<80x128xf32, #tpu.memory_space<vmem>>, vector<1x16xf32>,
        %swap3A_2543 = vector.shape_cast %swap3A_2542 : vector<1x16xf32> to vector<16xf32>
        %swap3A_2544 = vector.shape_cast %mul3A_2539 : vector<16xf32> to vector<1x16xf32>
        tpu.vector_store %arg15[%swap3A_2540, %swap3A_2541], %swap3A_2544 {strides = array<i32>} : memref<80x128xf32, #tpu.memory_space<vmem>>, vector<1x16xf32>,
        %slice3A_2545 = vector.extract_strided_slice %get3A_178 {offsets = [15], sizes = [1], strides = [1]} : vector<16xf32> to vector<1xf32>
        %squeeze3A_2546 = vector.extract %slice3A_2545[0] : f32 from vector<1xf32>
        %mul3A_2547 = arith.constant 16 : i32
        %mul3A_2548 = arith.muli %scan3A_173, %mul3A_2547 : i32
        %add3A_2549 = arith.constant 15 : i32
        %add3A_2550 = arith.addi %mul3A_2548, %add3A_2549 : i32
        %get3A_2551 = arith.index_cast %add3A_2550 : i32 to index
        %get3A_2552 = arith.constant 0 : index
        %get3A_2553 = tpu.vector_load %arg11[%get3A_2551, %get3A_2552] {strides = array<i32>} : memref<80x128xf32, #tpu.memory_space<vmem>>, vector<1x16xf32>,
        %get3A_2554 = vector.shape_cast %get3A_2553 : vector<1x16xf32> to vector<16xf32>
        %get3A_2555 = arith.index_cast %add3A_2550 : i32 to index
        %get3A_2556 = arith.constant 0 : index
        %get3A_2557 = tpu.vector_load %arg13[%get3A_2555, %get3A_2556] {strides = array<i32>} : memref<80x128xf32, #tpu.memory_space<vmem>>, vector<1x16xf32>,
        %get3A_2558 = vector.shape_cast %get3A_2557 : vector<1x16xf32> to vector<16xf32>
        %add3A_2559 = arith.addf %get3A_2554, %get3A_2558 : vector<16xf32>
        %max3A_2560 = arith.constant 0.000000e+00 : f32
        %max3A_2561 = vector.broadcast %max3A_2560 : f32 to vector<16xf32>
        %max3A_2562 = arith.maximumf %add3A_2559, %max3A_2561 : vector<16xf32>
        %mul3A_2563 = vector.broadcast %squeeze3A_2546 : f32 to vector<16xf32>
        %mul3A_2564 = arith.mulf %max3A_2562, %mul3A_2563 : vector<16xf32>
        %swap3A_2565 = arith.index_cast %add3A_2550 : i32 to index
        %swap3A_2566 = arith.constant 0 : index
        %swap3A_2567 = tpu.vector_load %arg15[%swap3A_2565, %swap3A_2566] {strides = array<i32>} : memref<80x128xf32, #tpu.memory_space<vmem>>, vector<1x16xf32>,
        %swap3A_2568 = vector.shape_cast %swap3A_2567 : vector<1x16xf32> to vector<16xf32>
        %swap3A_2569 = vector.shape_cast %mul3A_2564 : vector<16xf32> to vector<1x16xf32>
        tpu.vector_store %arg15[%swap3A_2565, %swap3A_2566], %swap3A_2569 {strides = array<i32>} : memref<80x128xf32, #tpu.memory_space<vmem>>, vector<1x16xf32>,
        %get3A_2570 = arith.index_cast %add3A_2550 : i32 to index
        %get3A_2571 = arith.constant 16 : index
        %get3A_2572 = tpu.vector_load %arg11[%get3A_2570, %get3A_2571] {strides = array<i32>} : memref<80x128xf32, #tpu.memory_space<vmem>>, vector<1x16xf32>,
        %get3A_2573 = vector.shape_cast %get3A_2572 : vector<1x16xf32> to vector<16xf32>
        %get3A_2574 = arith.index_cast %add3A_2550 : i32 to index
        %get3A_2575 = arith.constant 16 : index
        %get3A_2576 = tpu.vector_load %arg13[%get3A_2574, %get3A_2575] {strides = array<i32>} : memref<80x128xf32, #tpu.memory_space<vmem>>, vector<1x16xf32>,
        %get3A_2577 = vector.shape_cast %get3A_2576 : vector<1x16xf32> to vector<16xf32>
        %add3A_2578 = arith.addf %get3A_2573, %get3A_2577 : vector<16xf32>
        %max3A_2579 = arith.constant 0.000000e+00 : f32
        %max3A_2580 = vector.broadcast %max3A_2579 : f32 to vector<16xf32>
        %max3A_2581 = arith.maximumf %add3A_2578, %max3A_2580 : vector<16xf32>
        %mul3A_2582 = vector.broadcast %squeeze3A_2546 : f32 to vector<16xf32>
        %mul3A_2583 = arith.mulf %max3A_2581, %mul3A_2582 : vector<16xf32>
        %swap3A_2584 = arith.index_cast %add3A_2550 : i32 to index
        %swap3A_2585 = arith.constant 16 : index
        %swap3A_2586 = tpu.vector_load %arg15[%swap3A_2584, %swap3A_2585] {strides = array<i32>} : memref<80x128xf32, #tpu.memory_space<vmem>>, vector<1x16xf32>,
        %swap3A_2587 = vector.shape_cast %swap3A_2586 : vector<1x16xf32> to vector<16xf32>
        %swap3A_2588 = vector.shape_cast %mul3A_2583 : vector<16xf32> to vector<1x16xf32>
        tpu.vector_store %arg15[%swap3A_2584, %swap3A_2585], %swap3A_2588 {strides = array<i32>} : memref<80x128xf32, #tpu.memory_space<vmem>>, vector<1x16xf32>,
        %get3A_2589 = arith.index_cast %add3A_2550 : i32 to index
        %get3A_2590 = arith.constant 32 : index
        %get3A_2591 = tpu.vector_load %arg11[%get3A_2589, %get3A_2590] {strides = array<i32>} : memref<80x128xf32, #tpu.memory_space<vmem>>, vector<1x16xf32>,
        %get3A_2592 = vector.shape_cast %get3A_2591 : vector<1x16xf32> to vector<16xf32>
        %get3A_2593 = arith.index_cast %add3A_2550 : i32 to index
        %get3A_2594 = arith.constant 32 : index
        %get3A_2595 = tpu.vector_load %arg13[%get3A_2593, %get3A_2594] {strides = array<i32>} : memref<80x128xf32, #tpu.memory_space<vmem>>, vector<1x16xf32>,
        %get3A_2596 = vector.shape_cast %get3A_2595 : vector<1x16xf32> to vector<16xf32>
        %add3A_2597 = arith.addf %get3A_2592, %get3A_2596 : vector<16xf32>
        %max3A_2598 = arith.constant 0.000000e+00 : f32
        %max3A_2599 = vector.broadcast %max3A_2598 : f32 to vector<16xf32>
        %max3A_2600 = arith.maximumf %add3A_2597, %max3A_2599 : vector<16xf32>
        %mul3A_2601 = vector.broadcast %squeeze3A_2546 : f32 to vector<16xf32>
        %mul3A_2602 = arith.mulf %max3A_2600, %mul3A_2601 : vector<16xf32>
        %swap3A_2603 = arith.index_cast %add3A_2550 : i32 to index
        %swap3A_2604 = arith.constant 32 : index
        %swap3A_2605 = tpu.vector_load %arg15[%swap3A_2603, %swap3A_2604] {strides = array<i32>} : memref<80x128xf32, #tpu.memory_space<vmem>>, vector<1x16xf32>,
        %swap3A_2606 = vector.shape_cast %swap3A_2605 : vector<1x16xf32> to vector<16xf32>
        %swap3A_2607 = vector.shape_cast %mul3A_2602 : vector<16xf32> to vector<1x16xf32>
        tpu.vector_store %arg15[%swap3A_2603, %swap3A_2604], %swap3A_2607 {strides = array<i32>} : memref<80x128xf32, #tpu.memory_space<vmem>>, vector<1x16xf32>,
        %get3A_2608 = arith.index_cast %add3A_2550 : i32 to index
        %get3A_2609 = arith.constant 48 : index
        %get3A_2610 = tpu.vector_load %arg11[%get3A_2608, %get3A_2609] {strides = array<i32>} : memref<80x128xf32, #tpu.memory_space<vmem>>, vector<1x16xf32>,
        %get3A_2611 = vector.shape_cast %get3A_2610 : vector<1x16xf32> to vector<16xf32>
        %get3A_2612 = arith.index_cast %add3A_2550 : i32 to index
        %get3A_2613 = arith.constant 48 : index
        %get3A_2614 = tpu.vector_load %arg13[%get3A_2612, %get3A_2613] {strides = array<i32>} : memref<80x128xf32, #tpu.memory_space<vmem>>, vector<1x16xf32>,
        %get3A_2615 = vector.shape_cast %get3A_2614 : vector<1x16xf32> to vector<16xf32>
        %add3A_2616 = arith.addf %get3A_2611, %get3A_2615 : vector<16xf32>
        %max3A_2617 = arith.constant 0.000000e+00 : f32
        %max3A_2618 = vector.broadcast %max3A_2617 : f32 to vector<16xf32>
        %max3A_2619 = arith.maximumf %add3A_2616, %max3A_2618 : vector<16xf32>
        %mul3A_2620 = vector.broadcast %squeeze3A_2546 : f32 to vector<16xf32>
        %mul3A_2621 = arith.mulf %max3A_2619, %mul3A_2620 : vector<16xf32>
        %swap3A_2622 = arith.index_cast %add3A_2550 : i32 to index
        %swap3A_2623 = arith.constant 48 : index
        %swap3A_2624 = tpu.vector_load %arg15[%swap3A_2622, %swap3A_2623] {strides = array<i32>} : memref<80x128xf32, #tpu.memory_space<vmem>>, vector<1x16xf32>,
        %swap3A_2625 = vector.shape_cast %swap3A_2624 : vector<1x16xf32> to vector<16xf32>
        %swap3A_2626 = vector.shape_cast %mul3A_2621 : vector<16xf32> to vector<1x16xf32>
        tpu.vector_store %arg15[%swap3A_2622, %swap3A_2623], %swap3A_2626 {strides = array<i32>} : memref<80x128xf32, #tpu.memory_space<vmem>>, vector<1x16xf32>,
        %get3A_2627 = arith.index_cast %add3A_2550 : i32 to index
        %get3A_2628 = arith.constant 64 : index
        %get3A_2629 = tpu.vector_load %arg11[%get3A_2627, %get3A_2628] {strides = array<i32>} : memref<80x128xf32, #tpu.memory_space<vmem>>, vector<1x16xf32>,
        %get3A_2630 = vector.shape_cast %get3A_2629 : vector<1x16xf32> to vector<16xf32>
        %get3A_2631 = arith.index_cast %add3A_2550 : i32 to index
        %get3A_2632 = arith.constant 64 : index
        %get3A_2633 = tpu.vector_load %arg13[%get3A_2631, %get3A_2632] {strides = array<i32>} : memref<80x128xf32, #tpu.memory_space<vmem>>, vector<1x16xf32>,
        %get3A_2634 = vector.shape_cast %get3A_2633 : vector<1x16xf32> to vector<16xf32>
        %add3A_2635 = arith.addf %get3A_2630, %get3A_2634 : vector<16xf32>
        %max3A_2636 = arith.constant 0.000000e+00 : f32
        %max3A_2637 = vector.broadcast %max3A_2636 : f32 to vector<16xf32>
        %max3A_2638 = arith.maximumf %add3A_2635, %max3A_2637 : vector<16xf32>
        %mul3A_2639 = vector.broadcast %squeeze3A_2546 : f32 to vector<16xf32>
        %mul3A_2640 = arith.mulf %max3A_2638, %mul3A_2639 : vector<16xf32>
        %swap3A_2641 = arith.index_cast %add3A_2550 : i32 to index
        %swap3A_2642 = arith.constant 64 : index
        %swap3A_2643 = tpu.vector_load %arg15[%swap3A_2641, %swap3A_2642] {strides = array<i32>} : memref<80x128xf32, #tpu.memory_space<vmem>>, vector<1x16xf32>,
        %swap3A_2644 = vector.shape_cast %swap3A_2643 : vector<1x16xf32> to vector<16xf32>
        %swap3A_2645 = vector.shape_cast %mul3A_2640 : vector<16xf32> to vector<1x16xf32>
        tpu.vector_store %arg15[%swap3A_2641, %swap3A_2642], %swap3A_2645 {strides = array<i32>} : memref<80x128xf32, #tpu.memory_space<vmem>>, vector<1x16xf32>,
        %get3A_2646 = arith.index_cast %add3A_2550 : i32 to index
        %get3A_2647 = arith.constant 80 : index
        %get3A_2648 = tpu.vector_load %arg11[%get3A_2646, %get3A_2647] {strides = array<i32>} : memref<80x128xf32, #tpu.memory_space<vmem>>, vector<1x16xf32>,
        %get3A_2649 = vector.shape_cast %get3A_2648 : vector<1x16xf32> to vector<16xf32>
        %get3A_2650 = arith.index_cast %add3A_2550 : i32 to index
        %get3A_2651 = arith.constant 80 : index
        %get3A_2652 = tpu.vector_load %arg13[%get3A_2650, %get3A_2651] {strides = array<i32>} : memref<80x128xf32, #tpu.memory_space<vmem>>, vector<1x16xf32>,
        %get3A_2653 = vector.shape_cast %get3A_2652 : vector<1x16xf32> to vector<16xf32>
        %add3A_2654 = arith.addf %get3A_2649, %get3A_2653 : vector<16xf32>
        %max3A_2655 = arith.constant 0.000000e+00 : f32
        %max3A_2656 = vector.broadcast %max3A_2655 : f32 to vector<16xf32>
        %max3A_2657 = arith.maximumf %add3A_2654, %max3A_2656 : vector<16xf32>
        %mul3A_2658 = vector.broadcast %squeeze3A_2546 : f32 to vector<16xf32>
        %mul3A_2659 = arith.mulf %max3A_2657, %mul3A_2658 : vector<16xf32>
        %swap3A_2660 = arith.index_cast %add3A_2550 : i32 to index
        %swap3A_2661 = arith.constant 80 : index
        %swap3A_2662 = tpu.vector_load %arg15[%swap3A_2660, %swap3A_2661] {strides = array<i32>} : memref<80x128xf32, #tpu.memory_space<vmem>>, vector<1x16xf32>,
        %swap3A_2663 = vector.shape_cast %swap3A_2662 : vector<1x16xf32> to vector<16xf32>
        %swap3A_2664 = vector.shape_cast %mul3A_2659 : vector<16xf32> to vector<1x16xf32>
        tpu.vector_store %arg15[%swap3A_2660, %swap3A_2661], %swap3A_2664 {strides = array<i32>} : memref<80x128xf32, #tpu.memory_space<vmem>>, vector<1x16xf32>,
        %get3A_2665 = arith.index_cast %add3A_2550 : i32 to index
        %get3A_2666 = arith.constant 96 : index
        %get3A_2667 = tpu.vector_load %arg11[%get3A_2665, %get3A_2666] {strides = array<i32>} : memref<80x128xf32, #tpu.memory_space<vmem>>, vector<1x16xf32>,
        %get3A_2668 = vector.shape_cast %get3A_2667 : vector<1x16xf32> to vector<16xf32>
        %get3A_2669 = arith.index_cast %add3A_2550 : i32 to index
        %get3A_2670 = arith.constant 96 : index
        %get3A_2671 = tpu.vector_load %arg13[%get3A_2669, %get3A_2670] {strides = array<i32>} : memref<80x128xf32, #tpu.memory_space<vmem>>, vector<1x16xf32>,
        %get3A_2672 = vector.shape_cast %get3A_2671 : vector<1x16xf32> to vector<16xf32>
        %add3A_2673 = arith.addf %get3A_2668, %get3A_2672 : vector<16xf32>
        %max3A_2674 = arith.constant 0.000000e+00 : f32
        %max3A_2675 = vector.broadcast %max3A_2674 : f32 to vector<16xf32>
        %max3A_2676 = arith.maximumf %add3A_2673, %max3A_2675 : vector<16xf32>
        %mul3A_2677 = vector.broadcast %squeeze3A_2546 : f32 to vector<16xf32>
        %mul3A_2678 = arith.mulf %max3A_2676, %mul3A_2677 : vector<16xf32>
        %swap3A_2679 = arith.index_cast %add3A_2550 : i32 to index
        %swap3A_2680 = arith.constant 96 : index
        %swap3A_2681 = tpu.vector_load %arg15[%swap3A_2679, %swap3A_2680] {strides = array<i32>} : memref<80x128xf32, #tpu.memory_space<vmem>>, vector<1x16xf32>,
        %swap3A_2682 = vector.shape_cast %swap3A_2681 : vector<1x16xf32> to vector<16xf32>
        %swap3A_2683 = vector.shape_cast %mul3A_2678 : vector<16xf32> to vector<1x16xf32>
        tpu.vector_store %arg15[%swap3A_2679, %swap3A_2680], %swap3A_2683 {strides = array<i32>} : memref<80x128xf32, #tpu.memory_space<vmem>>, vector<1x16xf32>,
        %get3A_2684 = arith.index_cast %add3A_2550 : i32 to index
        %get3A_2685 = arith.constant 112 : index
        %get3A_2686 = tpu.vector_load %arg11[%get3A_2684, %get3A_2685] {strides = array<i32>} : memref<80x128xf32, #tpu.memory_space<vmem>>, vector<1x16xf32>,
        %get3A_2687 = vector.shape_cast %get3A_2686 : vector<1x16xf32> to vector<16xf32>
        %get3A_2688 = arith.index_cast %add3A_2550 : i32 to index
        %get3A_2689 = arith.constant 112 : index
        %get3A_2690 = tpu.vector_load %arg13[%get3A_2688, %get3A_2689] {strides = array<i32>} : memref<80x128xf32, #tpu.memory_space<vmem>>, vector<1x16xf32>,
        %get3A_2691 = vector.shape_cast %get3A_2690 : vector<1x16xf32> to vector<16xf32>
        %add3A_2692 = arith.addf %get3A_2687, %get3A_2691 : vector<16xf32>
        %max3A_2693 = arith.constant 0.000000e+00 : f32
        %max3A_2694 = vector.broadcast %max3A_2693 : f32 to vector<16xf32>
        %max3A_2695 = arith.maximumf %add3A_2692, %max3A_2694 : vector<16xf32>
        %mul3A_2696 = vector.broadcast %squeeze3A_2546 : f32 to vector<16xf32>
        %mul3A_2697 = arith.mulf %max3A_2695, %mul3A_2696 : vector<16xf32>
        %swap3A_2698 = arith.index_cast %add3A_2550 : i32 to index
        %swap3A_2699 = arith.constant 112 : index
        %swap3A_2700 = tpu.vector_load %arg15[%swap3A_2698, %swap3A_2699] {strides = array<i32>} : memref<80x128xf32, #tpu.memory_space<vmem>>, vector<1x16xf32>,
        %swap3A_2701 = vector.shape_cast %swap3A_2700 : vector<1x16xf32> to vector<16xf32>
        %swap3A_2702 = vector.shape_cast %mul3A_2697 : vector<16xf32> to vector<1x16xf32>
        tpu.vector_store %arg15[%swap3A_2698, %swap3A_2699], %swap3A_2702 {strides = array<i32>} : memref<80x128xf32, #tpu.memory_space<vmem>>, vector<1x16xf32>,
      }
      %scan3A_129 = arith.constant 5 : i32
      %dma_wait3A_130 = arith.constant 0 : i32
      %dma_wait3A_131 = arith.constant 0 : i32
      %dma_wait3A_132 = tpu.memref_slice %arg5[%add3A, %dma_wait3A_130, %dma_wait3A_131] : memref<32x125x80xi32, #tpu.memory_space<hbm>> -> memref<1x125x80xi32, #tpu.memory_space<hbm>>
      %dma_wait3A_133 = tpu.memref_squeeze %dma_wait3A_132 : memref<1x125x80xi32, #tpu.memory_space<hbm>> -> memref<125x80xi32, #tpu.memory_space<hbm>>
      %dma_wait3A_134 = arith.constant 0 : i32
      %dma_wait3A_135 = tpu.memref_slice %dma_wait3A_133[%scan3A_78, %dma_wait3A_134] : memref<125x80xi32, #tpu.memory_space<hbm>> -> memref<1x80xi32, #tpu.memory_space<hbm>>
      %dma_wait3A_136 = tpu.memref_squeeze %dma_wait3A_135 : memref<1x80xi32, #tpu.memory_space<hbm>> -> memref<80xi32, #tpu.memory_space<hbm>>
      %dma_wait3A_137 = arith.constant 0 : i32
      %dma_wait3A_138 = arith.constant 0 : i32
      %dma_wait3A_139 = tpu.memref_slice %arg5[%add3A, %dma_wait3A_137, %dma_wait3A_138] : memref<32x125x80xi32, #tpu.memory_space<hbm>> -> memref<1x125x80xi32, #tpu.memory_space<hbm>>
      %dma_wait3A_140 = tpu.memref_squeeze %dma_wait3A_139 : memref<1x125x80xi32, #tpu.memory_space<hbm>> -> memref<125x80xi32, #tpu.memory_space<hbm>>
      %dma_wait3A_141 = arith.constant 0 : i32
      %dma_wait3A_142 = tpu.memref_slice %dma_wait3A_140[%scan3A_78, %dma_wait3A_141] : memref<125x80xi32, #tpu.memory_space<hbm>> -> memref<1x80xi32, #tpu.memory_space<hbm>>
      %dma_wait3A_143 = tpu.memref_squeeze %dma_wait3A_142 : memref<1x80xi32, #tpu.memory_space<hbm>> -> memref<80xi32, #tpu.memory_space<hbm>>
      tpu.wait_dma2 semaphore(%arg22 : memref<!tpu.dma_semaphore, #tpu.memory_space<semaphore_mem>>) src(%dma_wait3A_143 : memref<80xi32, #tpu.memory_space<hbm>>) dst(%arg9 : memref<80xi32, #tpu.memory_space<vmem>>)
      %dma_start3A_144 = arith.constant 0 : i32
      %dma_start3A_145 = arith.constant 0 : i32
      %dma_start3A_146 = tpu.memref_slice %arg17[%dma_start3A_144, %dma_start3A_145] : memref<10240x128xf32, #tpu.memory_space<vmem_shared>> -> memref<10240x128xf32, #tpu.memory_space<vmem_shared>>
      tpu.enqueue_indirect_dma source(%arg15 : memref<80x128xf32, #tpu.memory_space<vmem>>) target(%dma_start3A_146 : memref<10240x128xf32, #tpu.memory_space<vmem_shared>>) offsets(%arg9 : memref<80xi32, #tpu.memory_space<vmem>>) semaphore(%arg20 : memref<!tpu.dma_semaphore, #tpu.memory_space<semaphore_mem>>) {add = true}
      %dma_wait3A_147 = arith.constant 0 : i32
      %dma_wait3A_148 = arith.constant 0 : i32
      %dma_wait3A_149 = tpu.memref_slice %arg4[%add3A, %dma_wait3A_147, %dma_wait3A_148] : memref<32x125x80xi32, #tpu.memory_space<hbm>> -> memref<1x125x80xi32, #tpu.memory_space<hbm>>
      %dma_wait3A_150 = tpu.memref_squeeze %dma_wait3A_149 : memref<1x125x80xi32, #tpu.memory_space<hbm>> -> memref<125x80xi32, #tpu.memory_space<hbm>>
      %dma_wait3A_151 = arith.constant 0 : i32
      %dma_wait3A_152 = tpu.memref_slice %dma_wait3A_150[%scan3A_78, %dma_wait3A_151] : memref<125x80xi32, #tpu.memory_space<hbm>> -> memref<1x80xi32, #tpu.memory_space<hbm>>
      %dma_wait3A_153 = tpu.memref_squeeze %dma_wait3A_152 : memref<1x80xi32, #tpu.memory_space<hbm>> -> memref<80xi32, #tpu.memory_space<hbm>>
      %dma_wait3A_154 = arith.constant 0 : i32
      %dma_wait3A_155 = arith.constant 0 : i32
      %dma_wait3A_156 = tpu.memref_slice %arg4[%add3A, %dma_wait3A_154, %dma_wait3A_155] : memref<32x125x80xi32, #tpu.memory_space<hbm>> -> memref<1x125x80xi32, #tpu.memory_space<hbm>>
      %dma_wait3A_157 = tpu.memref_squeeze %dma_wait3A_156 : memref<1x125x80xi32, #tpu.memory_space<hbm>> -> memref<125x80xi32, #tpu.memory_space<hbm>>
      %dma_wait3A_158 = arith.constant 0 : i32
      %dma_wait3A_159 = tpu.memref_slice %dma_wait3A_157[%scan3A_78, %dma_wait3A_158] : memref<125x80xi32, #tpu.memory_space<hbm>> -> memref<1x80xi32, #tpu.memory_space<hbm>>
      %dma_wait3A_160 = tpu.memref_squeeze %dma_wait3A_159 : memref<1x80xi32, #tpu.memory_space<hbm>> -> memref<80xi32, #tpu.memory_space<hbm>>
      tpu.wait_dma2 semaphore(%arg21 : memref<!tpu.dma_semaphore, #tpu.memory_space<semaphore_mem>>) src(%dma_wait3A_160 : memref<80xi32, #tpu.memory_space<hbm>>) dst(%arg8 : memref<80xi32, #tpu.memory_space<vmem>>)
      %dma_start3A_161 = arith.constant 0 : i32
      %dma_start3A_162 = arith.constant 0 : i32
      %dma_start3A_163 = tpu.memref_slice %arg2[%dma_start3A_161, %dma_start3A_162] : memref<10000x128xf32, #tpu.memory_space<hbm>> -> memref<10000x128xf32, #tpu.memory_space<hbm>>
      tpu.enqueue_indirect_dma source(%dma_start3A_163 : memref<10000x128xf32, #tpu.memory_space<hbm>>) target(%arg11 : memref<80x128xf32, #tpu.memory_space<vmem>>) offsets(%arg8 : memref<80xi32, #tpu.memory_space<vmem>>) semaphore(%arg18 : memref<!tpu.dma_semaphore, #tpu.memory_space<semaphore_mem>>)
      %add3A_164 = arith.addi %mul3A_2, %min3A_100 : i32
      %dma_start3A_165 = arith.constant 0 : i32
      %dma_start3A_166 = arith.constant 0 : i32
      %dma_start3A_167 = tpu.memref_slice %arg3[%add3A_164, %dma_start3A_165, %dma_start3A_166] : memref<4000x80x128xf32, #tpu.memory_space<hbm>> -> memref<1x80x128xf32, #tpu.memory_space<hbm>>
      %dma_start3A_168 = tpu.memref_squeeze %dma_start3A_167 : memref<1x80x128xf32, #tpu.memory_space<hbm>> -> memref<80x128xf32, #tpu.memory_space<hbm>>
      %dma_start3A_169 = arith.constant 0 : i32
      %dma_start3A_170 = arith.constant 0 : i32
      %dma_start3A_171 = tpu.memref_slice %arg3[%add3A_164, %dma_start3A_169, %dma_start3A_170] : memref<4000x80x128xf32, #tpu.memory_space<hbm>> -> memref<1x80x128xf32, #tpu.memory_space<hbm>>
      %dma_start3A_172 = tpu.memref_squeeze %dma_start3A_171 : memref<1x80x128xf32, #tpu.memory_space<hbm>> -> memref<80x128xf32, #tpu.memory_space<hbm>>
      tpu.enqueue_dma source(%dma_start3A_172 : memref<80x128xf32, #tpu.memory_space<hbm>>) target(%arg13 : memref<80x128xf32, #tpu.memory_space<vmem>>) target_semaphore(%arg19 : memref<!tpu.dma_semaphore, #tpu.memory_space<semaphore_mem>>)
    }
    %scan3A_58 = arith.constant 125 : i32
    %dma_wait3A = arith.constant 0 : i32
    %dma_wait3A_59 = arith.constant 0 : i32
    %dma_wait3A_60 = tpu.memref_slice %arg17[%dma_wait3A, %dma_wait3A_59] : memref<10240x128xf32, #tpu.memory_space<vmem_shared>> -> memref<10240x128xf32, #tpu.memory_space<vmem_shared>>
    tpu.wait_indirect_dma semaphore(%arg20 : memref<!tpu.dma_semaphore, #tpu.memory_space<semaphore_mem>>) src(%arg15 : memref<80x128xf32, #tpu.memory_space<vmem>>) dst(%dma_wait3A_60 : memref<10240x128xf32, #tpu.memory_space<vmem_shared>>)
    %dma_wait3A_61 = arith.constant 0 : i32
    %dma_wait3A_62 = arith.constant 0 : i32
    %dma_wait3A_63 = tpu.memref_slice %arg2[%dma_wait3A_61, %dma_wait3A_62] : memref<10000x128xf32, #tpu.memory_space<hbm>> -> memref<10000x128xf32, #tpu.memory_space<hbm>>
    tpu.wait_indirect_dma semaphore(%arg18 : memref<!tpu.dma_semaphore, #tpu.memory_space<semaphore_mem>>) src(%dma_wait3A_63 : memref<10000x128xf32, #tpu.memory_space<hbm>>) dst(%arg11 : memref<80x128xf32, #tpu.memory_space<vmem>>)
    %add3A_64 = arith.addi %mul3A_2, %mul3A_41 : i32
    %dma_wait3A_65 = arith.constant 0 : i32
    %dma_wait3A_66 = arith.constant 0 : i32
    %dma_wait3A_67 = tpu.memref_slice %arg3[%add3A_64, %dma_wait3A_65, %dma_wait3A_66] : memref<4000x80x128xf32, #tpu.memory_space<hbm>> -> memref<1x80x128xf32, #tpu.memory_space<hbm>>
    %dma_wait3A_68 = tpu.memref_squeeze %dma_wait3A_67 : memref<1x80x128xf32, #tpu.memory_space<hbm>> -> memref<80x128xf32, #tpu.memory_space<hbm>>
    %dma_wait3A_69 = arith.constant 0 : i32
    %dma_wait3A_70 = arith.constant 0 : i32
    %dma_wait3A_71 = tpu.memref_slice %arg3[%add3A_64, %dma_wait3A_69, %dma_wait3A_70] : memref<4000x80x128xf32, #tpu.memory_space<hbm>> -> memref<1x80x128xf32, #tpu.memory_space<hbm>>
    %dma_wait3A_72 = tpu.memref_squeeze %dma_wait3A_71 : memref<1x80x128xf32, #tpu.memory_space<hbm>> -> memref<80x128xf32, #tpu.memory_space<hbm>>
    tpu.wait_dma2 semaphore(%arg19 : memref<!tpu.dma_semaphore, #tpu.memory_space<semaphore_mem>>) src(%dma_wait3A_72 : memref<80x128xf32, #tpu.memory_space<hbm>>) dst(%arg13 : memref<80x128xf32, #tpu.memory_space<vmem>>)
    %barrier3A_73 = arith.constant 0 : index
    tpu.barrier barrier_id(%barrier3A_73)
    %mul3A_74 = arith.constant 640 : i32
    %mul3A_75 = arith.muli %arg1, %mul3A_74 : i32
    %mul3A_76 = arith.constant 640 : i32
    %mul3A_77 = arith.muli %arg1, %mul3A_76 : i32
    "tpu.region"() ({
      %run_scoped3A = tpu.sem_alloc : memref<!tpu.dma_semaphore, #tpu.memory_space<semaphore_mem>>
      %dma_start3A_78 = arith.constant 0 : i32
      %dma_start3A_79 = tpu.memref_slice %arg7[%arg0, %mul3A_77, %dma_start3A_78] : memref<2x10240x128xf32, #tpu.memory_space<hbm>> -> memref<1x640x128xf32, #tpu.memory_space<hbm>>
      %dma_start3A_80 = tpu.memref_squeeze %dma_start3A_79 : memref<1x640x128xf32, #tpu.memory_space<hbm>> -> memref<640x128xf32, #tpu.memory_space<hbm>>
      %dma_start3A_81 = arith.constant 0 : i32
      %dma_start3A_82 = tpu.memref_slice %arg17[%mul3A_75, %dma_start3A_81] : memref<10240x128xf32, #tpu.memory_space<vmem_shared>> -> memref<640x128xf32, #tpu.memory_space<vmem_shared>>
      tpu.enqueue_dma source(%dma_start3A_82 : memref<640x128xf32, #tpu.memory_space<vmem_shared>>) target(%dma_start3A_80 : memref<640x128xf32, #tpu.memory_space<hbm>>) target_semaphore(%run_scoped3A : memref<!tpu.dma_semaphore, #tpu.memory_space<semaphore_mem>>)
      %dma_wait3A_83 = arith.constant 0 : i32
      %dma_wait3A_84 = tpu.memref_slice %arg7[%arg0, %mul3A_77, %dma_wait3A_83] : memref<2x10240x128xf32, #tpu.memory_space<hbm>> -> memref<1x640x128xf32, #tpu.memory_space<hbm>>
      %dma_wait3A_85 = tpu.memref_squeeze %dma_wait3A_84 : memref<1x640x128xf32, #tpu.memory_space<hbm>> -> memref<640x128xf32, #tpu.memory_space<hbm>>
      %dma_wait3A_86 = arith.constant 0 : i32
      %dma_wait3A_87 = tpu.memref_slice %arg17[%mul3A_75, %dma_wait3A_86] : memref<10240x128xf32, #tpu.memory_space<vmem_shared>> -> memref<640x128xf32, #tpu.memory_space<vmem_shared>>
      tpu.wait_dma2 semaphore(%run_scoped3A : memref<!tpu.dma_semaphore, #tpu.memory_space<semaphore_mem>>) src(%dma_wait3A_87 : memref<640x128xf32, #tpu.memory_space<vmem_shared>>) dst(%dma_wait3A_85 : memref<640x128xf32, #tpu.memory_space<hbm>>)
      tpu.yield
    }) : () -> ()
    return
  }
}

module attributes {stable_mosaic.version = 14 : i64} {
  func.func @_h_body(%arg0: i32, %arg1: memref<10000x128xf32, #tpu.memory_space<vmem>>, %arg2: memref<128x128xf32, #tpu.memory_space<vmem>>, %arg3: memref<128xf32, #tpu.memory_space<vmem>>, %arg4: memref<10000x128xf32, #tpu.memory_space<vmem>>) attributes {dimension_semantics = [#tpu.dimension_semantics<arbitrary>], iteration_bounds = array<i64: 1>, scalar_prefetch = 0 : i64, scratch_operands = 0 : i64, tpu.core_type = #tpu.core_type<tc>, window_params = [{transform_indices = @transform_0, window_bounds = array<i64: 10000, 128>}, {pipeline_mode = #tpu.pipeline_mode<synchronous>, transform_indices = @transform_1, window_bounds = array<i64: 128, 128>}, {pipeline_mode = #tpu.pipeline_mode<synchronous>, transform_indices = @transform_2, window_bounds = array<i64: 128>}, {transform_indices = @transform_3, window_bounds = array<i64: 10000, 128>}]} {
    %get3A = arith.constant 0 : index
    %get3A_0 = arith.constant 0 : index
    %get3A_1 = vector.load %arg1[%get3A, %get3A_0] : memref<10000x128xf32, #tpu.memory_space<vmem>>, vector<10000x128xf32>
    %get3A_2 = arith.constant 0 : index
    %get3A_3 = arith.constant 0 : index
    %get3A_4 = vector.load %arg2[%get3A_2, %get3A_3] : memref<128x128xf32, #tpu.memory_space<vmem>>, vector<128x128xf32>
    %dot_general3A = arith.constant dense<0.000000e+00> : vector<10000x128xf32>
    %dot_general3A_5 = tpu.matmul %get3A_1, %get3A_4, %dot_general3A {dimension_numbers = #tpu.dot_dimension_numbers<[1], [1], [0], [0], [0, 0, 1, 0], [], []>, transpose_lhs_hint = false} : vector<10000x128xf32>, vector<128x128xf32>, vector<10000x128xf32> -> vector<10000x128xf32>
    %get3A_6 = arith.constant 0 : index
    %get3A_7 = vector.load %arg3[%get3A_6] : memref<128xf32, #tpu.memory_space<vmem>>, vector<128xf32>
    %broadcast_in_dim3A = vector.shape_cast %get3A_7 : vector<128xf32> to vector<1x128xf32>
    %add3A = vector.broadcast %broadcast_in_dim3A : vector<1x128xf32> to vector<10000x128xf32>
    %add3A_8 = arith.addf %dot_general3A_5, %add3A : vector<10000x128xf32>
    %swap3A = arith.constant 0 : index
    %swap3A_9 = arith.constant 0 : index
    %swap3A_10 = vector.load %arg4[%swap3A, %swap3A_9] : memref<10000x128xf32, #tpu.memory_space<vmem>>, vector<10000x128xf32>
    tpu.vector_store %arg4[%swap3A, %swap3A_9], %add3A_8 {strides = array<i32>} : memref<10000x128xf32, #tpu.memory_space<vmem>>, vector<10000x128xf32>,
    return
  }
  func.func @transform_0(%arg0: i32) -> (i32, i32) {
    %c0_i32 = arith.constant 0 : i32
    %c0_i32_0 = arith.constant 0 : i32
    return %arg0, %c0_i32 : i32, i32
  }
  func.func @transform_1(%arg0: i32) -> (i32, i32) {
    %c0_i32 = arith.constant 0 : i32
    %c0_i32_0 = arith.constant 0 : i32
    %c0_i32_1 = arith.constant 0 : i32
    return %c0_i32, %c0_i32_0 : i32, i32
  }
  func.func @transform_2(%arg0: i32) -> i32 {
    %c0_i32 = arith.constant 0 : i32
    %c0_i32_0 = arith.constant 0 : i32
    return %c0_i32 : i32
  }
  func.func @transform_3(%arg0: i32) -> (i32, i32) {
    %c0_i32 = arith.constant 0 : i32
    %c0_i32_0 = arith.constant 0 : i32
    return %arg0, %c0_i32 : i32, i32
  }
}

module attributes {stable_mosaic.version = 14 : i64} {
  func.func @_e_body(%arg0: i32, %arg1: memref<16000x16xf32, #tpu.memory_space<vmem>>, %arg2: memref<128x16xf32, #tpu.memory_space<vmem>>, %arg3: memref<128xf32, #tpu.memory_space<vmem>>, %arg4: memref<200x80x128xf32, #tpu.memory_space<vmem>>) attributes {dimension_semantics = [#tpu.dimension_semantics<arbitrary>], iteration_bounds = array<i64: 20>, scalar_prefetch = 0 : i64, scratch_operands = 0 : i64, tpu.core_type = #tpu.core_type<tc>, window_params = [{transform_indices = @transform_0, window_bounds = array<i64: 16000, 16>}, {pipeline_mode = #tpu.pipeline_mode<synchronous>, transform_indices = @transform_1, window_bounds = array<i64: 128, 16>}, {pipeline_mode = #tpu.pipeline_mode<synchronous>, transform_indices = @transform_2, window_bounds = array<i64: 128>}, {transform_indices = @transform_3, window_bounds = array<i64: 200, 80, 128>}]} {
    %get3A = arith.constant 0 : index
    %get3A_0 = arith.constant 0 : index
    %get3A_1 = vector.load %arg1[%get3A, %get3A_0] : memref<16000x16xf32, #tpu.memory_space<vmem>>, vector<16000x16xf32>
    %get3A_2 = arith.constant 0 : index
    %get3A_3 = arith.constant 0 : index
    %get3A_4 = vector.load %arg2[%get3A_2, %get3A_3] : memref<128x16xf32, #tpu.memory_space<vmem>>, vector<128x16xf32>
    %dot_general3A = arith.constant dense<0.000000e+00> : vector<16000x128xf32>
    %dot_general3A_5 = tpu.matmul %get3A_1, %get3A_4, %dot_general3A {dimension_numbers = #tpu.dot_dimension_numbers<[1], [1], [0], [0], [0, 0, 1, 0], [], []>, transpose_lhs_hint = false} : vector<16000x16xf32>, vector<128x16xf32>, vector<16000x128xf32> -> vector<16000x128xf32>
    %get3A_6 = arith.constant 0 : index
    %get3A_7 = vector.load %arg3[%get3A_6] : memref<128xf32, #tpu.memory_space<vmem>>, vector<128xf32>
    %broadcast_in_dim3A = vector.shape_cast %get3A_7 : vector<128xf32> to vector<1x128xf32>
    %add3A = vector.broadcast %broadcast_in_dim3A : vector<1x128xf32> to vector<16000x128xf32>
    %add3A_8 = arith.addf %dot_general3A_5, %add3A : vector<16000x128xf32>
    %reshape3A = vector.shape_cast %add3A_8 : vector<16000x128xf32> to vector<200x80x128xf32>
    %swap3A = arith.constant 0 : index
    %swap3A_9 = arith.constant 0 : index
    %swap3A_10 = arith.constant 0 : index
    %swap3A_11 = vector.load %arg4[%swap3A, %swap3A_9, %swap3A_10] : memref<200x80x128xf32, #tpu.memory_space<vmem>>, vector<200x80x128xf32>
    tpu.vector_store %arg4[%swap3A, %swap3A_9, %swap3A_10], %reshape3A {strides = array<i32>} : memref<200x80x128xf32, #tpu.memory_space<vmem>>, vector<200x80x128xf32>,
    return
  }
  func.func @transform_0(%arg0: i32) -> (i32, i32) {
    %c0_i32 = arith.constant 0 : i32
    %c0_i32_0 = arith.constant 0 : i32
    return %arg0, %c0_i32 : i32, i32
  }
  func.func @transform_1(%arg0: i32) -> (i32, i32) {
    %c0_i32 = arith.constant 0 : i32
    %c0_i32_0 = arith.constant 0 : i32
    %c0_i32_1 = arith.constant 0 : i32
    return %c0_i32, %c0_i32_0 : i32, i32
  }
  func.func @transform_2(%arg0: i32) -> i32 {
    %c0_i32 = arith.constant 0 : i32
    %c0_i32_0 = arith.constant 0 : i32
    return %c0_i32 : i32
  }
  func.func @transform_3(%arg0: i32) -> (i32, i32, i32) {
    %c0_i32 = arith.constant 0 : i32
    %c0_i32_0 = arith.constant 0 : i32
    %c0_i32_1 = arith.constant 0 : i32
    return %arg0, %c0_i32, %c0_i32_0 : i32, i32, i32
  }
}

module attributes {stable_mosaic.version = 14 : i64} {
  func.func @_final_body(%arg0: i32, %arg1: memref<2x2000x128xf32, #tpu.memory_space<vmem>>, %arg2: memref<2000x128xf32, #tpu.memory_space<vmem>>, %arg3: memref<2000x1xf32, #tpu.memory_space<vmem>>, %arg4: memref<1x128xf32, #tpu.memory_space<vmem>>, %arg5: memref<2000x128xf32, #tpu.memory_space<vmem>>) attributes {dimension_semantics = [#tpu.dimension_semantics<arbitrary>], iteration_bounds = array<i64: 5>, scalar_prefetch = 0 : i64, scratch_operands = 0 : i64, tpu.core_type = #tpu.core_type<tc>, window_params = [{transform_indices = @transform_0, window_bounds = array<i64: 2, 2000, 128>}, {transform_indices = @transform_1, window_bounds = array<i64: 2000, 128>}, {transform_indices = @transform_2, window_bounds = array<i64: 2000, 1>}, {pipeline_mode = #tpu.pipeline_mode<synchronous>, transform_indices = @transform_3, window_bounds = array<i64: 1, 128>}, {transform_indices = @transform_4, window_bounds = array<i64: 2000, 128>}]} {
    %get3A = arith.constant 0 : index
    %get3A_0 = arith.constant 0 : index
    %get3A_1 = vector.load %arg2[%get3A, %get3A_0] : memref<2000x128xf32, #tpu.memory_space<vmem>>, vector<2000x128xf32>
    %get3A_2 = arith.constant 0 : index
    %get3A_3 = arith.constant 0 : index
    %get3A_4 = vector.load %arg4[%get3A_2, %get3A_3] : memref<1x128xf32, #tpu.memory_space<vmem>>, vector<1x128xf32>
    %add3A = vector.broadcast %get3A_4 : vector<1x128xf32> to vector<2000x128xf32>
    %add3A_5 = arith.addf %get3A_1, %add3A : vector<2000x128xf32>
    %max3A = arith.constant 0.000000e+00 : f32
    %max3A_6 = vector.broadcast %max3A : f32 to vector<2000x128xf32>
    %max3A_7 = arith.maximumf %add3A_5, %max3A_6 : vector<2000x128xf32>
    %get3A_8 = arith.constant 0 : index
    %get3A_9 = arith.constant 0 : index
    %get3A_10 = vector.load %arg3[%get3A_8, %get3A_9] : memref<2000x1xf32, #tpu.memory_space<vmem>>, vector<2000x1xf32>
    %div3A = vector.broadcast %get3A_10 : vector<2000x1xf32> to vector<2000x128xf32>
    %div3A_11 = arith.divf %max3A_7, %div3A : vector<2000x128xf32>
    %get3A_12 = arith.constant 0 : index
    %get3A_13 = arith.constant 0 : index
    %get3A_14 = arith.constant 0 : index
    %get3A_15 = vector.load %arg1[%get3A_12, %get3A_13, %get3A_14] : memref<2x2000x128xf32, #tpu.memory_space<vmem>>, vector<1x2000x128xf32>
    %get3A_16 = vector.shape_cast %get3A_15 : vector<1x2000x128xf32> to vector<2000x128xf32>
    %get3A_17 = arith.constant 1 : index
    %get3A_18 = arith.constant 0 : index
    %get3A_19 = arith.constant 0 : index
    %get3A_20 = vector.load %arg1[%get3A_17, %get3A_18, %get3A_19] : memref<2x2000x128xf32, #tpu.memory_space<vmem>>, vector<1x2000x128xf32>
    %get3A_21 = vector.shape_cast %get3A_20 : vector<1x2000x128xf32> to vector<2000x128xf32>
    %add3A_22 = arith.addf %get3A_16, %get3A_21 : vector<2000x128xf32>
    %add3A_23 = arith.addf %add3A_22, %div3A_11 : vector<2000x128xf32>
    %swap3A = arith.constant 0 : index
    %swap3A_24 = arith.constant 0 : index
    %swap3A_25 = vector.load %arg5[%swap3A, %swap3A_24] : memref<2000x128xf32, #tpu.memory_space<vmem>>, vector<2000x128xf32>
    tpu.vector_store %arg5[%swap3A, %swap3A_24], %add3A_23 {strides = array<i32>} : memref<2000x128xf32, #tpu.memory_space<vmem>>, vector<2000x128xf32>,
    return
  }
  func.func @transform_0(%arg0: i32) -> (i32, i32, i32) {
    %c0_i32 = arith.constant 0 : i32
    %c0_i32_0 = arith.constant 0 : i32
    %c0_i32_1 = arith.constant 0 : i32
    return %c0_i32, %arg0, %c0_i32_0 : i32, i32, i32
  }
  func.func @transform_1(%arg0: i32) -> (i32, i32) {
    %c0_i32 = arith.constant 0 : i32
    %c0_i32_0 = arith.constant 0 : i32
    return %arg0, %c0_i32 : i32, i32
  }
  func.func @transform_2(%arg0: i32) -> (i32, i32) {
    %c0_i32 = arith.constant 0 : i32
    %c0_i32_0 = arith.constant 0 : i32
    return %arg0, %c0_i32 : i32, i32
  }
  func.func @transform_3(%arg0: i32) -> (i32, i32) {
    %c0_i32 = arith.constant 0 : i32
    %c0_i32_0 = arith.constant 0 : i32
    %c0_i32_1 = arith.constant 0 : i32
    return %c0_i32, %c0_i32_0 : i32, i32
  }
  func.func @transform_4(%arg0: i32) -> (i32, i32) {
    %c0_i32 = arith.constant 0 : i32
    %c0_i32_0 = arith.constant 0 : i32
    return %arg0, %c0_i32 : i32, i32
  }
}

</mosaic_0001>

<sc_bundles>
// kernel: kernel.6.cloned.1.call-start
scs
__scs_entry_jumppad:
0x0: {  	(pc) =	sbr.rel $0x88, $3  }
0x1: {  	(tag) =	ssettag $0x0;
	lr =	simm.s32 $0x1  }
0x2: {  	[smem:$0x3F97] =	sst lr;
	_ =	strace $0xD0000000  }
0x3: {  	_ = 	snop  }
0x4: {  	_ = 	snop  }
0x5: {  	_ = 	snop  }
0x6: {  	_ = 	snop  }
0x7: {  	_ = 	snop  }
__scs_overlays_trampoline_lowered:
0x8: {  	[smem:$0x3FA6] =	sst s0  }
0x9: {  	[smem:$0x3FA7] =	sst s1  }
0xa: {  	[smem:$0x3FA8] =	sst s2  }
0xb: {  	[smem:$0x3FA9] =	sst s3  }
0xc: {  	[smem:$0x3FAA] =	sst s4  }
0xd: {  	[smem:$0x3FAB] =	sst s5  }
0xe: {  	[smem:$0x3FAC] =	sst s6  }
0xf: {  	[smem:$0x3FAD] =	sst s7  }
0x10: {  	[smem:$0x3FAE] =	sst s8  }
0x11: {  	[smem:$0x3FAF] =	sst s9;
	s0 =	simm.s32 @!p0 $0x0  }
0x12: {  	s1 =	sld [smem:$0x3F95];
	s0 =	simm.s32 @p0 $0x1  }
0x13: {  	[smem:$0x3FB0] =	sst s0;
	s0 =	simm.s32 @!p1 $0x0  }
0x14: {  	s2 =	sld [smem:$0x3F94];
	s0 =	simm.s32 @p1 $0x1  }
0x15: {  	[smem:$0x3FB1] =	sst s0;
	s0 =	simm.s32 @!p2 $0x0  }
0x16: {  	s3 =	sld [smem:$0x3FDB];
	s0 =	simm.s32 @p2 $0x1  }
0x17: {  	s4 =	simm.s32 $0x1BF5;
	[smem:$0x3FB3] =	sst s0  }
0x18: {  	s0 =	sld [smem:$0x3F96];
	_ =	swait.ge [sflag:s4], $0x0  }
0x19: {  	s7 =	sld [smem:$0x3F97]  }
0x1a: {  	s8 =	sadd.s32 $0xFFFFE003, lr  }
0x1b: {  	s9 =	sadd.s32 $0xFFFFFEF7, lr;
	s5 =	simm.s32 $0xFFFFFFFF;
	p2 =	slt.u32 s8, $0xFFFFF086  }
0x1c: {  	p1 =	slt.u32 s9, $0xF7A;
	s5 =	simm.s32 @!p2 $0x0  }
0x1d: {  	s5 =	simm.s32 @p1 $0x1;
	p0 =	seq.s32 s7, s2  }
0x1e: {  	s7 =	smul.u32 @!p0 $0xF7A, s2;
	p2 =	seq.s32 @!p0 s5, $0x0  }
0x1f: {  	s9 =	smul.u32 $0xF7A, s1;
	s8 =	simm.s32 @!p0 $0x1BF5;
	p2 =	por !p2, p0  }
0x20: {  	[sflag:s8] =	ssyncset.s32 @!p0 $0xFFFFF086;
	s6 =	sadd.s32 @!p0 s3, s7;
	s7 =	simm.s32 @!p0 $0x108  }
0x21: {  	s3 =	sadd.s32 s3, s9;
	s6 =	sadd.s32 @!p0 $0x88, s6;
	s7 =	simm.s32 @p2 $0x1082  }
0x22: {  	[simem:s7], [sflag:s8] =	dma.local @!p0 [hbm:s6], $0xF7A  }
0x23: {  	s9 =	sor.u32 $0xD0000000, s2;
	s6 =	simm.s32 $0x108;
	_ =	swait.ge @!p0 [sflag:s8], $0x0  }
0x24: {  	s3 =	sadd.s32 $0x88, s3;
	s6 =	simm.s32 @!p1 $0x1082;
	[sflag:s4] =	ssyncset.s32 $0xFFFFF086  }
0x25: {  	[simem:s6], [sflag:s4] =	dma.local [hbm:s3], $0xF7A  }
0x26: {  	[smem:$0x3F97] =	sst s1;
	(tag) =	ssettag s2;
	_ =	strace s9  }
0x27: {  	s1 =	sld [smem:$0x3FA7]  }
0x28: {  	s2 =	sld [smem:$0x3FA8]  }
0x29: {  	s4 =	sld [smem:$0x3FAA]  }
0x2a: {  	p0 =	seq.s32 s5, $0x0;
	s5 =	sld [smem:$0x3FAB]  }
0x2b: {  	s6 =	sld [smem:$0x3FAC]  }
0x2c: {  	s7 =	sld [smem:$0x3FAD]  }
0x2d: {  	s3 =	simm.s32 $0x108;
	s8 =	sld [smem:$0x3FAE]  }
0x2e: {  	s3 =	simm.s32 @!p0 $0x1082;
	s9 =	sld [smem:$0x3FAF]  }
0x2f: {  	lr =	sadd.s32 s0, s3;
	s0 =	sld [smem:$0x3FA6]  }
0x30: {  	s3 =	sld [smem:$0x3FA9]  }
0x31: {  	[smem:$0x3FB2] =	sst s10  }
0x32: {  	s10 =	sld [smem:$0x3FB0];
	_ =	sdelay $0x3  }
0x33: {  	p0 =	seq.s32 s10, $0x1;
	s10 =	sld [smem:$0x3FB2];
	_ =	sdelay $0x3  }
0x34: {  	[smem:$0x3FB2] =	sst s10  }
0x35: {  	s10 =	sld [smem:$0x3FB1];
	_ =	sdelay $0x3  }
0x36: {  	p1 =	seq.s32 s10, $0x1;
	s10 =	sld [smem:$0x3FB2];
	_ =	sdelay $0x3  }
0x37: {  	[smem:$0x3FB2] =	sst s10  }
0x38: {  	s10 =	sld [smem:$0x3FB3]  }
0x39: {  	_ = 	snop;
	(pc) =	sbr.ind lr, $3  }
0x3a: {  	_ = 	snop  }
0x3b: {  	_ = 	snop  }
0x3c: {  	p2 =	seq.s32 s10, $0x1;
	s10 =	sld [smem:$0x3FB2]  }
0x3d: {  	_ =	shalt  }
0x3e: {  	_ =	shalt  }
0x3f: {  	_ =	shalt  }
0x40: {  	_ =	shalt  }
0x41: {  	_ =	shalt  }
0x42: {  	_ =	shalt  }
0x43: {  	_ =	shalt  }
0x44: {  	_ =	shalt  }
0x45: {  	_ =	shalt  }
0x46: {  	_ =	shalt  }
0x47: {  	_ =	shalt  }
0x48: {  	_ =	shalt  }
0x49: {  	_ =	shalt  }
0x4a: {  	_ =	shalt  }
0x4b: {  	_ =	shalt  }
0x4c: {  	_ =	shalt  }
0x4d: {  	_ =	shalt  }
0x4e: {  	_ =	shalt  }
0x4f: {  	_ =	shalt  }
0x50: {  	_ =	shalt  }
0x51: {  	_ =	shalt  }
0x52: {  	_ =	shalt  }
0x53: {  	_ =	shalt  }
0x54: {  	_ =	shalt  }
0x55: {  	_ =	shalt  }
0x56: {  	_ =	shalt  }
0x57: {  	_ =	shalt  }
0x58: {  	_ =	shalt  }
0x59: {  	_ =	shalt  }
0x5a: {  	_ =	shalt  }
0x5b: {  	_ =	shalt  }
0x5c: {  	_ =	shalt  }
0x5d: {  	_ =	shalt  }
0x5e: {  	_ =	shalt  }
0x5f: {  	_ =	shalt  }
0x60: {  	_ =	shalt  }
0x61: {  	_ =	shalt  }
0x62: {  	_ =	shalt  }
0x63: {  	_ =	shalt  }
0x64: {  	_ =	shalt  }
0x65: {  	_ =	shalt  }
0x66: {  	_ =	shalt  }
0x67: {  	_ =	shalt  }
0x68: {  	_ =	shalt  }
0x69: {  	_ =	shalt  }
0x6a: {  	_ =	shalt  }
0x6b: {  	_ =	shalt  }
0x6c: {  	_ =	shalt  }
0x6d: {  	_ =	shalt  }
0x6e: {  	_ =	shalt  }
0x6f: {  	_ =	shalt  }
0x70: {  	_ =	shalt  }
0x71: {  	_ =	shalt  }
0x72: {  	_ =	shalt  }
0x73: {  	_ =	shalt  }
0x74: {  	_ =	shalt  }
0x75: {  	_ =	shalt  }
0x76: {  	_ =	shalt  }
0x77: {  	_ =	shalt  }
0x78: {  	_ =	shalt  }
0x79: {  	_ =	shalt  }
0x7a: {  	_ =	shalt  }
0x7b: {  	_ =	shalt  }
0x7c: {  	_ =	shalt  }
0x7d: {  	_ =	shalt  }
0x7e: {  	_ =	shalt  }
0x7f: {  	_ =	shalt  }
0x80: {  	_ =	shalt  }
0x81: {  	_ =	shalt  }
0x82: {  	_ =	shalt  }
0x83: {  	_ =	shalt  }
0x84: {  	_ =	shalt  }
0x85: {  	_ =	shalt  }
0x86: {  	_ =	shalt  }
0x87: {  	_ =	shalt  }
.Lfunc_end0:
.L_simem_size_0:
called_computation_lowered:
.L_overlay_start_0:
0x88: {  	s2 =	sld [smem:$0x3FD9]  }
0x89: {  	s3 =	sld [smem:$0x3FFE];
	_ =	sdelay $0x1  }
0x8a: {  	s1 =	srdreg.scid  }
0x8b: {  	s0 =	sand.u32 $0x1, s1  }
0x8c: {  	s17 =	sshll.u32 s0, $0xA;
	s2 =	sadd.s32 s3, s2  }
0x8d: {  	s2 =	sadd.s32 s2, s17  }
0x8e: {  	[smem:$0x3FBE] =	sst s2  }
0x8f: {  	_ = 	snop  }
0x90: {  	s2 =	sld [smem:$0x3FD0];
	(tm) =	ssettm $0x1  }
0x91: {  	s18 =	sld [smem:$0x3FFB];
	_ =	sdelay $0x3  }
0x92: {  	_ =	strace s18  }
0x93: {  	s3 =	sld [smem:$0x3FFC];
	_ =	sdelay $0x3  }
0x94: {  	_ =	strace s3  }
0x95: {  	s3 =	sld [smem:$0x3FFD];
	_ =	sdelay $0x3  }
0x96: {  	_ =	strace s3  }
0x97: {  	_ =	strace $0x8FFFFFFF  }
0x98: {  	s19 =	sld [smem:$0x3FDB];
	_ =	sdelay $0x1  }
0x99: {  	s4 =	simm.s32 $_scs_section_size  }
0x9a: {  	s5 =	simm.s32 $_size__tile_overlayer_lowered;
	s6 =	simm.s32 $_tile_overlayer_lowered  }
0x9b: {  	s22 =	simm.s32 $0x1BFF;
	s21 =	sshll.u32 s6, $0x1;
	s3 =	sadd.s32 s4, s19  }
0x9c: {  	s7 =	simm.s32 $0x0;
	s20 =	sshll.u32 s5, $0x1;
	s5 =	sadd.s32 s21, s3  }
0x9d: {  	[timem:s7], [sflag:s22] =	dma.local [hbm:s5], s20  }
0x9e: {  	_ =	swait.ge [sflag:s22], s20  }
0x9f: {  	s4 =	ssub.s32 $0x0, s20;
	[sflag:s22] =	ssyncset.done $0x0  }
0xa0: {  	[sflag:s22] =	ssyncadd.s32 s4;
	_ =	sdelay $0x1  }
0xa1: {  	s23 =	simm.s32 $0x1B8B  }
0xa2: {  	_ =	swait.ge [sflag:s23], $0x1  }
0xa3: {  	[sflag:s23] =	ssyncset.done $0x0  }
0xa4: {  	s25 =	simm.s32 $0x1B8E;
	s24 =	sld [smem:$0x3FFE];
	[sflag:s23] =	ssyncadd.s32 $0xFFFFFFFF  }
0xa5: {  	s26 =	simm.s32 $execute0_lowered;
	[smem:$0x3FD2] =	sst s25  }
0xa6: {  	s5 =	sshll.u32 s26, $0x1;
	_ =	strace $0x80000046;
	[dreg:$0x1] =	wrdreg $0xFFFFFFFF  }
0xa7: {  	s28 =	simm.s32 $_size_execute0_lowered;
	s3 =	sadd.s32 s3, s5;
	[dreg:$0x0] =	wrdreg $0x0  }
0xa8: {  	s5 =	sshll.u32 s28, $0x1;
	[dreg:$0x2] =	wrdreg s3  }
0xa9: {  	[dreg:$0x3] =	wrdreg s5  }
0xaa: {  	[dreg:$0x4] =	wrdreg $0xC0  }
0xab: {  	_ =	task [dreg:s7], $0x5FFFF  }
0xac: {  	[dreg:$0x1] =	wrdreg $0xFFFFFFFF  }
0xad: {  	[dreg:$0x0] =	wrdreg $0x60  }
0xae: {  	[dreg:$0x2] =	wrdreg s2  }
0xaf: {  	[dreg:$0x3] =	wrdreg s24  }
0xb0: {  	[dreg:$0x4] =	wrdreg $0xB9000  }
0xb1: {  	[dreg:$0x5] =	wrdreg $0x9  }
0xb2: {  	_ =	task.clear_ibuf [dreg:s7], $0x6FFFF;
	_ =	strace $0x90000046  }
0xb3: {  	s29 =	simm.s32 $0x9;
	_ =	strace $0x80000048  }
0xb4: {  	_ =	swait.ge [sflag:s29], $0x1  }
0xb5: {  	[sflag:s29] =	ssyncadd.s32 $0xFFFFFFFF  }
0xb6: {  	_ =	strace $0x90000048  }
0xb7: {  	_ =	sfence  }
0xb8: {  	s30 =	sld [smem:$0x0];
	_ =	sdelay $0x2  }
0xb9: {  	s31 =	sshll.u32 s1, $0xD;
	s1 =	sshrl.u32 s1, $0x2  }
0xba: {  	s3 =	sand.u32 $0x4000, s31;
	s1 =	sadd.s32 s1, s30  }
0xbb: {  	s0 =	sor.u32 s3, s0;
	s1 =	sshll.u32 s1, $0x11  }
0xbc: {  	s0 =	sor.u32 s1, s0  }
0xbd: {  	s0 =	sadd.s32 $0x8F2B, s0  }
0xbe: {  	[sflag:s0] =	ssyncadd.remote.s32 $0x1  }
0xbf: {  	_ =	sfence.sel $0xFFFF  }
0xc0: {  	[dreg:$0x0] =	wrdreg $0xFFFFFFFF;
	(pc) =	sbr.abs _section_cstart, $3  }
0xc1: {  	[dreg:$0x1] =	wrdreg $0xFFFFFFFF  }
0xc2: {  	_ =	task.clear_ibuf [dreg:s7], $0x2FFFF;
	_ =	strace $0x9FFFFFFF  }
0xc3: {  	(tm) =	ssettm $0x7FFFFFFF  }
tec
execute0_lowered:
.L_overlay_start_1:
0x0: {  	(tag) =	ssettag $0x1  }
0x1: {  	s1 =	rddreg [dreg:$0x0]  }
0x2: {  	s0 =	rddreg [dreg:$0x1]  }
0x3: {  	s2 =	rddreg [dreg:$0x2];
	s3 =	srdreg.scid;
	s4 =	simm.s32 $0x0  }
0x4: {  	s10 =	stileid.u32;
	s28 =	simm.s32 $0x80;
	s29 =	simm.s32 $0x1  }
0x5: {  	s30 =	simm.s32 $0x2;
	s31 =	simm.s32 $0x5;
	s8 =	smul.u32 $0x14000, s10  }
0x6: {  	s3 =	sand.u32 $0x1, s3;
	[smem:$0x7FF] =	sst s4;
	s13 =	smul.u32 $0x50000, s10  }
0x7: {  	s7 =	sshll.u32 s10, $0x1;
	s5 =	sadd.s32 $0x513400, s0;
	s6 =	smul.u32 $0x140000, s3  }
0x8: {  	_ =	strace $0x80000047;
	s9 =	sor.u32 s3, s7;
	s3 =	ssub.s32 $0x2, s3  }
0x9: {  	s7 =	sshll.u32 s9, $0xB;
	s17 =	sshrl.u32 s3, $0x1;
	s18 =	sshrl.u32 s13, $0x2  }
0xa: {  	s24 =	smul.u32 $0x27100, s9;
	s14 =	sadd.s32 s7, s0;
	s7 =	sadd.s32 s18, s2  }
0xb: {  	s6 =	sadd.s32 s8, s6;
	s3 =	ssub.s32 s3, s17;
	s19 =	sadd.s32 $0x2800, s7  }
0xc: {  	s6 =	sshrl.u32 s6, $0x3;
	s20 =	sadd.s32 $0x5000, s7;
	[dreg:$0x4] =	wrdreg s19  }
0xd: {  	s21 =	sadd.s32 $0x7800, s7;
	s22 =	sadd.s32 $0xA000, s7;
	[dreg:$0x5] =	wrdreg s20  }
0xe: {  	s23 =	sadd.s32 $0xC800, s7;
	s25 =	sadd.s32 $0xF000, s7;
	[dreg:$0x6] =	wrdreg s21  }
0xf: {  	s26 =	sadd.s32 $0x11800, s7;
	s15 =	sadd.s32 $0x503400, s14;
	[dreg:$0x7] =	wrdreg s22  }
0x10: {  	s16 =	sadd.s32 $0x4E3400, s14;
	s17 =	sadd.s32 s5, s24;
	[dreg:$0x8] =	wrdreg s23  }
0x11: {  	s18 =	sadd.s32 $0x4F3400, s14;
	s24 =	simm.s32 $0x50;
	[dreg:$0x9] =	wrdreg s25  }
0x12: {  	s0 =	sadd.s32 s6, s0;
	s6 =	smul.u32 $0x7D, s9;
	[dreg:$0xa] =	wrdreg s26  }
0x13: {  	s20 =	smax.u32 s3, $0x1;
	s21 =	simm.s32 $0x9100;
	s22 =	simm.s32 $0x6  }
0x14: {  	s25 =	simm.s32 $0x4100;
	s26 =	simm.s32 $0x6900;
	s23 =	simm.s32 $0x3  }
0x15: {  	v0 =	vimm.f32 $0.0e+00;
	s3 =	simm.s32 $0x0;
	s19 =	sadd.s32 $0x1400, s0;
	s0 =	simm.s32 $0x4  }
.LBB2_1:
0x16: {  	s8 =	simm.s32 $0x0;
	s9 =	simm.s32 $0x200  }
.LBB2_2:
0x17: {  	p0 =	sne.s32 s9, $0x9E00;
	[tilespmem:s8+$0x9170] =	vst v0  }
0x18: {  	[tilespmem:s8+$0x9100] =	vst v0  }
0x19: {  	[tilespmem:s8+$0x9110] =	vst v0  }
.Ltmp0:
0x1a: {  	[tilespmem:s8+$0x9120] =	vst v0;
	(pc) =	sbr.rel @p0 .LBB2_2-.Ltmp0, $4  }
0x1b: {  	[tilespmem:s8+$0x9130] =	vst v0  }
0x1c: {  	[tilespmem:s8+$0x9140] =	vst v0  }
0x1d: {  	[tilespmem:s8+$0x9150] =	vst v0  }
0x1e: {  	[tilespmem:s8+$0x9160] =	vst v0;
	s8 =	sshra.s32 s9, $0x2;
	s9 =	sadd.s32 $0x200, s9  }
0x1f: {  	[tilespmem:s8+$0x9170] =	vst v0  }
0x20: {  	[tilespmem:s8+$0x9100] =	vst v0  }
0x21: {  	[tilespmem:s8+$0x9110] =	vst v0  }
0x22: {  	[tilespmem:s8+$0x9120] =	vst v0  }
0x23: {  	[tilespmem:s8+$0x9130] =	vst v0  }
0x24: {  	[tilespmem:s8+$0x9140] =	vst v0  }
0x25: {  	[tilespmem:s8+$0x9150] =	vst v0  }
0x26: {  	[tilespmem:s8+$0x9160] =	vst v0  }
0x27: {  	[spmem:s7] =	stream.linear.scatter [tilespmem:s21], [sflag:$0x6], $0x2800, $0x38;
	[tilespmem:$0x1F900] =	vst v63  }
0x28: {  	_ =	swait.ge [sflag:s22], $0x2800  }
0x29: {  	[sflag:s22] =	ssyncset.done $0x0  }
0x2a: {  	s14 =	rddreg [dreg:$0x4];
	[sflag:s22] =	ssyncadd.s32 $0xFFFFD800  }
0x2b: {  	[spmem:s14] =	stream.linear.scatter [tilespmem:s21], [sflag:$0x6], $0x2800, $0x38;
	[tilespmem:$0x1F900] =	vst v63  }
0x2c: {  	_ =	swait.ge [sflag:s22], $0x2800  }
0x2d: {  	[sflag:s22] =	ssyncset.done $0x0  }
0x2e: {  	s9 =	rddreg [dreg:$0x5];
	[sflag:s22] =	ssyncadd.s32 $0xFFFFD800  }
0x2f: {  	[spmem:s9] =	stream.linear.scatter [tilespmem:s21], [sflag:$0x6], $0x2800, $0x38;
	[tilespmem:$0x1F900] =	vst v63  }
0x30: {  	_ =	swait.ge [sflag:s22], $0x2800  }
0x31: {  	[sflag:s22] =	ssyncset.done $0x0  }
0x32: {  	s10 =	rddreg [dreg:$0x6];
	[sflag:s22] =	ssyncadd.s32 $0xFFFFD800  }
0x33: {  	[spmem:s10] =	stream.linear.scatter [tilespmem:s21], [sflag:$0x6], $0x2800, $0x38;
	[tilespmem:$0x1F900] =	vst v63  }
0x34: {  	_ =	swait.ge [sflag:s22], $0x2800  }
0x35: {  	[sflag:s22] =	ssyncset.done $0x0  }
0x36: {  	s11 =	rddreg [dreg:$0x7];
	[sflag:s22] =	ssyncadd.s32 $0xFFFFD800  }
0x37: {  	[spmem:s11] =	stream.linear.scatter [tilespmem:s21], [sflag:$0x6], $0x2800, $0x38;
	[tilespmem:$0x1F900] =	vst v63  }
0x38: {  	_ =	swait.ge [sflag:s22], $0x2800  }
0x39: {  	[sflag:s22] =	ssyncset.done $0x0  }
0x3a: {  	s12 =	rddreg [dreg:$0x8];
	[sflag:s22] =	ssyncadd.s32 $0xFFFFD800  }
0x3b: {  	[spmem:s12] =	stream.linear.scatter [tilespmem:s21], [sflag:$0x6], $0x2800, $0x38;
	[tilespmem:$0x1F900] =	vst v63  }
0x3c: {  	_ =	swait.ge [sflag:s22], $0x2800  }
0x3d: {  	[sflag:s22] =	ssyncset.done $0x0  }
0x3e: {  	s13 =	rddreg [dreg:$0x9];
	[sflag:s22] =	ssyncadd.s32 $0xFFFFD800  }
0x3f: {  	[spmem:s13] =	stream.linear.scatter [tilespmem:s21], [sflag:$0x6], $0x2800, $0x38;
	[tilespmem:$0x1F900] =	vst v63  }
0x40: {  	_ =	swait.ge [sflag:s22], $0x2800  }
0x41: {  	[sflag:s22] =	ssyncset.done $0x0  }
0x42: {  	s14 =	rddreg [dreg:$0xa];
	[sflag:s22] =	ssyncadd.s32 $0xFFFFD800  }
0x43: {  	[spmem:s14] =	stream.linear.scatter [tilespmem:s21], [sflag:$0x6], $0x2800, $0x38;
	[tilespmem:$0x1F900] =	vst v63  }
0x44: {  	_ =	swait.ge [sflag:s22], $0x2800  }
0x45: {  	[sflag:s22] =	ssyncset.done $0x0  }
0x46: {  	s8 =	simm.s32 $0x0;
	s9 =	simm.s32 $0x100;
	[sflag:s22] =	ssyncadd.s32 $0xFFFFD800  }
0x47: {  	[tilespmem:s9], [sflag:$0x6] =	stream.linear.gather [hbm4b:s15+s8], $0x3E80, $0x38;
	[tilespmem:$0x1F900] =	vst v63  }
0x48: {  	_ =	swait.ge [sflag:s22], $0x3E80  }
0x49: {  	[sflag:s22] =	ssyncset.done $0x0  }
0x4a: {  	[sflag:s22] =	ssyncadd.s32 $0xFFFFC180  }
0x4b: {  	[bflag:$0x0] =	sbarrier.arrive $0xFFFF  }
0x4c: {  	[tilespmem:s8], [sflag:$0x6] =	stream.linear.gather [hbm4b:s16+s8], $0x80, $0x38;
	[tilespmem:$0x1F900] =	vst v63  }
0x4d: {  	_ =	swait.ge [sflag:s22], $0x80  }
0x4e: {  	[sflag:s22] =	ssyncset.done $0x0  }
0x4f: {  	[sflag:s22] =	ssyncadd.s32 $0xFFFFFF80  }
0x50: {  	[tilespmem:s25], [sflag:$0x1] =	stream.indirect.gather [hbm4b:s1+s24], $0x80, s8, s24, $0xb8;
	[tilespmem:$0x1F900] =	vst v63  }
0x51: {  	s9 =	simm.s32 $0x0  }
0x52: {  	[tilespmem:s26], [sflag:$0x2] =	stream.linear.gather [hbm4b:s17+s8], $0x2800, $0x38;
	[tilespmem:$0x1F900] =	vst v63  }
.LBB2_4:
0x53: {  	p0 =	seq.s32 s9, $0x0  }
0x54: {  	s11 =	smov.u32 s9;
	s9 =	simm.s32 @!p0 $0x3  }
0x55: {  	_ =	swait.ge @!p0 [sflag:s9], $0x2800  }
0x56: {  	s10 =	sshll.u32 s11, $0x4;
	[sflag:s9] =	ssyncset.done @!p0 $0x0  }
0x57: {  	s13 =	sadd.s32 s10, s18;
	[sflag:s9] =	ssyncadd.s32 @!p0 $0xFFFFD800;
	s9 =	sadd.s32 $0x1, s11  }
0x58: {  	[tilespmem:s28], [sflag:$0x5] =	stream.linear.gather [hbm4b:s13+s8], $0x80, $0x38;
	[tilespmem:$0x1F900] =	vst v63  }
0x59: {  	s11 =	sshll.u32 s11, $0x7;
	s10 =	smin.u32 s9, $0x7C;
	_ =	swait.ge [sflag:s29], $0x2800  }
0x5a: {  	s11 =	sand.u32 $0x3FFFFF80, s11;
	s12 =	sshll.u32 s10, $0x4;
	[sflag:s29] =	ssyncset.done $0x0  }
0x5b: {  	s11 =	sadd.s32 $0x100, s11;
	s12 =	sadd.s32 s16, s12;
	[sflag:s29] =	ssyncadd.s32 $0xFFFFD800  }
0x5c: {  	[tilespmem:s8], [sflag:$0x4] =	stream.linear.gather [hbm4b:s12+s8], $0x80, $0x38;
	[tilespmem:$0x1F900] =	vst v63  }
0x5d: {  	v1 =	vmov s11;
	_ =	swait.ge [sflag:s30], $0x2800  }
0x5e: {  	[sflag:s30] =	ssyncset.done $0x0  }
0x5f: {  	s11 =	simm.s32 $0x0;
	[sflag:s30] =	ssyncadd.s32 $0xFFFFD800  }
0x60: {  	s14 =	simm.s32 $0x0;
	v13 =	vld [tilespmem:s11+$0x6900]  }
0x61: {  	s12 =	sand.u32 $0x3FFFFFF0, s14;
	v2 =	vld [tilespmem:s11+$0x70B0]  }
0x62: {  	v4 =	vld.idx.msk [tilespmem:v1+s12+$0x0 ss:$0x1], $0xffff  }
0x63: {  	v18 =	vld [tilespmem:s11+$0x6F00]  }
0x64: {  	v3 =	vld [tilespmem:s11+$0x6910]  }
0x65: {  	v14 =	vld [tilespmem:s11+$0x4120]  }
0x66: {  	v16 =	vld [tilespmem:s11+$0x6920]  }
0x67: {  	v9 =	vld [tilespmem:s11+$0x4130]  }
0x68: {  	v10 =	vld [tilespmem:s11+$0x6930]  }
0x69: {  	v5 =	vld [tilespmem:s11+$0x4140]  }
0x6a: {  	v6 =	vld [tilespmem:s11+$0x6940]  }
0x6b: {  	v7 =	vld [tilespmem:s11+$0x4150]  }
0x6c: {  	v8 =	vld [tilespmem:s11+$0x6950]  }
0x6d: {  	v11 =	vld [tilespmem:s11+$0x4160]  }
0x6e: {  	v12 =	vld [tilespmem:s11+$0x6960]  }
0x6f: {  	v15 =	vld [tilespmem:s11+$0x4170]  }
0x70: {  	v17 =	vld [tilespmem:s11+$0x6970]  }
0x71: {  	v19 =	vld [tilespmem:s11+$0x4180]  }
0x72: {  	v20 =	vld [tilespmem:s11+$0x6980]  }
0x73: {  	v21 =	vld [tilespmem:s11+$0x4190]  }
0x74: {  	v22 =	vld [tilespmem:s11+$0x6990]  }
0x75: {  	v23 =	vld [tilespmem:s11+$0x41A0]  }
0x76: {  	v24 =	vld [tilespmem:s11+$0x69A0]  }
0x77: {  	v25 =	vld [tilespmem:s11+$0x41B0]  }
0x78: {  	v26 =	vld [tilespmem:s11+$0x69B0]  }
0x79: {  	v27 =	vld [tilespmem:s11+$0x41C0]  }
0x7a: {  	v28 =	vld [tilespmem:s11+$0x69C0]  }
0x7b: {  	v29 =	vld [tilespmem:s11+$0x41D0]  }
0x7c: {  	v30 =	vld [tilespmem:s11+$0x69D0]  }
0x7d: {  	v31 =	vld [tilespmem:s11+$0x41E0]  }
0x7e: {  	v32 =	vld [tilespmem:s11+$0x69E0]  }
0x7f: {  	v33 =	vld [tilespmem:s11+$0x41F0]  }
0x80: {  	v34 =	vld [tilespmem:s11+$0x69F0]  }
0x81: {  	v41 =	vld [tilespmem:s11+$0x4200]  }
0x82: {  	v36 =	vld [tilespmem:s11+$0x6A00]  }
0x83: {  	v42 =	vld [tilespmem:s11+$0x4210]  }
0x84: {  	v37 =	vld [tilespmem:s11+$0x6A10]  }
0x85: {  	v43 =	vld [tilespmem:s11+$0x4220]  }
0x86: {  	v45 =	vld [tilespmem:s11+$0x6A20]  }
0x87: {  	v47 =	vld [tilespmem:s11+$0x4230]  }
0x88: {  	v49 =	vld [tilespmem:s11+$0x6A30]  }
0x89: {  	v50 =	vld [tilespmem:s11+$0x4240]  }
0x8a: {  	v52 =	vld [tilespmem:s11+$0x6A40]  }
0x8b: {  	v54 =	vld [tilespmem:s11+$0x4250]  }
0x8c: {  	v55 =	vld [tilespmem:s11+$0x6A50]  }
0x8d: {  	v56 =	vld [tilespmem:s11+$0x4260]  }
0x8e: {  	v57 =	vld [tilespmem:s11+$0x6A60]  }
0x8f: {  	v58 =	vld [tilespmem:s11+$0x4270]  }
0x90: {  	v59 =	vld [tilespmem:s11+$0x6A70]  }
0x91: {  	v61 =	vld [tilespmem:s11+$0x6A80]  }
0x92: {  	v62 =	vld [tilespmem:s11+$0x6A90]  }
0x93: {  	v63 =	vld [tilespmem:s11+$0x42B0]  }
0x94: {  	v38 =	vld [tilespmem:s11+$0x6B10]  }
0x95: {  	v40 =	vld [tilespmem:s11+$0x6B20]  }
0x96: {  	v46 =	vadd.f32 v34, v33;
	v33 =	vld [tilespmem:s11+$0x4280]  }
0x97: {  	v27 =	vadd.f32 v28, v27;
	v28 =	vadd.f32 v36, v41;
	v36 =	vld [tilespmem:s11+$0x4290]  }
0x98: {  	v51 =	vadd.f32 v26, v25;
	v25 =	vld [tilespmem:s11+$0x42A0]  }
0x99: {  	v21 =	vadd.f32 v22, v21;
	v22 =	vadd.f32 v52, v50;
	v50 =	vld [tilespmem:s11+$0x42D0]  }
0x9a: {  	v52 =	vld [tilespmem:s11+$0x42E0]  }
0x9b: {  	v31 =	vadd.f32 v32, v31;
	v32 =	vld [tilespmem:s11+$0x6B00]  }
0x9c: {  	v34 =	vld [tilespmem:s11+$0x4310]  }
0x9d: {  	v35 =	vbroadcast v4, $0x1;
	v41 =	vld [tilespmem:s11+$0x6B30]  }
0x9e: {  	v23 =	vadd.f32 v24, v23;
	v19 =	vadd.f32 v20, v19;
	v48 =	vmax.f32 v46, $0.0e+00;
	v46 =	vld [tilespmem:s11+$0x42C0]  }
0x9f: {  	v60 =	vbroadcast v4, $0x2;
	v26 =	vadd.f32 v59, v58;
	v53 =	vmax.f32 v51, $0.0e+00;
	v51 =	vld [tilespmem:s11+$0x6AD0]  }
0xa0: {  	v27 =	vmax.f32 v27, $0.0e+00;
	v44 =	vmax.f32 v31, $0.0e+00;
	v28 =	vmax.f32 v28, $0.0e+00;
	v31 =	vld [tilespmem:s11+$0x4300]  }
0xa1: {  	v19 =	vmax.f32 v19, $0.0e+00;
	v20 =	vmul.f32 v48, v35;
	v28 =	vmul.f32 v28, v60;
	v48 =	vld [tilespmem:s11+$0x6AC0]  }
0xa2: {  	v27 =	vmul.f32 v27, v35;
	v24 =	vmul.f32 v44, v35;
	v44 =	vmax.f32 v26, $0.0e+00;
	v26 =	vld [tilespmem:s11+$0x6B40]  }
0xa3: {  	v29 =	vadd.f32 v30, v29;
	v30 =	vadd.f32 v37, v42;
	v19 =	vmul.f32 v19, v35;
	[tilespmem:s11+$0x9200] =	vst v28;
	v28 =	vld [tilespmem:s11+$0x6AA0]  }
0xa4: {  	[tilespmem:s11+$0x91C0] =	vst v27;
	v27 =	vadd.f32 v45, v43;
	v45 =	vld [tilespmem:s11+$0x6AB0]  }
0xa5: {  	v30 =	vmax.f32 v30, $0.0e+00;
	[tilespmem:s11+$0x9180] =	vst v19;
	v19 =	vmul.f32 v53, v35;
	v53 =	vld [tilespmem:s11+$0x6AE0]  }
0xa6: {  	v23 =	vmax.f32 v23, $0.0e+00;
	v30 =	vmul.f32 v30, v60;
	[tilespmem:s11+$0x91F0] =	vst v20;
	v20 =	vadd.f32 v55, v54;
	v54 =	vld [tilespmem:s11+$0x42F0]  }
0xa7: {  	v23 =	vmul.f32 v23, v35;
	v55 =	vld [tilespmem:s11+$0x6AF0]  }
0xa8: {  	[tilespmem:s11+$0x9210] =	vst v30;
	v30 =	vld [tilespmem:s11+$0x4320]  }
0xa9: {  	v21 =	vmax.f32 v21, $0.0e+00;
	[tilespmem:s11+$0x91A0] =	vst v23;
	v23 =	vld [tilespmem:s11+$0x4350]  }
0xaa: {  	v21 =	vmul.f32 v21, v35;
	[tilespmem:s11+$0x91E0] =	vst v24;
	v24 =	vmul.f32 v44, v60;
	v44 =	vld [tilespmem:s11+$0x6B60]  }
0xab: {  	v43 =	vadd.f32 v49, v47;
	v47 =	vmax.f32 v22, $0.0e+00;
	v61 =	vadd.f32 v61, v33;
	v33 =	vld [tilespmem:s11+$0x4430]  }
0xac: {  	[tilespmem:s11+$0x9190] =	vst v21;
	v21 =	vmul.f32 v47, v60;
	v47 =	vld [tilespmem:s11+$0x6B70]  }
0xad: {  	[tilespmem:s11+$0x91B0] =	vst v19;
	v19 =	vadd.f32 v57, v56;
	v57 =	vld [tilespmem:s11+$0x4330]  }
0xae: {  	v49 =	vmax.f32 v20, $0.0e+00;
	v20 =	vadd.f32 v51, v50;
	v50 =	vld [tilespmem:s11+$0x4390]  }
0xaf: {  	v51 =	vld [tilespmem:s11+$0x6B90]  }
0xb0: {  	[tilespmem:s11+$0x9240] =	vst v21;
	v21 =	vld [tilespmem:s11+$0x4340]  }
0xb1: {  	v27 =	vmax.f32 v27, $0.0e+00;
	v59 =	vadd.f32 v48, v46;
	v46 =	vld [tilespmem:s11+$0x4370]  }
0xb2: {  	v27 =	vmul.f32 v27, v60;
	v48 =	vld [tilespmem:s11+$0x4380]  }
0xb3: {  	v39 =	vbroadcast v4, $0x3;
	v19 =	vmax.f32 v19, $0.0e+00;
	v58 =	vadd.f32 v45, v63;
	v63 =	vld [tilespmem:s11+$0x4360]  }
0xb4: {  	v20 =	vmax.f32 v20, $0.0e+00;
	v19 =	vmul.f32 v19, v60;
	[tilespmem:s11+$0x9220] =	vst v27;
	v27 =	vadd.f32 v55, v54;
	v54 =	vld [tilespmem:s11+$0x43B0]  }
0xb5: {  	[tilespmem:s11+$0x9270] =	vst v24;
	v20 =	vmul.f32 v20, v39;
	v55 =	vld [tilespmem:s11+$0x6BB0]  }
0xb6: {  	[tilespmem:s11+$0x9260] =	vst v19;
	v56 =	vmax.f32 v27, $0.0e+00;
	v27 =	vadd.f32 v41, v57;
	v57 =	vld [tilespmem:s11+$0x6BC0]  }
0xb7: {  	v19 =	vmax.f32 v43, $0.0e+00;
	[tilespmem:s11+$0x92D0] =	vst v20;
	v20 =	vmax.f32 v61, $0.0e+00;
	v61 =	vld [tilespmem:s11+$0x6BD0];
	v24 =	vmul.f32 v56, v39  }
0xb8: {  	v19 =	vmul.f32 v19, v60;
	v56 =	vld [tilespmem:s11+$0x43C0]  }
0xb9: {  	v43 =	vadd.f32 v28, v25;
	[tilespmem:s11+$0x92F0] =	vst v24;
	v24 =	vld [tilespmem:s11+$0x6B50]  }
0xba: {  	v20 =	vmul.f32 v20, v39;
	[tilespmem:s11+$0x9230] =	vst v19;
	v19 =	vmul.f32 v49, v60;
	v49 =	vld [tilespmem:s11+$0x6B80]  }
0xbb: {  	v45 =	vmax.f32 v43, $0.0e+00;
	v25 =	vadd.f32 v44, v63;
	v63 =	vld [tilespmem:s11+$0x43E0]  }
0xbc: {  	[tilespmem:s11+$0x9280] =	vst v20;
	v20 =	vmul.f32 v45, v39;
	v45 =	vld [tilespmem:s11+$0x43F0]  }
0xbd: {  	v62 =	vadd.f32 v62, v36;
	v60 =	vmax.f32 v58, $0.0e+00;
	v58 =	vadd.f32 v51, v50;
	v51 =	vld [tilespmem:s11+$0x4400]  }
0xbe: {  	v36 =	vbroadcast v4, $0x4;
	v21 =	vadd.f32 v26, v21;
	v44 =	vadd.f32 v55, v54;
	v54 =	vld [tilespmem:s11+$0x6C00]  }
0xbf: {  	v29 =	vmax.f32 v29, $0.0e+00;
	v27 =	vmax.f32 v27, $0.0e+00;
	[tilespmem:s11+$0x9250] =	vst v19;
	v19 =	vadd.f32 v53, v52;
	v52 =	vld [tilespmem:s11+$0x43A0]  }
0xc0: {  	v21 =	vmax.f32 v21, $0.0e+00;
	v22 =	vmul.f32 v60, v39;
	v60 =	vmul.f32 v27, v36;
	v53 =	vld [tilespmem:s11+$0x6BA0]  }
0xc1: {  	v29 =	vmul.f32 v29, v35;
	v35 =	vmul.f32 v21, v36;
	v50 =	vadd.f32 v57, v56;
	v57 =	vld [tilespmem:s11+$0x4410]  }
0xc2: {  	[tilespmem:s11+$0x9330] =	vst v60;
	v60 =	vld [tilespmem:s11+$0x6C10];
	v19 =	vmax.f32 v19, $0.0e+00  }
0xc3: {  	[tilespmem:s11+$0x9340] =	vst v35;
	v35 =	vld [tilespmem:s11+$0x6C30];
	v19 =	vmul.f32 v19, v39  }
0xc4: {  	[tilespmem:s11+$0x92A0] =	vst v20;
	v20 =	vadd.f32 v49, v48;
	v37 =	vadd.f32 v24, v23;
	v48 =	vld [tilespmem:s11+$0x6BF0]  }
0xc5: {  	[tilespmem:s11+$0x92E0] =	vst v19;
	v19 =	vmax.f32 v59, $0.0e+00;
	v59 =	vld [tilespmem:s11+$0x43D0]  }
0xc6: {  	[tilespmem:s11+$0x92B0] =	vst v22;
	v22 =	vadd.f32 v53, v52;
	v21 =	vmax.f32 v37, $0.0e+00;
	v37 =	vld [tilespmem:s11+$0x4440]  }
0xc7: {  	v53 =	vadd.f32 v38, v34;
	v34 =	vadd.f32 v54, v51;
	v51 =	vld [tilespmem:s11+$0x6C80]  }
0xc8: {  	[tilespmem:s11+$0x91D0] =	vst v29;
	v54 =	vld [tilespmem:s11+$0x6C90]  }
0xc9: {  	v19 =	vmul.f32 v19, v39;
	v38 =	vadd.f32 v60, v57;
	v57 =	vld [tilespmem:s11+$0x6CA0]  }
0xca: {  	v42 =	vmax.f32 v62, $0.0e+00;
	v60 =	vld [tilespmem:s11+$0x6CB0]  }
0xcb: {  	[tilespmem:s11+$0x92C0] =	vst v19;
	v19 =	vmul.f32 v42, v39;
	v42 =	vld [tilespmem:s11+$0x6BE0]  }
0xcc: {  	v39 =	vld [tilespmem:s11+$0x6C40]  }
0xcd: {  	v25 =	vmax.f32 v25, $0.0e+00;
	v24 =	vadd.f32 v48, v45;
	v45 =	vld [tilespmem:s11+$0x6C60];
	[tilespmem:s11+$0x9290] =	vst v19;
	v19 =	vadd.f32 v47, v46  }
0xce: {  	v25 =	vmul.f32 v25, v36;
	v48 =	vld [tilespmem:s11+$0x6C70];
	v47 =	vadd.f32 v32, v31  }
0xcf: {  	v46 =	vmul.f32 v21, v36;
	v56 =	vadd.f32 v61, v59;
	v32 =	vld [tilespmem:s11+$0x6C20];
	v19 =	vmax.f32 v19, $0.0e+00  }
0xd0: {  	[tilespmem:s11+$0x9360] =	vst v25;
	v59 =	vadd.f32 v40, v30;
	v40 =	vld [tilespmem:s11+$0x4450];
	v21 =	vmax.f32 v47, $0.0e+00;
	v19 =	vmul.f32 v19, v36  }
0xd1: {  	v25 =	vmax.f32 v58, $0.0e+00;
	[tilespmem:s11+$0x9350] =	vst v46;
	v46 =	vld [tilespmem:s11+$0x4470];
	v52 =	vmul.f32 v21, v36;
	v21 =	vmax.f32 v53, $0.0e+00  }
0xd2: {  	v47 =	vadd.f32 v39, v37;
	v39 =	vld [tilespmem:s11+$0x44F0];
	v58 =	vmul.f32 v21, v36;
	[tilespmem:s11+$0x9370] =	vst v19;
	v19 =	vbroadcast v4, $0x5  }
0xd3: {  	[tilespmem:s11+$0x9300] =	vst v52;
	v52 =	vld [tilespmem:s11+$0x4490]  }
0xd4: {  	v22 =	vmax.f32 v22, $0.0e+00;
	[tilespmem:s11+$0x9310] =	vst v58;
	v58 =	vld [tilespmem:s11+$0x44B0];
	v62 =	vmul.f32 v25, v19  }
0xd5: {  	v43 =	vmul.f32 v22, v19;
	v22 =	vmax.f32 v44, $0.0e+00;
	v44 =	vadd.f32 v35, v33;
	v33 =	vld [tilespmem:s11+$0x44D0]  }
0xd6: {  	v35 =	vld [tilespmem:s11+$0x6CD0]  }
0xd7: {  	[tilespmem:s11+$0x9390] =	vst v62;
	v62 =	vadd.f32 v42, v63;
	v63 =	vld [tilespmem:s11+$0x4420]  }
0xd8: {  	v42 =	vld [tilespmem:s11+$0x6C50]  }
0xd9: {  	v49 =	vmul.f32 v22, v19;
	v22 =	vmax.f32 v50, $0.0e+00;
	[tilespmem:s11+$0x93A0] =	vst v43;
	v43 =	vld [tilespmem:s11+$0x4460]  }
0xda: {  	v55 =	vmul.f32 v22, v19;
	v22 =	vmax.f32 v56, $0.0e+00;
	v56 =	vadd.f32 v48, v46;
	v48 =	vld [tilespmem:s11+$0x4520]  }
0xdb: {  	[tilespmem:s11+$0x93B0] =	vst v49;
	v49 =	vld [tilespmem:s11+$0x4480]  }
0xdc: {  	[tilespmem:s11+$0x93C0] =	vst v55;
	v55 =	vld [tilespmem:s11+$0x44A0]  }
0xdd: {  	v20 =	vmax.f32 v20, $0.0e+00;
	v31 =	vmax.f32 v62, $0.0e+00;
	v62 =	vld [tilespmem:s11+$0x44C0]  }
0xde: {  	v20 =	vmul.f32 v20, v19;
	v37 =	vadd.f32 v60, v58;
	v58 =	vld [tilespmem:s11+$0x4550]  }
0xdf: {  	v24 =	vmax.f32 v24, $0.0e+00;
	v61 =	vmul.f32 v22, v19;
	v60 =	vld [tilespmem:s11+$0x6D50]  }
0xe0: {  	[tilespmem:s11+$0x9380] =	vst v20;
	v20 =	vmul.f32 v31, v19;
	v19 =	vmul.f32 v24, v19;
	v31 =	vld [tilespmem:s11+$0x6E10]  }
0xe1: {  	v41 =	vadd.f32 v32, v63;
	v32 =	vld [tilespmem:s11+$0x6CC0]  }
0xe2: {  	[tilespmem:s11+$0x93F0] =	vst v19;
	v19 =	vmax.f32 v38, $0.0e+00;
	v38 =	vld [tilespmem:s11+$0x6CE0]  }
0xe3: {  	v50 =	vadd.f32 v42, v40;
	v42 =	vld [tilespmem:s11+$0x4500]  }
0xe4: {  	v21 =	vmax.f32 v59, $0.0e+00;
	v53 =	vadd.f32 v45, v43;
	v45 =	vld [tilespmem:s11+$0x4510]  }
0xe5: {  	v21 =	vmul.f32 v21, v36;
	v36 =	vbroadcast v4, $0x6;
	v43 =	vadd.f32 v35, v33;
	v35 =	vld [tilespmem:s11+$0x4580]  }
0xe6: {  	[tilespmem:s11+$0x93E0] =	vst v20;
	v20 =	vmax.f32 v34, $0.0e+00;
	v59 =	vadd.f32 v51, v49;
	v51 =	vld [tilespmem:s11+$0x4530]  }
0xe7: {  	v20 =	vmul.f32 v20, v36;
	v34 =	vadd.f32 v57, v55;
	v55 =	vld [tilespmem:s11+$0x4540]  }
0xe8: {  	v19 =	vmul.f32 v19, v36;
	v57 =	vld [tilespmem:s11+$0x6D40]  }
0xe9: {  	[tilespmem:s11+$0x9400] =	vst v20;
	v20 =	vmax.f32 v41, $0.0e+00;
	v41 =	vld [tilespmem:s11+$0x6CF0]  }
0xea: {  	[tilespmem:s11+$0x9410] =	vst v19;
	v19 =	vmax.f32 v44, $0.0e+00;
	v44 =	vld [tilespmem:s11+$0x6D00];
	v20 =	vmul.f32 v20, v36  }
0xeb: {  	v19 =	vmul.f32 v19, v36;
	v40 =	vadd.f32 v32, v62;
	v32 =	vld [tilespmem:s11+$0x4570]  }
0xec: {  	[tilespmem:s11+$0x9420] =	vst v20;
	v20 =	vmax.f32 v47, $0.0e+00;
	v47 =	vld [tilespmem:s11+$0x6D10]  }
0xed: {  	[tilespmem:s11+$0x9430] =	vst v19;
	v19 =	vmax.f32 v50, $0.0e+00;
	v50 =	vld [tilespmem:s11+$0x6D20]  }
0xee: {  	v19 =	vmul.f32 v19, v36;
	v33 =	vadd.f32 v57, v55;
	v57 =	vld [tilespmem:s11+$0x45F0]  }
0xef: {  	v20 =	vmul.f32 v20, v36;
	v49 =	vadd.f32 v41, v39;
	v41 =	vld [tilespmem:s11+$0x45A0]  }
0xf0: {  	v63 =	vadd.f32 v54, v52;
	v52 =	vadd.f32 v44, v42;
	v44 =	vld [tilespmem:s11+$0x45B0];
	[tilespmem:s11+$0x9450] =	vst v19;
	v19 =	vmax.f32 v56, $0.0e+00  }
0xf1: {  	[tilespmem:s11+$0x9440] =	vst v20;
	v20 =	vmax.f32 v53, $0.0e+00;
	v53 =	vld [tilespmem:s11+$0x6D30];
	v19 =	vmul.f32 v19, v36  }
0xf2: {  	[tilespmem:s11+$0x93D0] =	vst v61;
	v20 =	vmul.f32 v20, v36;
	v36 =	vld [tilespmem:s11+$0x44E0]  }
0xf3: {  	[tilespmem:s11+$0x9470] =	vst v19;
	v19 =	vmax.f32 v63, $0.0e+00;
	v63 =	vld [tilespmem:s11+$0x6D60]  }
0xf4: {  	v61 =	vbroadcast v4, $0x7;
	[tilespmem:s11+$0x9460] =	vst v20;
	v20 =	vmax.f32 v59, $0.0e+00;
	v59 =	vadd.f32 v50, v48;
	v48 =	vld [tilespmem:s11+$0x45C0]  }
0xf5: {  	v50 =	vld [tilespmem:s11+$0x6DC0]  }
0xf6: {  	v20 =	vmul.f32 v20, v61;
	v62 =	vadd.f32 v53, v51;
	v51 =	vld [tilespmem:s11+$0x45D0]  }
0xf7: {  	v19 =	vmul.f32 v19, v61;
	v53 =	vld [tilespmem:s11+$0x6DD0]  }
0xf8: {  	[tilespmem:s11+$0x9480] =	vst v20;
	v20 =	vmax.f32 v34, $0.0e+00;
	v34 =	vld [tilespmem:s11+$0x6D70]  }
0xf9: {  	[tilespmem:s11+$0x9490] =	vst v19;
	v19 =	vmax.f32 v37, $0.0e+00;
	v37 =	vld [tilespmem:s11+$0x6D80]  }
0xfa: {  	v46 =	vadd.f32 v38, v36;
	v38 =	vld [tilespmem:s11+$0x4590]  }
0xfb: {  	[tilespmem:s11+$0x9320] =	vst v21;
	v36 =	vadd.f32 v60, v58;
	v60 =	vld [tilespmem:s11+$0x4600]  }
0xfc: {  	v27 =	vld [tilespmem:s11+$0x4760]  }
0xfd: {  	v20 =	vmul.f32 v20, v61;
	v58 =	vadd.f32 v50, v48;
	v48 =	vld [tilespmem:s11+$0x4670]  }
0xfe: {  	v19 =	vmul.f32 v19, v61;
	v50 =	vld [tilespmem:s11+$0x6E70]  }
0xff: {  	[tilespmem:s11+$0x94A0] =	vst v20;
	v20 =	vmax.f32 v40, $0.0e+00;
	v40 =	vld [tilespmem:s11+$0x6D90]  }
0x100: {  	[tilespmem:s11+$0x94B0] =	vst v19;
	v19 =	vmax.f32 v43, $0.0e+00;
	v43 =	vld [tilespmem:s11+$0x6DA0]  }
0x101: {  	v42 =	vadd.f32 v34, v32;
	v32 =	vld [tilespmem:s11+$0x4620]  }
0x102: {  	v19 =	vmul.f32 v19, v61;
	v34 =	vld [tilespmem:s11+$0x6E20]  }
0x103: {  	v56 =	vadd.f32 v47, v45;
	v20 =	vmul.f32 v20, v61;
	v45 =	vadd.f32 v37, v35;
	v35 =	vld [tilespmem:s11+$0x4630]  }
0x104: {  	v37 =	vld [tilespmem:s11+$0x6E30];
	[tilespmem:s11+$0x94D0] =	vst v19;
	v19 =	vmax.f32 v49, $0.0e+00  }
0x105: {  	[tilespmem:s11+$0x94C0] =	vst v20;
	v20 =	vmax.f32 v46, $0.0e+00;
	v46 =	vld [tilespmem:s11+$0x6DB0];
	v19 =	vmul.f32 v19, v61  }
0x106: {  	v20 =	vmul.f32 v20, v61;
	v61 =	vld [tilespmem:s11+$0x4560]  }
0x107: {  	[tilespmem:s11+$0x94F0] =	vst v19;
	v19 =	vmax.f32 v56, $0.0e+00;
	v56 =	vld [tilespmem:s11+$0x6DE0]  }
0x108: {  	[tilespmem:s11+$0x94E0] =	vst v20;
	v20 =	vmax.f32 v52, $0.0e+00;
	v52 =	vadd.f32 v43, v41;
	v41 =	vld [tilespmem:s11+$0x6E40]  }
0x109: {  	v43 =	vadd.f32 v34, v32;
	v32 =	vld [tilespmem:s11+$0x46C0]  }
0x10a: {  	v54 =	vbroadcast v4, $0x8;
	v34 =	vld [tilespmem:s11+$0x6EC0]  }
0x10b: {  	v55 =	vadd.f32 v46, v44;
	v44 =	vld [tilespmem:s11+$0x6E50]  }
0x10c: {  	v20 =	vmul.f32 v20, v54;
	v46 =	vadd.f32 v37, v35;
	v35 =	vld [tilespmem:s11+$0x46D0]  }
0x10d: {  	v19 =	vmul.f32 v19, v54;
	v37 =	vld [tilespmem:s11+$0x6ED0]  }
0x10e: {  	[tilespmem:s11+$0x9500] =	vst v20;
	v20 =	vmax.f32 v59, $0.0e+00;
	v59 =	vld [tilespmem:s11+$0x6DF0]  }
0x10f: {  	[tilespmem:s11+$0x9510] =	vst v19;
	v19 =	vmax.f32 v62, $0.0e+00;
	v62 =	vld [tilespmem:s11+$0x6E00]  }
0x110: {  	v39 =	vadd.f32 v63, v61;
	v63 =	vld [tilespmem:s11+$0x4610]  }
0x111: {  	v61 =	vadd.f32 v53, v51;
	v51 =	vld [tilespmem:s11+$0x4680]  }
0x112: {  	v53 =	vld [tilespmem:s11+$0x6E80]  }
0x113: {  	v20 =	vmul.f32 v20, v54;
	v22 =	vadd.f32 v34, v32;
	v32 =	vld [tilespmem:s11+$0x4770]  }
0x114: {  	v34 =	vld [tilespmem:s11+$0x6F70]  }
0x115: {  	v19 =	vmul.f32 v19, v54;
	[tilespmem:s11+$0x9520] =	vst v20;
	v20 =	vmax.f32 v33, $0.0e+00;
	v33 =	vadd.f32 v59, v57;
	v57 =	vld [tilespmem:s11+$0x46A0]  }
0x116: {  	v59 =	vld [tilespmem:s11+$0x6EA0]  }
0x117: {  	[tilespmem:s11+$0x9530] =	vst v19;
	v19 =	vmax.f32 v36, $0.0e+00;
	v20 =	vmul.f32 v20, v54;
	v36 =	vadd.f32 v62, v60;
	v60 =	vld [tilespmem:s11+$0x46B0]  }
0x118: {  	v19 =	vmul.f32 v19, v54;
	v62 =	vld [tilespmem:s11+$0x6EB0]  }
0x119: {  	[tilespmem:s11+$0x9540] =	vst v20;
	v20 =	vmax.f32 v39, $0.0e+00;
	v39 =	vld [tilespmem:s11+$0x4640]  }
0x11a: {  	[tilespmem:s11+$0x9550] =	vst v19;
	v19 =	vmax.f32 v42, $0.0e+00;
	v42 =	vld [tilespmem:s11+$0x4650];
	v20 =	vmul.f32 v20, v54  }
0x11b: {  	v19 =	vmul.f32 v19, v54;
	v54 =	vld [tilespmem:s11+$0x45E0]  }
0x11c: {  	[tilespmem:s11+$0x9560] =	vst v20;
	v20 =	vmax.f32 v45, $0.0e+00;
	v45 =	vld [tilespmem:s11+$0x4660]  }
0x11d: {  	v23 =	vadd.f32 v62, v60;
	v60 =	vld [tilespmem:s11+$0x6F40]  }
0x11e: {  	v49 =	vadd.f32 v40, v38;
	v62 =	vld [tilespmem:s11+$0x4750]  }
0x11f: {  	v15 =	vadd.f32 v17, v15;
	v47 =	vbroadcast v4, $0x9;
	v17 =	vld [tilespmem:s11+$0x7000]  }
0x120: {  	[tilespmem:s11+$0x9570] =	vst v19;
	v19 =	vmax.f32 v49, $0.0e+00;
	v49 =	vadd.f32 v41, v39;
	v41 =	vld [tilespmem:s11+$0x46F0]  }
0x121: {  	v20 =	vmul.f32 v20, v47;
	v30 =	vadd.f32 v56, v54;
	v54 =	vld [tilespmem:s11+$0x4690]  }
0x122: {  	v19 =	vmul.f32 v19, v47;
	v56 =	vld [tilespmem:s11+$0x6E90]  }
0x123: {  	[tilespmem:s11+$0x9580] =	vst v20;
	v20 =	vmax.f32 v52, $0.0e+00;
	v52 =	vadd.f32 v44, v42;
	v44 =	vld [tilespmem:s11+$0x4700]  }
0x124: {  	[tilespmem:s11+$0x9590] =	vst v19;
	v42 =	vmax.f32 v23, $0.0e+00;
	v23 =	vld [tilespmem:s11+$0x7020]  }
0x125: {  	v19 =	vmax.f32 v55, $0.0e+00;
	v20 =	vmul.f32 v20, v47;
	v26 =	vld [tilespmem:s11+$0x7030]  }
0x126: {  	v19 =	vmul.f32 v19, v47;
	v28 =	vld [tilespmem:s11+$0x4840]  }
0x127: {  	[tilespmem:s11+$0x95A0] =	vst v20;
	v20 =	vmax.f32 v58, $0.0e+00;
	v58 =	vadd.f32 v50, v48;
	v50 =	vld [tilespmem:s11+$0x6F10]  }
0x128: {  	[tilespmem:s11+$0x95B0] =	vst v19;
	v19 =	vmax.f32 v61, $0.0e+00;
	v61 =	vadd.f32 v53, v51;
	v51 =	vld [tilespmem:s11+$0x4720];
	v20 =	vmul.f32 v20, v47  }
0x129: {  	v53 =	vld [tilespmem:s11+$0x6F20];
	v19 =	vmul.f32 v19, v47  }
0x12a: {  	v18 =	vadd.f32 v18, v44;
	v44 =	vld [tilespmem:s11+$0x47A0];
	[tilespmem:s11+$0x95C0] =	vst v20  }
0x12b: {  	v20 =	vmax.f32 v30, $0.0e+00;
	[tilespmem:s11+$0x95D0] =	vst v19;
	v19 =	vmax.f32 v33, $0.0e+00;
	v33 =	vadd.f32 v56, v54;
	v54 =	vld [tilespmem:s11+$0x4730]  }
0x12c: {  	v14 =	vadd.f32 v16, v14;
	v56 =	vld [tilespmem:s11+$0x6F30];
	v20 =	vmul.f32 v20, v47  }
0x12d: {  	v38 =	vbroadcast v4, $0xA;
	v40 =	vadd.f32 v31, v63;
	v19 =	vmul.f32 v19, v47;
	v47 =	vld [tilespmem:s11+$0x6E60]  }
0x12e: {  	v11 =	vadd.f32 v12, v11;
	v9 =	vadd.f32 v10, v9;
	v30 =	vld [tilespmem:s11+$0x6F60];
	[tilespmem:s11+$0x95E0] =	vst v20;
	v20 =	vmax.f32 v36, $0.0e+00  }
0x12f: {  	v24 =	vadd.f32 v53, v51;
	v53 =	vld [tilespmem:s11+$0x6FC0];
	[tilespmem:s11+$0x95F0] =	vst v19;
	v19 =	vmax.f32 v40, $0.0e+00;
	v20 =	vmul.f32 v20, v38  }
0x130: {  	v7 =	vadd.f32 v8, v7;
	v5 =	vadd.f32 v6, v5;
	v40 =	vld [tilespmem:s11+$0x6EE0];
	v19 =	vmul.f32 v19, v38  }
0x131: {  	v63 =	vbroadcast v4, $0xB;
	v29 =	vmax.f32 v24, $0.0e+00;
	v24 =	vld [tilespmem:s11+$0x4830];
	[tilespmem:s11+$0x9600] =	vst v20;
	v20 =	vmax.f32 v43, $0.0e+00  }
0x132: {  	[tilespmem:s11+$0x9610] =	vst v19;
	v19 =	vmax.f32 v46, $0.0e+00;
	v55 =	vadd.f32 v47, v45;
	v45 =	vld [tilespmem:s11+$0x4100];
	v20 =	vmul.f32 v20, v38  }
0x133: {  	v22 =	vmax.f32 v22, $0.0e+00;
	v31 =	vadd.f32 v56, v54;
	v54 =	vld [tilespmem:s11+$0x47D0];
	v19 =	vmul.f32 v19, v38  }
0x134: {  	v21 =	vadd.f32 v37, v35;
	v43 =	vld [tilespmem:s11+$0x6EF0];
	v46 =	vmul.f32 v22, v63;
	[tilespmem:s11+$0x9620] =	vst v20;
	v20 =	vmax.f32 v49, $0.0e+00  }
0x135: {  	v14 =	vmax.f32 v14, $0.0e+00;
	v47 =	vld [tilespmem:s11+$0x4710];
	[tilespmem:s11+$0x9630] =	vst v19;
	v19 =	vmax.f32 v52, $0.0e+00;
	v20 =	vmul.f32 v20, v38  }
0x136: {  	v21 =	vmax.f32 v21, $0.0e+00;
	v36 =	vadd.f32 v59, v57;
	v22 =	vld [tilespmem:s11+$0x6F50];
	[tilespmem:s11+$0x96C0] =	vst v46;
	v19 =	vmul.f32 v19, v38  }
0x137: {  	v46 =	vld [tilespmem:s11+$0x6FA0];
	v49 =	vmul.f32 v21, v63;
	v57 =	vadd.f32 v13, v45;
	[tilespmem:s11+$0x9640] =	vst v20;
	v20 =	vmax.f32 v55, $0.0e+00  }
0x138: {  	v21 =	vld [tilespmem:s11+$0x4820];
	v13 =	vbroadcast v4, $0x0;
	[tilespmem:s11+$0x9650] =	vst v19;
	v19 =	vmax.f32 v58, $0.0e+00;
	v20 =	vmul.f32 v20, v38  }
0x139: {  	[tilespmem:s11+$0x96D0] =	vst v49;
	v52 =	vadd.f32 v43, v41;
	v43 =	vadd.f32 v30, v27;
	v30 =	vld [tilespmem:s11+$0x7040];
	v19 =	vmul.f32 v19, v38  }
0x13a: {  	v15 =	vmax.f32 v15, $0.0e+00;
	v11 =	vmax.f32 v11, $0.0e+00;
	v58 =	vld [tilespmem:s11+$0x4740];
	v14 =	vmul.f32 v14, v13;
	[tilespmem:s11+$0x9660] =	vst v20  }
0x13b: {  	v9 =	vmax.f32 v9, $0.0e+00;
	v7 =	vmax.f32 v7, $0.0e+00;
	v38 =	vld [tilespmem:s11+$0x46E0];
	v15 =	vmul.f32 v15, v13;
	[tilespmem:s11+$0x9670] =	vst v19  }
0x13c: {  	v5 =	vmax.f32 v5, $0.0e+00;
	v59 =	vmax.f32 v57, $0.0e+00;
	v11 =	vmul.f32 v11, v13;
	v57 =	vld [tilespmem:s11+$0x6FD0];
	[tilespmem:s11+$0x9120] =	vst v14  }
0x13d: {  	v55 =	vbroadcast v4, $0xC;
	v9 =	vmul.f32 v9, v13;
	v45 =	vmax.f32 v43, $0.0e+00;
	v43 =	vld [tilespmem:s11+$0x4890];
	[tilespmem:s11+$0x9170] =	vst v15  }
0x13e: {  	v18 =	vmax.f32 v18, $0.0e+00;
	v7 =	vmul.f32 v7, v13;
	v16 =	vmul.f32 v59, v13;
	v59 =	vld [tilespmem:s11+$0x6FE0];
	[tilespmem:s11+$0x9160] =	vst v11  }
0x13f: {  	v5 =	vmul.f32 v5, v13;
	v20 =	vmax.f32 v61, $0.0e+00;
	v61 =	vadd.f32 v50, v47;
	[tilespmem:s11+$0x9130] =	vst v9;
	v47 =	vld [tilespmem:s11+$0x47B0]  }
0x140: {  	v18 =	vmul.f32 v18, v55;
	[tilespmem:s11+$0x9150] =	vst v7;
	v50 =	vld [tilespmem:s11+$0x6FB0]  }
0x141: {  	v19 =	vmax.f32 v33, $0.0e+00;
	v33 =	vmax.f32 v31, $0.0e+00;
	[tilespmem:s11+$0x9140] =	vst v5;
	v31 =	vld [tilespmem:s11+$0x4850];
	v20 =	vmul.f32 v20, v63  }
0x142: {  	v12 =	vmul.f32 v29, v55;
	[tilespmem:s11+$0x9700] =	vst v18;
	v18 =	vld [tilespmem:s11+$0x4810]  }
0x143: {  	v19 =	vmul.f32 v19, v63;
	v10 =	vmul.f32 v33, v55;
	v33 =	vld [tilespmem:s11+$0x7050];
	[tilespmem:s11+$0x9680] =	vst v20;
	v20 =	vmax.f32 v36, $0.0e+00  }
0x144: {  	[tilespmem:s11+$0x9720] =	vst v12;
	v12 =	vadd.f32 v34, v32;
	v34 =	vld [tilespmem:s11+$0x4860];
	v39 =	vmul.f32 v20, v63  }
0x145: {  	[tilespmem:s11+$0x9690] =	vst v19;
	v19 =	vmul.f32 v42, v63;
	v36 =	vld [tilespmem:s11+$0x4780]  }
0x146: {  	v48 =	vadd.f32 v40, v38;
	v38 =	vld [tilespmem:s11+$0x6F80];
	v12 =	vmax.f32 v12, $0.0e+00;
	[tilespmem:s11+$0x96A0] =	vst v39;
	v39 =	vadd.f32 v22, v62  }
0x147: {  	[tilespmem:s11+$0x9100] =	vst v16;
	v35 =	vadd.f32 v60, v58;
	v58 =	vld [tilespmem:s11+$0x47E0];
	v20 =	vmax.f32 v52, $0.0e+00;
	v49 =	vmul.f32 v12, v55  }
0x148: {  	v60 =	vld [tilespmem:s11+$0x47F0];
	[tilespmem:s11+$0x96B0] =	vst v19;
	v19 =	vmax.f32 v48, $0.0e+00;
	v20 =	vmul.f32 v20, v63;
	v41 =	vmax.f32 v39, $0.0e+00  }
0x149: {  	[tilespmem:s11+$0x9730] =	vst v10;
	v40 =	vld [tilespmem:s11+$0x4790];
	v19 =	vmul.f32 v19, v63;
	v63 =	vmax.f32 v61, $0.0e+00;
	v6 =	vmul.f32 v41, v55  }
0x14a: {  	v51 =	vbroadcast v4, $0xD;
	v42 =	vld [tilespmem:s11+$0x6F90];
	v5 =	vadd.f32 v50, v47;
	[tilespmem:s11+$0x9770] =	vst v49;
	v16 =	vmul.f32 v63, v55  }
0x14b: {  	v37 =	vmax.f32 v35, $0.0e+00;
	v62 =	vld [tilespmem:s11+$0x6FF0];
	v48 =	vadd.f32 v38, v36;
	[tilespmem:s11+$0x9750] =	vst v6;
	v6 =	vmul.f32 v45, v55  }
0x14c: {  	v52 =	vld [tilespmem:s11+$0x47C0];
	v8 =	vmul.f32 v37, v55;
	v5 =	vmax.f32 v5, $0.0e+00;
	[tilespmem:s11+$0x9710] =	vst v16  }
0x14d: {  	v37 =	vld [tilespmem:s11+$0x4870];
	v5 =	vmul.f32 v5, v51;
	v16 =	vadd.f32 v57, v54;
	[tilespmem:s11+$0x9760] =	vst v6;
	v6 =	vmax.f32 v48, $0.0e+00  }
0x14e: {  	[tilespmem:s11+$0x96F0] =	vst v20;
	v20 =	vld [tilespmem:s11+$0x7010];
	v55 =	vadd.f32 v46, v44;
	v6 =	vmul.f32 v6, v51  }
0x14f: {  	v27 =	vbroadcast v4, $0xE;
	v4 =	vbroadcast v4, $0xF;
	v47 =	vld [tilespmem:s11+$0x70A0];
	[tilespmem:s11+$0x97B0] =	vst v5;
	v5 =	vmax.f32 v16, $0.0e+00  }
0x150: {  	v49 =	vld [tilespmem:s11+$0x4110];
	v22 =	vadd.f32 v62, v60;
	v5 =	vmul.f32 v5, v51;
	[tilespmem:s11+$0x9780] =	vst v6;
	v6 =	vmax.f32 v55, $0.0e+00  }
0x151: {  	v32 =	vadd.f32 v23, v21;
	[tilespmem:s11+$0x9740] =	vst v8;
	v63 =	vld [tilespmem:s11+$0x4800];
	v61 =	vadd.f32 v53, v52;
	v6 =	vmul.f32 v6, v51  }
0x152: {  	v35 =	vadd.f32 v26, v24;
	v8 =	vadd.f32 v42, v40;
	v36 =	vld [tilespmem:s11+$0x7060];
	[tilespmem:s11+$0x97D0] =	vst v5;
	v5 =	vmax.f32 v22, $0.0e+00  }
0x153: {  	v39 =	vld [tilespmem:s11+$0x7070];
	v29 =	vadd.f32 v20, v18;
	v5 =	vmul.f32 v5, v51;
	[tilespmem:s11+$0x97A0] =	vst v6;
	v6 =	vmax.f32 v61, $0.0e+00  }
0x154: {  	[tilespmem:s11+$0x96E0] =	vst v19;
	v19 =	vadd.f32 v59, v58;
	v40 =	vld [tilespmem:s11+$0x4880];
	v8 =	vmax.f32 v8, $0.0e+00;
	v6 =	vmul.f32 v6, v51  }
0x155: {  	v42 =	vld [tilespmem:s11+$0x7080];
	v56 =	vmul.f32 v8, v51;
	v3 =	vadd.f32 v3, v49;
	[tilespmem:s11+$0x97F0] =	vst v5;
	v5 =	vmax.f32 v29, $0.0e+00  }
0x156: {  	v38 =	vadd.f32 v30, v28;
	v54 =	vld [tilespmem:s11+$0x70C0];
	v5 =	vmul.f32 v5, v27;
	[tilespmem:s11+$0x97C0] =	vst v6;
	v6 =	vmax.f32 v19, $0.0e+00  }
0x157: {  	v25 =	vadd.f32 v17, v63;
	[tilespmem:s11+$0x9790] =	vst v56;
	v48 =	vld [tilespmem:s11+$0x48B0];
	v3 =	vmax.f32 v3, $0.0e+00;
	v6 =	vmul.f32 v6, v51  }
0x158: {  	v57 =	vld [tilespmem:s11+$0x70D0];
	v7 =	vadd.f32 v39, v37;
	v3 =	vmul.f32 v3, v13;
	[tilespmem:s11+$0x9810] =	vst v5;
	v5 =	vmax.f32 v35, $0.0e+00  }
0x159: {  	v41 =	vadd.f32 v33, v31;
	v44 =	vld [tilespmem:s11+$0x7090];
	v5 =	vmul.f32 v5, v27;
	[tilespmem:s11+$0x97E0] =	vst v6;
	v6 =	vmax.f32 v25, $0.0e+00  }
0x15a: {  	v8 =	vadd.f32 v36, v34;
	v7 =	vmax.f32 v7, $0.0e+00;
	v55 =	vld [tilespmem:s11+$0x48D0];
	[tilespmem:s11+$0x9110] =	vst v3;
	v6 =	vmul.f32 v6, v27  }
0x15b: {  	v45 =	vld [tilespmem:s11+$0x48A0];
	v9 =	vadd.f32 v42, v40;
	v50 =	vmul.f32 v7, v27;
	[tilespmem:s11+$0x9830] =	vst v5;
	v5 =	vmax.f32 v41, $0.0e+00  }
0x15c: {  	v2 =	vadd.f32 v2, v48;
	v51 =	vld [tilespmem:s11+$0x48C0];
	v5 =	vmul.f32 v5, v27;
	[tilespmem:s11+$0x9800] =	vst v6;
	v6 =	vmax.f32 v32, $0.0e+00  }
0x15d: {  	v58 =	vld [tilespmem:s11+$0x48E0];
	v46 =	vmax.f32 v8, $0.0e+00;
	v9 =	vmax.f32 v9, $0.0e+00;
	[tilespmem:s11+$0x9870] =	vst v50;
	v6 =	vmul.f32 v6, v27  }
0x15e: {  	v60 =	vld [tilespmem:s11+$0x70E0];
	v52 =	vadd.f32 v44, v43;
	v53 =	vmul.f32 v9, v4;
	v2 =	vmax.f32 v2, $0.0e+00;
	[tilespmem:s11+$0x9850] =	vst v5  }
0x15f: {  	v62 =	vld [tilespmem:s11+$0x70F0];
	v8 =	vadd.f32 v57, v55;
	v5 =	vmul.f32 v46, v27;
	[tilespmem:s11+$0x9820] =	vst v6;
	v6 =	vmax.f32 v38, $0.0e+00  }
0x160: {  	v56 =	vadd.f32 v47, v45;
	[tilespmem:s11+$0x9880] =	vst v53;
	v61 =	vld [tilespmem:s11+$0x48F0];
	v2 =	vmul.f32 v2, v4;
	v6 =	vmul.f32 v6, v27  }
0x161: {  	v63 =	vmax.f32 v8, $0.0e+00;
	[tilespmem:s11+$0x9860] =	vst v5;
	v5 =	vmax.f32 v52, $0.0e+00;
	v7 =	vadd.f32 v54, v51  }
0x162: {  	v3 =	vmul.f32 v63, v4;
	v5 =	vmul.f32 v5, v4;
	[tilespmem:s11+$0x9840] =	vst v6;
	v6 =	vmax.f32 v56, $0.0e+00  }
0x163: {  	[tilespmem:s11+$0x98B0] =	vst v2;
	v7 =	vmax.f32 v7, $0.0e+00;
	v59 =	vmul.f32 v6, v4;
	v6 =	vadd.f32 v60, v58  }
0x164: {  	[tilespmem:s11+$0x98D0] =	vst v3;
	v2 =	vmul.f32 v7, v4  }
0x165: {  	[tilespmem:s11+$0x9890] =	vst v5;
	v5 =	vadd.f32 v62, v61;
	v6 =	vmax.f32 v6, $0.0e+00  }
0x166: {  	[tilespmem:s11+$0x98C0] =	vst v2;
	v2 =	vmul.f32 v6, v4  }
0x167: {  	v3 =	vmax.f32 v5, $0.0e+00;
	[tilespmem:s11+$0x98A0] =	vst v59  }
0x168: {  	s12 =	simm.s32 $0x1;
	[tilespmem:s11+$0x98E0] =	vst v2;
	v2 =	vmul.f32 v3, v4  }
.LBB2_5:
0x169: {  	s13 =	smov.u32 s12  }
0x16a: {  	s14 =	sshll.u32 s12, $0x4;
	[tilespmem:s11+$0x98F0] =	vst v2;
	s11 =	sshll.u32 s12, $0xB;
	s13 =	sadd.s32 $0x1, s12  }
0x16b: {  	p0 =	sne.s32 s12, $0x4;
	s14 =	sand.u32 $0x3FFFFFF0, s14;
	v6 =	vld [tilespmem:s11+$0x6900]  }
0x16c: {  	v2 =	vld [tilespmem:s11+$0x70B0]  }
0x16d: {  	v4 =	vld.idx.msk [tilespmem:v1+s14+$0x0 ss:$0x1], $0xffff  }
0x16e: {  	v8 =	vld [tilespmem:s11+$0x6F00]  }
0x16f: {  	v3 =	vld [tilespmem:s11+$0x6910]  }
0x170: {  	v5 =	vld [tilespmem:s11+$0x4120]  }
0x171: {  	v7 =	vld [tilespmem:s11+$0x6920]  }
0x172: {  	v10 =	vld [tilespmem:s11+$0x4130]  }
0x173: {  	v11 =	vld [tilespmem:s11+$0x6930]  }
0x174: {  	v12 =	vld [tilespmem:s11+$0x4140]  }
0x175: {  	v13 =	vld [tilespmem:s11+$0x6940]  }
0x176: {  	v5 =	vadd.f32 v7, v5;
	v7 =	vld [tilespmem:s11+$0x4150]  }
0x177: {  	v14 =	vld [tilespmem:s11+$0x6950]  }
0x178: {  	v9 =	vmax.f32 v5, $0.0e+00;
	v5 =	vadd.f32 v11, v10;
	v15 =	vld [tilespmem:s11+$0x4160]  }
0x179: {  	v16 =	vld [tilespmem:s11+$0x6960]  }
0x17a: {  	v11 =	vadd.f32 v13, v12;
	v12 =	vld [tilespmem:s11+$0x4170]  }
0x17b: {  	v13 =	vld [tilespmem:s11+$0x6970]  }
0x17c: {  	v7 =	vadd.f32 v14, v7;
	v14 =	vld [tilespmem:s11+$0x4180]  }
0x17d: {  	v17 =	vld [tilespmem:s11+$0x6980]  }
0x17e: {  	v10 =	vmax.f32 v7, $0.0e+00;
	v7 =	vadd.f32 v16, v15;
	v15 =	vld [tilespmem:s11+$0x4190]  }
0x17f: {  	v16 =	vld [tilespmem:s11+$0x6990]  }
0x180: {  	v12 =	vadd.f32 v13, v12;
	v13 =	vld [tilespmem:s11+$0x41A0]  }
0x181: {  	v18 =	vld [tilespmem:s11+$0x69A0]  }
0x182: {  	v14 =	vadd.f32 v17, v14;
	v17 =	vld [tilespmem:s11+$0x41B0]  }
0x183: {  	v19 =	vld [tilespmem:s11+$0x69B0]  }
0x184: {  	v15 =	vadd.f32 v16, v15;
	v16 =	vld [tilespmem:s11+$0x41C0]  }
0x185: {  	v20 =	vld [tilespmem:s11+$0x69C0]  }
0x186: {  	v13 =	vadd.f32 v18, v13;
	v18 =	vld [tilespmem:s11+$0x41D0]  }
0x187: {  	v21 =	vld [tilespmem:s11+$0x69D0]  }
0x188: {  	v17 =	vadd.f32 v19, v17;
	v19 =	vld [tilespmem:s11+$0x41E0]  }
0x189: {  	v22 =	vld [tilespmem:s11+$0x69E0]  }
0x18a: {  	v16 =	vadd.f32 v20, v16;
	v20 =	vld [tilespmem:s11+$0x41F0]  }
0x18b: {  	v23 =	vld [tilespmem:s11+$0x69F0]  }
0x18c: {  	v18 =	vadd.f32 v21, v18;
	v21 =	vld [tilespmem:s11+$0x4200]  }
0x18d: {  	v24 =	vbroadcast v4, $0x1;
	v25 =	vld [tilespmem:s11+$0x6A00]  }
0x18e: {  	v16 =	vmax.f32 v16, $0.0e+00;
	v18 =	vmax.f32 v18, $0.0e+00;
	v19 =	vadd.f32 v22, v19;
	v22 =	vld [tilespmem:s11+$0x4210]  }
0x18f: {  	v14 =	vmax.f32 v14, $0.0e+00;
	v16 =	vmul.f32 v16, v24;
	v18 =	vmul.f32 v18, v24;
	v26 =	vld [tilespmem:s11+$0x6A10]  }
0x190: {  	v14 =	vmul.f32 v14, v24;
	v19 =	vmax.f32 v19, $0.0e+00;
	v20 =	vadd.f32 v23, v20;
	v23 =	vld [tilespmem:s11+$0x4220]  }
0x191: {  	v13 =	vmax.f32 v13, $0.0e+00;
	[tilespmem:s11+$0x91C0] =	vst v16;
	v16 =	vmul.f32 v19, v24;
	v19 =	vld [tilespmem:s11+$0x6A20]  }
0x192: {  	v13 =	vmul.f32 v13, v24;
	[tilespmem:s11+$0x91D0] =	vst v18;
	v18 =	vmax.f32 v20, $0.0e+00;
	v20 =	vadd.f32 v25, v21;
	v21 =	vld [tilespmem:s11+$0x4230]  }
0x193: {  	[tilespmem:s11+$0x91E0] =	vst v16;
	v16 =	vmul.f32 v18, v24;
	v18 =	vld [tilespmem:s11+$0x6A30]  }
0x194: {  	v15 =	vmax.f32 v15, $0.0e+00;
	[tilespmem:s11+$0x91A0] =	vst v13;
	v13 =	vadd.f32 v26, v22;
	v22 =	vld [tilespmem:s11+$0x4240]  }
0x195: {  	v15 =	vmul.f32 v15, v24;
	v17 =	vmax.f32 v17, $0.0e+00;
	[tilespmem:s11+$0x91F0] =	vst v16;
	v16 =	vld [tilespmem:s11+$0x6A40]  }
0x196: {  	[tilespmem:s11+$0x9180] =	vst v14;
	v14 =	vmul.f32 v17, v24;
	v17 =	vadd.f32 v19, v23;
	v19 =	vld [tilespmem:s11+$0x4250]  }
0x197: {  	[tilespmem:s11+$0x9190] =	vst v15;
	v15 =	vld [tilespmem:s11+$0x6A50]  }
0x198: {  	[tilespmem:s11+$0x91B0] =	vst v14;
	v14 =	vadd.f32 v18, v21;
	v18 =	vld [tilespmem:s11+$0x4260]  }
0x199: {  	v21 =	vld [tilespmem:s11+$0x6A60]  }
0x19a: {  	v16 =	vadd.f32 v16, v22;
	v22 =	vld [tilespmem:s11+$0x4270]  }
0x19b: {  	v23 =	vld [tilespmem:s11+$0x6A70]  }
0x19c: {  	v15 =	vadd.f32 v15, v19;
	v19 =	vld [tilespmem:s11+$0x4280]  }
0x19d: {  	v20 =	vmax.f32 v20, $0.0e+00;
	v24 =	vbroadcast v4, $0x2;
	v13 =	vmax.f32 v13, $0.0e+00;
	v25 =	vld [tilespmem:s11+$0x6A80]  }
0x19e: {  	v16 =	vmax.f32 v16, $0.0e+00;
	v15 =	vmax.f32 v15, $0.0e+00;
	v18 =	vadd.f32 v21, v18;
	v21 =	vld [tilespmem:s11+$0x4290]  }
0x19f: {  	v20 =	vmul.f32 v20, v24;
	v17 =	vmax.f32 v17, $0.0e+00;
	v15 =	vmul.f32 v15, v24;
	v26 =	vld [tilespmem:s11+$0x6A90]  }
0x1a0: {  	v13 =	vmul.f32 v13, v24;
	v18 =	vmax.f32 v18, $0.0e+00;
	v22 =	vadd.f32 v23, v22;
	v23 =	vld [tilespmem:s11+$0x42A0]  }
0x1a1: {  	v17 =	vmul.f32 v17, v24;
	v14 =	vmax.f32 v14, $0.0e+00;
	[tilespmem:s11+$0x9200] =	vst v20;
	v18 =	vmul.f32 v18, v24;
	v20 =	vld [tilespmem:s11+$0x6AA0]  }
0x1a2: {  	[tilespmem:s11+$0x9210] =	vst v13;
	v13 =	vmul.f32 v14, v24;
	v14 =	vmax.f32 v22, $0.0e+00;
	v19 =	vadd.f32 v25, v19;
	v22 =	vld [tilespmem:s11+$0x42B0]  }
0x1a3: {  	v16 =	vmul.f32 v16, v24;
	[tilespmem:s11+$0x9260] =	vst v18;
	v14 =	vmul.f32 v14, v24;
	v18 =	vld [tilespmem:s11+$0x6AB0]  }
0x1a4: {  	[tilespmem:s11+$0x9220] =	vst v17;
	v17 =	vmax.f32 v19, $0.0e+00;
	v19 =	vadd.f32 v26, v21;
	v21 =	vld [tilespmem:s11+$0x42C0]  }
0x1a5: {  	[tilespmem:s11+$0x9270] =	vst v14;
	v14 =	vld [tilespmem:s11+$0x6AC0]  }
0x1a6: {  	[tilespmem:s11+$0x9230] =	vst v13;
	v13 =	vmax.f32 v19, $0.0e+00;
	v19 =	vadd.f32 v20, v23;
	v20 =	vld [tilespmem:s11+$0x42D0]  }
0x1a7: {  	[tilespmem:s11+$0x9240] =	vst v16;
	v16 =	vld [tilespmem:s11+$0x6AD0]  }
0x1a8: {  	[tilespmem:s11+$0x9250] =	vst v15;
	v15 =	vmax.f32 v19, $0.0e+00;
	v18 =	vadd.f32 v18, v22;
	v19 =	vld [tilespmem:s11+$0x42E0]  }
0x1a9: {  	v22 =	vld [tilespmem:s11+$0x6AE0]  }
0x1aa: {  	v14 =	vadd.f32 v14, v21;
	v21 =	vld [tilespmem:s11+$0x42F0]  }
0x1ab: {  	v23 =	vld [tilespmem:s11+$0x6AF0]  }
0x1ac: {  	v14 =	vmax.f32 v14, $0.0e+00;
	v16 =	vadd.f32 v16, v20;
	v20 =	vld [tilespmem:s11+$0x4300]  }
0x1ad: {  	v24 =	vld [tilespmem:s11+$0x6B00]  }
0x1ae: {  	v16 =	vmax.f32 v16, $0.0e+00;
	v19 =	vadd.f32 v22, v19;
	v22 =	vld [tilespmem:s11+$0x4310]  }
0x1af: {  	v25 =	vld [tilespmem:s11+$0x6B10]  }
0x1b0: {  	v19 =	vmax.f32 v19, $0.0e+00;
	v21 =	vadd.f32 v23, v21;
	v23 =	vld [tilespmem:s11+$0x4320]  }
0x1b1: {  	v26 =	vbroadcast v4, $0x3;
	v27 =	vld [tilespmem:s11+$0x6B20]  }
0x1b2: {  	v21 =	vmax.f32 v21, $0.0e+00;
	v20 =	vadd.f32 v24, v20;
	v24 =	vld [tilespmem:s11+$0x4330]  }
0x1b3: {  	v18 =	vmax.f32 v18, $0.0e+00;
	v19 =	vmul.f32 v19, v26;
	v21 =	vmul.f32 v21, v26;
	v28 =	vld [tilespmem:s11+$0x6B30]  }
0x1b4: {  	v18 =	vmul.f32 v18, v26;
	v16 =	vmul.f32 v16, v26;
	v22 =	vadd.f32 v25, v22;
	v25 =	vld [tilespmem:s11+$0x4340]  }
0x1b5: {  	v15 =	vmul.f32 v15, v26;
	v14 =	vmul.f32 v14, v26;
	[tilespmem:s11+$0x92F0] =	vst v21;
	v21 =	vld [tilespmem:s11+$0x6B40]  }
0x1b6: {  	v17 =	vmul.f32 v17, v26;
	v13 =	vmul.f32 v13, v26;
	[tilespmem:s11+$0x92E0] =	vst v19;
	v19 =	vadd.f32 v27, v23;
	v23 =	vld [tilespmem:s11+$0x4350]  }
0x1b7: {  	[tilespmem:s11+$0x92D0] =	vst v16;
	v16 =	vld [tilespmem:s11+$0x6B50]  }
0x1b8: {  	[tilespmem:s11+$0x92B0] =	vst v18;
	v18 =	vmax.f32 v19, $0.0e+00;
	v19 =	vadd.f32 v28, v24;
	v24 =	vld [tilespmem:s11+$0x4360]  }
0x1b9: {  	[tilespmem:s11+$0x92C0] =	vst v14;
	v14 =	vld [tilespmem:s11+$0x6B60]  }
0x1ba: {  	[tilespmem:s11+$0x9280] =	vst v17;
	v17 =	vadd.f32 v21, v25;
	v21 =	vld [tilespmem:s11+$0x4370]  }
0x1bb: {  	[tilespmem:s11+$0x9290] =	vst v13;
	v13 =	vld [tilespmem:s11+$0x6B70]  }
0x1bc: {  	[tilespmem:s11+$0x92A0] =	vst v15;
	v15 =	vadd.f32 v16, v23;
	v16 =	vld [tilespmem:s11+$0x4380]  }
0x1bd: {  	v23 =	vld [tilespmem:s11+$0x6B80]  }
0x1be: {  	v15 =	vmax.f32 v15, $0.0e+00;
	v14 =	vadd.f32 v14, v24;
	v24 =	vld [tilespmem:s11+$0x4390]  }
0x1bf: {  	v25 =	vld [tilespmem:s11+$0x6B90]  }
0x1c0: {  	v14 =	vmax.f32 v14, $0.0e+00;
	v13 =	vadd.f32 v13, v21;
	v21 =	vld [tilespmem:s11+$0x43A0]  }
0x1c1: {  	v26 =	vbroadcast v4, $0x4;
	v27 =	vbroadcast v4, $0x5;
	v28 =	vld [tilespmem:s11+$0x6BA0]  }
0x1c2: {  	v20 =	vmax.f32 v20, $0.0e+00;
	v13 =	vmax.f32 v13, $0.0e+00;
	v16 =	vadd.f32 v23, v16;
	v23 =	vld [tilespmem:s11+$0x43B0]  }
0x1c3: {  	v17 =	vmax.f32 v17, $0.0e+00;
	v14 =	vmul.f32 v14, v26;
	v13 =	vmul.f32 v13, v26;
	v29 =	vld [tilespmem:s11+$0x6BB0]  }
0x1c4: {  	v17 =	vmul.f32 v17, v26;
	v16 =	vmax.f32 v16, $0.0e+00;
	v24 =	vadd.f32 v25, v24;
	v25 =	vld [tilespmem:s11+$0x43C0]  }
0x1c5: {  	v19 =	vmax.f32 v19, $0.0e+00;
	v15 =	vmul.f32 v15, v26;
	[tilespmem:s11+$0x9370] =	vst v13;
	v13 =	vmul.f32 v16, v27;
	v16 =	vld [tilespmem:s11+$0x6BC0]  }
0x1c6: {  	v19 =	vmul.f32 v19, v26;
	[tilespmem:s11+$0x9360] =	vst v14;
	v14 =	vmax.f32 v24, $0.0e+00;
	v21 =	vadd.f32 v28, v21;
	v24 =	vld [tilespmem:s11+$0x43D0]  }
0x1c7: {  	v20 =	vmul.f32 v20, v26;
	[tilespmem:s11+$0x9380] =	vst v13;
	v13 =	vmul.f32 v14, v27;
	v14 =	vld [tilespmem:s11+$0x6BD0]  }
0x1c8: {  	v18 =	vmul.f32 v18, v26;
	[tilespmem:s11+$0x9330] =	vst v19;
	v19 =	vmax.f32 v21, $0.0e+00;
	v21 =	vadd.f32 v29, v23;
	v23 =	vld [tilespmem:s11+$0x43E0]  }
0x1c9: {  	[tilespmem:s11+$0x9390] =	vst v13;
	v13 =	vmul.f32 v19, v27;
	v19 =	vld [tilespmem:s11+$0x6BE0]  }
0x1ca: {  	[tilespmem:s11+$0x9340] =	vst v17;
	v17 =	vmax.f32 v21, $0.0e+00;
	v16 =	vadd.f32 v16, v25;
	v21 =	vld [tilespmem:s11+$0x43F0]  }
0x1cb: {  	[tilespmem:s11+$0x93A0] =	vst v13;
	v13 =	vmul.f32 v17, v27;
	v17 =	vld [tilespmem:s11+$0x6BF0]  }
0x1cc: {  	[tilespmem:s11+$0x9350] =	vst v15;
	v15 =	vmax.f32 v16, $0.0e+00;
	v14 =	vadd.f32 v14, v24;
	v16 =	vld [tilespmem:s11+$0x4400]  }
0x1cd: {  	v22 =	vmax.f32 v22, $0.0e+00;
	[tilespmem:s11+$0x93B0] =	vst v13;
	v13 =	vmul.f32 v15, v27;
	v15 =	vld [tilespmem:s11+$0x6C00]  }
0x1ce: {  	[tilespmem:s11+$0x9300] =	vst v20;
	v20 =	vmul.f32 v22, v26;
	v14 =	vmax.f32 v14, $0.0e+00;
	v19 =	vadd.f32 v19, v23;
	v22 =	vld [tilespmem:s11+$0x4410]  }
0x1cf: {  	[tilespmem:s11+$0x93C0] =	vst v13;
	v13 =	vmul.f32 v14, v27;
	v14 =	vld [tilespmem:s11+$0x6C10]  }
0x1d0: {  	[tilespmem:s11+$0x9310] =	vst v20;
	v19 =	vmax.f32 v19, $0.0e+00;
	v17 =	vadd.f32 v17, v21;
	v20 =	vld [tilespmem:s11+$0x4420]  }
0x1d1: {  	[tilespmem:s11+$0x93D0] =	vst v13;
	v13 =	vmul.f32 v19, v27;
	v19 =	vld [tilespmem:s11+$0x6C20]  }
0x1d2: {  	[tilespmem:s11+$0x9320] =	vst v18;
	v17 =	vmax.f32 v17, $0.0e+00;
	v15 =	vadd.f32 v15, v16;
	v16 =	vld [tilespmem:s11+$0x4430]  }
0x1d3: {  	[tilespmem:s11+$0x93E0] =	vst v13;
	v13 =	vmul.f32 v17, v27;
	v17 =	vbroadcast v4, $0x6;
	v18 =	vld [tilespmem:s11+$0x6C30]  }
0x1d4: {  	v15 =	vmax.f32 v15, $0.0e+00;
	v14 =	vadd.f32 v14, v22;
	v21 =	vld [tilespmem:s11+$0x4440]  }
0x1d5: {  	[tilespmem:s11+$0x93F0] =	vst v13;
	v13 =	vmul.f32 v15, v17;
	v15 =	vld [tilespmem:s11+$0x6C40]  }
0x1d6: {  	v14 =	vmax.f32 v14, $0.0e+00;
	v19 =	vadd.f32 v19, v20;
	v20 =	vld [tilespmem:s11+$0x4450]  }
0x1d7: {  	[tilespmem:s11+$0x9400] =	vst v13;
	v13 =	vmul.f32 v14, v17;
	v14 =	vld [tilespmem:s11+$0x6C50]  }
0x1d8: {  	v19 =	vmax.f32 v19, $0.0e+00;
	v16 =	vadd.f32 v18, v16;
	v18 =	vld [tilespmem:s11+$0x4460]  }
0x1d9: {  	[tilespmem:s11+$0x9410] =	vst v13;
	v13 =	vmul.f32 v19, v17;
	v19 =	vld [tilespmem:s11+$0x6C60]  }
0x1da: {  	v16 =	vmax.f32 v16, $0.0e+00;
	v15 =	vadd.f32 v15, v21;
	v21 =	vld [tilespmem:s11+$0x4470]  }
0x1db: {  	[tilespmem:s11+$0x9420] =	vst v13;
	v13 =	vmul.f32 v16, v17;
	v16 =	vld [tilespmem:s11+$0x6C70]  }
0x1dc: {  	v15 =	vmax.f32 v15, $0.0e+00;
	v14 =	vadd.f32 v14, v20;
	v20 =	vld [tilespmem:s11+$0x4480]  }
0x1dd: {  	[tilespmem:s11+$0x9430] =	vst v13;
	v13 =	vmul.f32 v15, v17;
	v15 =	vld [tilespmem:s11+$0x6C80]  }
0x1de: {  	v14 =	vmax.f32 v14, $0.0e+00;
	v18 =	vadd.f32 v19, v18;
	v19 =	vld [tilespmem:s11+$0x4490]  }
0x1df: {  	[tilespmem:s11+$0x9440] =	vst v13;
	v13 =	vmul.f32 v14, v17;
	v14 =	vld [tilespmem:s11+$0x6C90]  }
0x1e0: {  	v18 =	vmax.f32 v18, $0.0e+00;
	v16 =	vadd.f32 v16, v21;
	v21 =	vld [tilespmem:s11+$0x44A0]  }
0x1e1: {  	[tilespmem:s11+$0x9450] =	vst v13;
	v13 =	vmul.f32 v18, v17;
	v18 =	vld [tilespmem:s11+$0x6CA0]  }
0x1e2: {  	v16 =	vmax.f32 v16, $0.0e+00;
	v15 =	vadd.f32 v15, v20;
	v20 =	vld [tilespmem:s11+$0x44B0]  }
0x1e3: {  	[tilespmem:s11+$0x9460] =	vst v13;
	v13 =	vmul.f32 v16, v17;
	v16 =	vbroadcast v4, $0x7;
	v17 =	vld [tilespmem:s11+$0x6CB0]  }
0x1e4: {  	v15 =	vmax.f32 v15, $0.0e+00;
	v14 =	vadd.f32 v14, v19;
	v19 =	vld [tilespmem:s11+$0x44C0]  }
0x1e5: {  	[tilespmem:s11+$0x9470] =	vst v13;
	v13 =	vmul.f32 v15, v16;
	v15 =	vld [tilespmem:s11+$0x6CC0]  }
0x1e6: {  	v14 =	vmax.f32 v14, $0.0e+00;
	v18 =	vadd.f32 v18, v21;
	v21 =	vld [tilespmem:s11+$0x44D0]  }
0x1e7: {  	[tilespmem:s11+$0x9480] =	vst v13;
	v13 =	vmul.f32 v14, v16;
	v14 =	vld [tilespmem:s11+$0x6CD0]  }
0x1e8: {  	v18 =	vmax.f32 v18, $0.0e+00;
	v17 =	vadd.f32 v17, v20;
	v20 =	vld [tilespmem:s11+$0x44E0]  }
0x1e9: {  	[tilespmem:s11+$0x9490] =	vst v13;
	v13 =	vmul.f32 v18, v16;
	v18 =	vld [tilespmem:s11+$0x6CE0]  }
0x1ea: {  	v17 =	vmax.f32 v17, $0.0e+00;
	v15 =	vadd.f32 v15, v19;
	v19 =	vld [tilespmem:s11+$0x44F0]  }
0x1eb: {  	[tilespmem:s11+$0x94A0] =	vst v13;
	v13 =	vmul.f32 v17, v16;
	v17 =	vld [tilespmem:s11+$0x6CF0]  }
0x1ec: {  	v15 =	vmax.f32 v15, $0.0e+00;
	v14 =	vadd.f32 v14, v21;
	v21 =	vld [tilespmem:s11+$0x4500]  }
0x1ed: {  	[tilespmem:s11+$0x94B0] =	vst v13;
	v13 =	vmul.f32 v15, v16;
	v15 =	vld [tilespmem:s11+$0x6D00]  }
0x1ee: {  	v14 =	vmax.f32 v14, $0.0e+00;
	v18 =	vadd.f32 v18, v20;
	v20 =	vld [tilespmem:s11+$0x4510]  }
0x1ef: {  	[tilespmem:s11+$0x94C0] =	vst v13;
	v13 =	vmul.f32 v14, v16;
	v14 =	vld [tilespmem:s11+$0x6D10]  }
0x1f0: {  	v18 =	vmax.f32 v18, $0.0e+00;
	v17 =	vadd.f32 v17, v19;
	v19 =	vld [tilespmem:s11+$0x4520]  }
0x1f1: {  	[tilespmem:s11+$0x94D0] =	vst v13;
	v13 =	vmul.f32 v18, v16;
	v18 =	vld [tilespmem:s11+$0x6D20]  }
0x1f2: {  	v17 =	vmax.f32 v17, $0.0e+00;
	v15 =	vadd.f32 v15, v21;
	v21 =	vld [tilespmem:s11+$0x4530]  }
0x1f3: {  	[tilespmem:s11+$0x94E0] =	vst v13;
	v13 =	vmul.f32 v17, v16;
	v16 =	vbroadcast v4, $0x8;
	v17 =	vld [tilespmem:s11+$0x6D30]  }
0x1f4: {  	v15 =	vmax.f32 v15, $0.0e+00;
	v14 =	vadd.f32 v14, v20;
	v20 =	vld [tilespmem:s11+$0x4540]  }
0x1f5: {  	[tilespmem:s11+$0x94F0] =	vst v13;
	v13 =	vmul.f32 v15, v16;
	v15 =	vld [tilespmem:s11+$0x6D40]  }
0x1f6: {  	v14 =	vmax.f32 v14, $0.0e+00;
	v18 =	vadd.f32 v18, v19;
	v19 =	vld [tilespmem:s11+$0x4550]  }
0x1f7: {  	[tilespmem:s11+$0x9500] =	vst v13;
	v13 =	vmul.f32 v14, v16;
	v14 =	vld [tilespmem:s11+$0x6D50]  }
0x1f8: {  	v18 =	vmax.f32 v18, $0.0e+00;
	v17 =	vadd.f32 v17, v21;
	v21 =	vld [tilespmem:s11+$0x4560]  }
0x1f9: {  	[tilespmem:s11+$0x9510] =	vst v13;
	v13 =	vmul.f32 v18, v16;
	v18 =	vld [tilespmem:s11+$0x6D60]  }
0x1fa: {  	v17 =	vmax.f32 v17, $0.0e+00;
	v15 =	vadd.f32 v15, v20;
	v20 =	vld [tilespmem:s11+$0x4570]  }
0x1fb: {  	[tilespmem:s11+$0x9520] =	vst v13;
	v13 =	vmul.f32 v17, v16;
	v17 =	vld [tilespmem:s11+$0x6D70]  }
0x1fc: {  	v15 =	vmax.f32 v15, $0.0e+00;
	v14 =	vadd.f32 v14, v19;
	v19 =	vld [tilespmem:s11+$0x4580]  }
0x1fd: {  	[tilespmem:s11+$0x9530] =	vst v13;
	v13 =	vmul.f32 v15, v16;
	v15 =	vld [tilespmem:s11+$0x6D80]  }
0x1fe: {  	v14 =	vmax.f32 v14, $0.0e+00;
	v18 =	vadd.f32 v18, v21;
	v21 =	vld [tilespmem:s11+$0x4590]  }
0x1ff: {  	[tilespmem:s11+$0x9540] =	vst v13;
	v13 =	vmul.f32 v14, v16;
	v14 =	vld [tilespmem:s11+$0x6D90]  }
0x200: {  	v18 =	vmax.f32 v18, $0.0e+00;
	v17 =	vadd.f32 v17, v20;
	v20 =	vld [tilespmem:s11+$0x45A0]  }
0x201: {  	[tilespmem:s11+$0x9550] =	vst v13;
	v13 =	vmul.f32 v18, v16;
	v18 =	vld [tilespmem:s11+$0x6DA0]  }
0x202: {  	v17 =	vmax.f32 v17, $0.0e+00;
	v15 =	vadd.f32 v15, v19;
	v19 =	vld [tilespmem:s11+$0x45B0]  }
0x203: {  	[tilespmem:s11+$0x9560] =	vst v13;
	v13 =	vmul.f32 v17, v16;
	v16 =	vbroadcast v4, $0x9;
	v17 =	vld [tilespmem:s11+$0x6DB0]  }
0x204: {  	v15 =	vmax.f32 v15, $0.0e+00;
	v14 =	vadd.f32 v14, v21;
	v21 =	vld [tilespmem:s11+$0x45C0]  }
0x205: {  	[tilespmem:s11+$0x9570] =	vst v13;
	v13 =	vmul.f32 v15, v16;
	v15 =	vld [tilespmem:s11+$0x6DC0]  }
0x206: {  	v14 =	vmax.f32 v14, $0.0e+00;
	v18 =	vadd.f32 v18, v20;
	v20 =	vld [tilespmem:s11+$0x45D0]  }
0x207: {  	[tilespmem:s11+$0x9580] =	vst v13;
	v13 =	vmul.f32 v14, v16;
	v14 =	vld [tilespmem:s11+$0x6DD0]  }
0x208: {  	v18 =	vmax.f32 v18, $0.0e+00;
	v17 =	vadd.f32 v17, v19;
	v19 =	vld [tilespmem:s11+$0x45E0]  }
0x209: {  	[tilespmem:s11+$0x9590] =	vst v13;
	v13 =	vmul.f32 v18, v16;
	v18 =	vld [tilespmem:s11+$0x6DE0]  }
0x20a: {  	v17 =	vmax.f32 v17, $0.0e+00;
	v15 =	vadd.f32 v15, v21;
	v21 =	vld [tilespmem:s11+$0x45F0]  }
0x20b: {  	[tilespmem:s11+$0x95A0] =	vst v13;
	v13 =	vmul.f32 v17, v16;
	v17 =	vld [tilespmem:s11+$0x6DF0]  }
0x20c: {  	v15 =	vmax.f32 v15, $0.0e+00;
	v14 =	vadd.f32 v14, v20;
	v20 =	vld [tilespmem:s11+$0x4600]  }
0x20d: {  	[tilespmem:s11+$0x95B0] =	vst v13;
	v13 =	vmul.f32 v15, v16;
	v15 =	vld [tilespmem:s11+$0x6E00]  }
0x20e: {  	v14 =	vmax.f32 v14, $0.0e+00;
	v18 =	vadd.f32 v18, v19;
	v19 =	vld [tilespmem:s11+$0x4610]  }
0x20f: {  	[tilespmem:s11+$0x95C0] =	vst v13;
	v13 =	vmul.f32 v14, v16;
	v14 =	vld [tilespmem:s11+$0x6E10]  }
0x210: {  	v18 =	vmax.f32 v18, $0.0e+00;
	v17 =	vadd.f32 v17, v21;
	v21 =	vld [tilespmem:s11+$0x4620]  }
0x211: {  	[tilespmem:s11+$0x95D0] =	vst v13;
	v13 =	vmul.f32 v18, v16;
	v18 =	vld [tilespmem:s11+$0x6E20]  }
0x212: {  	v17 =	vmax.f32 v17, $0.0e+00;
	v15 =	vadd.f32 v15, v20;
	v20 =	vld [tilespmem:s11+$0x4630]  }
0x213: {  	[tilespmem:s11+$0x95E0] =	vst v13;
	v13 =	vmul.f32 v17, v16;
	v16 =	vbroadcast v4, $0xA;
	v17 =	vld [tilespmem:s11+$0x6E30]  }
0x214: {  	v15 =	vmax.f32 v15, $0.0e+00;
	v14 =	vadd.f32 v14, v19;
	v19 =	vld [tilespmem:s11+$0x4640]  }
0x215: {  	[tilespmem:s11+$0x95F0] =	vst v13;
	v13 =	vmul.f32 v15, v16;
	v15 =	vld [tilespmem:s11+$0x6E40]  }
0x216: {  	v14 =	vmax.f32 v14, $0.0e+00;
	v18 =	vadd.f32 v18, v21;
	v21 =	vld [tilespmem:s11+$0x4650]  }
0x217: {  	[tilespmem:s11+$0x9600] =	vst v13;
	v13 =	vmul.f32 v14, v16;
	v14 =	vld [tilespmem:s11+$0x6E50]  }
0x218: {  	v18 =	vmax.f32 v18, $0.0e+00;
	v17 =	vadd.f32 v17, v20;
	v20 =	vld [tilespmem:s11+$0x4660]  }
0x219: {  	[tilespmem:s11+$0x9610] =	vst v13;
	v13 =	vmul.f32 v18, v16;
	v18 =	vld [tilespmem:s11+$0x6E60]  }
0x21a: {  	v17 =	vmax.f32 v17, $0.0e+00;
	v15 =	vadd.f32 v15, v19;
	v19 =	vld [tilespmem:s11+$0x4670]  }
0x21b: {  	[tilespmem:s11+$0x9620] =	vst v13;
	v13 =	vmul.f32 v17, v16;
	v17 =	vld [tilespmem:s11+$0x6E70]  }
0x21c: {  	v15 =	vmax.f32 v15, $0.0e+00;
	v14 =	vadd.f32 v14, v21;
	v21 =	vld [tilespmem:s11+$0x4680]  }
0x21d: {  	[tilespmem:s11+$0x9630] =	vst v13;
	v13 =	vmul.f32 v15, v16;
	v15 =	vld [tilespmem:s11+$0x6E80]  }
0x21e: {  	v14 =	vmax.f32 v14, $0.0e+00;
	v18 =	vadd.f32 v18, v20;
	v20 =	vld [tilespmem:s11+$0x4690]  }
0x21f: {  	[tilespmem:s11+$0x9640] =	vst v13;
	v13 =	vmul.f32 v14, v16;
	v14 =	vld [tilespmem:s11+$0x6E90]  }
0x220: {  	v18 =	vmax.f32 v18, $0.0e+00;
	v17 =	vadd.f32 v17, v19;
	v19 =	vld [tilespmem:s11+$0x46A0]  }
0x221: {  	[tilespmem:s11+$0x9650] =	vst v13;
	v13 =	vmul.f32 v18, v16;
	v18 =	vld [tilespmem:s11+$0x6EA0]  }
0x222: {  	v17 =	vmax.f32 v17, $0.0e+00;
	v15 =	vadd.f32 v15, v21;
	v21 =	vld [tilespmem:s11+$0x46B0]  }
0x223: {  	[tilespmem:s11+$0x9660] =	vst v13;
	v13 =	vmul.f32 v17, v16;
	v16 =	vbroadcast v4, $0xB;
	v17 =	vld [tilespmem:s11+$0x6EB0]  }
0x224: {  	v15 =	vmax.f32 v15, $0.0e+00;
	v14 =	vadd.f32 v14, v20;
	v20 =	vld [tilespmem:s11+$0x46C0]  }
0x225: {  	[tilespmem:s11+$0x9670] =	vst v13;
	v13 =	vmul.f32 v15, v16;
	v15 =	vld [tilespmem:s11+$0x6EC0]  }
0x226: {  	v14 =	vmax.f32 v14, $0.0e+00;
	v18 =	vadd.f32 v18, v19;
	v19 =	vld [tilespmem:s11+$0x46D0]  }
0x227: {  	[tilespmem:s11+$0x9680] =	vst v13;
	v13 =	vmul.f32 v14, v16;
	v14 =	vld [tilespmem:s11+$0x6ED0]  }
0x228: {  	v18 =	vmax.f32 v18, $0.0e+00;
	v17 =	vadd.f32 v17, v21;
	v21 =	vld [tilespmem:s11+$0x46E0]  }
0x229: {  	[tilespmem:s11+$0x9690] =	vst v13;
	v13 =	vmul.f32 v18, v16;
	v18 =	vld [tilespmem:s11+$0x6EE0]  }
0x22a: {  	v17 =	vmax.f32 v17, $0.0e+00;
	v15 =	vadd.f32 v15, v20;
	v20 =	vld [tilespmem:s11+$0x46F0]  }
0x22b: {  	[tilespmem:s11+$0x96A0] =	vst v13;
	v13 =	vmul.f32 v17, v16;
	v17 =	vld [tilespmem:s11+$0x6EF0]  }
0x22c: {  	v15 =	vmax.f32 v15, $0.0e+00;
	v14 =	vadd.f32 v14, v19;
	v19 =	vld [tilespmem:s11+$0x4700]  }
0x22d: {  	v22 =	vld [tilespmem:s11+$0x4100];
	[tilespmem:s11+$0x96B0] =	vst v13;
	v13 =	vmul.f32 v15, v16  }
0x22e: {  	v14 =	vmax.f32 v14, $0.0e+00;
	v15 =	vadd.f32 v18, v21;
	v18 =	vld [tilespmem:s11+$0x4710]  }
0x22f: {  	[tilespmem:s11+$0x96C0] =	vst v13;
	v13 =	vmul.f32 v14, v16;
	v14 =	vld [tilespmem:s11+$0x6F10]  }
0x230: {  	v15 =	vmax.f32 v15, $0.0e+00;
	v17 =	vadd.f32 v17, v20;
	v20 =	vld [tilespmem:s11+$0x4720]  }
0x231: {  	[tilespmem:s11+$0x96D0] =	vst v13;
	v13 =	vmul.f32 v15, v16;
	v8 =	vadd.f32 v8, v19;
	v15 =	vld [tilespmem:s11+$0x6F20]  }
0x232: {  	v21 =	vbroadcast v4, $0xC;
	v19 =	vadd.f32 v6, v22;
	v17 =	vmax.f32 v17, $0.0e+00;
	v22 =	vld [tilespmem:s11+$0x4730]  }
0x233: {  	v6 =	vbroadcast v4, $0x0;
	[tilespmem:s11+$0x96E0] =	vst v13;
	v13 =	vmul.f32 v17, v16;
	v8 =	vmax.f32 v8, $0.0e+00;
	v16 =	vld [tilespmem:s11+$0x6F30]  }
0x234: {  	v17 =	vmax.f32 v19, $0.0e+00;
	v8 =	vmul.f32 v8, v21;
	v14 =	vadd.f32 v14, v18;
	v18 =	vld [tilespmem:s11+$0x4740]  }
0x235: {  	v11 =	vmax.f32 v11, $0.0e+00;
	v9 =	vmul.f32 v9, v6;
	v17 =	vmul.f32 v17, v6;
	[tilespmem:s11+$0x96F0] =	vst v13;
	v13 =	vld [tilespmem:s11+$0x6F40]  }
0x236: {  	v11 =	vmul.f32 v11, v6;
	[tilespmem:s11+$0x9700] =	vst v8;
	v8 =	vmax.f32 v14, $0.0e+00;
	v14 =	vadd.f32 v15, v20;
	v15 =	vld [tilespmem:s11+$0x4750]  }
0x237: {  	v12 =	vmax.f32 v12, $0.0e+00;
	v10 =	vmul.f32 v10, v6;
	[tilespmem:s11+$0x9100] =	vst v17;
	v8 =	vmul.f32 v8, v21;
	v17 =	vld [tilespmem:s11+$0x6F50]  }
0x238: {  	[tilespmem:s11+$0x9120] =	vst v9;
	v9 =	vmul.f32 v12, v6;
	v12 =	vmax.f32 v14, $0.0e+00;
	v14 =	vadd.f32 v16, v22;
	v16 =	vld [tilespmem:s11+$0x4760]  }
0x239: {  	v7 =	vmax.f32 v7, $0.0e+00;
	[tilespmem:s11+$0x9710] =	vst v8;
	v8 =	vmul.f32 v12, v21;
	v12 =	vld [tilespmem:s11+$0x6F60]  }
0x23a: {  	v7 =	vmul.f32 v7, v6;
	[tilespmem:s11+$0x9170] =	vst v9;
	v9 =	vmax.f32 v14, $0.0e+00;
	v13 =	vadd.f32 v13, v18;
	v14 =	vld [tilespmem:s11+$0x4770]  }
0x23b: {  	v5 =	vmax.f32 v5, $0.0e+00;
	[tilespmem:s11+$0x9720] =	vst v8;
	v8 =	vmul.f32 v9, v21;
	v9 =	vld [tilespmem:s11+$0x6F70]  }
0x23c: {  	v5 =	vmul.f32 v5, v6;
	[tilespmem:s11+$0x9160] =	vst v7;
	v7 =	vmax.f32 v13, $0.0e+00;
	v13 =	vadd.f32 v17, v15;
	v15 =	vld [tilespmem:s11+$0x4780]  }
0x23d: {  	[tilespmem:s11+$0x9730] =	vst v8;
	v7 =	vmul.f32 v7, v21;
	v8 =	vld [tilespmem:s11+$0x6F80]  }
0x23e: {  	[tilespmem:s11+$0x9130] =	vst v5;
	v5 =	vmax.f32 v13, $0.0e+00;
	v12 =	vadd.f32 v12, v16;
	v13 =	vld [tilespmem:s11+$0x4790]  }
0x23f: {  	[tilespmem:s11+$0x9740] =	vst v7;
	v5 =	vmul.f32 v5, v21;
	v7 =	vld [tilespmem:s11+$0x6F90]  }
0x240: {  	[tilespmem:s11+$0x9150] =	vst v10;
	v10 =	vmax.f32 v12, $0.0e+00;
	v9 =	vadd.f32 v9, v14;
	v12 =	vld [tilespmem:s11+$0x47A0]  }
0x241: {  	[tilespmem:s11+$0x9750] =	vst v5;
	v5 =	vmul.f32 v10, v21;
	v10 =	vld [tilespmem:s11+$0x6FA0]  }
0x242: {  	[tilespmem:s11+$0x9140] =	vst v11;
	v9 =	vmax.f32 v9, $0.0e+00;
	v8 =	vadd.f32 v8, v15;
	v11 =	vld [tilespmem:s11+$0x47B0]  }
0x243: {  	[tilespmem:s11+$0x9760] =	vst v5;
	v5 =	vmul.f32 v9, v21;
	v9 =	vbroadcast v4, $0xD;
	v14 =	vld [tilespmem:s11+$0x6FB0]  }
0x244: {  	v8 =	vmax.f32 v8, $0.0e+00;
	v7 =	vadd.f32 v7, v13;
	v13 =	vld [tilespmem:s11+$0x47C0]  }
0x245: {  	[tilespmem:s11+$0x9770] =	vst v5;
	v5 =	vmul.f32 v8, v9;
	v8 =	vld [tilespmem:s11+$0x6FC0]  }
0x246: {  	v7 =	vmax.f32 v7, $0.0e+00;
	v10 =	vadd.f32 v10, v12;
	v12 =	vld [tilespmem:s11+$0x47D0]  }
0x247: {  	[tilespmem:s11+$0x9780] =	vst v5;
	v5 =	vmul.f32 v7, v9;
	v7 =	vld [tilespmem:s11+$0x6FD0]  }
0x248: {  	v10 =	vmax.f32 v10, $0.0e+00;
	v11 =	vadd.f32 v14, v11;
	v14 =	vld [tilespmem:s11+$0x47E0]  }
0x249: {  	[tilespmem:s11+$0x9790] =	vst v5;
	v5 =	vmul.f32 v10, v9;
	v10 =	vld [tilespmem:s11+$0x6FE0]  }
0x24a: {  	v11 =	vmax.f32 v11, $0.0e+00;
	v8 =	vadd.f32 v8, v13;
	v13 =	vld [tilespmem:s11+$0x47F0]  }
0x24b: {  	[tilespmem:s11+$0x97A0] =	vst v5;
	v5 =	vmul.f32 v11, v9;
	v11 =	vld [tilespmem:s11+$0x6FF0]  }
0x24c: {  	v8 =	vmax.f32 v8, $0.0e+00;
	v7 =	vadd.f32 v7, v12;
	v12 =	vld [tilespmem:s11+$0x4800]  }
0x24d: {  	[tilespmem:s11+$0x97B0] =	vst v5;
	v5 =	vmul.f32 v8, v9;
	v8 =	vld [tilespmem:s11+$0x7000]  }
0x24e: {  	v7 =	vmax.f32 v7, $0.0e+00;
	v10 =	vadd.f32 v10, v14;
	v14 =	vld [tilespmem:s11+$0x4810]  }
0x24f: {  	[tilespmem:s11+$0x97C0] =	vst v5;
	v5 =	vmul.f32 v7, v9;
	v7 =	vld [tilespmem:s11+$0x7010]  }
0x250: {  	v10 =	vmax.f32 v10, $0.0e+00;
	v11 =	vadd.f32 v11, v13;
	v13 =	vld [tilespmem:s11+$0x4820]  }
0x251: {  	[tilespmem:s11+$0x97D0] =	vst v5;
	v5 =	vmul.f32 v10, v9;
	v10 =	vld [tilespmem:s11+$0x7020]  }
0x252: {  	v11 =	vmax.f32 v11, $0.0e+00;
	v8 =	vadd.f32 v8, v12;
	v12 =	vld [tilespmem:s11+$0x4830]  }
0x253: {  	[tilespmem:s11+$0x97E0] =	vst v5;
	v5 =	vmul.f32 v11, v9;
	v9 =	vbroadcast v4, $0xE;
	v11 =	vld [tilespmem:s11+$0x7030]  }
0x254: {  	v8 =	vmax.f32 v8, $0.0e+00;
	v7 =	vadd.f32 v7, v14;
	v14 =	vld [tilespmem:s11+$0x4840]  }
0x255: {  	[tilespmem:s11+$0x97F0] =	vst v5;
	v5 =	vmul.f32 v8, v9;
	v8 =	vld [tilespmem:s11+$0x7040]  }
0x256: {  	v7 =	vmax.f32 v7, $0.0e+00;
	v10 =	vadd.f32 v10, v13;
	v13 =	vld [tilespmem:s11+$0x4850]  }
0x257: {  	[tilespmem:s11+$0x9800] =	vst v5;
	v5 =	vmul.f32 v7, v9;
	v7 =	vld [tilespmem:s11+$0x7050]  }
0x258: {  	v10 =	vmax.f32 v10, $0.0e+00;
	v11 =	vadd.f32 v11, v12;
	v12 =	vld [tilespmem:s11+$0x4860]  }
0x259: {  	[tilespmem:s11+$0x9810] =	vst v5;
	v5 =	vmul.f32 v10, v9;
	v10 =	vld [tilespmem:s11+$0x7060]  }
0x25a: {  	v11 =	vmax.f32 v11, $0.0e+00;
	v8 =	vadd.f32 v8, v14;
	v14 =	vld [tilespmem:s11+$0x4870]  }
0x25b: {  	[tilespmem:s11+$0x9820] =	vst v5;
	v5 =	vmul.f32 v11, v9;
	v11 =	vld [tilespmem:s11+$0x7070]  }
0x25c: {  	v8 =	vmax.f32 v8, $0.0e+00;
	v7 =	vadd.f32 v7, v13;
	v13 =	vld [tilespmem:s11+$0x4880]  }
0x25d: {  	[tilespmem:s11+$0x9830] =	vst v5;
	v5 =	vmul.f32 v8, v9;
	v8 =	vld [tilespmem:s11+$0x7080]  }
0x25e: {  	v7 =	vmax.f32 v7, $0.0e+00;
	v10 =	vadd.f32 v10, v12;
	v12 =	vld [tilespmem:s11+$0x4890]  }
0x25f: {  	[tilespmem:s11+$0x9840] =	vst v5;
	v5 =	vmul.f32 v7, v9;
	v7 =	vld [tilespmem:s11+$0x7090]  }
0x260: {  	v10 =	vmax.f32 v10, $0.0e+00;
	v11 =	vadd.f32 v11, v14;
	v14 =	vld [tilespmem:s11+$0x48A0]  }
0x261: {  	[tilespmem:s11+$0x9850] =	vst v5;
	v5 =	vmul.f32 v10, v9;
	v10 =	vld [tilespmem:s11+$0x70A0]  }
0x262: {  	v11 =	vmax.f32 v11, $0.0e+00;
	v8 =	vadd.f32 v8, v13;
	v13 =	vld [tilespmem:s11+$0x48B0]  }
0x263: {  	v4 =	vbroadcast v4, $0xF;
	v15 =	vld [tilespmem:s11+$0x4110];
	[tilespmem:s11+$0x9860] =	vst v5;
	v5 =	vmul.f32 v11, v9  }
0x264: {  	v8 =	vmax.f32 v8, $0.0e+00;
	v7 =	vadd.f32 v7, v12;
	v9 =	vld [tilespmem:s11+$0x48C0]  }
0x265: {  	[tilespmem:s11+$0x9870] =	vst v5;
	v5 =	vmul.f32 v8, v4;
	v8 =	vld [tilespmem:s11+$0x70C0]  }
0x266: {  	v7 =	vmax.f32 v7, $0.0e+00;
	v10 =	vadd.f32 v10, v14;
	v11 =	vld [tilespmem:s11+$0x48D0]  }
0x267: {  	[tilespmem:s11+$0x9880] =	vst v5;
	v5 =	vmul.f32 v7, v4;
	v2 =	vadd.f32 v2, v13;
	v7 =	vld [tilespmem:s11+$0x70D0]  }
0x268: {  	v3 =	vadd.f32 v3, v15;
	v10 =	vmax.f32 v10, $0.0e+00;
	v12 =	vld [tilespmem:s11+$0x48E0]  }
0x269: {  	[tilespmem:s11+$0x9890] =	vst v5;
	v5 =	vmul.f32 v10, v4;
	v2 =	vmax.f32 v2, $0.0e+00;
	v10 =	vld [tilespmem:s11+$0x70E0]  }
0x26a: {  	v3 =	vmax.f32 v3, $0.0e+00;
	v2 =	vmul.f32 v2, v4;
	v8 =	vadd.f32 v8, v9;
	v9 =	vld [tilespmem:s11+$0x48F0]  }
0x26b: {  	v3 =	vmul.f32 v3, v6;
	[tilespmem:s11+$0x98A0] =	vst v5;
	v5 =	vld [tilespmem:s11+$0x70F0]  }
0x26c: {  	[tilespmem:s11+$0x98B0] =	vst v2;
	v2 =	vmax.f32 v8, $0.0e+00;
	v6 =	vadd.f32 v7, v11  }
0x26d: {  	[tilespmem:s11+$0x9110] =	vst v3;
	v2 =	vmul.f32 v2, v4  }
0x26e: {  	v3 =	vmax.f32 v6, $0.0e+00;
	v6 =	vadd.f32 v10, v12  }
.Ltmp1:
0x26f: {  	[tilespmem:s11+$0x98C0] =	vst v2;
	v2 =	vmul.f32 v3, v4;
	(pc) =	sbr.rel @p0 .LBB2_5-.Ltmp1, $4  }
0x270: {  	v3 =	vmax.f32 v6, $0.0e+00;
	v5 =	vadd.f32 v5, v9  }
0x271: {  	[tilespmem:s11+$0x98D0] =	vst v2;
	v2 =	vmul.f32 v3, v4  }
0x272: {  	v3 =	vmax.f32 v5, $0.0e+00  }
0x273: {  	s12 =	smov.u32 s13;
	[tilespmem:s11+$0x98E0] =	vst v2;
	v2 =	vmul.f32 v3, v4  }
0x274: {  	_ = 	snop  }
0x275: {  	[tilespmem:s11+$0x98F0] =	vst v2  }
0x276: {  	_ =	swait.ge [sflag:s31], $0x80  }
0x277: {  	[sflag:s31] =	ssyncset.done $0x0  }
0x278: {  	[sflag:s31] =	ssyncadd.s32 $0xFFFFFF80  }
0x279: {  	[spmem:s2] =	stream.indirect.scatter.add.f32 [tilespmem:s21], [sflag:$0x3], $0x80, s28, s24, $0xb8;
	[tilespmem:$0x1F900] =	vst v63  }
0x27a: {  	p0 =	sne.s32 s9, $0x7D;
	_ =	swait.ge [sflag:s0], $0x80  }
.Ltmp2:
0x27b: {  	s10 =	sadd.s32 s6, s10;
	[sflag:s0] =	ssyncset.done $0x0;
	(pc) =	sbr.rel @p0 .LBB2_4-.Ltmp2, $4  }
0x27c: {  	s10 =	smul.u32 $0x500, s10;
	[sflag:s0] =	ssyncadd.s32 $0xFFFFFF80  }
0x27d: {  	[tilespmem:s25], [sflag:$0x1] =	stream.indirect.gather [hbm4b:s1+s24], $0x80, s4, s24, $0xb8;
	[tilespmem:$0x1F900] =	vst v63  }
0x27e: {  	s10 =	sadd.s32 s5, s10  }
0x27f: {  	[tilespmem:s26], [sflag:$0x2] =	stream.linear.gather [hbm4b:s10+s4], $0x2800, $0x38;
	[tilespmem:$0x1F900] =	vst v63  }
0x280: {  	_ =	swait.ge [sflag:s23], $0x2800  }
0x281: {  	[sflag:s23] =	ssyncset.done $0x0  }
0x282: {  	[sflag:s23] =	ssyncadd.s32 $0xFFFFD800  }
0x283: {  	_ =	swait.ge [sflag:s29], $0x2800  }
0x284: {  	[sflag:s29] =	ssyncset.done $0x0  }
0x285: {  	[sflag:s29] =	ssyncadd.s32 $0xFFFFD800  }
0x286: {  	s8 =	stileid.u32;
	_ =	swait.ge [sflag:s30], $0x2800  }
0x287: {  	s9 =	sshrl.u32 s7, $0x3;
	s3 =	sadd.s32 $0x1, s3;
	[sflag:s30] =	ssyncset.done $0x0  }
0x288: {  	s8 =	sshll.u32 s8, $0x6;
	p0 =	sne.s32 s3, s20;
	[sflag:s30] =	ssyncadd.s32 $0xFFFFD800  }
.Ltmp3:
0x289: {  	s8 =	sor.u32 $0x1C06, s8;
	[bflag:$0x0] =	sbarrier.arrive $0xFFFF;
	(pc) =	sbr.rel @p0 .LBB2_1-.Ltmp3, $4  }
0x28a: {  	[hbm:s19], [sflag:s8] =	dma.local [spmem:s9], $0x2800  }
0x28b: {  	_ =	swait.ge [sflag:s22], $0x2800  }
0x28c: {  	[sflag:s22] =	ssyncset.done $0x0  }
0x28d: {  	[sflag:s22] =	ssyncadd.s32 $0xFFFFD800  }
0x28e: {  	_ =	sfence.sel $0x180000  }
0x28f: {  	[bflag:$0x0] =	sbarrier.arrive $0xFFFF  }
0x290: {  	_ =	strace $0x90000047  }
0x291: {  	s0 =	stileid.u32;
	[bflag:$0x2] =	sbarrier.arrive $0xFFFF  }
0x292: {  	p0 =	sne.s32 s0, $0x0;
	s0 =	rddreg [dreg:$0x3]  }
0x293: {  	s0 =	sadd.s32 @!p0 $0x100000, s0  }
0x294: {  	[sflag:s0] =	ssyncadd.tile.s32 @!p0 $0x1;
	_ =	shalt  }
.Lfunc_end2:
_tile_overlayer_lowered:
.L_overlay_start_2:
0x295: {  	(tag) =	ssettag $0x2  }
0x296: {  	s0 =	rddreg [dreg:$0x0];
	s2 =	stileid.u32  }
0x297: {  	s1 =	rddreg [dreg:$0x1];
	p0 =	sne.s32 s2, $0x0  }
0x298: {  	s3 =	rddreg [dreg:$0x2];
	[bflag:$0x3] =	sbarrier.arrive $0xFFFF;
	s2 =	simm.s32 @!p0 $0x1C06  }
0x299: {  	[timem:s3], [sflag:s2] =	dma.local @!p0 [hbm:s0], s1  }
0x29a: {  	s0 =	simm.s32 @!p0 $0x6  }
0x29b: {  	_ =	swait.ge @!p0 [sflag:s0], s1  }
0x29c: {  	s1 =	ssub.s32 @!p0 $0x0, s1;
	[sflag:s0] =	ssyncset.done @!p0 $0x0  }
0x29d: {  	[sflag:s0] =	ssyncadd.s32 @!p0 s1  }
0x29e: {  	[bflag:$0x3] =	sbarrier.arrive $0xFFFF  }
0x29f: {  	_ =	shalt  }

</sc_bundles>
